<compile_context>
chip_gen: v7x
topology: tpu7x:2x2x1
jax: 0.10.2.dev20260603
libtpu: 0.0.44.dev20260713+nightly
codegen_flags: <defaults>
</compile_context>

<pallas_src>
import functools
import math

import jax
import jax.numpy as jnp
from jax import lax
from jax.experimental import pallas as pl
from jax.experimental.pallas import tpu as pltpu
from jax.experimental.pallas import tpu_sc as plsc

N = 10000
E = 160000
E2 = 163840
D = 128
F0 = 384
NB = 1000
GRID = N // NB
K0 = 7000
K1 = 3500

CH = 128
EPS_A = E2 // 16
NCH_A = EPS_A // CH


def _leaky(v):
    return jnp.where(v > 0, v, v * 0.2)



def _tc1_body(x_ref, w0_ref, acat_ref, h0_ref, h0six_ref, asd_ref):
    xb = x_ref[...]
    h = lax.dot_general(xb, w0_ref[...], (((1,), (1,)), ((), ())),
                        preferred_element_type=jnp.float32)
    h0_ref[...] = h
    for q in range(12):
        h0six_ref[q] = h[:, q * 32:(q + 1) * 32]
    asd_ref[...] = jnp.dot(h, acat_ref[...],
                           preferred_element_type=jnp.float32)


def _tc1(x, W0, acat):
    return pl.pallas_call(
        _tc1_body,
        grid=(GRID,),
        in_specs=[
            pl.BlockSpec((NB, D), lambda i: (i, 0)),
            pl.BlockSpec((F0, D), lambda i: (0, 0)),
            pl.BlockSpec((F0, 8), lambda i: (0, 0)),
        ],
        out_specs=[
            pl.BlockSpec((NB, F0), lambda i: (i, 0)),
            pl.BlockSpec((12, NB, 32), lambda i: (0, i, 0)),
            pl.BlockSpec((NB, 8), lambda i: (i, 0)),
        ],
        out_shape=[
            jax.ShapeDtypeStruct((N, F0), jnp.float32),
            jax.ShapeDtypeStruct((12, N, 32), jnp.float32),
            jax.ShapeDtypeStruct((N, 8), jnp.float32),
        ],
    )(x, W0, acat)


def _tc1b_body(asd_ref, mv_ref):
    a = asd_ref[...]
    mx = jnp.max(a, axis=0)
    m3 = _leaky(mx[:3] + mx[3:6])
    mv_ref[...] = jnp.concatenate([m3, jnp.zeros((13,), jnp.float32)])[None, :]


def _tc1b(asd):
    return pl.pallas_call(
        _tc1b_body,
        out_shape=jax.ShapeDtypeStruct((1, 16), jnp.float32),
    )(asd)


def _tc2_body(ms_ref, dp_ref, asd_ref, mv_ref, h0_ref, b0_ref, t0_ref, st_ref):
    i = pl.program_id(0)
    msg = jnp.concatenate([ms_ref[q] for q in range(12)], axis=1)
    h0 = h0_ref[...]
    asd = asd_ref[...]
    outs = []
    for h in range(3):
        den = jnp.sum(dp_ref[:, h, :], axis=1)
        a_s = asd[:, h]
        a_d = asd[:, 3 + h]
        se = jnp.exp(_leaky(a_s + a_d) - mv_ref[0, h])
        hh = h0[:, h * D:(h + 1) * D]
        num = msg[:, h * D:(h + 1) * D] + se[:, None] * hh
        outs.append(num / (den + se + 1e-16)[:, None])
    t0 = jnp.tanh(jnp.concatenate(outs, axis=1) + b0_ref[...])
    t0_ref[...] = t0

    @pl.when(i == 0)
    def _():
        st_ref[...] = jnp.zeros_like(st_ref)
    st_ref[0, :] += jnp.sum(t0, axis=0)
    st_ref[1, :] += jnp.sum(t0 * t0, axis=0)


def _tc2(msum, dpart, asd, mvec, h0, b0):
    return pl.pallas_call(
        _tc2_body,
        grid=(GRID,),
        in_specs=[
            pl.BlockSpec((12, NB, 32), lambda i: (0, i, 0)),
            pl.BlockSpec((NB, 3, 16), lambda i: (i, 0, 0)),
            pl.BlockSpec((NB, 8), lambda i: (i, 0)),
            pl.BlockSpec((1, 16), lambda i: (0, 0)),
            pl.BlockSpec((NB, F0), lambda i: (i, 0)),
            pl.BlockSpec((1, F0), lambda i: (0, 0)),
        ],
        out_specs=[
            pl.BlockSpec((NB, F0), lambda i: (i, 0)),
            pl.BlockSpec((8, F0), lambda i: (0, 0)),
        ],
        out_shape=[
            jax.ShapeDtypeStruct((N, F0), jnp.float32),
            jax.ShapeDtypeStruct((8, F0), jnp.float32),
        ],
    )(msum, dpart, asd, mvec, h0, b0.reshape(1, F0))


def _tc3_body(t0_ref, st_ref, g_ref, b_ref, pw_ref, xin_ref, s0_ref):
    i = pl.program_id(0)
    mu = st_ref[0, :] / N
    var = st_ref[1, :] / N - mu * mu
    rstd = lax.rsqrt(var + 1e-5)
    bn = (t0_ref[...] - mu) * rstd * g_ref[...] + b_ref[...]
    pw = pw_ref[0, :]
    s0 = jnp.sum(bn * pw, axis=1)
    nrm = jnp.sqrt(jnp.sum(pw * pw))
    score = jnp.tanh(s0 / nrm)
    xin_ref[...] = jnp.maximum(bn * score[:, None], 0.0)
    s0_ref[...] = s0[:, None]


def _tc3(t0, stats, g, b, pw):
    return pl.pallas_call(
        _tc3_body,
        grid=(GRID,),
        in_specs=[
            pl.BlockSpec((NB, F0), lambda i: (i, 0)),
            pl.BlockSpec((8, F0), lambda i: (0, 0)),
            pl.BlockSpec((1, F0), lambda i: (0, 0)),
            pl.BlockSpec((1, F0), lambda i: (0, 0)),
            pl.BlockSpec((1, F0), lambda i: (0, 0)),
        ],
        out_specs=[
            pl.BlockSpec((NB, F0), lambda i: (i, 0)),
            pl.BlockSpec((NB, 1), lambda i: (i, 0)),
        ],
        out_shape=[
            jax.ShapeDtypeStruct((N, F0), jnp.float32),
            jax.ShapeDtypeStruct((N, 1), jnp.float32),
        ],
    )(t0, stats, g.reshape(1, F0), b.reshape(1, F0), pw.reshape(1, F0))


N2 = 10240
NB2 = 1024


def _rank_pair_body(si_ref, sjt_ref, ki_ref, kjt_ref, r_ref, *, masked):
    i = pl.program_id(0)
    j = pl.program_id(1)
    si = si_ref[:, 0]
    sj = sjt_ref[0, :]
    gt = sj[None, :] > si[:, None]
    eq = sj[None, :] == si[:, None]
    if masked:
        ki = ki_ref[:, 0]
        kj = kjt_ref[0, :]
        cmp = (kj < K0)[None, :] & (gt | (eq & (kj[None, :] < ki[:, None])))
    else:
        rowi = i * NB2 + lax.broadcasted_iota(jnp.int32, (NB2, NB2), 0)
        colj = j * NB2 + lax.broadcasted_iota(jnp.int32, (NB2, NB2), 1)
        cmp = gt | (eq & (colj < rowi))
    part = jnp.sum(cmp.astype(jnp.int32), axis=1)[:, None]

    @pl.when(j == 0)
    def _():
        r_ref[...] = jnp.zeros_like(r_ref)
    r_ref[...] += part


def _rank(s, rank=None):
    masked = rank is not None
    body = functools.partial(_rank_pair_body, masked=masked)
    pad = jnp.full((N2 - N, 1), -3e38, jnp.float32)
    sp = jnp.concatenate([s, pad])
    spt = sp.reshape(1, N2)
    if masked:
        kp = jnp.concatenate([rank, jnp.full((N2 - N, 1), K0, jnp.int32)])
    else:
        kp = jnp.zeros((N2, 1), jnp.int32)
    kpt = kp.reshape(1, N2)
    r = pl.pallas_call(
        body,
        grid=(N2 // NB2, N2 // NB2),
        in_specs=[
            pl.BlockSpec((NB2, 1), lambda i, j: (i, 0)),
            pl.BlockSpec((1, NB2), lambda i, j: (0, j)),
            pl.BlockSpec((NB2, 1), lambda i, j: (i, 0)),
            pl.BlockSpec((1, NB2), lambda i, j: (0, j)),
        ],
        out_specs=pl.BlockSpec((NB2, 1), lambda i, j: (i, 0)),
        out_shape=jax.ShapeDtypeStruct((N2, 1), jnp.int32),
    )(sp, spt, kp, kpt)
    return r[:N]


def _tc4(s0):
    return _rank(s0)


def _tc5_body(x_ref, w1_ref, a1_ref, h1_ref, h1two_ref, as1_ref, ad1_ref):
    h1 = lax.dot_general(x_ref[...], w1_ref[...], (((1,), (1,)), ((), ())),
                         preferred_element_type=jnp.float32)
    h1_ref[...] = h1
    for q in range(4):
        h1two_ref[q] = h1[:, q * 32:(q + 1) * 32]
    as1_ref[...] = jnp.sum(h1 * a1_ref[0, :], axis=1)[:, None]
    ad1_ref[...] = jnp.sum(h1 * a1_ref[1, :], axis=1)[:, None]


def _tc5(xin2, W1, att_s1, att_d1):
    a1 = jnp.concatenate([att_s1, att_d1], axis=0)
    return pl.pallas_call(
        _tc5_body,
        grid=(GRID,),
        in_specs=[
            pl.BlockSpec((NB, F0), lambda i: (i, 0)),
            pl.BlockSpec((D, F0), lambda i: (0, 0)),
            pl.BlockSpec((2, D), lambda i: (0, 0)),
        ],
        out_specs=[
            pl.BlockSpec((NB, D), lambda i: (i, 0)),
            pl.BlockSpec((4, NB, 32), lambda i: (0, i, 0)),
            pl.BlockSpec((NB, 1), lambda i: (i, 0)),
            pl.BlockSpec((NB, 1), lambda i: (i, 0)),
        ],
        out_shape=[
            jax.ShapeDtypeStruct((N, D), jnp.float32),
            jax.ShapeDtypeStruct((4, N, 32), jnp.float32),
            jax.ShapeDtypeStruct((N, 1), jnp.float32),
            jax.ShapeDtypeStruct((N, 1), jnp.float32),
        ],
    )(xin2, W1, a1)


def _tc5b_body(as_ref, ad_ref, mv_ref):
    m = _leaky(jnp.max(as_ref[...]) + jnp.max(ad_ref[...]))
    lane = lax.broadcasted_iota(jnp.int32, (1, 16), 1)
    mv_ref[...] = jnp.where(lane == 0, m, 0.0)


def _tc5b(as1, ad1):
    return pl.pallas_call(
        _tc5b_body,
        out_shape=jax.ShapeDtypeStruct((1, 16), jnp.float32),
    )(as1, ad1)


def _tc6_body(ms_ref, dp_ref, h1_ref, as_ref, ad_ref, mv_ref, rk_ref, b1_ref,
              t1_ref, st_ref):
    i = pl.program_id(0)
    den = jnp.sum(dp_ref[...], axis=1)
    a_s = as_ref[:, 0]
    a_d = ad_ref[:, 0]
    se = jnp.exp(_leaky(a_s + a_d) - mv_ref[0, 0])
    h1 = h1_ref[...]
    msg = jnp.concatenate([ms_ref[q] for q in range(4)], axis=1)
    num = msg + se[:, None] * h1
    t1 = jnp.tanh(num / (den + se + 1e-16)[:, None] + b1_ref[...])
    t1_ref[...] = t1
    keep = (rk_ref[:, 0] < K0).astype(jnp.float32)[:, None]

    @pl.when(i == 0)
    def _():
        st_ref[...] = jnp.zeros_like(st_ref)
    st_ref[0, :] += jnp.sum(t1 * keep, axis=0)
    st_ref[1, :] += jnp.sum(t1 * t1 * keep, axis=0)


def _tc6(msumB, dpart1, h1, as1, ad1, mvec1, rank, b1):
    return pl.pallas_call(
        _tc6_body,
        grid=(GRID,),
        in_specs=[
            pl.BlockSpec((4, NB, 32), lambda i: (0, i, 0)),
            pl.BlockSpec((NB, 16), lambda i: (i, 0)),
            pl.BlockSpec((NB, D), lambda i: (i, 0)),
            pl.BlockSpec((NB, 1), lambda i: (i, 0)),
            pl.BlockSpec((NB, 1), lambda i: (i, 0)),
            pl.BlockSpec((1, 16), lambda i: (0, 0)),
            pl.BlockSpec((NB, 1), lambda i: (i, 0)),
            pl.BlockSpec((1, D), lambda i: (0, 0)),
        ],
        out_specs=[
            pl.BlockSpec((NB, D), lambda i: (i, 0)),
            pl.BlockSpec((8, D), lambda i: (0, 0)),
        ],
        out_shape=[
            jax.ShapeDtypeStruct((N, D), jnp.float32),
            jax.ShapeDtypeStruct((8, D), jnp.float32),
        ],
    )(msumB, dpart1, h1, as1, ad1, mvec1, rank, b1.reshape(1, D))


def _tc7_body(t1_ref, st_ref, g_ref, b_ref, pw_ref, cand_ref, s1_ref):
    mu = st_ref[0, :] / K0
    var = st_ref[1, :] / K0 - mu * mu
    rstd = lax.rsqrt(var + 1e-5)
    bn = (t1_ref[...] - mu) * rstd * g_ref[...] + b_ref[...]
    pw = pw_ref[0, :]
    s1 = jnp.sum(bn * pw, axis=1)
    nrm = jnp.sqrt(jnp.sum(pw * pw))
    score = jnp.tanh(s1 / nrm)
    cand_ref[...] = bn * score[:, None]
    s1_ref[...] = s1[:, None]


def _tc7(t1, stats1, g, b, pw):
    return pl.pallas_call(
        _tc7_body,
        grid=(GRID,),
        in_specs=[
            pl.BlockSpec((NB, D), lambda i: (i, 0)),
            pl.BlockSpec((8, D), lambda i: (0, 0)),
            pl.BlockSpec((1, D), lambda i: (0, 0)),
            pl.BlockSpec((1, D), lambda i: (0, 0)),
            pl.BlockSpec((1, D), lambda i: (0, 0)),
        ],
        out_specs=[
            pl.BlockSpec((NB, D), lambda i: (i, 0)),
            pl.BlockSpec((NB, 1), lambda i: (i, 0)),
        ],
        out_shape=[
            jax.ShapeDtypeStruct((N, D), jnp.float32),
            jax.ShapeDtypeStruct((N, 1), jnp.float32),
        ],
    )(t1, stats1, g.reshape(1, D), b.reshape(1, D), pw.reshape(1, D))


def _tc9_body(cand_ref, rk_ref, r2_ref, w0_ref, b0_ref, w1_ref, b1_ref,
              po_ref, out_ref):
    i = pl.program_id(0)
    keep2 = (rk_ref[:, 0] < K0) & (r2_ref[:, 0] < K1)
    cand = jnp.where(keep2[:, None], cand_ref[...], -1e30)
    part = jnp.max(cand, axis=0)[None, :]

    @pl.when(i == 0)
    def _():
        po_ref[...] = jnp.full_like(po_ref, -1e30)
        out_ref[...] = jnp.zeros_like(out_ref)
    po_ref[0, :] = jnp.maximum(po_ref[0, :], part[0, :])

    @pl.when(i == GRID - 1)
    def _():
        pooled = jnp.maximum(po_ref[0, :], 0.0)[None, :]
        hid = jnp.maximum(
            lax.dot_general(pooled, w0_ref[...], (((1,), (1,)), ((), ())),
                            preferred_element_type=jnp.float32)
            + b0_ref[...], 0.0)
        out_ref[...] = lax.dot_general(
            hid, w1_ref[...], (((1,), (1,)), ((), ())),
            preferred_element_type=jnp.float32) + b1_ref[...]


def _tc9(cand, rank, rank2, mW0, mb0, mW1, mb1):
    outs = pl.pallas_call(
        _tc9_body,
        grid=(GRID,),
        in_specs=[
            pl.BlockSpec((NB, D), lambda i: (i, 0)),
            pl.BlockSpec((NB, 1), lambda i: (i, 0)),
            pl.BlockSpec((NB, 1), lambda i: (i, 0)),
            pl.BlockSpec((256, D), lambda i: (0, 0)),
            pl.BlockSpec((1, 256), lambda i: (0, 0)),
            pl.BlockSpec((D, 256), lambda i: (0, 0)),
            pl.BlockSpec((1, D), lambda i: (0, 0)),
        ],
        out_specs=[
            pl.BlockSpec((8, D), lambda i: (0, 0)),
            pl.BlockSpec((1, D), lambda i: (0, 0)),
        ],
        out_shape=[
            jax.ShapeDtypeStruct((8, D), jnp.float32),
            jax.ShapeDtypeStruct((1, D), jnp.float32),
        ],
    )(cand, rank, rank2, mW0, mb0.reshape(1, 256), mW1, mb1.reshape(1, D))
    return outs[1]



SLC = 32
NSL = SLC // 16

_SC_PARAMS = pltpu.CompilerParams(needs_layout_passes=False,
                                  use_tc_tiling_on_sc=False)


def _copy_out(spm, out_o, q, s):
    @pl.when(s < 15)
    def _():
        pltpu.sync_copy(spm.at[pl.ds(s * 640, 640)],
                        out_o.at[q, pl.ds(s * 640, 640)])

    @pl.when(s == 15)
    def _():
        pltpu.sync_copy(spm.at[pl.ds(9600, 400)],
                        out_o.at[q, pl.ds(9600, 400)])


def _edge_pass(srcall, dstall, dstb, gidx, ebuf, rows, spm, sem, htab,
               qoff, weight_fn):
    def chunk(k, _):
        def grp(g, _):
            sl = pl.ds(k * CH + g * 16, 16)
            src16 = srcall[sl]
            dst16 = dstall[sl]
            eh = weight_fn(src16, dst16)
            ebuf[pl.ds(g * 16, 16)] = eh
            gidx[pl.ds(g * 16, 16)] = src16 + qoff
            dstb[pl.ds(g * 16, 16)] = dst16
            return 0

        lax.fori_loop(0, CH // 16, grp, 0)
        pltpu.async_copy(htab.at[gidx], rows, sem).wait()

        def grp2(g, _):
            ev = ebuf[pl.ds(g * 16, 16)]

            def edge(jj, _):
                b = ev[jnp.full((16,), jj, jnp.int32)]
                row = g * 16 + jj
                for sl in range(NSL):
                    rows[row, pl.ds(sl * 16, 16)] = (
                        rows[row, pl.ds(sl * 16, 16)] * b)
                return 0

            lax.fori_loop(0, 16, edge, 0)
            return 0

        lax.fori_loop(0, CH // 16, grp2, 0)
        pltpu.sync_copy(rows, spm.at[dstb], add=True)
        return 0

    lax.fori_loop(0, NCH_A, chunk, 0)


def _sca_make():
    mesh = plsc.VectorSubcoreMesh(core_axis_name="c", subcore_axis_name="s",
                                  num_cores=2, num_subcores=16)

    def body(srcs, dsts, asd_h, mv_h, h0tw, zeros, msum_o, dpart_o,
             tbl, dptile, srcall, dstall, dstb, gidx, ebuf, rows, mvb, spm,
             sem):
        c = lax.axis_index("c")
        s = lax.axis_index("s")
        c0 = c == 0

        pltpu.sync_copy(mv_h, mvb)
        mv = mvb[...]
        z16 = jnp.zeros((16,), jnp.float32)

        base = s * EPS_A
        pltpu.sync_copy(srcs.at[pl.ds(base, EPS_A)], srcall)
        pltpu.sync_copy(dsts.at[pl.ds(base, EPS_A)], dstall)

        for p in range(6):
            q = 2 * p + c
            h = p // 2
            mb = mv[jnp.full((16,), h, jnp.int32)]
            acc_den = (p % 2 == 0)

            if acc_den:
                pltpu.sync_copy(asd_h.at[pl.ds(h * N, N)], tbl.at[pl.ds(0, N)])
                pltpu.sync_copy(asd_h.at[pl.ds((3 + h) * N, N)],
                                tbl.at[pl.ds(N, N)])

                def zero_dp(i, _):
                    dptile[pl.ds(i * 16, 16)] = z16
                    return 0
                lax.fori_loop(0, N // 16, zero_dp, 0)

            @pl.when(s == 0)
            def _():
                pltpu.sync_copy(zeros, spm)
            plsc.subcore_barrier()

            def wfn(src16, dst16, mb=mb, acc_den=acc_den):
                msk = (src16 != dst16).astype(jnp.float32)
                a_s = plsc.load_gather(tbl, [src16])
                a_d = plsc.load_gather(tbl, [dst16 + N])
                lg = a_s + a_d
                lg = jnp.where(lg > 0, lg, lg * 0.2) - mb
                eh = jnp.exp(lg) * msk
                if acc_den:
                    @pl.when(c0)
                    def _():
                        plsc.addupdate_scatter(dptile, [dst16], eh)
                return eh

            _edge_pass(srcall, dstall, dstb, gidx, ebuf, rows, spm, sem,
                       h0tw, q * N, wfn)
            plsc.subcore_barrier()
            _copy_out(spm, msum_o, q, s)
            if acc_den:
                @pl.when(c0)
                def _():
                    pltpu.sync_copy(
                        dptile, dpart_o.at[pl.ds(s * 3 * N + h * N, N)])
            plsc.subcore_barrier()

    return pl.kernel(
        body,
        mesh=mesh,
        compiler_params=_SC_PARAMS,
        out_type=[
            jax.ShapeDtypeStruct((12, N, SLC), jnp.float32),
            jax.ShapeDtypeStruct((16 * 3 * N,), jnp.float32),
        ],
        scratch_types=[
            pltpu.VMEM((2 * N,), jnp.float32),
            pltpu.VMEM((N,), jnp.float32),
            pltpu.VMEM((EPS_A,), jnp.int32),
            pltpu.VMEM((EPS_A,), jnp.int32),
            pltpu.VMEM((CH,), jnp.int32),
            pltpu.VMEM((CH,), jnp.int32),
            pltpu.VMEM((CH,), jnp.float32),
            pltpu.VMEM((CH, SLC), jnp.float32),
            pltpu.VMEM((16,), jnp.float32),
            pltpu.VMEM_SHARED((N, SLC), jnp.float32),
            pltpu.SemaphoreType.DMA,
        ],
    )


def _scb_make():
    mesh = plsc.VectorSubcoreMesh(core_axis_name="c", subcore_axis_name="s",
                                  num_cores=2, num_subcores=16)

    def body(srcs, dsts, aa_h, rk_h, mv_h, h1f, zeros, msum_o, dpart_o,
             tbl, rkt, dptile, srcall, dstall, dstb, gidx, ebuf, rows, mvb,
             spm, sem):
        c = lax.axis_index("c")
        s = lax.axis_index("s")
        c0 = c == 0

        pltpu.sync_copy(aa_h, tbl)
        pltpu.sync_copy(rk_h, rkt)
        pltpu.sync_copy(mv_h, mvb)
        mb = mvb[...][jnp.full((16,), 0, jnp.int32)]
        z16 = jnp.zeros((16,), jnp.float32)

        def zero_dp(i, _):
            dptile[pl.ds(i * 16, 16)] = z16
            return 0
        lax.fori_loop(0, N // 16, zero_dp, 0)

        base = s * EPS_A
        pltpu.sync_copy(srcs.at[pl.ds(base, EPS_A)], srcall)
        pltpu.sync_copy(dsts.at[pl.ds(base, EPS_A)], dstall)
        k0v = jnp.full((16,), K0, jnp.int32)

        for p in range(2):
            q = 2 * p + c
            acc_den = (p == 0)

            @pl.when(s == 0)
            def _():
                pltpu.sync_copy(zeros, spm)
            plsc.subcore_barrier()

            def wfn(src16, dst16, acc_den=acc_den):
                rs = plsc.load_gather(rkt, [src16])
                rd = plsc.load_gather(rkt, [dst16])
                ok = (src16 != dst16) & (rs < k0v) & (rd < k0v)
                msk = ok.astype(jnp.float32)
                a_s = plsc.load_gather(tbl, [src16])
                a_d = plsc.load_gather(tbl, [dst16 + N])
                lg = a_s + a_d
                lg = jnp.where(lg > 0, lg, lg * 0.2) - mb
                eh = jnp.exp(lg) * msk
                if acc_den:
                    @pl.when(c0)
                    def _():
                        plsc.addupdate_scatter(dptile, [dst16], eh)
                return eh

            _edge_pass(srcall, dstall, dstb, gidx, ebuf, rows, spm, sem,
                       h1f, q * N, wfn)
            plsc.subcore_barrier()
            _copy_out(spm, msum_o, q, s)
            plsc.subcore_barrier()

        @pl.when(c0)
        def _():
            pltpu.sync_copy(dptile, dpart_o.at[pl.ds(s * N, N)])

    return pl.kernel(
        body,
        mesh=mesh,
        compiler_params=_SC_PARAMS,
        out_type=[
            jax.ShapeDtypeStruct((4, N, SLC), jnp.float32),
            jax.ShapeDtypeStruct((16 * N,), jnp.float32),
        ],
        scratch_types=[
            pltpu.VMEM((2 * N,), jnp.float32),
            pltpu.VMEM((N,), jnp.int32),
            pltpu.VMEM((N,), jnp.float32),
            pltpu.VMEM((EPS_A,), jnp.int32),
            pltpu.VMEM((EPS_A,), jnp.int32),
            pltpu.VMEM((CH,), jnp.int32),
            pltpu.VMEM((CH,), jnp.int32),
            pltpu.VMEM((CH,), jnp.float32),
            pltpu.VMEM((CH, SLC), jnp.float32),
            pltpu.VMEM((16,), jnp.float32),
            pltpu.VMEM_SHARED((N, SLC), jnp.float32),
            pltpu.SemaphoreType.DMA,
        ],
    )



def kernel(x, edge_index, batch, W0, att_src0, att_dst0, b0, bn0_g, bn0_b,
           pool0_w, W1, att_src1, att_dst1, b1, bn1_g, bn1_b, pool1_w,
           mlp_W0, mlp_b0, mlp_W1, mlp_b1):
    src = edge_index[0]
    dst = edge_index[1]
    pad = jnp.zeros((E2 - E,), jnp.int32)
    srcs = jnp.concatenate([src, pad])
    dsts = jnp.concatenate([dst, pad])

    acat = jnp.zeros((F0, 8), jnp.float32)
    for h in range(3):
        acat = acat.at[h * D:(h + 1) * D, h].set(att_src0[h])
        acat = acat.at[h * D:(h + 1) * D, 3 + h].set(att_dst0[h])

    h0, h0six, asd8 = _tc1(x, W0, acat)
    mvec0 = _tc1b(asd8)

    zeros32 = jnp.zeros((N, SLC), jnp.float32)
    asd_flat = asd8.T[:6].reshape(6 * N)
    msum, dpart = _sca_make()(srcs, dsts, asd_flat,
                              mvec0.reshape(16), h0six.reshape(12 * N, SLC),
                              zeros32)
    dpartT = dpart.reshape(16, 3, N).transpose(2, 1, 0)

    t0, stats0 = _tc2(msum, dpartT, asd8, mvec0, h0, b0)
    xin2, s0 = _tc3(t0, stats0, bn0_g, bn0_b, pool0_w)
    rank = _tc4(s0)
    h1, h1two, as1, ad1 = _tc5(xin2, W1, att_src1, att_dst1)
    mvec1 = _tc5b(as1, ad1)

    aa = jnp.concatenate([as1.reshape(N), ad1.reshape(N)])
    msumB, dpart1 = _scb_make()(srcs, dsts, aa, rank.reshape(N),
                                mvec1.reshape(16), h1two.reshape(4 * N, SLC),
                                zeros32)

    t1, stats1 = _tc6(msumB, dpart1.reshape(16, N).T, h1, as1, ad1,
                      mvec1, rank, b1)
    cand, s1 = _tc7(t1, stats1, bn1_g, bn1_b, pool1_w)
    rank2 = _rank(s1, rank)
    out = _tc9(cand, rank, rank2, mlp_W0, mlp_b0, mlp_W1, mlp_b1)
    return out

# --- scband reference (transcript-rebuilt; emitter-appended) ---
"""Pipeline reference for scband-statement-encoder-11897059410447 (READ-ONLY COPY).

The authoritative reference and input builder live on the scoring server;
editing this copy changes nothing except your own understanding.
"""

import math
import jax
import jax.numpy as jnp
import numpy as np

N_NODES = 10000
N_EDGES = 160000
D = 128
HID = 256
ENC = 128


def _gat(x, src, dst, valid, W, att_s, att_d, b, H, C, N):
    # PyG GATConv: shared lin for src/dst, remove_self_loops + add_self_loops,
    # leaky_relu(0.2) attention logits, segment softmax over dst, concat heads, bias.
    h = (x @ W.T).reshape(N, H, C)
    a_s = (h * att_s).sum(-1)  # [N, H]
    a_d = (h * att_d).sum(-1)  # [N, H]
    valid = valid & (src != dst)  # remove_self_loops
    loop = jnp.arange(N, dtype=src.dtype)
    src2 = jnp.concatenate([src, loop])
    dst2 = jnp.concatenate([dst, loop])
    valid2 = jnp.concatenate([valid, jnp.ones((N,), dtype=bool)])
    alpha = a_s[src2] + a_d[dst2]  # [E+N, H]
    alpha = jax.nn.leaky_relu(alpha, negative_slope=0.2)
    alpha = jnp.where(valid2[:, None], alpha, -1e9)
    amax = jax.ops.segment_max(alpha, dst2, num_segments=N)
    alpha = jnp.exp(alpha - jax.lax.stop_gradient(amax)[dst2])
    alpha = jnp.where(valid2[:, None], alpha, 0.0)
    denom = jax.ops.segment_sum(alpha, dst2, num_segments=N)
    alpha = alpha / (denom[dst2] + 1e-16)
    out = jax.ops.segment_sum(h[src2] * alpha[:, :, None], dst2, num_segments=N)
    return out.reshape(N, H * C) + b


def _bn(x, g, b):
    # BatchNorm1d in training mode: batch stats, biased variance, eps=1e-5
    mu = x.mean(0)
    var = ((x - mu) ** 2).mean(0)
    return (x - mu) / jnp.sqrt(var + 1e-5) * g + b


def _topk_pool(x, src, dst, valid, batch, w, ratio, N):
    # PyG TopKPooling: score = tanh((x*w).sum(-1)/||w||); keep top ceil(ratio*N);
    # x = x[perm] * score[perm]; edges filtered (kept via validity mask) and remapped.
    score = jnp.tanh((x * w).sum(-1) / jnp.linalg.norm(w))
    k = int(math.ceil(ratio * N))
    vals, perm = jax.lax.top_k(score, k)
    x2 = x[perm] * vals[:, None]
    kept = jnp.zeros((N,), dtype=bool).at[perm].set(True)
    mapping = jnp.zeros((N,), dtype=src.dtype).at[perm].set(jnp.arange(k, dtype=src.dtype))
    valid2 = valid & kept[src] & kept[dst]
    return x2, mapping[src], mapping[dst], valid2, batch[perm], k


def setup_inputs(seed: int = 0):
    key = jax.random.key(seed)
    ks = jax.random.split(key, 16)
    inp = {}
    inp["x"] = jax.random.normal(ks[0], (N_NODES, D), dtype=jnp.float32)
    inp["edge_index"] = jax.random.randint(ks[1], (2, N_EDGES), 0, N_NODES, dtype=jnp.int32)
    inp["batch"] = jnp.zeros((N_NODES,), dtype=jnp.int32)
    s_in = 1.0 / math.sqrt(D)
    s_3d = 1.0 / math.sqrt(3 * D)
    inp["W0"] = jax.random.normal(ks[2], (3 * D, D), dtype=jnp.float32) * s_in
    inp["att_src0"] = jax.random.normal(ks[3], (3, D), dtype=jnp.float32) * s_in
    inp["att_dst0"] = jax.random.normal(ks[4], (3, D), dtype=jnp.float32) * s_in
    inp["b0"] = jnp.zeros((3 * D,), dtype=jnp.float32)
    inp["bn0_g"] = jnp.ones((3 * D,), dtype=jnp.float32)
    inp["bn0_b"] = jnp.zeros((3 * D,), dtype=jnp.float32)
    inp["pool0_w"] = jax.random.normal(ks[5], (3 * D,), dtype=jnp.float32) * s_3d
    inp["W1"] = jax.random.normal(ks[6], (D, 3 * D), dtype=jnp.float32) * s_3d
    inp["att_src1"] = jax.random.normal(ks[7], (1, D), dtype=jnp.float32) * s_in
    inp["att_dst1"] = jax.random.normal(ks[8], (1, D), dtype=jnp.float32) * s_in
    inp["b1"] = jnp.zeros((D,), dtype=jnp.float32)
    inp["bn1_g"] = jnp.ones((D,), dtype=jnp.float32)
    inp["bn1_b"] = jnp.zeros((D,), dtype=jnp.float32)
    inp["pool1_w"] = jax.random.normal(ks[9], (D,), dtype=jnp.float32) * s_in
    inp["mlp_W0"] = jax.random.normal(ks[10], (HID, D), dtype=jnp.float32) * s_in
    inp["mlp_b0"] = jnp.zeros((HID,), dtype=jnp.float32)
    inp["mlp_W1"] = jax.random.normal(ks[11], (ENC, HID), dtype=jnp.float32) * (1.0 / math.sqrt(HID))
    inp["mlp_b1"] = jnp.zeros((ENC,), dtype=jnp.float32)
    return inp


def reference(x, edge_index, batch, W0, att_src0, att_dst0, b0, bn0_g, bn0_b, pool0_w,
              W1, att_src1, att_dst1, b1, bn1_g, bn1_b, pool1_w,
              mlp_W0, mlp_b0, mlp_W1, mlp_b1):
    N = x.shape[0]
    src = edge_index[0]
    dst = edge_index[1]
    valid = jnp.ones((src.shape[0],), dtype=bool)
    # layer_0: GATConv(128->128, heads=3) -> Tanh -> BatchNorm(384)
    h = _gat(x, src, dst, valid, W0, att_src0, att_dst0, b0, 3, D, N)
    h = jnp.tanh(h)
    h = _bn(h, bn0_g, bn0_b)
    # pooling_0: TopKPooling(384, ratio=0.7)
    h, src, dst, valid, batch, k0 = _topk_pool(h, src, dst, valid, batch, pool0_w, 0.7, N)
    h = jax.nn.relu(h)
    # layer_1: GATConv(384->128, heads=1) -> Tanh -> BatchNorm(128)
    h = _gat(h, src, dst, valid, W1, att_src1, att_dst1, b1, 1, D, k0)
    h = jnp.tanh(h)
    h = _bn(h, bn1_g, bn1_b)
    # pooling_1: TopKPooling(128, ratio=0.5)
    h, src, dst, valid, batch, k1 = _topk_pool(h, src, dst, valid, batch, pool1_w, 0.5, k0)
    # global_max_pool (single graph: batch all zeros)
    pooled = jax.ops.segment_max(h, batch, num_segments=1)
    pooled = jax.nn.relu(pooled)
    # mlp: Linear(128,256) -> ReLU -> Linear(256,128)
    hid = jax.nn.relu(pooled @ mlp_W0.T + mlp_b0)
    out = hid @ mlp_W1.T + mlp_b1
    return out

if __name__ == "__main__":
    import jax
    _d = setup_inputs()
    print(jax.jit(kernel)(*tuple(_d.values())))

</pallas_src>

<mosaic_0001>
#map = affine_map<(d0, d1) -> (0)>
#map1 = affine_map<(d0, d1) -> (0, 0)>
#map2 = affine_map<(d0, d1) -> (0, 0, 0)>
module attributes {stable_mosaic.version = 14 : i64} {
  func.func @body(%arg0: i32, %arg1: i32, %arg2: memref<163840xi32, #tpu.memory_space<hbm>>, %arg3: memref<163840xi32, #tpu.memory_space<hbm>>, %arg4: memref<20000xf32, #tpu.memory_space<hbm>>, %arg5: memref<10000xi32, #tpu.memory_space<hbm>>, %arg6: memref<16xf32, #tpu.memory_space<hbm>>, %arg7: memref<40000x32xf32, #tpu.memory_space<hbm>>, %arg8: memref<10000x32xf32, #tpu.memory_space<hbm>>, %arg9: memref<4x10000x32xf32, #tpu.memory_space<hbm>>, %arg10: memref<160000xf32, #tpu.memory_space<hbm>>, %arg11: memref<20000xf32, #tpu.memory_space<vmem>>, %arg12: memref<10000xi32, #tpu.memory_space<vmem>>, %arg13: memref<10000xf32, #tpu.memory_space<vmem>>, %arg14: memref<10240xi32, #tpu.memory_space<vmem>>, %arg15: memref<10240xi32, #tpu.memory_space<vmem>>, %arg16: memref<128xi32, #tpu.memory_space<vmem>>, %arg17: memref<128xi32, #tpu.memory_space<vmem>>, %arg18: memref<128xf32, #tpu.memory_space<vmem>>, %arg19: memref<128x32xf32, #tpu.memory_space<vmem>>, %arg20: memref<16xf32, #tpu.memory_space<vmem>>, %arg21: memref<10000x32xf32, #tpu.memory_space<vmem_shared>>, %arg22: memref<!tpu.dma_semaphore, #tpu.memory_space<semaphore_mem>>) attributes {dimension_semantics = [#tpu.dimension_semantics<core_parallel>, #tpu.dimension_semantics<subcore_parallel>], iteration_bounds = array<i64: 2, 16>, scalar_prefetch = 0 : i64, scratch_operands = 12 : i64, tpu.core_type = #tpu.core_type<sc_vector_subcore>, window_params = [{transform_indices = #map}, {transform_indices = #map}, {transform_indices = #map}, {transform_indices = #map}, {transform_indices = #map}, {transform_indices = #map1}, {transform_indices = #map1}, {transform_indices = #map2}, {transform_indices = #map}]} {
    %eq3A = arith.constant 0 : i32
    %eq3A_0 = arith.cmpi eq, %arg0, %eq3A : i32
    "tpu.region"() ({
      %run_scoped3A = tpu.sem_alloc : memref<!tpu.dma_semaphore, #tpu.memory_space<semaphore_mem>>
      tpu.enqueue_dma source(%arg4 : memref<20000xf32, #tpu.memory_space<hbm>>) target(%arg11 : memref<20000xf32, #tpu.memory_space<vmem>>) target_semaphore(%run_scoped3A : memref<!tpu.dma_semaphore, #tpu.memory_space<semaphore_mem>>)
      tpu.wait_dma2 semaphore(%run_scoped3A : memref<!tpu.dma_semaphore, #tpu.memory_space<semaphore_mem>>) src(%arg4 : memref<20000xf32, #tpu.memory_space<hbm>>) dst(%arg11 : memref<20000xf32, #tpu.memory_space<vmem>>)
      tpu.yield
    }) : () -> ()
    "tpu.region"() ({
      %run_scoped3A = tpu.sem_alloc : memref<!tpu.dma_semaphore, #tpu.memory_space<semaphore_mem>>
      tpu.enqueue_dma source(%arg5 : memref<10000xi32, #tpu.memory_space<hbm>>) target(%arg12 : memref<10000xi32, #tpu.memory_space<vmem>>) target_semaphore(%run_scoped3A : memref<!tpu.dma_semaphore, #tpu.memory_space<semaphore_mem>>)
      tpu.wait_dma2 semaphore(%run_scoped3A : memref<!tpu.dma_semaphore, #tpu.memory_space<semaphore_mem>>) src(%arg5 : memref<10000xi32, #tpu.memory_space<hbm>>) dst(%arg12 : memref<10000xi32, #tpu.memory_space<vmem>>)
      tpu.yield
    }) : () -> ()
    "tpu.region"() ({
      %run_scoped3A = tpu.sem_alloc : memref<!tpu.dma_semaphore, #tpu.memory_space<semaphore_mem>>
      tpu.enqueue_dma source(%arg6 : memref<16xf32, #tpu.memory_space<hbm>>) target(%arg20 : memref<16xf32, #tpu.memory_space<vmem>>) target_semaphore(%run_scoped3A : memref<!tpu.dma_semaphore, #tpu.memory_space<semaphore_mem>>)
      tpu.wait_dma2 semaphore(%run_scoped3A : memref<!tpu.dma_semaphore, #tpu.memory_space<semaphore_mem>>) src(%arg6 : memref<16xf32, #tpu.memory_space<hbm>>) dst(%arg20 : memref<16xf32, #tpu.memory_space<vmem>>)
      tpu.yield
    }) : () -> ()
    %get3A = arith.constant 0 : index
    %get3A_1 = tpu.vector_load %arg20[%get3A] {strides = array<i32>} : memref<16xf32, #tpu.memory_space<vmem>>, vector<16xf32>,
    %broadcast_in_dim3A = arith.constant 0 : i32
    %broadcast_in_dim3A_2 = vector.broadcast %broadcast_in_dim3A : i32 to vector<16xi32>
    %lt3A = arith.constant 0 : i32
    %lt3A_3 = vector.broadcast %lt3A : i32 to vector<16xi32>
    %lt3A_4 = arith.cmpi slt, %broadcast_in_dim3A_2, %lt3A_3 : vector<16xi32>
    %add3A = arith.constant 16 : i32
    %add3A_5 = vector.broadcast %add3A : i32 to vector<16xi32>
    %add3A_6 = arith.addi %broadcast_in_dim3A_2, %add3A_5 : vector<16xi32>
    %select_n3A = arith.select %lt3A_4, %add3A_6, %broadcast_in_dim3A_2 : vector<16xi1>, vector<16xi32>
    %broadcast_in_dim3A_7 = vector.shape_cast %select_n3A : vector<16xi32> to vector<16x1xi32>
    %gather3A = vector.shape_cast %broadcast_in_dim3A_7 : vector<16x1xi32> to vector<16xi32>
    %gather3A_8 = tpu.dynamic_gather %get3A_1[%gather3A] in [0] : vector<16xf32>, vector<16xi32> -> vector<16xf32>
    %broadcast_in_dim3A_9 = arith.constant 0.000000e+00 : f32
    %broadcast_in_dim3A_10 = vector.broadcast %broadcast_in_dim3A_9 : f32 to vector<16xf32>
    %scan3A = arith.constant 0 : i32
    %scan3A_11 = arith.constant 0 : i32
    %scan3A_12 = arith.constant 625 : i32
    %scan3A_13 = arith.addi %scan3A_11, %scan3A_12 : i32
    %scan3A_14 = arith.constant 1 : i32
    %scan3A_15 = scf.for %scan3A_78 = %scan3A_11 to %scan3A_13 step %scan3A_14 iter_args(%scan3A_79 = %scan3A) -> (i32)  : i32 {
      %mul3A_80 = arith.constant 16 : i32
      %mul3A_81 = arith.muli %scan3A_78, %mul3A_80 : i32
      %swap3A = arith.index_cast %mul3A_81 : i32 to index
      %swap3A_82 = tpu.vector_load %arg13[%swap3A] {strides = array<i32>} : memref<10000xf32, #tpu.memory_space<vmem>>, vector<16xf32>,
      tpu.vector_store %arg13[%swap3A], %broadcast_in_dim3A_10 {strides = array<i32>} : memref<10000xf32, #tpu.memory_space<vmem>>, vector<16xf32>,
      %scan3A_83 = arith.constant 0 : i32
      scf.yield %scan3A_83 : i32
    }
    %scan3A_16 = arith.constant 625 : i32
    %mul3A = arith.constant 10240 : i32
    %mul3A_17 = arith.muli %arg1, %mul3A : i32
    "tpu.region"() ({
      %run_scoped3A = tpu.sem_alloc : memref<!tpu.dma_semaphore, #tpu.memory_space<semaphore_mem>>
      %dma_start3A = tpu.memref_slice %arg2[%mul3A_17] : memref<163840xi32, #tpu.memory_space<hbm>> -> memref<10240xi32, #tpu.memory_space<hbm>>
      %dma_start3A_78 = tpu.memref_slice %arg2[%mul3A_17] : memref<163840xi32, #tpu.memory_space<hbm>> -> memref<10240xi32, #tpu.memory_space<hbm>>
      tpu.enqueue_dma source(%dma_start3A_78 : memref<10240xi32, #tpu.memory_space<hbm>>) target(%arg14 : memref<10240xi32, #tpu.memory_space<vmem>>) target_semaphore(%run_scoped3A : memref<!tpu.dma_semaphore, #tpu.memory_space<semaphore_mem>>)
      %dma_wait3A = tpu.memref_slice %arg2[%mul3A_17] : memref<163840xi32, #tpu.memory_space<hbm>> -> memref<10240xi32, #tpu.memory_space<hbm>>
      %dma_wait3A_79 = tpu.memref_slice %arg2[%mul3A_17] : memref<163840xi32, #tpu.memory_space<hbm>> -> memref<10240xi32, #tpu.memory_space<hbm>>
      tpu.wait_dma2 semaphore(%run_scoped3A : memref<!tpu.dma_semaphore, #tpu.memory_space<semaphore_mem>>) src(%dma_wait3A_79 : memref<10240xi32, #tpu.memory_space<hbm>>) dst(%arg14 : memref<10240xi32, #tpu.memory_space<vmem>>)
      tpu.yield
    }) : () -> ()
    "tpu.region"() ({
      %run_scoped3A = tpu.sem_alloc : memref<!tpu.dma_semaphore, #tpu.memory_space<semaphore_mem>>
      %dma_start3A = tpu.memref_slice %arg3[%mul3A_17] : memref<163840xi32, #tpu.memory_space<hbm>> -> memref<10240xi32, #tpu.memory_space<hbm>>
      %dma_start3A_78 = tpu.memref_slice %arg3[%mul3A_17] : memref<163840xi32, #tpu.memory_space<hbm>> -> memref<10240xi32, #tpu.memory_space<hbm>>
      tpu.enqueue_dma source(%dma_start3A_78 : memref<10240xi32, #tpu.memory_space<hbm>>) target(%arg15 : memref<10240xi32, #tpu.memory_space<vmem>>) target_semaphore(%run_scoped3A : memref<!tpu.dma_semaphore, #tpu.memory_space<semaphore_mem>>)
      %dma_wait3A = tpu.memref_slice %arg3[%mul3A_17] : memref<163840xi32, #tpu.memory_space<hbm>> -> memref<10240xi32, #tpu.memory_space<hbm>>
      %dma_wait3A_79 = tpu.memref_slice %arg3[%mul3A_17] : memref<163840xi32, #tpu.memory_space<hbm>> -> memref<10240xi32, #tpu.memory_space<hbm>>
      tpu.wait_dma2 semaphore(%run_scoped3A : memref<!tpu.dma_semaphore, #tpu.memory_space<semaphore_mem>>) src(%dma_wait3A_79 : memref<10240xi32, #tpu.memory_space<hbm>>) dst(%arg15 : memref<10240xi32, #tpu.memory_space<vmem>>)
      tpu.yield
    }) : () -> ()
    %broadcast_in_dim3A_18 = arith.constant 7000 : i32
    %broadcast_in_dim3A_19 = vector.broadcast %broadcast_in_dim3A_18 : i32 to vector<16xi32>
    %add3A_20 = arith.constant 0 : i32
    %add3A_21 = arith.addi %add3A_20, %arg0 : i32
    %eq3A_22 = arith.constant 0 : i32
    %eq3A_23 = arith.cmpi eq, %arg1, %eq3A_22 : i32
    %convert_element_type3A = arith.extui %eq3A_23 : i1 to i32
    %cond3A = arith.constant 0 : i32
    %cond3A_24 = arith.cmpi ne, %convert_element_type3A, %cond3A : i32
    scf.if %cond3A_24 {
      "tpu.region"() ({
        %run_scoped3A = tpu.sem_alloc : memref<!tpu.dma_semaphore, #tpu.memory_space<semaphore_mem>>
        tpu.enqueue_dma source(%arg8 : memref<10000x32xf32, #tpu.memory_space<hbm>>) target(%arg21 : memref<10000x32xf32, #tpu.memory_space<vmem_shared>>) target_semaphore(%run_scoped3A : memref<!tpu.dma_semaphore, #tpu.memory_space<semaphore_mem>>)
        tpu.wait_dma2 semaphore(%run_scoped3A : memref<!tpu.dma_semaphore, #tpu.memory_space<semaphore_mem>>) src(%arg8 : memref<10000x32xf32, #tpu.memory_space<hbm>>) dst(%arg21 : memref<10000x32xf32, #tpu.memory_space<vmem_shared>>)
        tpu.yield
      }) : () -> ()
    } else {
    }
    %barrier3A = arith.constant 0 : index
    tpu.barrier barrier_id(%barrier3A)
    %mul3A_25 = arith.constant 10000 : i32
    %mul3A_26 = arith.muli %add3A_21, %mul3A_25 : i32
    %scan3A_27 = arith.constant 0 : i32
    %scan3A_28 = arith.constant 0 : i32
    %scan3A_29 = arith.constant 80 : i32
    %scan3A_30 = arith.addi %scan3A_28, %scan3A_29 : i32
    %scan3A_31 = arith.constant 1 : i32
    %scan3A_32 = scf.for %scan3A_78 = %scan3A_28 to %scan3A_30 step %scan3A_31 iter_args(%scan3A_79 = %scan3A_27) -> (i32)  : i32 {
      %scan3A_80 = arith.constant 0 : i32
      %scan3A_81 = arith.constant 0 : i32
      %scan3A_82 = arith.constant 8 : i32
      %scan3A_83 = arith.addi %scan3A_81, %scan3A_82 : i32
      %scan3A_84 = arith.constant 1 : i32
      %scan3A_85 = scf.for %scan3A_99 = %scan3A_81 to %scan3A_83 step %scan3A_84 iter_args(%scan3A_100 = %scan3A_80) -> (i32)  : i32 {
        %mul3A_101 = arith.constant 128 : i32
        %mul3A_102 = arith.muli %scan3A_78, %mul3A_101 : i32
        %mul3A_103 = arith.constant 16 : i32
        %mul3A_104 = arith.muli %scan3A_99, %mul3A_103 : i32
        %add3A_105 = arith.addi %mul3A_102, %mul3A_104 : i32
        %get3A_106 = arith.index_cast %add3A_105 : i32 to index
        %get3A_107 = tpu.vector_load %arg14[%get3A_106] {strides = array<i32>} : memref<10240xi32, #tpu.memory_space<vmem>>, vector<16xi32>,
        %get3A_108 = arith.index_cast %add3A_105 : i32 to index
        %get3A_109 = tpu.vector_load %arg15[%get3A_108] {strides = array<i32>} : memref<10240xi32, #tpu.memory_space<vmem>>, vector<16xi32>,
        %gather3A_110 = tpu.vector_load_idx %arg12[%get3A_107] : memref<10000xi32, #tpu.memory_space<vmem>>[vector<16xi32>], vector<16xi32>,
        %gather3A_111 = tpu.vector_load_idx %arg12[%get3A_109] : memref<10000xi32, #tpu.memory_space<vmem>>[vector<16xi32>], vector<16xi32>,
        %ne3A = arith.cmpi ne, %get3A_107, %get3A_109 : vector<16xi32>
        %lt3A_112 = arith.cmpi slt, %gather3A_110, %broadcast_in_dim3A_19 : vector<16xi32>
        %and3A = arith.andi %ne3A, %lt3A_112 : vector<16xi1>
        %lt3A_113 = arith.cmpi slt, %gather3A_111, %broadcast_in_dim3A_19 : vector<16xi32>
        %and3A_114 = arith.andi %and3A, %lt3A_113 : vector<16xi1>
        %convert_element_type3A_115 = arith.extui %and3A_114 : vector<16xi1> to vector<16xi32>
        %convert_element_type3A_116 = arith.sitofp %convert_element_type3A_115 : vector<16xi32> to vector<16xf32>
        %gather3A_117 = tpu.vector_load_idx %arg11[%get3A_107] : memref<20000xf32, #tpu.memory_space<vmem>>[vector<16xi32>], vector<16xf32>,
        %add3A_118 = arith.constant 10000 : i32
        %add3A_119 = vector.broadcast %add3A_118 : i32 to vector<16xi32>
        %add3A_120 = arith.addi %get3A_109, %add3A_119 : vector<16xi32>
        %gather3A_121 = tpu.vector_load_idx %arg11[%add3A_120] : memref<20000xf32, #tpu.memory_space<vmem>>[vector<16xi32>], vector<16xf32>,
        %add3A_122 = arith.addf %gather3A_117, %gather3A_121 : vector<16xf32>
        %gt3A = arith.constant 0.000000e+00 : f32
        %gt3A_123 = vector.broadcast %gt3A : f32 to vector<16xf32>
        %gt3A_124 = arith.cmpf ogt, %add3A_122, %gt3A_123 : vector<16xf32>
        %mul3A_125 = arith.constant 2.000000e-01 : f32
        %mul3A_126 = vector.broadcast %mul3A_125 : f32 to vector<16xf32>
        %mul3A_127 = arith.mulf %add3A_122, %mul3A_126 : vector<16xf32>
        %select_n3A_128 = arith.select %gt3A_124, %add3A_122, %mul3A_127 : vector<16xi1>, vector<16xf32>
        %sub3A = arith.subf %select_n3A_128, %gather3A_8 : vector<16xf32>
        %exp3A = math.exp %sub3A : vector<16xf32>
        %mul3A_129 = arith.mulf %exp3A, %convert_element_type3A_116 : vector<16xf32>
        %convert_element_type3A_130 = arith.extui %eq3A_0 : i1 to i32
        %cond3A_131 = arith.constant 0 : i32
        %cond3A_132 = arith.cmpi ne, %convert_element_type3A_130, %cond3A_131 : i32
        scf.if %cond3A_132 {
          tpu.vector_store_idx %arg13[%get3A_109], %mul3A_129 {add = true} : memref<10000xf32, #tpu.memory_space<vmem>>[vector<16xi32>], vector<16xf32>,
        } else {
        }
        %mul3A_133 = arith.constant 16 : i32
        %mul3A_134 = arith.muli %scan3A_99, %mul3A_133 : i32
        %swap3A = arith.index_cast %mul3A_134 : i32 to index
        %swap3A_135 = tpu.vector_load %arg18[%swap3A] {strides = array<i32>} : memref<128xf32, #tpu.memory_space<vmem>>, vector<16xf32>,
        tpu.vector_store %arg18[%swap3A], %mul3A_129 {strides = array<i32>} : memref<128xf32, #tpu.memory_space<vmem>>, vector<16xf32>,
        %add3A_136 = vector.broadcast %mul3A_26 : i32 to vector<16xi32>
        %add3A_137 = arith.addi %get3A_107, %add3A_136 : vector<16xi32>
        %mul3A_138 = arith.constant 16 : i32
        %mul3A_139 = arith.muli %scan3A_99, %mul3A_138 : i32
        %swap3A_140 = arith.index_cast %mul3A_139 : i32 to index
        %swap3A_141 = tpu.vector_load %arg17[%swap3A_140] {strides = array<i32>} : memref<128xi32, #tpu.memory_space<vmem>>, vector<16xi32>,
        tpu.vector_store %arg17[%swap3A_140], %add3A_137 {strides = array<i32>} : memref<128xi32, #tpu.memory_space<vmem>>, vector<16xi32>,
        %mul3A_142 = arith.constant 16 : i32
        %mul3A_143 = arith.muli %scan3A_99, %mul3A_142 : i32
        %swap3A_144 = arith.index_cast %mul3A_143 : i32 to index
        %swap3A_145 = tpu.vector_load %arg16[%swap3A_144] {strides = array<i32>} : memref<128xi32, #tpu.memory_space<vmem>>, vector<16xi32>,
        tpu.vector_store %arg16[%swap3A_144], %get3A_109 {strides = array<i32>} : memref<128xi32, #tpu.memory_space<vmem>>, vector<16xi32>,
        %scan3A_146 = arith.constant 0 : i32
        scf.yield %scan3A_146 : i32
      }
      %scan3A_86 = arith.constant 8 : i32
      %dma_start3A = arith.constant 0 : i32
      %dma_start3A_87 = arith.constant 0 : i32
      %dma_start3A_88 = tpu.memref_slice %arg7[%dma_start3A, %dma_start3A_87] : memref<40000x32xf32, #tpu.memory_space<hbm>> -> memref<40000x32xf32, #tpu.memory_space<hbm>>
      tpu.enqueue_indirect_dma source(%dma_start3A_88 : memref<40000x32xf32, #tpu.memory_space<hbm>>) target(%arg19 : memref<128x32xf32, #tpu.memory_space<vmem>>) offsets(%arg17 : memref<128xi32, #tpu.memory_space<vmem>>) semaphore(%arg22 : memref<!tpu.dma_semaphore, #tpu.memory_space<semaphore_mem>>)
      %dma_wait3A = arith.constant 0 : i32
      %dma_wait3A_89 = arith.constant 0 : i32
      %dma_wait3A_90 = tpu.memref_slice %arg7[%dma_wait3A, %dma_wait3A_89] : memref<40000x32xf32, #tpu.memory_space<hbm>> -> memref<40000x32xf32, #tpu.memory_space<hbm>>
      tpu.wait_indirect_dma semaphore(%arg22 : memref<!tpu.dma_semaphore, #tpu.memory_space<semaphore_mem>>) src(%dma_wait3A_90 : memref<40000x32xf32, #tpu.memory_space<hbm>>) dst(%arg19 : memref<128x32xf32, #tpu.memory_space<vmem>>)
      %scan3A_91 = arith.constant 0 : i32
      %scan3A_92 = arith.constant 0 : i32
      %scan3A_93 = arith.constant 8 : i32
      %scan3A_94 = arith.addi %scan3A_92, %scan3A_93 : i32
      %scan3A_95 = arith.constant 1 : i32
      %scan3A_96 = scf.for %scan3A_99 = %scan3A_92 to %scan3A_94 step %scan3A_95 iter_args(%scan3A_100 = %scan3A_91) -> (i32)  : i32 {
        %mul3A_101 = arith.constant 16 : i32
        %mul3A_102 = arith.muli %scan3A_99, %mul3A_101 : i32
        %get3A_103 = arith.index_cast %mul3A_102 : i32 to index
        %get3A_104 = tpu.vector_load %arg18[%get3A_103] {strides = array<i32>} : memref<128xf32, #tpu.memory_space<vmem>>, vector<16xf32>,
        %scan3A_105 = arith.constant 0 : i32
        %scan3A_106 = arith.constant 0 : i32
        %scan3A_107 = arith.constant 16 : i32
        %scan3A_108 = arith.addi %scan3A_106, %scan3A_107 : i32
        %scan3A_109 = arith.constant 1 : i32
        %scan3A_110 = scf.for %scan3A_113 = %scan3A_106 to %scan3A_108 step %scan3A_109 iter_args(%scan3A_114 = %scan3A_105) -> (i32)  : i32 {
          %broadcast_in_dim3A_115 = vector.broadcast %scan3A_113 : i32 to vector<16xi32>
          %lt3A_116 = arith.constant 0 : i32
          %lt3A_117 = vector.broadcast %lt3A_116 : i32 to vector<16xi32>
          %lt3A_118 = arith.cmpi slt, %broadcast_in_dim3A_115, %lt3A_117 : vector<16xi32>
          %add3A_119 = arith.constant 16 : i32
          %add3A_120 = vector.broadcast %add3A_119 : i32 to vector<16xi32>
          %add3A_121 = arith.addi %broadcast_in_dim3A_115, %add3A_120 : vector<16xi32>
          %select_n3A_122 = arith.select %lt3A_118, %add3A_121, %broadcast_in_dim3A_115 : vector<16xi1>, vector<16xi32>
          %broadcast_in_dim3A_123 = vector.shape_cast %select_n3A_122 : vector<16xi32> to vector<16x1xi32>
          %gather3A_124 = vector.shape_cast %broadcast_in_dim3A_123 : vector<16x1xi32> to vector<16xi32>
          %gather3A_125 = tpu.dynamic_gather %get3A_104[%gather3A_124] in [0] : vector<16xf32>, vector<16xi32> -> vector<16xf32>
          %mul3A_126 = arith.constant 16 : i32
          %mul3A_127 = arith.muli %scan3A_99, %mul3A_126 : i32
          %add3A_128 = arith.addi %mul3A_127, %scan3A_113 : i32
          %get3A_129 = arith.index_cast %add3A_128 : i32 to index
          %get3A_130 = arith.constant 0 : index
          %get3A_131 = tpu.vector_load %arg19[%get3A_129, %get3A_130] {strides = array<i32>} : memref<128x32xf32, #tpu.memory_space<vmem>>, vector<16xf32>,
          %mul3A_132 = arith.mulf %get3A_131, %gather3A_125 : vector<16xf32>
          %swap3A = arith.index_cast %add3A_128 : i32 to index
          %swap3A_133 = arith.constant 0 : index
          %swap3A_134 = tpu.vector_load %arg19[%swap3A, %swap3A_133] {strides = array<i32>} : memref<128x32xf32, #tpu.memory_space<vmem>>, vector<16xf32>,
          tpu.vector_store %arg19[%swap3A, %swap3A_133], %mul3A_132 {strides = array<i32>} : memref<128x32xf32, #tpu.memory_space<vmem>>, vector<16xf32>,
          %get3A_135 = arith.index_cast %add3A_128 : i32 to index
          %get3A_136 = arith.constant 16 : index
          %get3A_137 = tpu.vector_load %arg19[%get3A_135, %get3A_136] {strides = array<i32>} : memref<128x32xf32, #tpu.memory_space<vmem>>, vector<16xf32>,
          %mul3A_138 = arith.mulf %get3A_137, %gather3A_125 : vector<16xf32>
          %swap3A_139 = arith.index_cast %add3A_128 : i32 to index
          %swap3A_140 = arith.constant 16 : index
          %swap3A_141 = tpu.vector_load %arg19[%swap3A_139, %swap3A_140] {strides = array<i32>} : memref<128x32xf32, #tpu.memory_space<vmem>>, vector<16xf32>,
          tpu.vector_store %arg19[%swap3A_139, %swap3A_140], %mul3A_138 {strides = array<i32>} : memref<128x32xf32, #tpu.memory_space<vmem>>, vector<16xf32>,
          %scan3A_142 = arith.constant 0 : i32
          scf.yield %scan3A_142 : i32
        }
        %scan3A_111 = arith.constant 16 : i32
        %scan3A_112 = arith.constant 0 : i32
        scf.yield %scan3A_112 : i32
      }
      %scan3A_97 = arith.constant 8 : i32
      "tpu.region"() ({
        %run_scoped3A = tpu.sem_alloc : memref<!tpu.dma_semaphore, #tpu.memory_space<semaphore_mem>>
        %dma_start3A_99 = arith.constant 0 : i32
        %dma_start3A_100 = arith.constant 0 : i32
        %dma_start3A_101 = tpu.memref_slice %arg21[%dma_start3A_99, %dma_start3A_100] : memref<10000x32xf32, #tpu.memory_space<vmem_shared>> -> memref<10000x32xf32, #tpu.memory_space<vmem_shared>>
        tpu.enqueue_indirect_dma source(%arg19 : memref<128x32xf32, #tpu.memory_space<vmem>>) target(%dma_start3A_101 : memref<10000x32xf32, #tpu.memory_space<vmem_shared>>) offsets(%arg16 : memref<128xi32, #tpu.memory_space<vmem>>) semaphore(%run_scoped3A : memref<!tpu.dma_semaphore, #tpu.memory_space<semaphore_mem>>) {add = true}
        %dma_wait3A_102 = arith.constant 0 : i32
        %dma_wait3A_103 = arith.constant 0 : i32
        %dma_wait3A_104 = tpu.memref_slice %arg21[%dma_wait3A_102, %dma_wait3A_103] : memref<10000x32xf32, #tpu.memory_space<vmem_shared>> -> memref<10000x32xf32, #tpu.memory_space<vmem_shared>>
        tpu.wait_indirect_dma semaphore(%run_scoped3A : memref<!tpu.dma_semaphore, #tpu.memory_space<semaphore_mem>>) src(%arg19 : memref<128x32xf32, #tpu.memory_space<vmem>>) dst(%dma_wait3A_104 : memref<10000x32xf32, #tpu.memory_space<vmem_shared>>)
        tpu.yield
      }) : () -> ()
      %scan3A_98 = arith.constant 0 : i32
      scf.yield %scan3A_98 : i32
    }
    %scan3A_33 = arith.constant 80 : i32
    %barrier3A_34 = arith.constant 0 : index
    tpu.barrier barrier_id(%barrier3A_34)
    %lt3A_35 = arith.constant 15 : i32
    %lt3A_36 = arith.cmpi slt, %arg1, %lt3A_35 : i32
    %convert_element_type3A_37 = arith.extui %lt3A_36 : i1 to i32
    %cond3A_38 = arith.constant 0 : i32
    %cond3A_39 = arith.cmpi ne, %convert_element_type3A_37, %cond3A_38 : i32
    scf.if %cond3A_39 {
      %mul3A_78 = arith.constant 640 : i32
      %mul3A_79 = arith.muli %arg1, %mul3A_78 : i32
      %mul3A_80 = arith.constant 640 : i32
      %mul3A_81 = arith.muli %arg1, %mul3A_80 : i32
      "tpu.region"() ({
        %run_scoped3A = tpu.sem_alloc : memref<!tpu.dma_semaphore, #tpu.memory_space<semaphore_mem>>
        %dma_start3A = arith.constant 0 : i32
        %dma_start3A_82 = tpu.memref_slice %arg9[%add3A_21, %mul3A_81, %dma_start3A] : memref<4x10000x32xf32, #tpu.memory_space<hbm>> -> memref<1x640x32xf32, #tpu.memory_space<hbm>>
        %dma_start3A_83 = tpu.memref_squeeze %dma_start3A_82 : memref<1x640x32xf32, #tpu.memory_space<hbm>> -> memref<640x32xf32, #tpu.memory_space<hbm>>
        %dma_start3A_84 = arith.constant 0 : i32
        %dma_start3A_85 = tpu.memref_slice %arg21[%mul3A_79, %dma_start3A_84] : memref<10000x32xf32, #tpu.memory_space<vmem_shared>> -> memref<640x32xf32, #tpu.memory_space<vmem_shared>>
        tpu.enqueue_dma source(%dma_start3A_85 : memref<640x32xf32, #tpu.memory_space<vmem_shared>>) target(%dma_start3A_83 : memref<640x32xf32, #tpu.memory_space<hbm>>) target_semaphore(%run_scoped3A : memref<!tpu.dma_semaphore, #tpu.memory_space<semaphore_mem>>)
        %dma_wait3A = arith.constant 0 : i32
        %dma_wait3A_86 = tpu.memref_slice %arg9[%add3A_21, %mul3A_81, %dma_wait3A] : memref<4x10000x32xf32, #tpu.memory_space<hbm>> -> memref<1x640x32xf32, #tpu.memory_space<hbm>>
        %dma_wait3A_87 = tpu.memref_squeeze %dma_wait3A_86 : memref<1x640x32xf32, #tpu.memory_space<hbm>> -> memref<640x32xf32, #tpu.memory_space<hbm>>
        %dma_wait3A_88 = arith.constant 0 : i32
        %dma_wait3A_89 = tpu.memref_slice %arg21[%mul3A_79, %dma_wait3A_88] : memref<10000x32xf32, #tpu.memory_space<vmem_shared>> -> memref<640x32xf32, #tpu.memory_space<vmem_shared>>
        tpu.wait_dma2 semaphore(%run_scoped3A : memref<!tpu.dma_semaphore, #tpu.memory_space<semaphore_mem>>) src(%dma_wait3A_89 : memref<640x32xf32, #tpu.memory_space<vmem_shared>>) dst(%dma_wait3A_87 : memref<640x32xf32, #tpu.memory_space<hbm>>)
        tpu.yield
      }) : () -> ()
    } else {
    }
    %eq3A_40 = arith.constant 15 : i32
    %eq3A_41 = arith.cmpi eq, %arg1, %eq3A_40 : i32
    %convert_element_type3A_42 = arith.extui %eq3A_41 : i1 to i32
    %cond3A_43 = arith.constant 0 : i32
    %cond3A_44 = arith.cmpi ne, %convert_element_type3A_42, %cond3A_43 : i32
    scf.if %cond3A_44 {
      "tpu.region"() ({
        %run_scoped3A = tpu.sem_alloc : memref<!tpu.dma_semaphore, #tpu.memory_space<semaphore_mem>>
        %dma_start3A = arith.constant 9600 : i32
        %dma_start3A_78 = arith.constant 0 : i32
        %dma_start3A_79 = tpu.memref_slice %arg9[%add3A_21, %dma_start3A, %dma_start3A_78] : memref<4x10000x32xf32, #tpu.memory_space<hbm>> -> memref<1x400x32xf32, #tpu.memory_space<hbm>>
        %dma_start3A_80 = tpu.memref_squeeze %dma_start3A_79 : memref<1x400x32xf32, #tpu.memory_space<hbm>> -> memref<400x32xf32, #tpu.memory_space<hbm>>
        %dma_start3A_81 = arith.constant 9600 : i32
        %dma_start3A_82 = arith.constant 0 : i32
        %dma_start3A_83 = tpu.memref_slice %arg21[%dma_start3A_81, %dma_start3A_82] : memref<10000x32xf32, #tpu.memory_space<vmem_shared>> -> memref<400x32xf32, #tpu.memory_space<vmem_shared>>
        tpu.enqueue_dma source(%dma_start3A_83 : memref<400x32xf32, #tpu.memory_space<vmem_shared>>) target(%dma_start3A_80 : memref<400x32xf32, #tpu.memory_space<hbm>>) target_semaphore(%run_scoped3A : memref<!tpu.dma_semaphore, #tpu.memory_space<semaphore_mem>>)
        %dma_wait3A = arith.constant 9600 : i32
        %dma_wait3A_84 = arith.constant 0 : i32
        %dma_wait3A_85 = tpu.memref_slice %arg9[%add3A_21, %dma_wait3A, %dma_wait3A_84] : memref<4x10000x32xf32, #tpu.memory_space<hbm>> -> memref<1x400x32xf32, #tpu.memory_space<hbm>>
        %dma_wait3A_86 = tpu.memref_squeeze %dma_wait3A_85 : memref<1x400x32xf32, #tpu.memory_space<hbm>> -> memref<400x32xf32, #tpu.memory_space<hbm>>
        %dma_wait3A_87 = arith.constant 9600 : i32
        %dma_wait3A_88 = arith.constant 0 : i32
        %dma_wait3A_89 = tpu.memref_slice %arg21[%dma_wait3A_87, %dma_wait3A_88] : memref<10000x32xf32, #tpu.memory_space<vmem_shared>> -> memref<400x32xf32, #tpu.memory_space<vmem_shared>>
        tpu.wait_dma2 semaphore(%run_scoped3A : memref<!tpu.dma_semaphore, #tpu.memory_space<semaphore_mem>>) src(%dma_wait3A_89 : memref<400x32xf32, #tpu.memory_space<vmem_shared>>) dst(%dma_wait3A_86 : memref<400x32xf32, #tpu.memory_space<hbm>>)
        tpu.yield
      }) : () -> ()
    } else {
    }
    %barrier3A_45 = arith.constant 0 : index
    tpu.barrier barrier_id(%barrier3A_45)
    %add3A_46 = arith.constant 2 : i32
    %add3A_47 = arith.addi %add3A_46, %arg0 : i32
    %eq3A_48 = arith.constant 0 : i32
    %eq3A_49 = arith.cmpi eq, %arg1, %eq3A_48 : i32
    %convert_element_type3A_50 = arith.extui %eq3A_49 : i1 to i32
    %cond3A_51 = arith.constant 0 : i32
    %cond3A_52 = arith.cmpi ne, %convert_element_type3A_50, %cond3A_51 : i32
    scf.if %cond3A_52 {
      "tpu.region"() ({
        %run_scoped3A = tpu.sem_alloc : memref<!tpu.dma_semaphore, #tpu.memory_space<semaphore_mem>>
        tpu.enqueue_dma source(%arg8 : memref<10000x32xf32, #tpu.memory_space<hbm>>) target(%arg21 : memref<10000x32xf32, #tpu.memory_space<vmem_shared>>) target_semaphore(%run_scoped3A : memref<!tpu.dma_semaphore, #tpu.memory_space<semaphore_mem>>)
        tpu.wait_dma2 semaphore(%run_scoped3A : memref<!tpu.dma_semaphore, #tpu.memory_space<semaphore_mem>>) src(%arg8 : memref<10000x32xf32, #tpu.memory_space<hbm>>) dst(%arg21 : memref<10000x32xf32, #tpu.memory_space<vmem_shared>>)
        tpu.yield
      }) : () -> ()
    } else {
    }
    %barrier3A_53 = arith.constant 0 : index
    tpu.barrier barrier_id(%barrier3A_53)
    %mul3A_54 = arith.constant 10000 : i32
    %mul3A_55 = arith.muli %add3A_47, %mul3A_54 : i32
    %scan3A_56 = arith.constant 0 : i32
    %scan3A_57 = arith.constant 0 : i32
    %scan3A_58 = arith.constant 80 : i32
    %scan3A_59 = arith.addi %scan3A_57, %scan3A_58 : i32
    %scan3A_60 = arith.constant 1 : i32
    %scan3A_61 = scf.for %scan3A_78 = %scan3A_57 to %scan3A_59 step %scan3A_60 iter_args(%scan3A_79 = %scan3A_56) -> (i32)  : i32 {
      %scan3A_80 = arith.constant 0 : i32
      %scan3A_81 = arith.constant 0 : i32
      %scan3A_82 = arith.constant 8 : i32
      %scan3A_83 = arith.addi %scan3A_81, %scan3A_82 : i32
      %scan3A_84 = arith.constant 1 : i32
      %scan3A_85 = scf.for %scan3A_99 = %scan3A_81 to %scan3A_83 step %scan3A_84 iter_args(%scan3A_100 = %scan3A_80) -> (i32)  : i32 {
        %mul3A_101 = arith.constant 128 : i32
        %mul3A_102 = arith.muli %scan3A_78, %mul3A_101 : i32
        %mul3A_103 = arith.constant 16 : i32
        %mul3A_104 = arith.muli %scan3A_99, %mul3A_103 : i32
        %add3A_105 = arith.addi %mul3A_102, %mul3A_104 : i32
        %get3A_106 = arith.index_cast %add3A_105 : i32 to index
        %get3A_107 = tpu.vector_load %arg14[%get3A_106] {strides = array<i32>} : memref<10240xi32, #tpu.memory_space<vmem>>, vector<16xi32>,
        %get3A_108 = arith.index_cast %add3A_105 : i32 to index
        %get3A_109 = tpu.vector_load %arg15[%get3A_108] {strides = array<i32>} : memref<10240xi32, #tpu.memory_space<vmem>>, vector<16xi32>,
        %gather3A_110 = tpu.vector_load_idx %arg12[%get3A_107] : memref<10000xi32, #tpu.memory_space<vmem>>[vector<16xi32>], vector<16xi32>,
        %gather3A_111 = tpu.vector_load_idx %arg12[%get3A_109] : memref<10000xi32, #tpu.memory_space<vmem>>[vector<16xi32>], vector<16xi32>,
        %ne3A = arith.cmpi ne, %get3A_107, %get3A_109 : vector<16xi32>
        %lt3A_112 = arith.cmpi slt, %gather3A_110, %broadcast_in_dim3A_19 : vector<16xi32>
        %and3A = arith.andi %ne3A, %lt3A_112 : vector<16xi1>
        %lt3A_113 = arith.cmpi slt, %gather3A_111, %broadcast_in_dim3A_19 : vector<16xi32>
        %and3A_114 = arith.andi %and3A, %lt3A_113 : vector<16xi1>
        %convert_element_type3A_115 = arith.extui %and3A_114 : vector<16xi1> to vector<16xi32>
        %convert_element_type3A_116 = arith.sitofp %convert_element_type3A_115 : vector<16xi32> to vector<16xf32>
        %gather3A_117 = tpu.vector_load_idx %arg11[%get3A_107] : memref<20000xf32, #tpu.memory_space<vmem>>[vector<16xi32>], vector<16xf32>,
        %add3A_118 = arith.constant 10000 : i32
        %add3A_119 = vector.broadcast %add3A_118 : i32 to vector<16xi32>
        %add3A_120 = arith.addi %get3A_109, %add3A_119 : vector<16xi32>
        %gather3A_121 = tpu.vector_load_idx %arg11[%add3A_120] : memref<20000xf32, #tpu.memory_space<vmem>>[vector<16xi32>], vector<16xf32>,
        %add3A_122 = arith.addf %gather3A_117, %gather3A_121 : vector<16xf32>
        %gt3A = arith.constant 0.000000e+00 : f32
        %gt3A_123 = vector.broadcast %gt3A : f32 to vector<16xf32>
        %gt3A_124 = arith.cmpf ogt, %add3A_122, %gt3A_123 : vector<16xf32>
        %mul3A_125 = arith.constant 2.000000e-01 : f32
        %mul3A_126 = vector.broadcast %mul3A_125 : f32 to vector<16xf32>
        %mul3A_127 = arith.mulf %add3A_122, %mul3A_126 : vector<16xf32>
        %select_n3A_128 = arith.select %gt3A_124, %add3A_122, %mul3A_127 : vector<16xi1>, vector<16xf32>
        %sub3A = arith.subf %select_n3A_128, %gather3A_8 : vector<16xf32>
        %exp3A = math.exp %sub3A : vector<16xf32>
        %mul3A_129 = arith.mulf %exp3A, %convert_element_type3A_116 : vector<16xf32>
        %mul3A_130 = arith.constant 16 : i32
        %mul3A_131 = arith.muli %scan3A_99, %mul3A_130 : i32
        %swap3A = arith.index_cast %mul3A_131 : i32 to index
        %swap3A_132 = tpu.vector_load %arg18[%swap3A] {strides = array<i32>} : memref<128xf32, #tpu.memory_space<vmem>>, vector<16xf32>,
        tpu.vector_store %arg18[%swap3A], %mul3A_129 {strides = array<i32>} : memref<128xf32, #tpu.memory_space<vmem>>, vector<16xf32>,
        %add3A_133 = vector.broadcast %mul3A_55 : i32 to vector<16xi32>
        %add3A_134 = arith.addi %get3A_107, %add3A_133 : vector<16xi32>
        %mul3A_135 = arith.constant 16 : i32
        %mul3A_136 = arith.muli %scan3A_99, %mul3A_135 : i32
        %swap3A_137 = arith.index_cast %mul3A_136 : i32 to index
        %swap3A_138 = tpu.vector_load %arg17[%swap3A_137] {strides = array<i32>} : memref<128xi32, #tpu.memory_space<vmem>>, vector<16xi32>,
        tpu.vector_store %arg17[%swap3A_137], %add3A_134 {strides = array<i32>} : memref<128xi32, #tpu.memory_space<vmem>>, vector<16xi32>,
        %mul3A_139 = arith.constant 16 : i32
        %mul3A_140 = arith.muli %scan3A_99, %mul3A_139 : i32
        %swap3A_141 = arith.index_cast %mul3A_140 : i32 to index
        %swap3A_142 = tpu.vector_load %arg16[%swap3A_141] {strides = array<i32>} : memref<128xi32, #tpu.memory_space<vmem>>, vector<16xi32>,
        tpu.vector_store %arg16[%swap3A_141], %get3A_109 {strides = array<i32>} : memref<128xi32, #tpu.memory_space<vmem>>, vector<16xi32>,
        %scan3A_143 = arith.constant 0 : i32
        scf.yield %scan3A_143 : i32
      }
      %scan3A_86 = arith.constant 8 : i32
      %dma_start3A = arith.constant 0 : i32
      %dma_start3A_87 = arith.constant 0 : i32
      %dma_start3A_88 = tpu.memref_slice %arg7[%dma_start3A, %dma_start3A_87] : memref<40000x32xf32, #tpu.memory_space<hbm>> -> memref<40000x32xf32, #tpu.memory_space<hbm>>
      tpu.enqueue_indirect_dma source(%dma_start3A_88 : memref<40000x32xf32, #tpu.memory_space<hbm>>) target(%arg19 : memref<128x32xf32, #tpu.memory_space<vmem>>) offsets(%arg17 : memref<128xi32, #tpu.memory_space<vmem>>) semaphore(%arg22 : memref<!tpu.dma_semaphore, #tpu.memory_space<semaphore_mem>>)
      %dma_wait3A = arith.constant 0 : i32
      %dma_wait3A_89 = arith.constant 0 : i32
      %dma_wait3A_90 = tpu.memref_slice %arg7[%dma_wait3A, %dma_wait3A_89] : memref<40000x32xf32, #tpu.memory_space<hbm>> -> memref<40000x32xf32, #tpu.memory_space<hbm>>
      tpu.wait_indirect_dma semaphore(%arg22 : memref<!tpu.dma_semaphore, #tpu.memory_space<semaphore_mem>>) src(%dma_wait3A_90 : memref<40000x32xf32, #tpu.memory_space<hbm>>) dst(%arg19 : memref<128x32xf32, #tpu.memory_space<vmem>>)
      %scan3A_91 = arith.constant 0 : i32
      %scan3A_92 = arith.constant 0 : i32
      %scan3A_93 = arith.constant 8 : i32
      %scan3A_94 = arith.addi %scan3A_92, %scan3A_93 : i32
      %scan3A_95 = arith.constant 1 : i32
      %scan3A_96 = scf.for %scan3A_99 = %scan3A_92 to %scan3A_94 step %scan3A_95 iter_args(%scan3A_100 = %scan3A_91) -> (i32)  : i32 {
        %mul3A_101 = arith.constant 16 : i32
        %mul3A_102 = arith.muli %scan3A_99, %mul3A_101 : i32
        %get3A_103 = arith.index_cast %mul3A_102 : i32 to index
        %get3A_104 = tpu.vector_load %arg18[%get3A_103] {strides = array<i32>} : memref<128xf32, #tpu.memory_space<vmem>>, vector<16xf32>,
        %scan3A_105 = arith.constant 0 : i32
        %scan3A_106 = arith.constant 0 : i32
        %scan3A_107 = arith.constant 16 : i32
        %scan3A_108 = arith.addi %scan3A_106, %scan3A_107 : i32
        %scan3A_109 = arith.constant 1 : i32
        %scan3A_110 = scf.for %scan3A_113 = %scan3A_106 to %scan3A_108 step %scan3A_109 iter_args(%scan3A_114 = %scan3A_105) -> (i32)  : i32 {
          %broadcast_in_dim3A_115 = vector.broadcast %scan3A_113 : i32 to vector<16xi32>
          %lt3A_116 = arith.constant 0 : i32
          %lt3A_117 = vector.broadcast %lt3A_116 : i32 to vector<16xi32>
          %lt3A_118 = arith.cmpi slt, %broadcast_in_dim3A_115, %lt3A_117 : vector<16xi32>
          %add3A_119 = arith.constant 16 : i32
          %add3A_120 = vector.broadcast %add3A_119 : i32 to vector<16xi32>
          %add3A_121 = arith.addi %broadcast_in_dim3A_115, %add3A_120 : vector<16xi32>
          %select_n3A_122 = arith.select %lt3A_118, %add3A_121, %broadcast_in_dim3A_115 : vector<16xi1>, vector<16xi32>
          %broadcast_in_dim3A_123 = vector.shape_cast %select_n3A_122 : vector<16xi32> to vector<16x1xi32>
          %gather3A_124 = vector.shape_cast %broadcast_in_dim3A_123 : vector<16x1xi32> to vector<16xi32>
          %gather3A_125 = tpu.dynamic_gather %get3A_104[%gather3A_124] in [0] : vector<16xf32>, vector<16xi32> -> vector<16xf32>
          %mul3A_126 = arith.constant 16 : i32
          %mul3A_127 = arith.muli %scan3A_99, %mul3A_126 : i32
          %add3A_128 = arith.addi %mul3A_127, %scan3A_113 : i32
          %get3A_129 = arith.index_cast %add3A_128 : i32 to index
          %get3A_130 = arith.constant 0 : index
          %get3A_131 = tpu.vector_load %arg19[%get3A_129, %get3A_130] {strides = array<i32>} : memref<128x32xf32, #tpu.memory_space<vmem>>, vector<16xf32>,
          %mul3A_132 = arith.mulf %get3A_131, %gather3A_125 : vector<16xf32>
          %swap3A = arith.index_cast %add3A_128 : i32 to index
          %swap3A_133 = arith.constant 0 : index
          %swap3A_134 = tpu.vector_load %arg19[%swap3A, %swap3A_133] {strides = array<i32>} : memref<128x32xf32, #tpu.memory_space<vmem>>, vector<16xf32>,
          tpu.vector_store %arg19[%swap3A, %swap3A_133], %mul3A_132 {strides = array<i32>} : memref<128x32xf32, #tpu.memory_space<vmem>>, vector<16xf32>,
          %get3A_135 = arith.index_cast %add3A_128 : i32 to index
          %get3A_136 = arith.constant 16 : index
          %get3A_137 = tpu.vector_load %arg19[%get3A_135, %get3A_136] {strides = array<i32>} : memref<128x32xf32, #tpu.memory_space<vmem>>, vector<16xf32>,
          %mul3A_138 = arith.mulf %get3A_137, %gather3A_125 : vector<16xf32>
          %swap3A_139 = arith.index_cast %add3A_128 : i32 to index
          %swap3A_140 = arith.constant 16 : index
          %swap3A_141 = tpu.vector_load %arg19[%swap3A_139, %swap3A_140] {strides = array<i32>} : memref<128x32xf32, #tpu.memory_space<vmem>>, vector<16xf32>,
          tpu.vector_store %arg19[%swap3A_139, %swap3A_140], %mul3A_138 {strides = array<i32>} : memref<128x32xf32, #tpu.memory_space<vmem>>, vector<16xf32>,
          %scan3A_142 = arith.constant 0 : i32
          scf.yield %scan3A_142 : i32
        }
        %scan3A_111 = arith.constant 16 : i32
        %scan3A_112 = arith.constant 0 : i32
        scf.yield %scan3A_112 : i32
      }
      %scan3A_97 = arith.constant 8 : i32
      "tpu.region"() ({
        %run_scoped3A = tpu.sem_alloc : memref<!tpu.dma_semaphore, #tpu.memory_space<semaphore_mem>>
        %dma_start3A_99 = arith.constant 0 : i32
        %dma_start3A_100 = arith.constant 0 : i32
        %dma_start3A_101 = tpu.memref_slice %arg21[%dma_start3A_99, %dma_start3A_100] : memref<10000x32xf32, #tpu.memory_space<vmem_shared>> -> memref<10000x32xf32, #tpu.memory_space<vmem_shared>>
        tpu.enqueue_indirect_dma source(%arg19 : memref<128x32xf32, #tpu.memory_space<vmem>>) target(%dma_start3A_101 : memref<10000x32xf32, #tpu.memory_space<vmem_shared>>) offsets(%arg16 : memref<128xi32, #tpu.memory_space<vmem>>) semaphore(%run_scoped3A : memref<!tpu.dma_semaphore, #tpu.memory_space<semaphore_mem>>) {add = true}
        %dma_wait3A_102 = arith.constant 0 : i32
        %dma_wait3A_103 = arith.constant 0 : i32
        %dma_wait3A_104 = tpu.memref_slice %arg21[%dma_wait3A_102, %dma_wait3A_103] : memref<10000x32xf32, #tpu.memory_space<vmem_shared>> -> memref<10000x32xf32, #tpu.memory_space<vmem_shared>>
        tpu.wait_indirect_dma semaphore(%run_scoped3A : memref<!tpu.dma_semaphore, #tpu.memory_space<semaphore_mem>>) src(%arg19 : memref<128x32xf32, #tpu.memory_space<vmem>>) dst(%dma_wait3A_104 : memref<10000x32xf32, #tpu.memory_space<vmem_shared>>)
        tpu.yield
      }) : () -> ()
      %scan3A_98 = arith.constant 0 : i32
      scf.yield %scan3A_98 : i32
    }
    %scan3A_62 = arith.constant 80 : i32
    %barrier3A_63 = arith.constant 0 : index
    tpu.barrier barrier_id(%barrier3A_63)
    %lt3A_64 = arith.constant 15 : i32
    %lt3A_65 = arith.cmpi slt, %arg1, %lt3A_64 : i32
    %convert_element_type3A_66 = arith.extui %lt3A_65 : i1 to i32
    %cond3A_67 = arith.constant 0 : i32
    %cond3A_68 = arith.cmpi ne, %convert_element_type3A_66, %cond3A_67 : i32
    scf.if %cond3A_68 {
      %mul3A_78 = arith.constant 640 : i32
      %mul3A_79 = arith.muli %arg1, %mul3A_78 : i32
      %mul3A_80 = arith.constant 640 : i32
      %mul3A_81 = arith.muli %arg1, %mul3A_80 : i32
      "tpu.region"() ({
        %run_scoped3A = tpu.sem_alloc : memref<!tpu.dma_semaphore, #tpu.memory_space<semaphore_mem>>
        %dma_start3A = arith.constant 0 : i32
        %dma_start3A_82 = tpu.memref_slice %arg9[%add3A_47, %mul3A_81, %dma_start3A] : memref<4x10000x32xf32, #tpu.memory_space<hbm>> -> memref<1x640x32xf32, #tpu.memory_space<hbm>>
        %dma_start3A_83 = tpu.memref_squeeze %dma_start3A_82 : memref<1x640x32xf32, #tpu.memory_space<hbm>> -> memref<640x32xf32, #tpu.memory_space<hbm>>
        %dma_start3A_84 = arith.constant 0 : i32
        %dma_start3A_85 = tpu.memref_slice %arg21[%mul3A_79, %dma_start3A_84] : memref<10000x32xf32, #tpu.memory_space<vmem_shared>> -> memref<640x32xf32, #tpu.memory_space<vmem_shared>>
        tpu.enqueue_dma source(%dma_start3A_85 : memref<640x32xf32, #tpu.memory_space<vmem_shared>>) target(%dma_start3A_83 : memref<640x32xf32, #tpu.memory_space<hbm>>) target_semaphore(%run_scoped3A : memref<!tpu.dma_semaphore, #tpu.memory_space<semaphore_mem>>)
        %dma_wait3A = arith.constant 0 : i32
        %dma_wait3A_86 = tpu.memref_slice %arg9[%add3A_47, %mul3A_81, %dma_wait3A] : memref<4x10000x32xf32, #tpu.memory_space<hbm>> -> memref<1x640x32xf32, #tpu.memory_space<hbm>>
        %dma_wait3A_87 = tpu.memref_squeeze %dma_wait3A_86 : memref<1x640x32xf32, #tpu.memory_space<hbm>> -> memref<640x32xf32, #tpu.memory_space<hbm>>
        %dma_wait3A_88 = arith.constant 0 : i32
        %dma_wait3A_89 = tpu.memref_slice %arg21[%mul3A_79, %dma_wait3A_88] : memref<10000x32xf32, #tpu.memory_space<vmem_shared>> -> memref<640x32xf32, #tpu.memory_space<vmem_shared>>
        tpu.wait_dma2 semaphore(%run_scoped3A : memref<!tpu.dma_semaphore, #tpu.memory_space<semaphore_mem>>) src(%dma_wait3A_89 : memref<640x32xf32, #tpu.memory_space<vmem_shared>>) dst(%dma_wait3A_87 : memref<640x32xf32, #tpu.memory_space<hbm>>)
        tpu.yield
      }) : () -> ()
    } else {
    }
    %eq3A_69 = arith.constant 15 : i32
    %eq3A_70 = arith.cmpi eq, %arg1, %eq3A_69 : i32
    %convert_element_type3A_71 = arith.extui %eq3A_70 : i1 to i32
    %cond3A_72 = arith.constant 0 : i32
    %cond3A_73 = arith.cmpi ne, %convert_element_type3A_71, %cond3A_72 : i32
    scf.if %cond3A_73 {
      "tpu.region"() ({
        %run_scoped3A = tpu.sem_alloc : memref<!tpu.dma_semaphore, #tpu.memory_space<semaphore_mem>>
        %dma_start3A = arith.constant 9600 : i32
        %dma_start3A_78 = arith.constant 0 : i32
        %dma_start3A_79 = tpu.memref_slice %arg9[%add3A_47, %dma_start3A, %dma_start3A_78] : memref<4x10000x32xf32, #tpu.memory_space<hbm>> -> memref<1x400x32xf32, #tpu.memory_space<hbm>>
        %dma_start3A_80 = tpu.memref_squeeze %dma_start3A_79 : memref<1x400x32xf32, #tpu.memory_space<hbm>> -> memref<400x32xf32, #tpu.memory_space<hbm>>
        %dma_start3A_81 = arith.constant 9600 : i32
        %dma_start3A_82 = arith.constant 0 : i32
        %dma_start3A_83 = tpu.memref_slice %arg21[%dma_start3A_81, %dma_start3A_82] : memref<10000x32xf32, #tpu.memory_space<vmem_shared>> -> memref<400x32xf32, #tpu.memory_space<vmem_shared>>
        tpu.enqueue_dma source(%dma_start3A_83 : memref<400x32xf32, #tpu.memory_space<vmem_shared>>) target(%dma_start3A_80 : memref<400x32xf32, #tpu.memory_space<hbm>>) target_semaphore(%run_scoped3A : memref<!tpu.dma_semaphore, #tpu.memory_space<semaphore_mem>>)
        %dma_wait3A = arith.constant 9600 : i32
        %dma_wait3A_84 = arith.constant 0 : i32
        %dma_wait3A_85 = tpu.memref_slice %arg9[%add3A_47, %dma_wait3A, %dma_wait3A_84] : memref<4x10000x32xf32, #tpu.memory_space<hbm>> -> memref<1x400x32xf32, #tpu.memory_space<hbm>>
        %dma_wait3A_86 = tpu.memref_squeeze %dma_wait3A_85 : memref<1x400x32xf32, #tpu.memory_space<hbm>> -> memref<400x32xf32, #tpu.memory_space<hbm>>
        %dma_wait3A_87 = arith.constant 9600 : i32
        %dma_wait3A_88 = arith.constant 0 : i32
        %dma_wait3A_89 = tpu.memref_slice %arg21[%dma_wait3A_87, %dma_wait3A_88] : memref<10000x32xf32, #tpu.memory_space<vmem_shared>> -> memref<400x32xf32, #tpu.memory_space<vmem_shared>>
        tpu.wait_dma2 semaphore(%run_scoped3A : memref<!tpu.dma_semaphore, #tpu.memory_space<semaphore_mem>>) src(%dma_wait3A_89 : memref<400x32xf32, #tpu.memory_space<vmem_shared>>) dst(%dma_wait3A_86 : memref<400x32xf32, #tpu.memory_space<hbm>>)
        tpu.yield
      }) : () -> ()
    } else {
    }
    %barrier3A_74 = arith.constant 0 : index
    tpu.barrier barrier_id(%barrier3A_74)
    %convert_element_type3A_75 = arith.extui %eq3A_0 : i1 to i32
    %cond3A_76 = arith.constant 0 : i32
    %cond3A_77 = arith.cmpi ne, %convert_element_type3A_75, %cond3A_76 : i32
    scf.if %cond3A_77 {
      %mul3A_78 = arith.constant 10000 : i32
      %mul3A_79 = arith.muli %arg1, %mul3A_78 : i32
      "tpu.region"() ({
        %run_scoped3A = tpu.sem_alloc : memref<!tpu.dma_semaphore, #tpu.memory_space<semaphore_mem>>
        %dma_start3A = tpu.memref_slice %arg10[%mul3A_79] : memref<160000xf32, #tpu.memory_space<hbm>> -> memref<10000xf32, #tpu.memory_space<hbm>>
        %dma_start3A_80 = tpu.memref_slice %arg10[%mul3A_79] : memref<160000xf32, #tpu.memory_space<hbm>> -> memref<10000xf32, #tpu.memory_space<hbm>>
        tpu.enqueue_dma source(%arg13 : memref<10000xf32, #tpu.memory_space<vmem>>) target(%dma_start3A_80 : memref<10000xf32, #tpu.memory_space<hbm>>) target_semaphore(%run_scoped3A : memref<!tpu.dma_semaphore, #tpu.memory_space<semaphore_mem>>)
        %dma_wait3A = tpu.memref_slice %arg10[%mul3A_79] : memref<160000xf32, #tpu.memory_space<hbm>> -> memref<10000xf32, #tpu.memory_space<hbm>>
        %dma_wait3A_81 = tpu.memref_slice %arg10[%mul3A_79] : memref<160000xf32, #tpu.memory_space<hbm>> -> memref<10000xf32, #tpu.memory_space<hbm>>
        tpu.wait_dma2 semaphore(%run_scoped3A : memref<!tpu.dma_semaphore, #tpu.memory_space<semaphore_mem>>) src(%arg13 : memref<10000xf32, #tpu.memory_space<vmem>>) dst(%dma_wait3A_81 : memref<10000xf32, #tpu.memory_space<hbm>>)
        tpu.yield
      }) : () -> ()
    } else {
    }
    return
  }
}

#map = affine_map<(d0, d1) -> (0)>
#map1 = affine_map<(d0, d1) -> (0, 0)>
#map2 = affine_map<(d0, d1) -> (0, 0, 0)>
module attributes {stable_mosaic.version = 14 : i64} {
  func.func @body(%arg0: i32, %arg1: i32, %arg2: memref<163840xi32, #tpu.memory_space<hbm>>, %arg3: memref<163840xi32, #tpu.memory_space<hbm>>, %arg4: memref<60000xf32, #tpu.memory_space<hbm>>, %arg5: memref<16xf32, #tpu.memory_space<hbm>>, %arg6: memref<120000x32xf32, #tpu.memory_space<hbm>>, %arg7: memref<10000x32xf32, #tpu.memory_space<hbm>>, %arg8: memref<12x10000x32xf32, #tpu.memory_space<hbm>>, %arg9: memref<480000xf32, #tpu.memory_space<hbm>>, %arg10: memref<20000xf32, #tpu.memory_space<vmem>>, %arg11: memref<10000xf32, #tpu.memory_space<vmem>>, %arg12: memref<10240xi32, #tpu.memory_space<vmem>>, %arg13: memref<10240xi32, #tpu.memory_space<vmem>>, %arg14: memref<128xi32, #tpu.memory_space<vmem>>, %arg15: memref<128xi32, #tpu.memory_space<vmem>>, %arg16: memref<128xf32, #tpu.memory_space<vmem>>, %arg17: memref<128x32xf32, #tpu.memory_space<vmem>>, %arg18: memref<16xf32, #tpu.memory_space<vmem>>, %arg19: memref<10000x32xf32, #tpu.memory_space<vmem_shared>>, %arg20: memref<!tpu.dma_semaphore, #tpu.memory_space<semaphore_mem>>) attributes {dimension_semantics = [#tpu.dimension_semantics<core_parallel>, #tpu.dimension_semantics<subcore_parallel>], iteration_bounds = array<i64: 2, 16>, scalar_prefetch = 0 : i64, scratch_operands = 11 : i64, tpu.core_type = #tpu.core_type<sc_vector_subcore>, window_params = [{transform_indices = #map}, {transform_indices = #map}, {transform_indices = #map}, {transform_indices = #map}, {transform_indices = #map1}, {transform_indices = #map1}, {transform_indices = #map2}, {transform_indices = #map}]} {
    %eq3A = arith.constant 0 : i32
    %eq3A_0 = arith.cmpi eq, %arg0, %eq3A : i32
    "tpu.region"() ({
      %run_scoped3A = tpu.sem_alloc : memref<!tpu.dma_semaphore, #tpu.memory_space<semaphore_mem>>
      tpu.enqueue_dma source(%arg5 : memref<16xf32, #tpu.memory_space<hbm>>) target(%arg18 : memref<16xf32, #tpu.memory_space<vmem>>) target_semaphore(%run_scoped3A : memref<!tpu.dma_semaphore, #tpu.memory_space<semaphore_mem>>)
      tpu.wait_dma2 semaphore(%run_scoped3A : memref<!tpu.dma_semaphore, #tpu.memory_space<semaphore_mem>>) src(%arg5 : memref<16xf32, #tpu.memory_space<hbm>>) dst(%arg18 : memref<16xf32, #tpu.memory_space<vmem>>)
      tpu.yield
    }) : () -> ()
    %get3A = arith.constant 0 : index
    %get3A_1 = tpu.vector_load %arg18[%get3A] {strides = array<i32>} : memref<16xf32, #tpu.memory_space<vmem>>, vector<16xf32>,
    %broadcast_in_dim3A = arith.constant 0.000000e+00 : f32
    %broadcast_in_dim3A_2 = vector.broadcast %broadcast_in_dim3A : f32 to vector<16xf32>
    %mul3A = arith.constant 10240 : i32
    %mul3A_3 = arith.muli %arg1, %mul3A : i32
    "tpu.region"() ({
      %run_scoped3A = tpu.sem_alloc : memref<!tpu.dma_semaphore, #tpu.memory_space<semaphore_mem>>
      %dma_start3A = tpu.memref_slice %arg2[%mul3A_3] : memref<163840xi32, #tpu.memory_space<hbm>> -> memref<10240xi32, #tpu.memory_space<hbm>>
      %dma_start3A_272 = tpu.memref_slice %arg2[%mul3A_3] : memref<163840xi32, #tpu.memory_space<hbm>> -> memref<10240xi32, #tpu.memory_space<hbm>>
      tpu.enqueue_dma source(%dma_start3A_272 : memref<10240xi32, #tpu.memory_space<hbm>>) target(%arg12 : memref<10240xi32, #tpu.memory_space<vmem>>) target_semaphore(%run_scoped3A : memref<!tpu.dma_semaphore, #tpu.memory_space<semaphore_mem>>)
      %dma_wait3A = tpu.memref_slice %arg2[%mul3A_3] : memref<163840xi32, #tpu.memory_space<hbm>> -> memref<10240xi32, #tpu.memory_space<hbm>>
      %dma_wait3A_273 = tpu.memref_slice %arg2[%mul3A_3] : memref<163840xi32, #tpu.memory_space<hbm>> -> memref<10240xi32, #tpu.memory_space<hbm>>
      tpu.wait_dma2 semaphore(%run_scoped3A : memref<!tpu.dma_semaphore, #tpu.memory_space<semaphore_mem>>) src(%dma_wait3A_273 : memref<10240xi32, #tpu.memory_space<hbm>>) dst(%arg12 : memref<10240xi32, #tpu.memory_space<vmem>>)
      tpu.yield
    }) : () -> ()
    "tpu.region"() ({
      %run_scoped3A = tpu.sem_alloc : memref<!tpu.dma_semaphore, #tpu.memory_space<semaphore_mem>>
      %dma_start3A = tpu.memref_slice %arg3[%mul3A_3] : memref<163840xi32, #tpu.memory_space<hbm>> -> memref<10240xi32, #tpu.memory_space<hbm>>
      %dma_start3A_272 = tpu.memref_slice %arg3[%mul3A_3] : memref<163840xi32, #tpu.memory_space<hbm>> -> memref<10240xi32, #tpu.memory_space<hbm>>
      tpu.enqueue_dma source(%dma_start3A_272 : memref<10240xi32, #tpu.memory_space<hbm>>) target(%arg13 : memref<10240xi32, #tpu.memory_space<vmem>>) target_semaphore(%run_scoped3A : memref<!tpu.dma_semaphore, #tpu.memory_space<semaphore_mem>>)
      %dma_wait3A = tpu.memref_slice %arg3[%mul3A_3] : memref<163840xi32, #tpu.memory_space<hbm>> -> memref<10240xi32, #tpu.memory_space<hbm>>
      %dma_wait3A_273 = tpu.memref_slice %arg3[%mul3A_3] : memref<163840xi32, #tpu.memory_space<hbm>> -> memref<10240xi32, #tpu.memory_space<hbm>>
      tpu.wait_dma2 semaphore(%run_scoped3A : memref<!tpu.dma_semaphore, #tpu.memory_space<semaphore_mem>>) src(%dma_wait3A_273 : memref<10240xi32, #tpu.memory_space<hbm>>) dst(%arg13 : memref<10240xi32, #tpu.memory_space<vmem>>)
      tpu.yield
    }) : () -> ()
    %add3A = arith.constant 0 : i32
    %add3A_4 = arith.addi %add3A, %arg0 : i32
    %broadcast_in_dim3A_5 = arith.constant 0 : i32
    %broadcast_in_dim3A_6 = vector.broadcast %broadcast_in_dim3A_5 : i32 to vector<16xi32>
    %lt3A = arith.constant 0 : i32
    %lt3A_7 = vector.broadcast %lt3A : i32 to vector<16xi32>
    %lt3A_8 = arith.cmpi slt, %broadcast_in_dim3A_6, %lt3A_7 : vector<16xi32>
    %add3A_9 = arith.constant 16 : i32
    %add3A_10 = vector.broadcast %add3A_9 : i32 to vector<16xi32>
    %add3A_11 = arith.addi %broadcast_in_dim3A_6, %add3A_10 : vector<16xi32>
    %select_n3A = arith.select %lt3A_8, %add3A_11, %broadcast_in_dim3A_6 : vector<16xi1>, vector<16xi32>
    %broadcast_in_dim3A_12 = vector.shape_cast %select_n3A : vector<16xi32> to vector<16x1xi32>
    %gather3A = vector.shape_cast %broadcast_in_dim3A_12 : vector<16x1xi32> to vector<16xi32>
    %gather3A_13 = tpu.dynamic_gather %get3A_1[%gather3A] in [0] : vector<16xf32>, vector<16xi32> -> vector<16xf32>
    "tpu.region"() ({
      %run_scoped3A = tpu.sem_alloc : memref<!tpu.dma_semaphore, #tpu.memory_space<semaphore_mem>>
      %dma_start3A = arith.constant 0 : i32
      %dma_start3A_272 = tpu.memref_slice %arg10[%dma_start3A] : memref<20000xf32, #tpu.memory_space<vmem>> -> memref<10000xf32, #tpu.memory_space<vmem>>
      %dma_start3A_273 = arith.constant 0 : i32
      %dma_start3A_274 = tpu.memref_slice %arg4[%dma_start3A_273] : memref<60000xf32, #tpu.memory_space<hbm>> -> memref<10000xf32, #tpu.memory_space<hbm>>
      %dma_start3A_275 = arith.constant 0 : i32
      %dma_start3A_276 = tpu.memref_slice %arg10[%dma_start3A_275] : memref<20000xf32, #tpu.memory_space<vmem>> -> memref<10000xf32, #tpu.memory_space<vmem>>
      %dma_start3A_277 = arith.constant 0 : i32
      %dma_start3A_278 = tpu.memref_slice %arg4[%dma_start3A_277] : memref<60000xf32, #tpu.memory_space<hbm>> -> memref<10000xf32, #tpu.memory_space<hbm>>
      tpu.enqueue_dma source(%dma_start3A_278 : memref<10000xf32, #tpu.memory_space<hbm>>) target(%dma_start3A_276 : memref<10000xf32, #tpu.memory_space<vmem>>) target_semaphore(%run_scoped3A : memref<!tpu.dma_semaphore, #tpu.memory_space<semaphore_mem>>)
      %dma_wait3A = arith.constant 0 : i32
      %dma_wait3A_279 = tpu.memref_slice %arg10[%dma_wait3A] : memref<20000xf32, #tpu.memory_space<vmem>> -> memref<10000xf32, #tpu.memory_space<vmem>>
      %dma_wait3A_280 = arith.constant 0 : i32
      %dma_wait3A_281 = tpu.memref_slice %arg4[%dma_wait3A_280] : memref<60000xf32, #tpu.memory_space<hbm>> -> memref<10000xf32, #tpu.memory_space<hbm>>
      %dma_wait3A_282 = arith.constant 0 : i32
      %dma_wait3A_283 = tpu.memref_slice %arg10[%dma_wait3A_282] : memref<20000xf32, #tpu.memory_space<vmem>> -> memref<10000xf32, #tpu.memory_space<vmem>>
      %dma_wait3A_284 = arith.constant 0 : i32
      %dma_wait3A_285 = tpu.memref_slice %arg4[%dma_wait3A_284] : memref<60000xf32, #tpu.memory_space<hbm>> -> memref<10000xf32, #tpu.memory_space<hbm>>
      tpu.wait_dma2 semaphore(%run_scoped3A : memref<!tpu.dma_semaphore, #tpu.memory_space<semaphore_mem>>) src(%dma_wait3A_285 : memref<10000xf32, #tpu.memory_space<hbm>>) dst(%dma_wait3A_283 : memref<10000xf32, #tpu.memory_space<vmem>>)
      tpu.yield
    }) : () -> ()
    "tpu.region"() ({
      %run_scoped3A = tpu.sem_alloc : memref<!tpu.dma_semaphore, #tpu.memory_space<semaphore_mem>>
      %dma_start3A = arith.constant 10000 : i32
      %dma_start3A_272 = tpu.memref_slice %arg10[%dma_start3A] : memref<20000xf32, #tpu.memory_space<vmem>> -> memref<10000xf32, #tpu.memory_space<vmem>>
      %dma_start3A_273 = arith.constant 30000 : i32
      %dma_start3A_274 = tpu.memref_slice %arg4[%dma_start3A_273] : memref<60000xf32, #tpu.memory_space<hbm>> -> memref<10000xf32, #tpu.memory_space<hbm>>
      %dma_start3A_275 = arith.constant 10000 : i32
      %dma_start3A_276 = tpu.memref_slice %arg10[%dma_start3A_275] : memref<20000xf32, #tpu.memory_space<vmem>> -> memref<10000xf32, #tpu.memory_space<vmem>>
      %dma_start3A_277 = arith.constant 30000 : i32
      %dma_start3A_278 = tpu.memref_slice %arg4[%dma_start3A_277] : memref<60000xf32, #tpu.memory_space<hbm>> -> memref<10000xf32, #tpu.memory_space<hbm>>
      tpu.enqueue_dma source(%dma_start3A_278 : memref<10000xf32, #tpu.memory_space<hbm>>) target(%dma_start3A_276 : memref<10000xf32, #tpu.memory_space<vmem>>) target_semaphore(%run_scoped3A : memref<!tpu.dma_semaphore, #tpu.memory_space<semaphore_mem>>)
      %dma_wait3A = arith.constant 10000 : i32
      %dma_wait3A_279 = tpu.memref_slice %arg10[%dma_wait3A] : memref<20000xf32, #tpu.memory_space<vmem>> -> memref<10000xf32, #tpu.memory_space<vmem>>
      %dma_wait3A_280 = arith.constant 30000 : i32
      %dma_wait3A_281 = tpu.memref_slice %arg4[%dma_wait3A_280] : memref<60000xf32, #tpu.memory_space<hbm>> -> memref<10000xf32, #tpu.memory_space<hbm>>
      %dma_wait3A_282 = arith.constant 10000 : i32
      %dma_wait3A_283 = tpu.memref_slice %arg10[%dma_wait3A_282] : memref<20000xf32, #tpu.memory_space<vmem>> -> memref<10000xf32, #tpu.memory_space<vmem>>
      %dma_wait3A_284 = arith.constant 30000 : i32
      %dma_wait3A_285 = tpu.memref_slice %arg4[%dma_wait3A_284] : memref<60000xf32, #tpu.memory_space<hbm>> -> memref<10000xf32, #tpu.memory_space<hbm>>
      tpu.wait_dma2 semaphore(%run_scoped3A : memref<!tpu.dma_semaphore, #tpu.memory_space<semaphore_mem>>) src(%dma_wait3A_285 : memref<10000xf32, #tpu.memory_space<hbm>>) dst(%dma_wait3A_283 : memref<10000xf32, #tpu.memory_space<vmem>>)
      tpu.yield
    }) : () -> ()
    %scan3A = arith.constant 0 : i32
    %scan3A_14 = arith.constant 0 : i32
    %scan3A_15 = arith.constant 625 : i32
    %scan3A_16 = arith.addi %scan3A_14, %scan3A_15 : i32
    %scan3A_17 = arith.constant 1 : i32
    %scan3A_18 = scf.for %scan3A_272 = %scan3A_14 to %scan3A_16 step %scan3A_17 iter_args(%scan3A_273 = %scan3A) -> (i32)  : i32 {
      %mul3A_274 = arith.constant 16 : i32
      %mul3A_275 = arith.muli %scan3A_272, %mul3A_274 : i32
      %swap3A = arith.index_cast %mul3A_275 : i32 to index
      %swap3A_276 = tpu.vector_load %arg11[%swap3A] {strides = array<i32>} : memref<10000xf32, #tpu.memory_space<vmem>>, vector<16xf32>,
      tpu.vector_store %arg11[%swap3A], %broadcast_in_dim3A_2 {strides = array<i32>} : memref<10000xf32, #tpu.memory_space<vmem>>, vector<16xf32>,
      %scan3A_277 = arith.constant 0 : i32
      scf.yield %scan3A_277 : i32
    }
    %scan3A_19 = arith.constant 625 : i32
    %eq3A_20 = arith.constant 0 : i32
    %eq3A_21 = arith.cmpi eq, %arg1, %eq3A_20 : i32
    %convert_element_type3A = arith.extui %eq3A_21 : i1 to i32
    %cond3A = arith.constant 0 : i32
    %cond3A_22 = arith.cmpi ne, %convert_element_type3A, %cond3A : i32
    scf.if %cond3A_22 {
      "tpu.region"() ({
        %run_scoped3A = tpu.sem_alloc : memref<!tpu.dma_semaphore, #tpu.memory_space<semaphore_mem>>
        tpu.enqueue_dma source(%arg7 : memref<10000x32xf32, #tpu.memory_space<hbm>>) target(%arg19 : memref<10000x32xf32, #tpu.memory_space<vmem_shared>>) target_semaphore(%run_scoped3A : memref<!tpu.dma_semaphore, #tpu.memory_space<semaphore_mem>>)
        tpu.wait_dma2 semaphore(%run_scoped3A : memref<!tpu.dma_semaphore, #tpu.memory_space<semaphore_mem>>) src(%arg7 : memref<10000x32xf32, #tpu.memory_space<hbm>>) dst(%arg19 : memref<10000x32xf32, #tpu.memory_space<vmem_shared>>)
        tpu.yield
      }) : () -> ()
    } else {
    }
    %barrier3A = arith.constant 0 : index
    tpu.barrier barrier_id(%barrier3A)
    %mul3A_23 = arith.constant 10000 : i32
    %mul3A_24 = arith.muli %add3A_4, %mul3A_23 : i32
    %scan3A_25 = arith.constant 0 : i32
    %scan3A_26 = arith.constant 0 : i32
    %scan3A_27 = arith.constant 80 : i32
    %scan3A_28 = arith.addi %scan3A_26, %scan3A_27 : i32
    %scan3A_29 = arith.constant 1 : i32
    %scan3A_30 = scf.for %scan3A_272 = %scan3A_26 to %scan3A_28 step %scan3A_29 iter_args(%scan3A_273 = %scan3A_25) -> (i32)  : i32 {
      %scan3A_274 = arith.constant 0 : i32
      %scan3A_275 = arith.constant 0 : i32
      %scan3A_276 = arith.constant 8 : i32
      %scan3A_277 = arith.addi %scan3A_275, %scan3A_276 : i32
      %scan3A_278 = arith.constant 1 : i32
      %scan3A_279 = scf.for %scan3A_293 = %scan3A_275 to %scan3A_277 step %scan3A_278 iter_args(%scan3A_294 = %scan3A_274) -> (i32)  : i32 {
        %mul3A_295 = arith.constant 128 : i32
        %mul3A_296 = arith.muli %scan3A_272, %mul3A_295 : i32
        %mul3A_297 = arith.constant 16 : i32
        %mul3A_298 = arith.muli %scan3A_293, %mul3A_297 : i32
        %add3A_299 = arith.addi %mul3A_296, %mul3A_298 : i32
        %get3A_300 = arith.index_cast %add3A_299 : i32 to index
        %get3A_301 = tpu.vector_load %arg12[%get3A_300] {strides = array<i32>} : memref<10240xi32, #tpu.memory_space<vmem>>, vector<16xi32>,
        %get3A_302 = arith.index_cast %add3A_299 : i32 to index
        %get3A_303 = tpu.vector_load %arg13[%get3A_302] {strides = array<i32>} : memref<10240xi32, #tpu.memory_space<vmem>>, vector<16xi32>,
        %ne3A = arith.cmpi ne, %get3A_301, %get3A_303 : vector<16xi32>
        %convert_element_type3A_304 = arith.extui %ne3A : vector<16xi1> to vector<16xi32>
        %convert_element_type3A_305 = arith.sitofp %convert_element_type3A_304 : vector<16xi32> to vector<16xf32>
        %gather3A_306 = tpu.vector_load_idx %arg10[%get3A_301] : memref<20000xf32, #tpu.memory_space<vmem>>[vector<16xi32>], vector<16xf32>,
        %add3A_307 = arith.constant 10000 : i32
        %add3A_308 = vector.broadcast %add3A_307 : i32 to vector<16xi32>
        %add3A_309 = arith.addi %get3A_303, %add3A_308 : vector<16xi32>
        %gather3A_310 = tpu.vector_load_idx %arg10[%add3A_309] : memref<20000xf32, #tpu.memory_space<vmem>>[vector<16xi32>], vector<16xf32>,
        %add3A_311 = arith.addf %gather3A_306, %gather3A_310 : vector<16xf32>
        %gt3A = arith.constant 0.000000e+00 : f32
        %gt3A_312 = vector.broadcast %gt3A : f32 to vector<16xf32>
        %gt3A_313 = arith.cmpf ogt, %add3A_311, %gt3A_312 : vector<16xf32>
        %mul3A_314 = arith.constant 2.000000e-01 : f32
        %mul3A_315 = vector.broadcast %mul3A_314 : f32 to vector<16xf32>
        %mul3A_316 = arith.mulf %add3A_311, %mul3A_315 : vector<16xf32>
        %select_n3A_317 = arith.select %gt3A_313, %add3A_311, %mul3A_316 : vector<16xi1>, vector<16xf32>
        %sub3A = arith.subf %select_n3A_317, %gather3A_13 : vector<16xf32>
        %exp3A = math.exp %sub3A : vector<16xf32>
        %mul3A_318 = arith.mulf %exp3A, %convert_element_type3A_305 : vector<16xf32>
        %convert_element_type3A_319 = arith.extui %eq3A_0 : i1 to i32
        %cond3A_320 = arith.constant 0 : i32
        %cond3A_321 = arith.cmpi ne, %convert_element_type3A_319, %cond3A_320 : i32
        scf.if %cond3A_321 {
          tpu.vector_store_idx %arg11[%get3A_303], %mul3A_318 {add = true} : memref<10000xf32, #tpu.memory_space<vmem>>[vector<16xi32>], vector<16xf32>,
        } else {
        }
        %mul3A_322 = arith.constant 16 : i32
        %mul3A_323 = arith.muli %scan3A_293, %mul3A_322 : i32
        %swap3A = arith.index_cast %mul3A_323 : i32 to index
        %swap3A_324 = tpu.vector_load %arg16[%swap3A] {strides = array<i32>} : memref<128xf32, #tpu.memory_space<vmem>>, vector<16xf32>,
        tpu.vector_store %arg16[%swap3A], %mul3A_318 {strides = array<i32>} : memref<128xf32, #tpu.memory_space<vmem>>, vector<16xf32>,
        %add3A_325 = vector.broadcast %mul3A_24 : i32 to vector<16xi32>
        %add3A_326 = arith.addi %get3A_301, %add3A_325 : vector<16xi32>
        %mul3A_327 = arith.constant 16 : i32
        %mul3A_328 = arith.muli %scan3A_293, %mul3A_327 : i32
        %swap3A_329 = arith.index_cast %mul3A_328 : i32 to index
        %swap3A_330 = tpu.vector_load %arg15[%swap3A_329] {strides = array<i32>} : memref<128xi32, #tpu.memory_space<vmem>>, vector<16xi32>,
        tpu.vector_store %arg15[%swap3A_329], %add3A_326 {strides = array<i32>} : memref<128xi32, #tpu.memory_space<vmem>>, vector<16xi32>,
        %mul3A_331 = arith.constant 16 : i32
        %mul3A_332 = arith.muli %scan3A_293, %mul3A_331 : i32
        %swap3A_333 = arith.index_cast %mul3A_332 : i32 to index
        %swap3A_334 = tpu.vector_load %arg14[%swap3A_333] {strides = array<i32>} : memref<128xi32, #tpu.memory_space<vmem>>, vector<16xi32>,
        tpu.vector_store %arg14[%swap3A_333], %get3A_303 {strides = array<i32>} : memref<128xi32, #tpu.memory_space<vmem>>, vector<16xi32>,
        %scan3A_335 = arith.constant 0 : i32
        scf.yield %scan3A_335 : i32
      }
      %scan3A_280 = arith.constant 8 : i32
      %dma_start3A = arith.constant 0 : i32
      %dma_start3A_281 = arith.constant 0 : i32
      %dma_start3A_282 = tpu.memref_slice %arg6[%dma_start3A, %dma_start3A_281] : memref<120000x32xf32, #tpu.memory_space<hbm>> -> memref<120000x32xf32, #tpu.memory_space<hbm>>
      tpu.enqueue_indirect_dma source(%dma_start3A_282 : memref<120000x32xf32, #tpu.memory_space<hbm>>) target(%arg17 : memref<128x32xf32, #tpu.memory_space<vmem>>) offsets(%arg15 : memref<128xi32, #tpu.memory_space<vmem>>) semaphore(%arg20 : memref<!tpu.dma_semaphore, #tpu.memory_space<semaphore_mem>>)
      %dma_wait3A = arith.constant 0 : i32
      %dma_wait3A_283 = arith.constant 0 : i32
      %dma_wait3A_284 = tpu.memref_slice %arg6[%dma_wait3A, %dma_wait3A_283] : memref<120000x32xf32, #tpu.memory_space<hbm>> -> memref<120000x32xf32, #tpu.memory_space<hbm>>
      tpu.wait_indirect_dma semaphore(%arg20 : memref<!tpu.dma_semaphore, #tpu.memory_space<semaphore_mem>>) src(%dma_wait3A_284 : memref<120000x32xf32, #tpu.memory_space<hbm>>) dst(%arg17 : memref<128x32xf32, #tpu.memory_space<vmem>>)
      %scan3A_285 = arith.constant 0 : i32
      %scan3A_286 = arith.constant 0 : i32
      %scan3A_287 = arith.constant 8 : i32
      %scan3A_288 = arith.addi %scan3A_286, %scan3A_287 : i32
      %scan3A_289 = arith.constant 1 : i32
      %scan3A_290 = scf.for %scan3A_293 = %scan3A_286 to %scan3A_288 step %scan3A_289 iter_args(%scan3A_294 = %scan3A_285) -> (i32)  : i32 {
        %mul3A_295 = arith.constant 16 : i32
        %mul3A_296 = arith.muli %scan3A_293, %mul3A_295 : i32
        %get3A_297 = arith.index_cast %mul3A_296 : i32 to index
        %get3A_298 = tpu.vector_load %arg16[%get3A_297] {strides = array<i32>} : memref<128xf32, #tpu.memory_space<vmem>>, vector<16xf32>,
        %scan3A_299 = arith.constant 0 : i32
        %scan3A_300 = arith.constant 0 : i32
        %scan3A_301 = arith.constant 16 : i32
        %scan3A_302 = arith.addi %scan3A_300, %scan3A_301 : i32
        %scan3A_303 = arith.constant 1 : i32
        %scan3A_304 = scf.for %scan3A_307 = %scan3A_300 to %scan3A_302 step %scan3A_303 iter_args(%scan3A_308 = %scan3A_299) -> (i32)  : i32 {
          %broadcast_in_dim3A_309 = vector.broadcast %scan3A_307 : i32 to vector<16xi32>
          %lt3A_310 = arith.constant 0 : i32
          %lt3A_311 = vector.broadcast %lt3A_310 : i32 to vector<16xi32>
          %lt3A_312 = arith.cmpi slt, %broadcast_in_dim3A_309, %lt3A_311 : vector<16xi32>
          %add3A_313 = arith.constant 16 : i32
          %add3A_314 = vector.broadcast %add3A_313 : i32 to vector<16xi32>
          %add3A_315 = arith.addi %broadcast_in_dim3A_309, %add3A_314 : vector<16xi32>
          %select_n3A_316 = arith.select %lt3A_312, %add3A_315, %broadcast_in_dim3A_309 : vector<16xi1>, vector<16xi32>
          %broadcast_in_dim3A_317 = vector.shape_cast %select_n3A_316 : vector<16xi32> to vector<16x1xi32>
          %gather3A_318 = vector.shape_cast %broadcast_in_dim3A_317 : vector<16x1xi32> to vector<16xi32>
          %gather3A_319 = tpu.dynamic_gather %get3A_298[%gather3A_318] in [0] : vector<16xf32>, vector<16xi32> -> vector<16xf32>
          %mul3A_320 = arith.constant 16 : i32
          %mul3A_321 = arith.muli %scan3A_293, %mul3A_320 : i32
          %add3A_322 = arith.addi %mul3A_321, %scan3A_307 : i32
          %get3A_323 = arith.index_cast %add3A_322 : i32 to index
          %get3A_324 = arith.constant 0 : index
          %get3A_325 = tpu.vector_load %arg17[%get3A_323, %get3A_324] {strides = array<i32>} : memref<128x32xf32, #tpu.memory_space<vmem>>, vector<16xf32>,
          %mul3A_326 = arith.mulf %get3A_325, %gather3A_319 : vector<16xf32>
          %swap3A = arith.index_cast %add3A_322 : i32 to index
          %swap3A_327 = arith.constant 0 : index
          %swap3A_328 = tpu.vector_load %arg17[%swap3A, %swap3A_327] {strides = array<i32>} : memref<128x32xf32, #tpu.memory_space<vmem>>, vector<16xf32>,
          tpu.vector_store %arg17[%swap3A, %swap3A_327], %mul3A_326 {strides = array<i32>} : memref<128x32xf32, #tpu.memory_space<vmem>>, vector<16xf32>,
          %get3A_329 = arith.index_cast %add3A_322 : i32 to index
          %get3A_330 = arith.constant 16 : index
          %get3A_331 = tpu.vector_load %arg17[%get3A_329, %get3A_330] {strides = array<i32>} : memref<128x32xf32, #tpu.memory_space<vmem>>, vector<16xf32>,
          %mul3A_332 = arith.mulf %get3A_331, %gather3A_319 : vector<16xf32>
          %swap3A_333 = arith.index_cast %add3A_322 : i32 to index
          %swap3A_334 = arith.constant 16 : index
          %swap3A_335 = tpu.vector_load %arg17[%swap3A_333, %swap3A_334] {strides = array<i32>} : memref<128x32xf32, #tpu.memory_space<vmem>>, vector<16xf32>,
          tpu.vector_store %arg17[%swap3A_333, %swap3A_334], %mul3A_332 {strides = array<i32>} : memref<128x32xf32, #tpu.memory_space<vmem>>, vector<16xf32>,
          %scan3A_336 = arith.constant 0 : i32
          scf.yield %scan3A_336 : i32
        }
        %scan3A_305 = arith.constant 16 : i32
        %scan3A_306 = arith.constant 0 : i32
        scf.yield %scan3A_306 : i32
      }
      %scan3A_291 = arith.constant 8 : i32
      "tpu.region"() ({
        %run_scoped3A = tpu.sem_alloc : memref<!tpu.dma_semaphore, #tpu.memory_space<semaphore_mem>>
        %dma_start3A_293 = arith.constant 0 : i32
        %dma_start3A_294 = arith.constant 0 : i32
        %dma_start3A_295 = tpu.memref_slice %arg19[%dma_start3A_293, %dma_start3A_294] : memref<10000x32xf32, #tpu.memory_space<vmem_shared>> -> memref<10000x32xf32, #tpu.memory_space<vmem_shared>>
        tpu.enqueue_indirect_dma source(%arg17 : memref<128x32xf32, #tpu.memory_space<vmem>>) target(%dma_start3A_295 : memref<10000x32xf32, #tpu.memory_space<vmem_shared>>) offsets(%arg14 : memref<128xi32, #tpu.memory_space<vmem>>) semaphore(%run_scoped3A : memref<!tpu.dma_semaphore, #tpu.memory_space<semaphore_mem>>) {add = true}
        %dma_wait3A_296 = arith.constant 0 : i32
        %dma_wait3A_297 = arith.constant 0 : i32
        %dma_wait3A_298 = tpu.memref_slice %arg19[%dma_wait3A_296, %dma_wait3A_297] : memref<10000x32xf32, #tpu.memory_space<vmem_shared>> -> memref<10000x32xf32, #tpu.memory_space<vmem_shared>>
        tpu.wait_indirect_dma semaphore(%run_scoped3A : memref<!tpu.dma_semaphore, #tpu.memory_space<semaphore_mem>>) src(%arg17 : memref<128x32xf32, #tpu.memory_space<vmem>>) dst(%dma_wait3A_298 : memref<10000x32xf32, #tpu.memory_space<vmem_shared>>)
        tpu.yield
      }) : () -> ()
      %scan3A_292 = arith.constant 0 : i32
      scf.yield %scan3A_292 : i32
    }
    %scan3A_31 = arith.constant 80 : i32
    %barrier3A_32 = arith.constant 0 : index
    tpu.barrier barrier_id(%barrier3A_32)
    %lt3A_33 = arith.constant 15 : i32
    %lt3A_34 = arith.cmpi slt, %arg1, %lt3A_33 : i32
    %convert_element_type3A_35 = arith.extui %lt3A_34 : i1 to i32
    %cond3A_36 = arith.constant 0 : i32
    %cond3A_37 = arith.cmpi ne, %convert_element_type3A_35, %cond3A_36 : i32
    scf.if %cond3A_37 {
      %mul3A_272 = arith.constant 640 : i32
      %mul3A_273 = arith.muli %arg1, %mul3A_272 : i32
      %mul3A_274 = arith.constant 640 : i32
      %mul3A_275 = arith.muli %arg1, %mul3A_274 : i32
      "tpu.region"() ({
        %run_scoped3A = tpu.sem_alloc : memref<!tpu.dma_semaphore, #tpu.memory_space<semaphore_mem>>
        %dma_start3A = arith.constant 0 : i32
        %dma_start3A_276 = tpu.memref_slice %arg8[%add3A_4, %mul3A_275, %dma_start3A] : memref<12x10000x32xf32, #tpu.memory_space<hbm>> -> memref<1x640x32xf32, #tpu.memory_space<hbm>>
        %dma_start3A_277 = tpu.memref_squeeze %dma_start3A_276 : memref<1x640x32xf32, #tpu.memory_space<hbm>> -> memref<640x32xf32, #tpu.memory_space<hbm>>
        %dma_start3A_278 = arith.constant 0 : i32
        %dma_start3A_279 = tpu.memref_slice %arg19[%mul3A_273, %dma_start3A_278] : memref<10000x32xf32, #tpu.memory_space<vmem_shared>> -> memref<640x32xf32, #tpu.memory_space<vmem_shared>>
        tpu.enqueue_dma source(%dma_start3A_279 : memref<640x32xf32, #tpu.memory_space<vmem_shared>>) target(%dma_start3A_277 : memref<640x32xf32, #tpu.memory_space<hbm>>) target_semaphore(%run_scoped3A : memref<!tpu.dma_semaphore, #tpu.memory_space<semaphore_mem>>)
        %dma_wait3A = arith.constant 0 : i32
        %dma_wait3A_280 = tpu.memref_slice %arg8[%add3A_4, %mul3A_275, %dma_wait3A] : memref<12x10000x32xf32, #tpu.memory_space<hbm>> -> memref<1x640x32xf32, #tpu.memory_space<hbm>>
        %dma_wait3A_281 = tpu.memref_squeeze %dma_wait3A_280 : memref<1x640x32xf32, #tpu.memory_space<hbm>> -> memref<640x32xf32, #tpu.memory_space<hbm>>
        %dma_wait3A_282 = arith.constant 0 : i32
        %dma_wait3A_283 = tpu.memref_slice %arg19[%mul3A_273, %dma_wait3A_282] : memref<10000x32xf32, #tpu.memory_space<vmem_shared>> -> memref<640x32xf32, #tpu.memory_space<vmem_shared>>
        tpu.wait_dma2 semaphore(%run_scoped3A : memref<!tpu.dma_semaphore, #tpu.memory_space<semaphore_mem>>) src(%dma_wait3A_283 : memref<640x32xf32, #tpu.memory_space<vmem_shared>>) dst(%dma_wait3A_281 : memref<640x32xf32, #tpu.memory_space<hbm>>)
        tpu.yield
      }) : () -> ()
    } else {
    }
    %eq3A_38 = arith.constant 15 : i32
    %eq3A_39 = arith.cmpi eq, %arg1, %eq3A_38 : i32
    %convert_element_type3A_40 = arith.extui %eq3A_39 : i1 to i32
    %cond3A_41 = arith.constant 0 : i32
    %cond3A_42 = arith.cmpi ne, %convert_element_type3A_40, %cond3A_41 : i32
    scf.if %cond3A_42 {
      "tpu.region"() ({
        %run_scoped3A = tpu.sem_alloc : memref<!tpu.dma_semaphore, #tpu.memory_space<semaphore_mem>>
        %dma_start3A = arith.constant 9600 : i32
        %dma_start3A_272 = arith.constant 0 : i32
        %dma_start3A_273 = tpu.memref_slice %arg8[%add3A_4, %dma_start3A, %dma_start3A_272] : memref<12x10000x32xf32, #tpu.memory_space<hbm>> -> memref<1x400x32xf32, #tpu.memory_space<hbm>>
        %dma_start3A_274 = tpu.memref_squeeze %dma_start3A_273 : memref<1x400x32xf32, #tpu.memory_space<hbm>> -> memref<400x32xf32, #tpu.memory_space<hbm>>
        %dma_start3A_275 = arith.constant 9600 : i32
        %dma_start3A_276 = arith.constant 0 : i32
        %dma_start3A_277 = tpu.memref_slice %arg19[%dma_start3A_275, %dma_start3A_276] : memref<10000x32xf32, #tpu.memory_space<vmem_shared>> -> memref<400x32xf32, #tpu.memory_space<vmem_shared>>
        tpu.enqueue_dma source(%dma_start3A_277 : memref<400x32xf32, #tpu.memory_space<vmem_shared>>) target(%dma_start3A_274 : memref<400x32xf32, #tpu.memory_space<hbm>>) target_semaphore(%run_scoped3A : memref<!tpu.dma_semaphore, #tpu.memory_space<semaphore_mem>>)
        %dma_wait3A = arith.constant 9600 : i32
        %dma_wait3A_278 = arith.constant 0 : i32
        %dma_wait3A_279 = tpu.memref_slice %arg8[%add3A_4, %dma_wait3A, %dma_wait3A_278] : memref<12x10000x32xf32, #tpu.memory_space<hbm>> -> memref<1x400x32xf32, #tpu.memory_space<hbm>>
        %dma_wait3A_280 = tpu.memref_squeeze %dma_wait3A_279 : memref<1x400x32xf32, #tpu.memory_space<hbm>> -> memref<400x32xf32, #tpu.memory_space<hbm>>
        %dma_wait3A_281 = arith.constant 9600 : i32
        %dma_wait3A_282 = arith.constant 0 : i32
        %dma_wait3A_283 = tpu.memref_slice %arg19[%dma_wait3A_281, %dma_wait3A_282] : memref<10000x32xf32, #tpu.memory_space<vmem_shared>> -> memref<400x32xf32, #tpu.memory_space<vmem_shared>>
        tpu.wait_dma2 semaphore(%run_scoped3A : memref<!tpu.dma_semaphore, #tpu.memory_space<semaphore_mem>>) src(%dma_wait3A_283 : memref<400x32xf32, #tpu.memory_space<vmem_shared>>) dst(%dma_wait3A_280 : memref<400x32xf32, #tpu.memory_space<hbm>>)
        tpu.yield
      }) : () -> ()
    } else {
    }
    %convert_element_type3A_43 = arith.extui %eq3A_0 : i1 to i32
    %cond3A_44 = arith.constant 0 : i32
    %cond3A_45 = arith.cmpi ne, %convert_element_type3A_43, %cond3A_44 : i32
    scf.if %cond3A_45 {
      %mul3A_272 = arith.constant 3 : i32
      %mul3A_273 = arith.muli %arg1, %mul3A_272 : i32
      %mul3A_274 = arith.constant 10000 : i32
      %mul3A_275 = arith.muli %mul3A_273, %mul3A_274 : i32
      %add3A_276 = arith.constant 0 : i32
      %add3A_277 = arith.addi %mul3A_275, %add3A_276 : i32
      "tpu.region"() ({
        %run_scoped3A = tpu.sem_alloc : memref<!tpu.dma_semaphore, #tpu.memory_space<semaphore_mem>>
        %dma_start3A = tpu.memref_slice %arg9[%add3A_277] : memref<480000xf32, #tpu.memory_space<hbm>> -> memref<10000xf32, #tpu.memory_space<hbm>>
        %dma_start3A_278 = tpu.memref_slice %arg9[%add3A_277] : memref<480000xf32, #tpu.memory_space<hbm>> -> memref<10000xf32, #tpu.memory_space<hbm>>
        tpu.enqueue_dma source(%arg11 : memref<10000xf32, #tpu.memory_space<vmem>>) target(%dma_start3A_278 : memref<10000xf32, #tpu.memory_space<hbm>>) target_semaphore(%run_scoped3A : memref<!tpu.dma_semaphore, #tpu.memory_space<semaphore_mem>>)
        %dma_wait3A = tpu.memref_slice %arg9[%add3A_277] : memref<480000xf32, #tpu.memory_space<hbm>> -> memref<10000xf32, #tpu.memory_space<hbm>>
        %dma_wait3A_279 = tpu.memref_slice %arg9[%add3A_277] : memref<480000xf32, #tpu.memory_space<hbm>> -> memref<10000xf32, #tpu.memory_space<hbm>>
        tpu.wait_dma2 semaphore(%run_scoped3A : memref<!tpu.dma_semaphore, #tpu.memory_space<semaphore_mem>>) src(%arg11 : memref<10000xf32, #tpu.memory_space<vmem>>) dst(%dma_wait3A_279 : memref<10000xf32, #tpu.memory_space<hbm>>)
        tpu.yield
      }) : () -> ()
    } else {
    }
    %barrier3A_46 = arith.constant 0 : index
    tpu.barrier barrier_id(%barrier3A_46)
    %add3A_47 = arith.constant 2 : i32
    %add3A_48 = arith.addi %add3A_47, %arg0 : i32
    %broadcast_in_dim3A_49 = arith.constant 0 : i32
    %broadcast_in_dim3A_50 = vector.broadcast %broadcast_in_dim3A_49 : i32 to vector<16xi32>
    %lt3A_51 = arith.constant 0 : i32
    %lt3A_52 = vector.broadcast %lt3A_51 : i32 to vector<16xi32>
    %lt3A_53 = arith.cmpi slt, %broadcast_in_dim3A_50, %lt3A_52 : vector<16xi32>
    %add3A_54 = arith.constant 16 : i32
    %add3A_55 = vector.broadcast %add3A_54 : i32 to vector<16xi32>
    %add3A_56 = arith.addi %broadcast_in_dim3A_50, %add3A_55 : vector<16xi32>
    %select_n3A_57 = arith.select %lt3A_53, %add3A_56, %broadcast_in_dim3A_50 : vector<16xi1>, vector<16xi32>
    %broadcast_in_dim3A_58 = vector.shape_cast %select_n3A_57 : vector<16xi32> to vector<16x1xi32>
    %gather3A_59 = vector.shape_cast %broadcast_in_dim3A_58 : vector<16x1xi32> to vector<16xi32>
    %gather3A_60 = tpu.dynamic_gather %get3A_1[%gather3A_59] in [0] : vector<16xf32>, vector<16xi32> -> vector<16xf32>
    %eq3A_61 = arith.constant 0 : i32
    %eq3A_62 = arith.cmpi eq, %arg1, %eq3A_61 : i32
    %convert_element_type3A_63 = arith.extui %eq3A_62 : i1 to i32
    %cond3A_64 = arith.constant 0 : i32
    %cond3A_65 = arith.cmpi ne, %convert_element_type3A_63, %cond3A_64 : i32
    scf.if %cond3A_65 {
      "tpu.region"() ({
        %run_scoped3A = tpu.sem_alloc : memref<!tpu.dma_semaphore, #tpu.memory_space<semaphore_mem>>
        tpu.enqueue_dma source(%arg7 : memref<10000x32xf32, #tpu.memory_space<hbm>>) target(%arg19 : memref<10000x32xf32, #tpu.memory_space<vmem_shared>>) target_semaphore(%run_scoped3A : memref<!tpu.dma_semaphore, #tpu.memory_space<semaphore_mem>>)
        tpu.wait_dma2 semaphore(%run_scoped3A : memref<!tpu.dma_semaphore, #tpu.memory_space<semaphore_mem>>) src(%arg7 : memref<10000x32xf32, #tpu.memory_space<hbm>>) dst(%arg19 : memref<10000x32xf32, #tpu.memory_space<vmem_shared>>)
        tpu.yield
      }) : () -> ()
    } else {
    }
    %barrier3A_66 = arith.constant 0 : index
    tpu.barrier barrier_id(%barrier3A_66)
    %mul3A_67 = arith.constant 10000 : i32
    %mul3A_68 = arith.muli %add3A_48, %mul3A_67 : i32
    %scan3A_69 = arith.constant 0 : i32
    %scan3A_70 = arith.constant 0 : i32
    %scan3A_71 = arith.constant 80 : i32
    %scan3A_72 = arith.addi %scan3A_70, %scan3A_71 : i32
    %scan3A_73 = arith.constant 1 : i32
    %scan3A_74 = scf.for %scan3A_272 = %scan3A_70 to %scan3A_72 step %scan3A_73 iter_args(%scan3A_273 = %scan3A_69) -> (i32)  : i32 {
      %scan3A_274 = arith.constant 0 : i32
      %scan3A_275 = arith.constant 0 : i32
      %scan3A_276 = arith.constant 8 : i32
      %scan3A_277 = arith.addi %scan3A_275, %scan3A_276 : i32
      %scan3A_278 = arith.constant 1 : i32
      %scan3A_279 = scf.for %scan3A_293 = %scan3A_275 to %scan3A_277 step %scan3A_278 iter_args(%scan3A_294 = %scan3A_274) -> (i32)  : i32 {
        %mul3A_295 = arith.constant 128 : i32
        %mul3A_296 = arith.muli %scan3A_272, %mul3A_295 : i32
        %mul3A_297 = arith.constant 16 : i32
        %mul3A_298 = arith.muli %scan3A_293, %mul3A_297 : i32
        %add3A_299 = arith.addi %mul3A_296, %mul3A_298 : i32
        %get3A_300 = arith.index_cast %add3A_299 : i32 to index
        %get3A_301 = tpu.vector_load %arg12[%get3A_300] {strides = array<i32>} : memref<10240xi32, #tpu.memory_space<vmem>>, vector<16xi32>,
        %get3A_302 = arith.index_cast %add3A_299 : i32 to index
        %get3A_303 = tpu.vector_load %arg13[%get3A_302] {strides = array<i32>} : memref<10240xi32, #tpu.memory_space<vmem>>, vector<16xi32>,
        %ne3A = arith.cmpi ne, %get3A_301, %get3A_303 : vector<16xi32>
        %convert_element_type3A_304 = arith.extui %ne3A : vector<16xi1> to vector<16xi32>
        %convert_element_type3A_305 = arith.sitofp %convert_element_type3A_304 : vector<16xi32> to vector<16xf32>
        %gather3A_306 = tpu.vector_load_idx %arg10[%get3A_301] : memref<20000xf32, #tpu.memory_space<vmem>>[vector<16xi32>], vector<16xf32>,
        %add3A_307 = arith.constant 10000 : i32
        %add3A_308 = vector.broadcast %add3A_307 : i32 to vector<16xi32>
        %add3A_309 = arith.addi %get3A_303, %add3A_308 : vector<16xi32>
        %gather3A_310 = tpu.vector_load_idx %arg10[%add3A_309] : memref<20000xf32, #tpu.memory_space<vmem>>[vector<16xi32>], vector<16xf32>,
        %add3A_311 = arith.addf %gather3A_306, %gather3A_310 : vector<16xf32>
        %gt3A = arith.constant 0.000000e+00 : f32
        %gt3A_312 = vector.broadcast %gt3A : f32 to vector<16xf32>
        %gt3A_313 = arith.cmpf ogt, %add3A_311, %gt3A_312 : vector<16xf32>
        %mul3A_314 = arith.constant 2.000000e-01 : f32
        %mul3A_315 = vector.broadcast %mul3A_314 : f32 to vector<16xf32>
        %mul3A_316 = arith.mulf %add3A_311, %mul3A_315 : vector<16xf32>
        %select_n3A_317 = arith.select %gt3A_313, %add3A_311, %mul3A_316 : vector<16xi1>, vector<16xf32>
        %sub3A = arith.subf %select_n3A_317, %gather3A_60 : vector<16xf32>
        %exp3A = math.exp %sub3A : vector<16xf32>
        %mul3A_318 = arith.mulf %exp3A, %convert_element_type3A_305 : vector<16xf32>
        %mul3A_319 = arith.constant 16 : i32
        %mul3A_320 = arith.muli %scan3A_293, %mul3A_319 : i32
        %swap3A = arith.index_cast %mul3A_320 : i32 to index
        %swap3A_321 = tpu.vector_load %arg16[%swap3A] {strides = array<i32>} : memref<128xf32, #tpu.memory_space<vmem>>, vector<16xf32>,
        tpu.vector_store %arg16[%swap3A], %mul3A_318 {strides = array<i32>} : memref<128xf32, #tpu.memory_space<vmem>>, vector<16xf32>,
        %add3A_322 = vector.broadcast %mul3A_68 : i32 to vector<16xi32>
        %add3A_323 = arith.addi %get3A_301, %add3A_322 : vector<16xi32>
        %mul3A_324 = arith.constant 16 : i32
        %mul3A_325 = arith.muli %scan3A_293, %mul3A_324 : i32
        %swap3A_326 = arith.index_cast %mul3A_325 : i32 to index
        %swap3A_327 = tpu.vector_load %arg15[%swap3A_326] {strides = array<i32>} : memref<128xi32, #tpu.memory_space<vmem>>, vector<16xi32>,
        tpu.vector_store %arg15[%swap3A_326], %add3A_323 {strides = array<i32>} : memref<128xi32, #tpu.memory_space<vmem>>, vector<16xi32>,
        %mul3A_328 = arith.constant 16 : i32
        %mul3A_329 = arith.muli %scan3A_293, %mul3A_328 : i32
        %swap3A_330 = arith.index_cast %mul3A_329 : i32 to index
        %swap3A_331 = tpu.vector_load %arg14[%swap3A_330] {strides = array<i32>} : memref<128xi32, #tpu.memory_space<vmem>>, vector<16xi32>,
        tpu.vector_store %arg14[%swap3A_330], %get3A_303 {strides = array<i32>} : memref<128xi32, #tpu.memory_space<vmem>>, vector<16xi32>,
        %scan3A_332 = arith.constant 0 : i32
        scf.yield %scan3A_332 : i32
      }
      %scan3A_280 = arith.constant 8 : i32
      %dma_start3A = arith.constant 0 : i32
      %dma_start3A_281 = arith.constant 0 : i32
      %dma_start3A_282 = tpu.memref_slice %arg6[%dma_start3A, %dma_start3A_281] : memref<120000x32xf32, #tpu.memory_space<hbm>> -> memref<120000x32xf32, #tpu.memory_space<hbm>>
      tpu.enqueue_indirect_dma source(%dma_start3A_282 : memref<120000x32xf32, #tpu.memory_space<hbm>>) target(%arg17 : memref<128x32xf32, #tpu.memory_space<vmem>>) offsets(%arg15 : memref<128xi32, #tpu.memory_space<vmem>>) semaphore(%arg20 : memref<!tpu.dma_semaphore, #tpu.memory_space<semaphore_mem>>)
      %dma_wait3A = arith.constant 0 : i32
      %dma_wait3A_283 = arith.constant 0 : i32
      %dma_wait3A_284 = tpu.memref_slice %arg6[%dma_wait3A, %dma_wait3A_283] : memref<120000x32xf32, #tpu.memory_space<hbm>> -> memref<120000x32xf32, #tpu.memory_space<hbm>>
      tpu.wait_indirect_dma semaphore(%arg20 : memref<!tpu.dma_semaphore, #tpu.memory_space<semaphore_mem>>) src(%dma_wait3A_284 : memref<120000x32xf32, #tpu.memory_space<hbm>>) dst(%arg17 : memref<128x32xf32, #tpu.memory_space<vmem>>)
      %scan3A_285 = arith.constant 0 : i32
      %scan3A_286 = arith.constant 0 : i32
      %scan3A_287 = arith.constant 8 : i32
      %scan3A_288 = arith.addi %scan3A_286, %scan3A_287 : i32
      %scan3A_289 = arith.constant 1 : i32
      %scan3A_290 = scf.for %scan3A_293 = %scan3A_286 to %scan3A_288 step %scan3A_289 iter_args(%scan3A_294 = %scan3A_285) -> (i32)  : i32 {
        %mul3A_295 = arith.constant 16 : i32
        %mul3A_296 = arith.muli %scan3A_293, %mul3A_295 : i32
        %get3A_297 = arith.index_cast %mul3A_296 : i32 to index
        %get3A_298 = tpu.vector_load %arg16[%get3A_297] {strides = array<i32>} : memref<128xf32, #tpu.memory_space<vmem>>, vector<16xf32>,
        %scan3A_299 = arith.constant 0 : i32
        %scan3A_300 = arith.constant 0 : i32
        %scan3A_301 = arith.constant 16 : i32
        %scan3A_302 = arith.addi %scan3A_300, %scan3A_301 : i32
        %scan3A_303 = arith.constant 1 : i32
        %scan3A_304 = scf.for %scan3A_307 = %scan3A_300 to %scan3A_302 step %scan3A_303 iter_args(%scan3A_308 = %scan3A_299) -> (i32)  : i32 {
          %broadcast_in_dim3A_309 = vector.broadcast %scan3A_307 : i32 to vector<16xi32>
          %lt3A_310 = arith.constant 0 : i32
          %lt3A_311 = vector.broadcast %lt3A_310 : i32 to vector<16xi32>
          %lt3A_312 = arith.cmpi slt, %broadcast_in_dim3A_309, %lt3A_311 : vector<16xi32>
          %add3A_313 = arith.constant 16 : i32
          %add3A_314 = vector.broadcast %add3A_313 : i32 to vector<16xi32>
          %add3A_315 = arith.addi %broadcast_in_dim3A_309, %add3A_314 : vector<16xi32>
          %select_n3A_316 = arith.select %lt3A_312, %add3A_315, %broadcast_in_dim3A_309 : vector<16xi1>, vector<16xi32>
          %broadcast_in_dim3A_317 = vector.shape_cast %select_n3A_316 : vector<16xi32> to vector<16x1xi32>
          %gather3A_318 = vector.shape_cast %broadcast_in_dim3A_317 : vector<16x1xi32> to vector<16xi32>
          %gather3A_319 = tpu.dynamic_gather %get3A_298[%gather3A_318] in [0] : vector<16xf32>, vector<16xi32> -> vector<16xf32>
          %mul3A_320 = arith.constant 16 : i32
          %mul3A_321 = arith.muli %scan3A_293, %mul3A_320 : i32
          %add3A_322 = arith.addi %mul3A_321, %scan3A_307 : i32
          %get3A_323 = arith.index_cast %add3A_322 : i32 to index
          %get3A_324 = arith.constant 0 : index
          %get3A_325 = tpu.vector_load %arg17[%get3A_323, %get3A_324] {strides = array<i32>} : memref<128x32xf32, #tpu.memory_space<vmem>>, vector<16xf32>,
          %mul3A_326 = arith.mulf %get3A_325, %gather3A_319 : vector<16xf32>
          %swap3A = arith.index_cast %add3A_322 : i32 to index
          %swap3A_327 = arith.constant 0 : index
          %swap3A_328 = tpu.vector_load %arg17[%swap3A, %swap3A_327] {strides = array<i32>} : memref<128x32xf32, #tpu.memory_space<vmem>>, vector<16xf32>,
          tpu.vector_store %arg17[%swap3A, %swap3A_327], %mul3A_326 {strides = array<i32>} : memref<128x32xf32, #tpu.memory_space<vmem>>, vector<16xf32>,
          %get3A_329 = arith.index_cast %add3A_322 : i32 to index
          %get3A_330 = arith.constant 16 : index
          %get3A_331 = tpu.vector_load %arg17[%get3A_329, %get3A_330] {strides = array<i32>} : memref<128x32xf32, #tpu.memory_space<vmem>>, vector<16xf32>,
          %mul3A_332 = arith.mulf %get3A_331, %gather3A_319 : vector<16xf32>
          %swap3A_333 = arith.index_cast %add3A_322 : i32 to index
          %swap3A_334 = arith.constant 16 : index
          %swap3A_335 = tpu.vector_load %arg17[%swap3A_333, %swap3A_334] {strides = array<i32>} : memref<128x32xf32, #tpu.memory_space<vmem>>, vector<16xf32>,
          tpu.vector_store %arg17[%swap3A_333, %swap3A_334], %mul3A_332 {strides = array<i32>} : memref<128x32xf32, #tpu.memory_space<vmem>>, vector<16xf32>,
          %scan3A_336 = arith.constant 0 : i32
          scf.yield %scan3A_336 : i32
        }
        %scan3A_305 = arith.constant 16 : i32
        %scan3A_306 = arith.constant 0 : i32
        scf.yield %scan3A_306 : i32
      }
      %scan3A_291 = arith.constant 8 : i32
      "tpu.region"() ({
        %run_scoped3A = tpu.sem_alloc : memref<!tpu.dma_semaphore, #tpu.memory_space<semaphore_mem>>
        %dma_start3A_293 = arith.constant 0 : i32
        %dma_start3A_294 = arith.constant 0 : i32
        %dma_start3A_295 = tpu.memref_slice %arg19[%dma_start3A_293, %dma_start3A_294] : memref<10000x32xf32, #tpu.memory_space<vmem_shared>> -> memref<10000x32xf32, #tpu.memory_space<vmem_shared>>
        tpu.enqueue_indirect_dma source(%arg17 : memref<128x32xf32, #tpu.memory_space<vmem>>) target(%dma_start3A_295 : memref<10000x32xf32, #tpu.memory_space<vmem_shared>>) offsets(%arg14 : memref<128xi32, #tpu.memory_space<vmem>>) semaphore(%run_scoped3A : memref<!tpu.dma_semaphore, #tpu.memory_space<semaphore_mem>>) {add = true}
        %dma_wait3A_296 = arith.constant 0 : i32
        %dma_wait3A_297 = arith.constant 0 : i32
        %dma_wait3A_298 = tpu.memref_slice %arg19[%dma_wait3A_296, %dma_wait3A_297] : memref<10000x32xf32, #tpu.memory_space<vmem_shared>> -> memref<10000x32xf32, #tpu.memory_space<vmem_shared>>
        tpu.wait_indirect_dma semaphore(%run_scoped3A : memref<!tpu.dma_semaphore, #tpu.memory_space<semaphore_mem>>) src(%arg17 : memref<128x32xf32, #tpu.memory_space<vmem>>) dst(%dma_wait3A_298 : memref<10000x32xf32, #tpu.memory_space<vmem_shared>>)
        tpu.yield
      }) : () -> ()
      %scan3A_292 = arith.constant 0 : i32
      scf.yield %scan3A_292 : i32
    }
    %scan3A_75 = arith.constant 80 : i32
    %barrier3A_76 = arith.constant 0 : index
    tpu.barrier barrier_id(%barrier3A_76)
    %lt3A_77 = arith.constant 15 : i32
    %lt3A_78 = arith.cmpi slt, %arg1, %lt3A_77 : i32
    %convert_element_type3A_79 = arith.extui %lt3A_78 : i1 to i32
    %cond3A_80 = arith.constant 0 : i32
    %cond3A_81 = arith.cmpi ne, %convert_element_type3A_79, %cond3A_80 : i32
    scf.if %cond3A_81 {
      %mul3A_272 = arith.constant 640 : i32
      %mul3A_273 = arith.muli %arg1, %mul3A_272 : i32
      %mul3A_274 = arith.constant 640 : i32
      %mul3A_275 = arith.muli %arg1, %mul3A_274 : i32
      "tpu.region"() ({
        %run_scoped3A = tpu.sem_alloc : memref<!tpu.dma_semaphore, #tpu.memory_space<semaphore_mem>>
        %dma_start3A = arith.constant 0 : i32
        %dma_start3A_276 = tpu.memref_slice %arg8[%add3A_48, %mul3A_275, %dma_start3A] : memref<12x10000x32xf32, #tpu.memory_space<hbm>> -> memref<1x640x32xf32, #tpu.memory_space<hbm>>
        %dma_start3A_277 = tpu.memref_squeeze %dma_start3A_276 : memref<1x640x32xf32, #tpu.memory_space<hbm>> -> memref<640x32xf32, #tpu.memory_space<hbm>>
        %dma_start3A_278 = arith.constant 0 : i32
        %dma_start3A_279 = tpu.memref_slice %arg19[%mul3A_273, %dma_start3A_278] : memref<10000x32xf32, #tpu.memory_space<vmem_shared>> -> memref<640x32xf32, #tpu.memory_space<vmem_shared>>
        tpu.enqueue_dma source(%dma_start3A_279 : memref<640x32xf32, #tpu.memory_space<vmem_shared>>) target(%dma_start3A_277 : memref<640x32xf32, #tpu.memory_space<hbm>>) target_semaphore(%run_scoped3A : memref<!tpu.dma_semaphore, #tpu.memory_space<semaphore_mem>>)
        %dma_wait3A = arith.constant 0 : i32
        %dma_wait3A_280 = tpu.memref_slice %arg8[%add3A_48, %mul3A_275, %dma_wait3A] : memref<12x10000x32xf32, #tpu.memory_space<hbm>> -> memref<1x640x32xf32, #tpu.memory_space<hbm>>
        %dma_wait3A_281 = tpu.memref_squeeze %dma_wait3A_280 : memref<1x640x32xf32, #tpu.memory_space<hbm>> -> memref<640x32xf32, #tpu.memory_space<hbm>>
        %dma_wait3A_282 = arith.constant 0 : i32
        %dma_wait3A_283 = tpu.memref_slice %arg19[%mul3A_273, %dma_wait3A_282] : memref<10000x32xf32, #tpu.memory_space<vmem_shared>> -> memref<640x32xf32, #tpu.memory_space<vmem_shared>>
        tpu.wait_dma2 semaphore(%run_scoped3A : memref<!tpu.dma_semaphore, #tpu.memory_space<semaphore_mem>>) src(%dma_wait3A_283 : memref<640x32xf32, #tpu.memory_space<vmem_shared>>) dst(%dma_wait3A_281 : memref<640x32xf32, #tpu.memory_space<hbm>>)
        tpu.yield
      }) : () -> ()
    } else {
    }
    %eq3A_82 = arith.constant 15 : i32
    %eq3A_83 = arith.cmpi eq, %arg1, %eq3A_82 : i32
    %convert_element_type3A_84 = arith.extui %eq3A_83 : i1 to i32
    %cond3A_85 = arith.constant 0 : i32
    %cond3A_86 = arith.cmpi ne, %convert_element_type3A_84, %cond3A_85 : i32
    scf.if %cond3A_86 {
      "tpu.region"() ({
        %run_scoped3A = tpu.sem_alloc : memref<!tpu.dma_semaphore, #tpu.memory_space<semaphore_mem>>
        %dma_start3A = arith.constant 9600 : i32
        %dma_start3A_272 = arith.constant 0 : i32
        %dma_start3A_273 = tpu.memref_slice %arg8[%add3A_48, %dma_start3A, %dma_start3A_272] : memref<12x10000x32xf32, #tpu.memory_space<hbm>> -> memref<1x400x32xf32, #tpu.memory_space<hbm>>
        %dma_start3A_274 = tpu.memref_squeeze %dma_start3A_273 : memref<1x400x32xf32, #tpu.memory_space<hbm>> -> memref<400x32xf32, #tpu.memory_space<hbm>>
        %dma_start3A_275 = arith.constant 9600 : i32
        %dma_start3A_276 = arith.constant 0 : i32
        %dma_start3A_277 = tpu.memref_slice %arg19[%dma_start3A_275, %dma_start3A_276] : memref<10000x32xf32, #tpu.memory_space<vmem_shared>> -> memref<400x32xf32, #tpu.memory_space<vmem_shared>>
        tpu.enqueue_dma source(%dma_start3A_277 : memref<400x32xf32, #tpu.memory_space<vmem_shared>>) target(%dma_start3A_274 : memref<400x32xf32, #tpu.memory_space<hbm>>) target_semaphore(%run_scoped3A : memref<!tpu.dma_semaphore, #tpu.memory_space<semaphore_mem>>)
        %dma_wait3A = arith.constant 9600 : i32
        %dma_wait3A_278 = arith.constant 0 : i32
        %dma_wait3A_279 = tpu.memref_slice %arg8[%add3A_48, %dma_wait3A, %dma_wait3A_278] : memref<12x10000x32xf32, #tpu.memory_space<hbm>> -> memref<1x400x32xf32, #tpu.memory_space<hbm>>
        %dma_wait3A_280 = tpu.memref_squeeze %dma_wait3A_279 : memref<1x400x32xf32, #tpu.memory_space<hbm>> -> memref<400x32xf32, #tpu.memory_space<hbm>>
        %dma_wait3A_281 = arith.constant 9600 : i32
        %dma_wait3A_282 = arith.constant 0 : i32
        %dma_wait3A_283 = tpu.memref_slice %arg19[%dma_wait3A_281, %dma_wait3A_282] : memref<10000x32xf32, #tpu.memory_space<vmem_shared>> -> memref<400x32xf32, #tpu.memory_space<vmem_shared>>
        tpu.wait_dma2 semaphore(%run_scoped3A : memref<!tpu.dma_semaphore, #tpu.memory_space<semaphore_mem>>) src(%dma_wait3A_283 : memref<400x32xf32, #tpu.memory_space<vmem_shared>>) dst(%dma_wait3A_280 : memref<400x32xf32, #tpu.memory_space<hbm>>)
        tpu.yield
      }) : () -> ()
    } else {
    }
    %barrier3A_87 = arith.constant 0 : index
    tpu.barrier barrier_id(%barrier3A_87)
    %add3A_88 = arith.constant 4 : i32
    %add3A_89 = arith.addi %add3A_88, %arg0 : i32
    %broadcast_in_dim3A_90 = arith.constant 1 : i32
    %broadcast_in_dim3A_91 = vector.broadcast %broadcast_in_dim3A_90 : i32 to vector<16xi32>
    %lt3A_92 = arith.constant 0 : i32
    %lt3A_93 = vector.broadcast %lt3A_92 : i32 to vector<16xi32>
    %lt3A_94 = arith.cmpi slt, %broadcast_in_dim3A_91, %lt3A_93 : vector<16xi32>
    %add3A_95 = arith.constant 16 : i32
    %add3A_96 = vector.broadcast %add3A_95 : i32 to vector<16xi32>
    %add3A_97 = arith.addi %broadcast_in_dim3A_91, %add3A_96 : vector<16xi32>
    %select_n3A_98 = arith.select %lt3A_94, %add3A_97, %broadcast_in_dim3A_91 : vector<16xi1>, vector<16xi32>
    %broadcast_in_dim3A_99 = vector.shape_cast %select_n3A_98 : vector<16xi32> to vector<16x1xi32>
    %gather3A_100 = vector.shape_cast %broadcast_in_dim3A_99 : vector<16x1xi32> to vector<16xi32>
    %gather3A_101 = tpu.dynamic_gather %get3A_1[%gather3A_100] in [0] : vector<16xf32>, vector<16xi32> -> vector<16xf32>
    "tpu.region"() ({
      %run_scoped3A = tpu.sem_alloc : memref<!tpu.dma_semaphore, #tpu.memory_space<semaphore_mem>>
      %dma_start3A = arith.constant 0 : i32
      %dma_start3A_272 = tpu.memref_slice %arg10[%dma_start3A] : memref<20000xf32, #tpu.memory_space<vmem>> -> memref<10000xf32, #tpu.memory_space<vmem>>
      %dma_start3A_273 = arith.constant 10000 : i32
      %dma_start3A_274 = tpu.memref_slice %arg4[%dma_start3A_273] : memref<60000xf32, #tpu.memory_space<hbm>> -> memref<10000xf32, #tpu.memory_space<hbm>>
      %dma_start3A_275 = arith.constant 0 : i32
      %dma_start3A_276 = tpu.memref_slice %arg10[%dma_start3A_275] : memref<20000xf32, #tpu.memory_space<vmem>> -> memref<10000xf32, #tpu.memory_space<vmem>>
      %dma_start3A_277 = arith.constant 10000 : i32
      %dma_start3A_278 = tpu.memref_slice %arg4[%dma_start3A_277] : memref<60000xf32, #tpu.memory_space<hbm>> -> memref<10000xf32, #tpu.memory_space<hbm>>
      tpu.enqueue_dma source(%dma_start3A_278 : memref<10000xf32, #tpu.memory_space<hbm>>) target(%dma_start3A_276 : memref<10000xf32, #tpu.memory_space<vmem>>) target_semaphore(%run_scoped3A : memref<!tpu.dma_semaphore, #tpu.memory_space<semaphore_mem>>)
      %dma_wait3A = arith.constant 0 : i32
      %dma_wait3A_279 = tpu.memref_slice %arg10[%dma_wait3A] : memref<20000xf32, #tpu.memory_space<vmem>> -> memref<10000xf32, #tpu.memory_space<vmem>>
      %dma_wait3A_280 = arith.constant 10000 : i32
      %dma_wait3A_281 = tpu.memref_slice %arg4[%dma_wait3A_280] : memref<60000xf32, #tpu.memory_space<hbm>> -> memref<10000xf32, #tpu.memory_space<hbm>>
      %dma_wait3A_282 = arith.constant 0 : i32
      %dma_wait3A_283 = tpu.memref_slice %arg10[%dma_wait3A_282] : memref<20000xf32, #tpu.memory_space<vmem>> -> memref<10000xf32, #tpu.memory_space<vmem>>
      %dma_wait3A_284 = arith.constant 10000 : i32
      %dma_wait3A_285 = tpu.memref_slice %arg4[%dma_wait3A_284] : memref<60000xf32, #tpu.memory_space<hbm>> -> memref<10000xf32, #tpu.memory_space<hbm>>
      tpu.wait_dma2 semaphore(%run_scoped3A : memref<!tpu.dma_semaphore, #tpu.memory_space<semaphore_mem>>) src(%dma_wait3A_285 : memref<10000xf32, #tpu.memory_space<hbm>>) dst(%dma_wait3A_283 : memref<10000xf32, #tpu.memory_space<vmem>>)
      tpu.yield
    }) : () -> ()
    "tpu.region"() ({
      %run_scoped3A = tpu.sem_alloc : memref<!tpu.dma_semaphore, #tpu.memory_space<semaphore_mem>>
      %dma_start3A = arith.constant 10000 : i32
      %dma_start3A_272 = tpu.memref_slice %arg10[%dma_start3A] : memref<20000xf32, #tpu.memory_space<vmem>> -> memref<10000xf32, #tpu.memory_space<vmem>>
      %dma_start3A_273 = arith.constant 40000 : i32
      %dma_start3A_274 = tpu.memref_slice %arg4[%dma_start3A_273] : memref<60000xf32, #tpu.memory_space<hbm>> -> memref<10000xf32, #tpu.memory_space<hbm>>
      %dma_start3A_275 = arith.constant 10000 : i32
      %dma_start3A_276 = tpu.memref_slice %arg10[%dma_start3A_275] : memref<20000xf32, #tpu.memory_space<vmem>> -> memref<10000xf32, #tpu.memory_space<vmem>>
      %dma_start3A_277 = arith.constant 40000 : i32
      %dma_start3A_278 = tpu.memref_slice %arg4[%dma_start3A_277] : memref<60000xf32, #tpu.memory_space<hbm>> -> memref<10000xf32, #tpu.memory_space<hbm>>
      tpu.enqueue_dma source(%dma_start3A_278 : memref<10000xf32, #tpu.memory_space<hbm>>) target(%dma_start3A_276 : memref<10000xf32, #tpu.memory_space<vmem>>) target_semaphore(%run_scoped3A : memref<!tpu.dma_semaphore, #tpu.memory_space<semaphore_mem>>)
      %dma_wait3A = arith.constant 10000 : i32
      %dma_wait3A_279 = tpu.memref_slice %arg10[%dma_wait3A] : memref<20000xf32, #tpu.memory_space<vmem>> -> memref<10000xf32, #tpu.memory_space<vmem>>
      %dma_wait3A_280 = arith.constant 40000 : i32
      %dma_wait3A_281 = tpu.memref_slice %arg4[%dma_wait3A_280] : memref<60000xf32, #tpu.memory_space<hbm>> -> memref<10000xf32, #tpu.memory_space<hbm>>
      %dma_wait3A_282 = arith.constant 10000 : i32
      %dma_wait3A_283 = tpu.memref_slice %arg10[%dma_wait3A_282] : memref<20000xf32, #tpu.memory_space<vmem>> -> memref<10000xf32, #tpu.memory_space<vmem>>
      %dma_wait3A_284 = arith.constant 40000 : i32
      %dma_wait3A_285 = tpu.memref_slice %arg4[%dma_wait3A_284] : memref<60000xf32, #tpu.memory_space<hbm>> -> memref<10000xf32, #tpu.memory_space<hbm>>
      tpu.wait_dma2 semaphore(%run_scoped3A : memref<!tpu.dma_semaphore, #tpu.memory_space<semaphore_mem>>) src(%dma_wait3A_285 : memref<10000xf32, #tpu.memory_space<hbm>>) dst(%dma_wait3A_283 : memref<10000xf32, #tpu.memory_space<vmem>>)
      tpu.yield
    }) : () -> ()
    %scan3A_102 = arith.constant 0 : i32
    %scan3A_103 = arith.constant 0 : i32
    %scan3A_104 = arith.constant 625 : i32
    %scan3A_105 = arith.addi %scan3A_103, %scan3A_104 : i32
    %scan3A_106 = arith.constant 1 : i32
    %scan3A_107 = scf.for %scan3A_272 = %scan3A_103 to %scan3A_105 step %scan3A_106 iter_args(%scan3A_273 = %scan3A_102) -> (i32)  : i32 {
      %mul3A_274 = arith.constant 16 : i32
      %mul3A_275 = arith.muli %scan3A_272, %mul3A_274 : i32
      %swap3A = arith.index_cast %mul3A_275 : i32 to index
      %swap3A_276 = tpu.vector_load %arg11[%swap3A] {strides = array<i32>} : memref<10000xf32, #tpu.memory_space<vmem>>, vector<16xf32>,
      tpu.vector_store %arg11[%swap3A], %broadcast_in_dim3A_2 {strides = array<i32>} : memref<10000xf32, #tpu.memory_space<vmem>>, vector<16xf32>,
      %scan3A_277 = arith.constant 0 : i32
      scf.yield %scan3A_277 : i32
    }
    %scan3A_108 = arith.constant 625 : i32
    %eq3A_109 = arith.constant 0 : i32
    %eq3A_110 = arith.cmpi eq, %arg1, %eq3A_109 : i32
    %convert_element_type3A_111 = arith.extui %eq3A_110 : i1 to i32
    %cond3A_112 = arith.constant 0 : i32
    %cond3A_113 = arith.cmpi ne, %convert_element_type3A_111, %cond3A_112 : i32
    scf.if %cond3A_113 {
      "tpu.region"() ({
        %run_scoped3A = tpu.sem_alloc : memref<!tpu.dma_semaphore, #tpu.memory_space<semaphore_mem>>
        tpu.enqueue_dma source(%arg7 : memref<10000x32xf32, #tpu.memory_space<hbm>>) target(%arg19 : memref<10000x32xf32, #tpu.memory_space<vmem_shared>>) target_semaphore(%run_scoped3A : memref<!tpu.dma_semaphore, #tpu.memory_space<semaphore_mem>>)
        tpu.wait_dma2 semaphore(%run_scoped3A : memref<!tpu.dma_semaphore, #tpu.memory_space<semaphore_mem>>) src(%arg7 : memref<10000x32xf32, #tpu.memory_space<hbm>>) dst(%arg19 : memref<10000x32xf32, #tpu.memory_space<vmem_shared>>)
        tpu.yield
      }) : () -> ()
    } else {
    }
    %barrier3A_114 = arith.constant 0 : index
    tpu.barrier barrier_id(%barrier3A_114)
    %mul3A_115 = arith.constant 10000 : i32
    %mul3A_116 = arith.muli %add3A_89, %mul3A_115 : i32
    %scan3A_117 = arith.constant 0 : i32
    %scan3A_118 = arith.constant 0 : i32
    %scan3A_119 = arith.constant 80 : i32
    %scan3A_120 = arith.addi %scan3A_118, %scan3A_119 : i32
    %scan3A_121 = arith.constant 1 : i32
    %scan3A_122 = scf.for %scan3A_272 = %scan3A_118 to %scan3A_120 step %scan3A_121 iter_args(%scan3A_273 = %scan3A_117) -> (i32)  : i32 {
      %scan3A_274 = arith.constant 0 : i32
      %scan3A_275 = arith.constant 0 : i32
      %scan3A_276 = arith.constant 8 : i32
      %scan3A_277 = arith.addi %scan3A_275, %scan3A_276 : i32
      %scan3A_278 = arith.constant 1 : i32
      %scan3A_279 = scf.for %scan3A_293 = %scan3A_275 to %scan3A_277 step %scan3A_278 iter_args(%scan3A_294 = %scan3A_274) -> (i32)  : i32 {
        %mul3A_295 = arith.constant 128 : i32
        %mul3A_296 = arith.muli %scan3A_272, %mul3A_295 : i32
        %mul3A_297 = arith.constant 16 : i32
        %mul3A_298 = arith.muli %scan3A_293, %mul3A_297 : i32
        %add3A_299 = arith.addi %mul3A_296, %mul3A_298 : i32
        %get3A_300 = arith.index_cast %add3A_299 : i32 to index
        %get3A_301 = tpu.vector_load %arg12[%get3A_300] {strides = array<i32>} : memref<10240xi32, #tpu.memory_space<vmem>>, vector<16xi32>,
        %get3A_302 = arith.index_cast %add3A_299 : i32 to index
        %get3A_303 = tpu.vector_load %arg13[%get3A_302] {strides = array<i32>} : memref<10240xi32, #tpu.memory_space<vmem>>, vector<16xi32>,
        %ne3A = arith.cmpi ne, %get3A_301, %get3A_303 : vector<16xi32>
        %convert_element_type3A_304 = arith.extui %ne3A : vector<16xi1> to vector<16xi32>
        %convert_element_type3A_305 = arith.sitofp %convert_element_type3A_304 : vector<16xi32> to vector<16xf32>
        %gather3A_306 = tpu.vector_load_idx %arg10[%get3A_301] : memref<20000xf32, #tpu.memory_space<vmem>>[vector<16xi32>], vector<16xf32>,
        %add3A_307 = arith.constant 10000 : i32
        %add3A_308 = vector.broadcast %add3A_307 : i32 to vector<16xi32>
        %add3A_309 = arith.addi %get3A_303, %add3A_308 : vector<16xi32>
        %gather3A_310 = tpu.vector_load_idx %arg10[%add3A_309] : memref<20000xf32, #tpu.memory_space<vmem>>[vector<16xi32>], vector<16xf32>,
        %add3A_311 = arith.addf %gather3A_306, %gather3A_310 : vector<16xf32>
        %gt3A = arith.constant 0.000000e+00 : f32
        %gt3A_312 = vector.broadcast %gt3A : f32 to vector<16xf32>
        %gt3A_313 = arith.cmpf ogt, %add3A_311, %gt3A_312 : vector<16xf32>
        %mul3A_314 = arith.constant 2.000000e-01 : f32
        %mul3A_315 = vector.broadcast %mul3A_314 : f32 to vector<16xf32>
        %mul3A_316 = arith.mulf %add3A_311, %mul3A_315 : vector<16xf32>
        %select_n3A_317 = arith.select %gt3A_313, %add3A_311, %mul3A_316 : vector<16xi1>, vector<16xf32>
        %sub3A = arith.subf %select_n3A_317, %gather3A_101 : vector<16xf32>
        %exp3A = math.exp %sub3A : vector<16xf32>
        %mul3A_318 = arith.mulf %exp3A, %convert_element_type3A_305 : vector<16xf32>
        %convert_element_type3A_319 = arith.extui %eq3A_0 : i1 to i32
        %cond3A_320 = arith.constant 0 : i32
        %cond3A_321 = arith.cmpi ne, %convert_element_type3A_319, %cond3A_320 : i32
        scf.if %cond3A_321 {
          tpu.vector_store_idx %arg11[%get3A_303], %mul3A_318 {add = true} : memref<10000xf32, #tpu.memory_space<vmem>>[vector<16xi32>], vector<16xf32>,
        } else {
        }
        %mul3A_322 = arith.constant 16 : i32
        %mul3A_323 = arith.muli %scan3A_293, %mul3A_322 : i32
        %swap3A = arith.index_cast %mul3A_323 : i32 to index
        %swap3A_324 = tpu.vector_load %arg16[%swap3A] {strides = array<i32>} : memref<128xf32, #tpu.memory_space<vmem>>, vector<16xf32>,
        tpu.vector_store %arg16[%swap3A], %mul3A_318 {strides = array<i32>} : memref<128xf32, #tpu.memory_space<vmem>>, vector<16xf32>,
        %add3A_325 = vector.broadcast %mul3A_116 : i32 to vector<16xi32>
        %add3A_326 = arith.addi %get3A_301, %add3A_325 : vector<16xi32>
        %mul3A_327 = arith.constant 16 : i32
        %mul3A_328 = arith.muli %scan3A_293, %mul3A_327 : i32
        %swap3A_329 = arith.index_cast %mul3A_328 : i32 to index
        %swap3A_330 = tpu.vector_load %arg15[%swap3A_329] {strides = array<i32>} : memref<128xi32, #tpu.memory_space<vmem>>, vector<16xi32>,
        tpu.vector_store %arg15[%swap3A_329], %add3A_326 {strides = array<i32>} : memref<128xi32, #tpu.memory_space<vmem>>, vector<16xi32>,
        %mul3A_331 = arith.constant 16 : i32
        %mul3A_332 = arith.muli %scan3A_293, %mul3A_331 : i32
        %swap3A_333 = arith.index_cast %mul3A_332 : i32 to index
        %swap3A_334 = tpu.vector_load %arg14[%swap3A_333] {strides = array<i32>} : memref<128xi32, #tpu.memory_space<vmem>>, vector<16xi32>,
        tpu.vector_store %arg14[%swap3A_333], %get3A_303 {strides = array<i32>} : memref<128xi32, #tpu.memory_space<vmem>>, vector<16xi32>,
        %scan3A_335 = arith.constant 0 : i32
        scf.yield %scan3A_335 : i32
      }
      %scan3A_280 = arith.constant 8 : i32
      %dma_start3A = arith.constant 0 : i32
      %dma_start3A_281 = arith.constant 0 : i32
      %dma_start3A_282 = tpu.memref_slice %arg6[%dma_start3A, %dma_start3A_281] : memref<120000x32xf32, #tpu.memory_space<hbm>> -> memref<120000x32xf32, #tpu.memory_space<hbm>>
      tpu.enqueue_indirect_dma source(%dma_start3A_282 : memref<120000x32xf32, #tpu.memory_space<hbm>>) target(%arg17 : memref<128x32xf32, #tpu.memory_space<vmem>>) offsets(%arg15 : memref<128xi32, #tpu.memory_space<vmem>>) semaphore(%arg20 : memref<!tpu.dma_semaphore, #tpu.memory_space<semaphore_mem>>)
      %dma_wait3A = arith.constant 0 : i32
      %dma_wait3A_283 = arith.constant 0 : i32
      %dma_wait3A_284 = tpu.memref_slice %arg6[%dma_wait3A, %dma_wait3A_283] : memref<120000x32xf32, #tpu.memory_space<hbm>> -> memref<120000x32xf32, #tpu.memory_space<hbm>>
      tpu.wait_indirect_dma semaphore(%arg20 : memref<!tpu.dma_semaphore, #tpu.memory_space<semaphore_mem>>) src(%dma_wait3A_284 : memref<120000x32xf32, #tpu.memory_space<hbm>>) dst(%arg17 : memref<128x32xf32, #tpu.memory_space<vmem>>)
      %scan3A_285 = arith.constant 0 : i32
      %scan3A_286 = arith.constant 0 : i32
      %scan3A_287 = arith.constant 8 : i32
      %scan3A_288 = arith.addi %scan3A_286, %scan3A_287 : i32
      %scan3A_289 = arith.constant 1 : i32
      %scan3A_290 = scf.for %scan3A_293 = %scan3A_286 to %scan3A_288 step %scan3A_289 iter_args(%scan3A_294 = %scan3A_285) -> (i32)  : i32 {
        %mul3A_295 = arith.constant 16 : i32
        %mul3A_296 = arith.muli %scan3A_293, %mul3A_295 : i32
        %get3A_297 = arith.index_cast %mul3A_296 : i32 to index
        %get3A_298 = tpu.vector_load %arg16[%get3A_297] {strides = array<i32>} : memref<128xf32, #tpu.memory_space<vmem>>, vector<16xf32>,
        %scan3A_299 = arith.constant 0 : i32
        %scan3A_300 = arith.constant 0 : i32
        %scan3A_301 = arith.constant 16 : i32
        %scan3A_302 = arith.addi %scan3A_300, %scan3A_301 : i32
        %scan3A_303 = arith.constant 1 : i32
        %scan3A_304 = scf.for %scan3A_307 = %scan3A_300 to %scan3A_302 step %scan3A_303 iter_args(%scan3A_308 = %scan3A_299) -> (i32)  : i32 {
          %broadcast_in_dim3A_309 = vector.broadcast %scan3A_307 : i32 to vector<16xi32>
          %lt3A_310 = arith.constant 0 : i32
          %lt3A_311 = vector.broadcast %lt3A_310 : i32 to vector<16xi32>
          %lt3A_312 = arith.cmpi slt, %broadcast_in_dim3A_309, %lt3A_311 : vector<16xi32>
          %add3A_313 = arith.constant 16 : i32
          %add3A_314 = vector.broadcast %add3A_313 : i32 to vector<16xi32>
          %add3A_315 = arith.addi %broadcast_in_dim3A_309, %add3A_314 : vector<16xi32>
          %select_n3A_316 = arith.select %lt3A_312, %add3A_315, %broadcast_in_dim3A_309 : vector<16xi1>, vector<16xi32>
          %broadcast_in_dim3A_317 = vector.shape_cast %select_n3A_316 : vector<16xi32> to vector<16x1xi32>
          %gather3A_318 = vector.shape_cast %broadcast_in_dim3A_317 : vector<16x1xi32> to vector<16xi32>
          %gather3A_319 = tpu.dynamic_gather %get3A_298[%gather3A_318] in [0] : vector<16xf32>, vector<16xi32> -> vector<16xf32>
          %mul3A_320 = arith.constant 16 : i32
          %mul3A_321 = arith.muli %scan3A_293, %mul3A_320 : i32
          %add3A_322 = arith.addi %mul3A_321, %scan3A_307 : i32
          %get3A_323 = arith.index_cast %add3A_322 : i32 to index
          %get3A_324 = arith.constant 0 : index
          %get3A_325 = tpu.vector_load %arg17[%get3A_323, %get3A_324] {strides = array<i32>} : memref<128x32xf32, #tpu.memory_space<vmem>>, vector<16xf32>,
          %mul3A_326 = arith.mulf %get3A_325, %gather3A_319 : vector<16xf32>
          %swap3A = arith.index_cast %add3A_322 : i32 to index
          %swap3A_327 = arith.constant 0 : index
          %swap3A_328 = tpu.vector_load %arg17[%swap3A, %swap3A_327] {strides = array<i32>} : memref<128x32xf32, #tpu.memory_space<vmem>>, vector<16xf32>,
          tpu.vector_store %arg17[%swap3A, %swap3A_327], %mul3A_326 {strides = array<i32>} : memref<128x32xf32, #tpu.memory_space<vmem>>, vector<16xf32>,
          %get3A_329 = arith.index_cast %add3A_322 : i32 to index
          %get3A_330 = arith.constant 16 : index
          %get3A_331 = tpu.vector_load %arg17[%get3A_329, %get3A_330] {strides = array<i32>} : memref<128x32xf32, #tpu.memory_space<vmem>>, vector<16xf32>,
          %mul3A_332 = arith.mulf %get3A_331, %gather3A_319 : vector<16xf32>
          %swap3A_333 = arith.index_cast %add3A_322 : i32 to index
          %swap3A_334 = arith.constant 16 : index
          %swap3A_335 = tpu.vector_load %arg17[%swap3A_333, %swap3A_334] {strides = array<i32>} : memref<128x32xf32, #tpu.memory_space<vmem>>, vector<16xf32>,
          tpu.vector_store %arg17[%swap3A_333, %swap3A_334], %mul3A_332 {strides = array<i32>} : memref<128x32xf32, #tpu.memory_space<vmem>>, vector<16xf32>,
          %scan3A_336 = arith.constant 0 : i32
          scf.yield %scan3A_336 : i32
        }
        %scan3A_305 = arith.constant 16 : i32
        %scan3A_306 = arith.constant 0 : i32
        scf.yield %scan3A_306 : i32
      }
      %scan3A_291 = arith.constant 8 : i32
      "tpu.region"() ({
        %run_scoped3A = tpu.sem_alloc : memref<!tpu.dma_semaphore, #tpu.memory_space<semaphore_mem>>
        %dma_start3A_293 = arith.constant 0 : i32
        %dma_start3A_294 = arith.constant 0 : i32
        %dma_start3A_295 = tpu.memref_slice %arg19[%dma_start3A_293, %dma_start3A_294] : memref<10000x32xf32, #tpu.memory_space<vmem_shared>> -> memref<10000x32xf32, #tpu.memory_space<vmem_shared>>
        tpu.enqueue_indirect_dma source(%arg17 : memref<128x32xf32, #tpu.memory_space<vmem>>) target(%dma_start3A_295 : memref<10000x32xf32, #tpu.memory_space<vmem_shared>>) offsets(%arg14 : memref<128xi32, #tpu.memory_space<vmem>>) semaphore(%run_scoped3A : memref<!tpu.dma_semaphore, #tpu.memory_space<semaphore_mem>>) {add = true}
        %dma_wait3A_296 = arith.constant 0 : i32
        %dma_wait3A_297 = arith.constant 0 : i32
        %dma_wait3A_298 = tpu.memref_slice %arg19[%dma_wait3A_296, %dma_wait3A_297] : memref<10000x32xf32, #tpu.memory_space<vmem_shared>> -> memref<10000x32xf32, #tpu.memory_space<vmem_shared>>
        tpu.wait_indirect_dma semaphore(%run_scoped3A : memref<!tpu.dma_semaphore, #tpu.memory_space<semaphore_mem>>) src(%arg17 : memref<128x32xf32, #tpu.memory_space<vmem>>) dst(%dma_wait3A_298 : memref<10000x32xf32, #tpu.memory_space<vmem_shared>>)
        tpu.yield
      }) : () -> ()
      %scan3A_292 = arith.constant 0 : i32
      scf.yield %scan3A_292 : i32
    }
    %scan3A_123 = arith.constant 80 : i32
    %barrier3A_124 = arith.constant 0 : index
    tpu.barrier barrier_id(%barrier3A_124)
    %lt3A_125 = arith.constant 15 : i32
    %lt3A_126 = arith.cmpi slt, %arg1, %lt3A_125 : i32
    %convert_element_type3A_127 = arith.extui %lt3A_126 : i1 to i32
    %cond3A_128 = arith.constant 0 : i32
    %cond3A_129 = arith.cmpi ne, %convert_element_type3A_127, %cond3A_128 : i32
    scf.if %cond3A_129 {
      %mul3A_272 = arith.constant 640 : i32
      %mul3A_273 = arith.muli %arg1, %mul3A_272 : i32
      %mul3A_274 = arith.constant 640 : i32
      %mul3A_275 = arith.muli %arg1, %mul3A_274 : i32
      "tpu.region"() ({
        %run_scoped3A = tpu.sem_alloc : memref<!tpu.dma_semaphore, #tpu.memory_space<semaphore_mem>>
        %dma_start3A = arith.constant 0 : i32
        %dma_start3A_276 = tpu.memref_slice %arg8[%add3A_89, %mul3A_275, %dma_start3A] : memref<12x10000x32xf32, #tpu.memory_space<hbm>> -> memref<1x640x32xf32, #tpu.memory_space<hbm>>
        %dma_start3A_277 = tpu.memref_squeeze %dma_start3A_276 : memref<1x640x32xf32, #tpu.memory_space<hbm>> -> memref<640x32xf32, #tpu.memory_space<hbm>>
        %dma_start3A_278 = arith.constant 0 : i32
        %dma_start3A_279 = tpu.memref_slice %arg19[%mul3A_273, %dma_start3A_278] : memref<10000x32xf32, #tpu.memory_space<vmem_shared>> -> memref<640x32xf32, #tpu.memory_space<vmem_shared>>
        tpu.enqueue_dma source(%dma_start3A_279 : memref<640x32xf32, #tpu.memory_space<vmem_shared>>) target(%dma_start3A_277 : memref<640x32xf32, #tpu.memory_space<hbm>>) target_semaphore(%run_scoped3A : memref<!tpu.dma_semaphore, #tpu.memory_space<semaphore_mem>>)
        %dma_wait3A = arith.constant 0 : i32
        %dma_wait3A_280 = tpu.memref_slice %arg8[%add3A_89, %mul3A_275, %dma_wait3A] : memref<12x10000x32xf32, #tpu.memory_space<hbm>> -> memref<1x640x32xf32, #tpu.memory_space<hbm>>
        %dma_wait3A_281 = tpu.memref_squeeze %dma_wait3A_280 : memref<1x640x32xf32, #tpu.memory_space<hbm>> -> memref<640x32xf32, #tpu.memory_space<hbm>>
        %dma_wait3A_282 = arith.constant 0 : i32
        %dma_wait3A_283 = tpu.memref_slice %arg19[%mul3A_273, %dma_wait3A_282] : memref<10000x32xf32, #tpu.memory_space<vmem_shared>> -> memref<640x32xf32, #tpu.memory_space<vmem_shared>>
        tpu.wait_dma2 semaphore(%run_scoped3A : memref<!tpu.dma_semaphore, #tpu.memory_space<semaphore_mem>>) src(%dma_wait3A_283 : memref<640x32xf32, #tpu.memory_space<vmem_shared>>) dst(%dma_wait3A_281 : memref<640x32xf32, #tpu.memory_space<hbm>>)
        tpu.yield
      }) : () -> ()
    } else {
    }
    %eq3A_130 = arith.constant 15 : i32
    %eq3A_131 = arith.cmpi eq, %arg1, %eq3A_130 : i32
    %convert_element_type3A_132 = arith.extui %eq3A_131 : i1 to i32
    %cond3A_133 = arith.constant 0 : i32
    %cond3A_134 = arith.cmpi ne, %convert_element_type3A_132, %cond3A_133 : i32
    scf.if %cond3A_134 {
      "tpu.region"() ({
        %run_scoped3A = tpu.sem_alloc : memref<!tpu.dma_semaphore, #tpu.memory_space<semaphore_mem>>
        %dma_start3A = arith.constant 9600 : i32
        %dma_start3A_272 = arith.constant 0 : i32
        %dma_start3A_273 = tpu.memref_slice %arg8[%add3A_89, %dma_start3A, %dma_start3A_272] : memref<12x10000x32xf32, #tpu.memory_space<hbm>> -> memref<1x400x32xf32, #tpu.memory_space<hbm>>
        %dma_start3A_274 = tpu.memref_squeeze %dma_start3A_273 : memref<1x400x32xf32, #tpu.memory_space<hbm>> -> memref<400x32xf32, #tpu.memory_space<hbm>>
        %dma_start3A_275 = arith.constant 9600 : i32
        %dma_start3A_276 = arith.constant 0 : i32
        %dma_start3A_277 = tpu.memref_slice %arg19[%dma_start3A_275, %dma_start3A_276] : memref<10000x32xf32, #tpu.memory_space<vmem_shared>> -> memref<400x32xf32, #tpu.memory_space<vmem_shared>>
        tpu.enqueue_dma source(%dma_start3A_277 : memref<400x32xf32, #tpu.memory_space<vmem_shared>>) target(%dma_start3A_274 : memref<400x32xf32, #tpu.memory_space<hbm>>) target_semaphore(%run_scoped3A : memref<!tpu.dma_semaphore, #tpu.memory_space<semaphore_mem>>)
        %dma_wait3A = arith.constant 9600 : i32
        %dma_wait3A_278 = arith.constant 0 : i32
        %dma_wait3A_279 = tpu.memref_slice %arg8[%add3A_89, %dma_wait3A, %dma_wait3A_278] : memref<12x10000x32xf32, #tpu.memory_space<hbm>> -> memref<1x400x32xf32, #tpu.memory_space<hbm>>
        %dma_wait3A_280 = tpu.memref_squeeze %dma_wait3A_279 : memref<1x400x32xf32, #tpu.memory_space<hbm>> -> memref<400x32xf32, #tpu.memory_space<hbm>>
        %dma_wait3A_281 = arith.constant 9600 : i32
        %dma_wait3A_282 = arith.constant 0 : i32
        %dma_wait3A_283 = tpu.memref_slice %arg19[%dma_wait3A_281, %dma_wait3A_282] : memref<10000x32xf32, #tpu.memory_space<vmem_shared>> -> memref<400x32xf32, #tpu.memory_space<vmem_shared>>
        tpu.wait_dma2 semaphore(%run_scoped3A : memref<!tpu.dma_semaphore, #tpu.memory_space<semaphore_mem>>) src(%dma_wait3A_283 : memref<400x32xf32, #tpu.memory_space<vmem_shared>>) dst(%dma_wait3A_280 : memref<400x32xf32, #tpu.memory_space<hbm>>)
        tpu.yield
      }) : () -> ()
    } else {
    }
    %convert_element_type3A_135 = arith.extui %eq3A_0 : i1 to i32
    %cond3A_136 = arith.constant 0 : i32
    %cond3A_137 = arith.cmpi ne, %convert_element_type3A_135, %cond3A_136 : i32
    scf.if %cond3A_137 {
      %mul3A_272 = arith.constant 3 : i32
      %mul3A_273 = arith.muli %arg1, %mul3A_272 : i32
      %mul3A_274 = arith.constant 10000 : i32
      %mul3A_275 = arith.muli %mul3A_273, %mul3A_274 : i32
      %add3A_276 = arith.constant 10000 : i32
      %add3A_277 = arith.addi %mul3A_275, %add3A_276 : i32
      "tpu.region"() ({
        %run_scoped3A = tpu.sem_alloc : memref<!tpu.dma_semaphore, #tpu.memory_space<semaphore_mem>>
        %dma_start3A = tpu.memref_slice %arg9[%add3A_277] : memref<480000xf32, #tpu.memory_space<hbm>> -> memref<10000xf32, #tpu.memory_space<hbm>>
        %dma_start3A_278 = tpu.memref_slice %arg9[%add3A_277] : memref<480000xf32, #tpu.memory_space<hbm>> -> memref<10000xf32, #tpu.memory_space<hbm>>
        tpu.enqueue_dma source(%arg11 : memref<10000xf32, #tpu.memory_space<vmem>>) target(%dma_start3A_278 : memref<10000xf32, #tpu.memory_space<hbm>>) target_semaphore(%run_scoped3A : memref<!tpu.dma_semaphore, #tpu.memory_space<semaphore_mem>>)
        %dma_wait3A = tpu.memref_slice %arg9[%add3A_277] : memref<480000xf32, #tpu.memory_space<hbm>> -> memref<10000xf32, #tpu.memory_space<hbm>>
        %dma_wait3A_279 = tpu.memref_slice %arg9[%add3A_277] : memref<480000xf32, #tpu.memory_space<hbm>> -> memref<10000xf32, #tpu.memory_space<hbm>>
        tpu.wait_dma2 semaphore(%run_scoped3A : memref<!tpu.dma_semaphore, #tpu.memory_space<semaphore_mem>>) src(%arg11 : memref<10000xf32, #tpu.memory_space<vmem>>) dst(%dma_wait3A_279 : memref<10000xf32, #tpu.memory_space<hbm>>)
        tpu.yield
      }) : () -> ()
    } else {
    }
    %barrier3A_138 = arith.constant 0 : index
    tpu.barrier barrier_id(%barrier3A_138)
    %add3A_139 = arith.constant 6 : i32
    %add3A_140 = arith.addi %add3A_139, %arg0 : i32
    %broadcast_in_dim3A_141 = arith.constant 1 : i32
    %broadcast_in_dim3A_142 = vector.broadcast %broadcast_in_dim3A_141 : i32 to vector<16xi32>
    %lt3A_143 = arith.constant 0 : i32
    %lt3A_144 = vector.broadcast %lt3A_143 : i32 to vector<16xi32>
    %lt3A_145 = arith.cmpi slt, %broadcast_in_dim3A_142, %lt3A_144 : vector<16xi32>
    %add3A_146 = arith.constant 16 : i32
    %add3A_147 = vector.broadcast %add3A_146 : i32 to vector<16xi32>
    %add3A_148 = arith.addi %broadcast_in_dim3A_142, %add3A_147 : vector<16xi32>
    %select_n3A_149 = arith.select %lt3A_145, %add3A_148, %broadcast_in_dim3A_142 : vector<16xi1>, vector<16xi32>
    %broadcast_in_dim3A_150 = vector.shape_cast %select_n3A_149 : vector<16xi32> to vector<16x1xi32>
    %gather3A_151 = vector.shape_cast %broadcast_in_dim3A_150 : vector<16x1xi32> to vector<16xi32>
    %gather3A_152 = tpu.dynamic_gather %get3A_1[%gather3A_151] in [0] : vector<16xf32>, vector<16xi32> -> vector<16xf32>
    %eq3A_153 = arith.constant 0 : i32
    %eq3A_154 = arith.cmpi eq, %arg1, %eq3A_153 : i32
    %convert_element_type3A_155 = arith.extui %eq3A_154 : i1 to i32
    %cond3A_156 = arith.constant 0 : i32
    %cond3A_157 = arith.cmpi ne, %convert_element_type3A_155, %cond3A_156 : i32
    scf.if %cond3A_157 {
      "tpu.region"() ({
        %run_scoped3A = tpu.sem_alloc : memref<!tpu.dma_semaphore, #tpu.memory_space<semaphore_mem>>
        tpu.enqueue_dma source(%arg7 : memref<10000x32xf32, #tpu.memory_space<hbm>>) target(%arg19 : memref<10000x32xf32, #tpu.memory_space<vmem_shared>>) target_semaphore(%run_scoped3A : memref<!tpu.dma_semaphore, #tpu.memory_space<semaphore_mem>>)
        tpu.wait_dma2 semaphore(%run_scoped3A : memref<!tpu.dma_semaphore, #tpu.memory_space<semaphore_mem>>) src(%arg7 : memref<10000x32xf32, #tpu.memory_space<hbm>>) dst(%arg19 : memref<10000x32xf32, #tpu.memory_space<vmem_shared>>)
        tpu.yield
      }) : () -> ()
    } else {
    }
    %barrier3A_158 = arith.constant 0 : index
    tpu.barrier barrier_id(%barrier3A_158)
    %mul3A_159 = arith.constant 10000 : i32
    %mul3A_160 = arith.muli %add3A_140, %mul3A_159 : i32
    %scan3A_161 = arith.constant 0 : i32
    %scan3A_162 = arith.constant 0 : i32
    %scan3A_163 = arith.constant 80 : i32
    %scan3A_164 = arith.addi %scan3A_162, %scan3A_163 : i32
    %scan3A_165 = arith.constant 1 : i32
    %scan3A_166 = scf.for %scan3A_272 = %scan3A_162 to %scan3A_164 step %scan3A_165 iter_args(%scan3A_273 = %scan3A_161) -> (i32)  : i32 {
      %scan3A_274 = arith.constant 0 : i32
      %scan3A_275 = arith.constant 0 : i32
      %scan3A_276 = arith.constant 8 : i32
      %scan3A_277 = arith.addi %scan3A_275, %scan3A_276 : i32
      %scan3A_278 = arith.constant 1 : i32
      %scan3A_279 = scf.for %scan3A_293 = %scan3A_275 to %scan3A_277 step %scan3A_278 iter_args(%scan3A_294 = %scan3A_274) -> (i32)  : i32 {
        %mul3A_295 = arith.constant 128 : i32
        %mul3A_296 = arith.muli %scan3A_272, %mul3A_295 : i32
        %mul3A_297 = arith.constant 16 : i32
        %mul3A_298 = arith.muli %scan3A_293, %mul3A_297 : i32
        %add3A_299 = arith.addi %mul3A_296, %mul3A_298 : i32
        %get3A_300 = arith.index_cast %add3A_299 : i32 to index
        %get3A_301 = tpu.vector_load %arg12[%get3A_300] {strides = array<i32>} : memref<10240xi32, #tpu.memory_space<vmem>>, vector<16xi32>,
        %get3A_302 = arith.index_cast %add3A_299 : i32 to index
        %get3A_303 = tpu.vector_load %arg13[%get3A_302] {strides = array<i32>} : memref<10240xi32, #tpu.memory_space<vmem>>, vector<16xi32>,
        %ne3A = arith.cmpi ne, %get3A_301, %get3A_303 : vector<16xi32>
        %convert_element_type3A_304 = arith.extui %ne3A : vector<16xi1> to vector<16xi32>
        %convert_element_type3A_305 = arith.sitofp %convert_element_type3A_304 : vector<16xi32> to vector<16xf32>
        %gather3A_306 = tpu.vector_load_idx %arg10[%get3A_301] : memref<20000xf32, #tpu.memory_space<vmem>>[vector<16xi32>], vector<16xf32>,
        %add3A_307 = arith.constant 10000 : i32
        %add3A_308 = vector.broadcast %add3A_307 : i32 to vector<16xi32>
        %add3A_309 = arith.addi %get3A_303, %add3A_308 : vector<16xi32>
        %gather3A_310 = tpu.vector_load_idx %arg10[%add3A_309] : memref<20000xf32, #tpu.memory_space<vmem>>[vector<16xi32>], vector<16xf32>,
        %add3A_311 = arith.addf %gather3A_306, %gather3A_310 : vector<16xf32>
        %gt3A = arith.constant 0.000000e+00 : f32
        %gt3A_312 = vector.broadcast %gt3A : f32 to vector<16xf32>
        %gt3A_313 = arith.cmpf ogt, %add3A_311, %gt3A_312 : vector<16xf32>
        %mul3A_314 = arith.constant 2.000000e-01 : f32
        %mul3A_315 = vector.broadcast %mul3A_314 : f32 to vector<16xf32>
        %mul3A_316 = arith.mulf %add3A_311, %mul3A_315 : vector<16xf32>
        %select_n3A_317 = arith.select %gt3A_313, %add3A_311, %mul3A_316 : vector<16xi1>, vector<16xf32>
        %sub3A = arith.subf %select_n3A_317, %gather3A_152 : vector<16xf32>
        %exp3A = math.exp %sub3A : vector<16xf32>
        %mul3A_318 = arith.mulf %exp3A, %convert_element_type3A_305 : vector<16xf32>
        %mul3A_319 = arith.constant 16 : i32
        %mul3A_320 = arith.muli %scan3A_293, %mul3A_319 : i32
        %swap3A = arith.index_cast %mul3A_320 : i32 to index
        %swap3A_321 = tpu.vector_load %arg16[%swap3A] {strides = array<i32>} : memref<128xf32, #tpu.memory_space<vmem>>, vector<16xf32>,
        tpu.vector_store %arg16[%swap3A], %mul3A_318 {strides = array<i32>} : memref<128xf32, #tpu.memory_space<vmem>>, vector<16xf32>,
        %add3A_322 = vector.broadcast %mul3A_160 : i32 to vector<16xi32>
        %add3A_323 = arith.addi %get3A_301, %add3A_322 : vector<16xi32>
        %mul3A_324 = arith.constant 16 : i32
        %mul3A_325 = arith.muli %scan3A_293, %mul3A_324 : i32
        %swap3A_326 = arith.index_cast %mul3A_325 : i32 to index
        %swap3A_327 = tpu.vector_load %arg15[%swap3A_326] {strides = array<i32>} : memref<128xi32, #tpu.memory_space<vmem>>, vector<16xi32>,
        tpu.vector_store %arg15[%swap3A_326], %add3A_323 {strides = array<i32>} : memref<128xi32, #tpu.memory_space<vmem>>, vector<16xi32>,
        %mul3A_328 = arith.constant 16 : i32
        %mul3A_329 = arith.muli %scan3A_293, %mul3A_328 : i32
        %swap3A_330 = arith.index_cast %mul3A_329 : i32 to index
        %swap3A_331 = tpu.vector_load %arg14[%swap3A_330] {strides = array<i32>} : memref<128xi32, #tpu.memory_space<vmem>>, vector<16xi32>,
        tpu.vector_store %arg14[%swap3A_330], %get3A_303 {strides = array<i32>} : memref<128xi32, #tpu.memory_space<vmem>>, vector<16xi32>,
        %scan3A_332 = arith.constant 0 : i32
        scf.yield %scan3A_332 : i32
      }
      %scan3A_280 = arith.constant 8 : i32
      %dma_start3A = arith.constant 0 : i32
      %dma_start3A_281 = arith.constant 0 : i32
      %dma_start3A_282 = tpu.memref_slice %arg6[%dma_start3A, %dma_start3A_281] : memref<120000x32xf32, #tpu.memory_space<hbm>> -> memref<120000x32xf32, #tpu.memory_space<hbm>>
      tpu.enqueue_indirect_dma source(%dma_start3A_282 : memref<120000x32xf32, #tpu.memory_space<hbm>>) target(%arg17 : memref<128x32xf32, #tpu.memory_space<vmem>>) offsets(%arg15 : memref<128xi32, #tpu.memory_space<vmem>>) semaphore(%arg20 : memref<!tpu.dma_semaphore, #tpu.memory_space<semaphore_mem>>)
      %dma_wait3A = arith.constant 0 : i32
      %dma_wait3A_283 = arith.constant 0 : i32
      %dma_wait3A_284 = tpu.memref_slice %arg6[%dma_wait3A, %dma_wait3A_283] : memref<120000x32xf32, #tpu.memory_space<hbm>> -> memref<120000x32xf32, #tpu.memory_space<hbm>>
      tpu.wait_indirect_dma semaphore(%arg20 : memref<!tpu.dma_semaphore, #tpu.memory_space<semaphore_mem>>) src(%dma_wait3A_284 : memref<120000x32xf32, #tpu.memory_space<hbm>>) dst(%arg17 : memref<128x32xf32, #tpu.memory_space<vmem>>)
      %scan3A_285 = arith.constant 0 : i32
      %scan3A_286 = arith.constant 0 : i32
      %scan3A_287 = arith.constant 8 : i32
      %scan3A_288 = arith.addi %scan3A_286, %scan3A_287 : i32
      %scan3A_289 = arith.constant 1 : i32
      %scan3A_290 = scf.for %scan3A_293 = %scan3A_286 to %scan3A_288 step %scan3A_289 iter_args(%scan3A_294 = %scan3A_285) -> (i32)  : i32 {
        %mul3A_295 = arith.constant 16 : i32
        %mul3A_296 = arith.muli %scan3A_293, %mul3A_295 : i32
        %get3A_297 = arith.index_cast %mul3A_296 : i32 to index
        %get3A_298 = tpu.vector_load %arg16[%get3A_297] {strides = array<i32>} : memref<128xf32, #tpu.memory_space<vmem>>, vector<16xf32>,
        %scan3A_299 = arith.constant 0 : i32
        %scan3A_300 = arith.constant 0 : i32
        %scan3A_301 = arith.constant 16 : i32
        %scan3A_302 = arith.addi %scan3A_300, %scan3A_301 : i32
        %scan3A_303 = arith.constant 1 : i32
        %scan3A_304 = scf.for %scan3A_307 = %scan3A_300 to %scan3A_302 step %scan3A_303 iter_args(%scan3A_308 = %scan3A_299) -> (i32)  : i32 {
          %broadcast_in_dim3A_309 = vector.broadcast %scan3A_307 : i32 to vector<16xi32>
          %lt3A_310 = arith.constant 0 : i32
          %lt3A_311 = vector.broadcast %lt3A_310 : i32 to vector<16xi32>
          %lt3A_312 = arith.cmpi slt, %broadcast_in_dim3A_309, %lt3A_311 : vector<16xi32>
          %add3A_313 = arith.constant 16 : i32
          %add3A_314 = vector.broadcast %add3A_313 : i32 to vector<16xi32>
          %add3A_315 = arith.addi %broadcast_in_dim3A_309, %add3A_314 : vector<16xi32>
          %select_n3A_316 = arith.select %lt3A_312, %add3A_315, %broadcast_in_dim3A_309 : vector<16xi1>, vector<16xi32>
          %broadcast_in_dim3A_317 = vector.shape_cast %select_n3A_316 : vector<16xi32> to vector<16x1xi32>
          %gather3A_318 = vector.shape_cast %broadcast_in_dim3A_317 : vector<16x1xi32> to vector<16xi32>
          %gather3A_319 = tpu.dynamic_gather %get3A_298[%gather3A_318] in [0] : vector<16xf32>, vector<16xi32> -> vector<16xf32>
          %mul3A_320 = arith.constant 16 : i32
          %mul3A_321 = arith.muli %scan3A_293, %mul3A_320 : i32
          %add3A_322 = arith.addi %mul3A_321, %scan3A_307 : i32
          %get3A_323 = arith.index_cast %add3A_322 : i32 to index
          %get3A_324 = arith.constant 0 : index
          %get3A_325 = tpu.vector_load %arg17[%get3A_323, %get3A_324] {strides = array<i32>} : memref<128x32xf32, #tpu.memory_space<vmem>>, vector<16xf32>,
          %mul3A_326 = arith.mulf %get3A_325, %gather3A_319 : vector<16xf32>
          %swap3A = arith.index_cast %add3A_322 : i32 to index
          %swap3A_327 = arith.constant 0 : index
          %swap3A_328 = tpu.vector_load %arg17[%swap3A, %swap3A_327] {strides = array<i32>} : memref<128x32xf32, #tpu.memory_space<vmem>>, vector<16xf32>,
          tpu.vector_store %arg17[%swap3A, %swap3A_327], %mul3A_326 {strides = array<i32>} : memref<128x32xf32, #tpu.memory_space<vmem>>, vector<16xf32>,
          %get3A_329 = arith.index_cast %add3A_322 : i32 to index
          %get3A_330 = arith.constant 16 : index
          %get3A_331 = tpu.vector_load %arg17[%get3A_329, %get3A_330] {strides = array<i32>} : memref<128x32xf32, #tpu.memory_space<vmem>>, vector<16xf32>,
          %mul3A_332 = arith.mulf %get3A_331, %gather3A_319 : vector<16xf32>
          %swap3A_333 = arith.index_cast %add3A_322 : i32 to index
          %swap3A_334 = arith.constant 16 : index
          %swap3A_335 = tpu.vector_load %arg17[%swap3A_333, %swap3A_334] {strides = array<i32>} : memref<128x32xf32, #tpu.memory_space<vmem>>, vector<16xf32>,
          tpu.vector_store %arg17[%swap3A_333, %swap3A_334], %mul3A_332 {strides = array<i32>} : memref<128x32xf32, #tpu.memory_space<vmem>>, vector<16xf32>,
          %scan3A_336 = arith.constant 0 : i32
          scf.yield %scan3A_336 : i32
        }
        %scan3A_305 = arith.constant 16 : i32
        %scan3A_306 = arith.constant 0 : i32
        scf.yield %scan3A_306 : i32
      }
      %scan3A_291 = arith.constant 8 : i32
      "tpu.region"() ({
        %run_scoped3A = tpu.sem_alloc : memref<!tpu.dma_semaphore, #tpu.memory_space<semaphore_mem>>
        %dma_start3A_293 = arith.constant 0 : i32
        %dma_start3A_294 = arith.constant 0 : i32
        %dma_start3A_295 = tpu.memref_slice %arg19[%dma_start3A_293, %dma_start3A_294] : memref<10000x32xf32, #tpu.memory_space<vmem_shared>> -> memref<10000x32xf32, #tpu.memory_space<vmem_shared>>
        tpu.enqueue_indirect_dma source(%arg17 : memref<128x32xf32, #tpu.memory_space<vmem>>) target(%dma_start3A_295 : memref<10000x32xf32, #tpu.memory_space<vmem_shared>>) offsets(%arg14 : memref<128xi32, #tpu.memory_space<vmem>>) semaphore(%run_scoped3A : memref<!tpu.dma_semaphore, #tpu.memory_space<semaphore_mem>>) {add = true}
        %dma_wait3A_296 = arith.constant 0 : i32
        %dma_wait3A_297 = arith.constant 0 : i32
        %dma_wait3A_298 = tpu.memref_slice %arg19[%dma_wait3A_296, %dma_wait3A_297] : memref<10000x32xf32, #tpu.memory_space<vmem_shared>> -> memref<10000x32xf32, #tpu.memory_space<vmem_shared>>
        tpu.wait_indirect_dma semaphore(%run_scoped3A : memref<!tpu.dma_semaphore, #tpu.memory_space<semaphore_mem>>) src(%arg17 : memref<128x32xf32, #tpu.memory_space<vmem>>) dst(%dma_wait3A_298 : memref<10000x32xf32, #tpu.memory_space<vmem_shared>>)
        tpu.yield
      }) : () -> ()
      %scan3A_292 = arith.constant 0 : i32
      scf.yield %scan3A_292 : i32
    }
    %scan3A_167 = arith.constant 80 : i32
    %barrier3A_168 = arith.constant 0 : index
    tpu.barrier barrier_id(%barrier3A_168)
    %lt3A_169 = arith.constant 15 : i32
    %lt3A_170 = arith.cmpi slt, %arg1, %lt3A_169 : i32
    %convert_element_type3A_171 = arith.extui %lt3A_170 : i1 to i32
    %cond3A_172 = arith.constant 0 : i32
    %cond3A_173 = arith.cmpi ne, %convert_element_type3A_171, %cond3A_172 : i32
    scf.if %cond3A_173 {
      %mul3A_272 = arith.constant 640 : i32
      %mul3A_273 = arith.muli %arg1, %mul3A_272 : i32
      %mul3A_274 = arith.constant 640 : i32
      %mul3A_275 = arith.muli %arg1, %mul3A_274 : i32
      "tpu.region"() ({
        %run_scoped3A = tpu.sem_alloc : memref<!tpu.dma_semaphore, #tpu.memory_space<semaphore_mem>>
        %dma_start3A = arith.constant 0 : i32
        %dma_start3A_276 = tpu.memref_slice %arg8[%add3A_140, %mul3A_275, %dma_start3A] : memref<12x10000x32xf32, #tpu.memory_space<hbm>> -> memref<1x640x32xf32, #tpu.memory_space<hbm>>
        %dma_start3A_277 = tpu.memref_squeeze %dma_start3A_276 : memref<1x640x32xf32, #tpu.memory_space<hbm>> -> memref<640x32xf32, #tpu.memory_space<hbm>>
        %dma_start3A_278 = arith.constant 0 : i32
        %dma_start3A_279 = tpu.memref_slice %arg19[%mul3A_273, %dma_start3A_278] : memref<10000x32xf32, #tpu.memory_space<vmem_shared>> -> memref<640x32xf32, #tpu.memory_space<vmem_shared>>
        tpu.enqueue_dma source(%dma_start3A_279 : memref<640x32xf32, #tpu.memory_space<vmem_shared>>) target(%dma_start3A_277 : memref<640x32xf32, #tpu.memory_space<hbm>>) target_semaphore(%run_scoped3A : memref<!tpu.dma_semaphore, #tpu.memory_space<semaphore_mem>>)
        %dma_wait3A = arith.constant 0 : i32
        %dma_wait3A_280 = tpu.memref_slice %arg8[%add3A_140, %mul3A_275, %dma_wait3A] : memref<12x10000x32xf32, #tpu.memory_space<hbm>> -> memref<1x640x32xf32, #tpu.memory_space<hbm>>
        %dma_wait3A_281 = tpu.memref_squeeze %dma_wait3A_280 : memref<1x640x32xf32, #tpu.memory_space<hbm>> -> memref<640x32xf32, #tpu.memory_space<hbm>>
        %dma_wait3A_282 = arith.constant 0 : i32
        %dma_wait3A_283 = tpu.memref_slice %arg19[%mul3A_273, %dma_wait3A_282] : memref<10000x32xf32, #tpu.memory_space<vmem_shared>> -> memref<640x32xf32, #tpu.memory_space<vmem_shared>>
        tpu.wait_dma2 semaphore(%run_scoped3A : memref<!tpu.dma_semaphore, #tpu.memory_space<semaphore_mem>>) src(%dma_wait3A_283 : memref<640x32xf32, #tpu.memory_space<vmem_shared>>) dst(%dma_wait3A_281 : memref<640x32xf32, #tpu.memory_space<hbm>>)
        tpu.yield
      }) : () -> ()
    } else {
    }
    %eq3A_174 = arith.constant 15 : i32
    %eq3A_175 = arith.cmpi eq, %arg1, %eq3A_174 : i32
    %convert_element_type3A_176 = arith.extui %eq3A_175 : i1 to i32
    %cond3A_177 = arith.constant 0 : i32
    %cond3A_178 = arith.cmpi ne, %convert_element_type3A_176, %cond3A_177 : i32
    scf.if %cond3A_178 {
      "tpu.region"() ({
        %run_scoped3A = tpu.sem_alloc : memref<!tpu.dma_semaphore, #tpu.memory_space<semaphore_mem>>
        %dma_start3A = arith.constant 9600 : i32
        %dma_start3A_272 = arith.constant 0 : i32
        %dma_start3A_273 = tpu.memref_slice %arg8[%add3A_140, %dma_start3A, %dma_start3A_272] : memref<12x10000x32xf32, #tpu.memory_space<hbm>> -> memref<1x400x32xf32, #tpu.memory_space<hbm>>
        %dma_start3A_274 = tpu.memref_squeeze %dma_start3A_273 : memref<1x400x32xf32, #tpu.memory_space<hbm>> -> memref<400x32xf32, #tpu.memory_space<hbm>>
        %dma_start3A_275 = arith.constant 9600 : i32
        %dma_start3A_276 = arith.constant 0 : i32
        %dma_start3A_277 = tpu.memref_slice %arg19[%dma_start3A_275, %dma_start3A_276] : memref<10000x32xf32, #tpu.memory_space<vmem_shared>> -> memref<400x32xf32, #tpu.memory_space<vmem_shared>>
        tpu.enqueue_dma source(%dma_start3A_277 : memref<400x32xf32, #tpu.memory_space<vmem_shared>>) target(%dma_start3A_274 : memref<400x32xf32, #tpu.memory_space<hbm>>) target_semaphore(%run_scoped3A : memref<!tpu.dma_semaphore, #tpu.memory_space<semaphore_mem>>)
        %dma_wait3A = arith.constant 9600 : i32
        %dma_wait3A_278 = arith.constant 0 : i32
        %dma_wait3A_279 = tpu.memref_slice %arg8[%add3A_140, %dma_wait3A, %dma_wait3A_278] : memref<12x10000x32xf32, #tpu.memory_space<hbm>> -> memref<1x400x32xf32, #tpu.memory_space<hbm>>
        %dma_wait3A_280 = tpu.memref_squeeze %dma_wait3A_279 : memref<1x400x32xf32, #tpu.memory_space<hbm>> -> memref<400x32xf32, #tpu.memory_space<hbm>>
        %dma_wait3A_281 = arith.constant 9600 : i32
        %dma_wait3A_282 = arith.constant 0 : i32
        %dma_wait3A_283 = tpu.memref_slice %arg19[%dma_wait3A_281, %dma_wait3A_282] : memref<10000x32xf32, #tpu.memory_space<vmem_shared>> -> memref<400x32xf32, #tpu.memory_space<vmem_shared>>
        tpu.wait_dma2 semaphore(%run_scoped3A : memref<!tpu.dma_semaphore, #tpu.memory_space<semaphore_mem>>) src(%dma_wait3A_283 : memref<400x32xf32, #tpu.memory_space<vmem_shared>>) dst(%dma_wait3A_280 : memref<400x32xf32, #tpu.memory_space<hbm>>)
        tpu.yield
      }) : () -> ()
    } else {
    }
    %barrier3A_179 = arith.constant 0 : index
    tpu.barrier barrier_id(%barrier3A_179)
    %add3A_180 = arith.constant 8 : i32
    %add3A_181 = arith.addi %add3A_180, %arg0 : i32
    %broadcast_in_dim3A_182 = arith.constant 2 : i32
    %broadcast_in_dim3A_183 = vector.broadcast %broadcast_in_dim3A_182 : i32 to vector<16xi32>
    %lt3A_184 = arith.constant 0 : i32
    %lt3A_185 = vector.broadcast %lt3A_184 : i32 to vector<16xi32>
    %lt3A_186 = arith.cmpi slt, %broadcast_in_dim3A_183, %lt3A_185 : vector<16xi32>
    %add3A_187 = arith.constant 16 : i32
    %add3A_188 = vector.broadcast %add3A_187 : i32 to vector<16xi32>
    %add3A_189 = arith.addi %broadcast_in_dim3A_183, %add3A_188 : vector<16xi32>
    %select_n3A_190 = arith.select %lt3A_186, %add3A_189, %broadcast_in_dim3A_183 : vector<16xi1>, vector<16xi32>
    %broadcast_in_dim3A_191 = vector.shape_cast %select_n3A_190 : vector<16xi32> to vector<16x1xi32>
    %gather3A_192 = vector.shape_cast %broadcast_in_dim3A_191 : vector<16x1xi32> to vector<16xi32>
    %gather3A_193 = tpu.dynamic_gather %get3A_1[%gather3A_192] in [0] : vector<16xf32>, vector<16xi32> -> vector<16xf32>
    "tpu.region"() ({
      %run_scoped3A = tpu.sem_alloc : memref<!tpu.dma_semaphore, #tpu.memory_space<semaphore_mem>>
      %dma_start3A = arith.constant 0 : i32
      %dma_start3A_272 = tpu.memref_slice %arg10[%dma_start3A] : memref<20000xf32, #tpu.memory_space<vmem>> -> memref<10000xf32, #tpu.memory_space<vmem>>
      %dma_start3A_273 = arith.constant 20000 : i32
      %dma_start3A_274 = tpu.memref_slice %arg4[%dma_start3A_273] : memref<60000xf32, #tpu.memory_space<hbm>> -> memref<10000xf32, #tpu.memory_space<hbm>>
      %dma_start3A_275 = arith.constant 0 : i32
      %dma_start3A_276 = tpu.memref_slice %arg10[%dma_start3A_275] : memref<20000xf32, #tpu.memory_space<vmem>> -> memref<10000xf32, #tpu.memory_space<vmem>>
      %dma_start3A_277 = arith.constant 20000 : i32
      %dma_start3A_278 = tpu.memref_slice %arg4[%dma_start3A_277] : memref<60000xf32, #tpu.memory_space<hbm>> -> memref<10000xf32, #tpu.memory_space<hbm>>
      tpu.enqueue_dma source(%dma_start3A_278 : memref<10000xf32, #tpu.memory_space<hbm>>) target(%dma_start3A_276 : memref<10000xf32, #tpu.memory_space<vmem>>) target_semaphore(%run_scoped3A : memref<!tpu.dma_semaphore, #tpu.memory_space<semaphore_mem>>)
      %dma_wait3A = arith.constant 0 : i32
      %dma_wait3A_279 = tpu.memref_slice %arg10[%dma_wait3A] : memref<20000xf32, #tpu.memory_space<vmem>> -> memref<10000xf32, #tpu.memory_space<vmem>>
      %dma_wait3A_280 = arith.constant 20000 : i32
      %dma_wait3A_281 = tpu.memref_slice %arg4[%dma_wait3A_280] : memref<60000xf32, #tpu.memory_space<hbm>> -> memref<10000xf32, #tpu.memory_space<hbm>>
      %dma_wait3A_282 = arith.constant 0 : i32
      %dma_wait3A_283 = tpu.memref_slice %arg10[%dma_wait3A_282] : memref<20000xf32, #tpu.memory_space<vmem>> -> memref<10000xf32, #tpu.memory_space<vmem>>
      %dma_wait3A_284 = arith.constant 20000 : i32
      %dma_wait3A_285 = tpu.memref_slice %arg4[%dma_wait3A_284] : memref<60000xf32, #tpu.memory_space<hbm>> -> memref<10000xf32, #tpu.memory_space<hbm>>
      tpu.wait_dma2 semaphore(%run_scoped3A : memref<!tpu.dma_semaphore, #tpu.memory_space<semaphore_mem>>) src(%dma_wait3A_285 : memref<10000xf32, #tpu.memory_space<hbm>>) dst(%dma_wait3A_283 : memref<10000xf32, #tpu.memory_space<vmem>>)
      tpu.yield
    }) : () -> ()
    "tpu.region"() ({
      %run_scoped3A = tpu.sem_alloc : memref<!tpu.dma_semaphore, #tpu.memory_space<semaphore_mem>>
      %dma_start3A = arith.constant 10000 : i32
      %dma_start3A_272 = tpu.memref_slice %arg10[%dma_start3A] : memref<20000xf32, #tpu.memory_space<vmem>> -> memref<10000xf32, #tpu.memory_space<vmem>>
      %dma_start3A_273 = arith.constant 50000 : i32
      %dma_start3A_274 = tpu.memref_slice %arg4[%dma_start3A_273] : memref<60000xf32, #tpu.memory_space<hbm>> -> memref<10000xf32, #tpu.memory_space<hbm>>
      %dma_start3A_275 = arith.constant 10000 : i32
      %dma_start3A_276 = tpu.memref_slice %arg10[%dma_start3A_275] : memref<20000xf32, #tpu.memory_space<vmem>> -> memref<10000xf32, #tpu.memory_space<vmem>>
      %dma_start3A_277 = arith.constant 50000 : i32
      %dma_start3A_278 = tpu.memref_slice %arg4[%dma_start3A_277] : memref<60000xf32, #tpu.memory_space<hbm>> -> memref<10000xf32, #tpu.memory_space<hbm>>
      tpu.enqueue_dma source(%dma_start3A_278 : memref<10000xf32, #tpu.memory_space<hbm>>) target(%dma_start3A_276 : memref<10000xf32, #tpu.memory_space<vmem>>) target_semaphore(%run_scoped3A : memref<!tpu.dma_semaphore, #tpu.memory_space<semaphore_mem>>)
      %dma_wait3A = arith.constant 10000 : i32
      %dma_wait3A_279 = tpu.memref_slice %arg10[%dma_wait3A] : memref<20000xf32, #tpu.memory_space<vmem>> -> memref<10000xf32, #tpu.memory_space<vmem>>
      %dma_wait3A_280 = arith.constant 50000 : i32
      %dma_wait3A_281 = tpu.memref_slice %arg4[%dma_wait3A_280] : memref<60000xf32, #tpu.memory_space<hbm>> -> memref<10000xf32, #tpu.memory_space<hbm>>
      %dma_wait3A_282 = arith.constant 10000 : i32
      %dma_wait3A_283 = tpu.memref_slice %arg10[%dma_wait3A_282] : memref<20000xf32, #tpu.memory_space<vmem>> -> memref<10000xf32, #tpu.memory_space<vmem>>
      %dma_wait3A_284 = arith.constant 50000 : i32
      %dma_wait3A_285 = tpu.memref_slice %arg4[%dma_wait3A_284] : memref<60000xf32, #tpu.memory_space<hbm>> -> memref<10000xf32, #tpu.memory_space<hbm>>
      tpu.wait_dma2 semaphore(%run_scoped3A : memref<!tpu.dma_semaphore, #tpu.memory_space<semaphore_mem>>) src(%dma_wait3A_285 : memref<10000xf32, #tpu.memory_space<hbm>>) dst(%dma_wait3A_283 : memref<10000xf32, #tpu.memory_space<vmem>>)
      tpu.yield
    }) : () -> ()
    %scan3A_194 = arith.constant 0 : i32
    %scan3A_195 = arith.constant 0 : i32
    %scan3A_196 = arith.constant 625 : i32
    %scan3A_197 = arith.addi %scan3A_195, %scan3A_196 : i32
    %scan3A_198 = arith.constant 1 : i32
    %scan3A_199 = scf.for %scan3A_272 = %scan3A_195 to %scan3A_197 step %scan3A_198 iter_args(%scan3A_273 = %scan3A_194) -> (i32)  : i32 {
      %mul3A_274 = arith.constant 16 : i32
      %mul3A_275 = arith.muli %scan3A_272, %mul3A_274 : i32
      %swap3A = arith.index_cast %mul3A_275 : i32 to index
      %swap3A_276 = tpu.vector_load %arg11[%swap3A] {strides = array<i32>} : memref<10000xf32, #tpu.memory_space<vmem>>, vector<16xf32>,
      tpu.vector_store %arg11[%swap3A], %broadcast_in_dim3A_2 {strides = array<i32>} : memref<10000xf32, #tpu.memory_space<vmem>>, vector<16xf32>,
      %scan3A_277 = arith.constant 0 : i32
      scf.yield %scan3A_277 : i32
    }
    %scan3A_200 = arith.constant 625 : i32
    %eq3A_201 = arith.constant 0 : i32
    %eq3A_202 = arith.cmpi eq, %arg1, %eq3A_201 : i32
    %convert_element_type3A_203 = arith.extui %eq3A_202 : i1 to i32
    %cond3A_204 = arith.constant 0 : i32
    %cond3A_205 = arith.cmpi ne, %convert_element_type3A_203, %cond3A_204 : i32
    scf.if %cond3A_205 {
      "tpu.region"() ({
        %run_scoped3A = tpu.sem_alloc : memref<!tpu.dma_semaphore, #tpu.memory_space<semaphore_mem>>
        tpu.enqueue_dma source(%arg7 : memref<10000x32xf32, #tpu.memory_space<hbm>>) target(%arg19 : memref<10000x32xf32, #tpu.memory_space<vmem_shared>>) target_semaphore(%run_scoped3A : memref<!tpu.dma_semaphore, #tpu.memory_space<semaphore_mem>>)
        tpu.wait_dma2 semaphore(%run_scoped3A : memref<!tpu.dma_semaphore, #tpu.memory_space<semaphore_mem>>) src(%arg7 : memref<10000x32xf32, #tpu.memory_space<hbm>>) dst(%arg19 : memref<10000x32xf32, #tpu.memory_space<vmem_shared>>)
        tpu.yield
      }) : () -> ()
    } else {
    }
    %barrier3A_206 = arith.constant 0 : index
    tpu.barrier barrier_id(%barrier3A_206)
    %mul3A_207 = arith.constant 10000 : i32
    %mul3A_208 = arith.muli %add3A_181, %mul3A_207 : i32
    %scan3A_209 = arith.constant 0 : i32
    %scan3A_210 = arith.constant 0 : i32
    %scan3A_211 = arith.constant 80 : i32
    %scan3A_212 = arith.addi %scan3A_210, %scan3A_211 : i32
    %scan3A_213 = arith.constant 1 : i32
    %scan3A_214 = scf.for %scan3A_272 = %scan3A_210 to %scan3A_212 step %scan3A_213 iter_args(%scan3A_273 = %scan3A_209) -> (i32)  : i32 {
      %scan3A_274 = arith.constant 0 : i32
      %scan3A_275 = arith.constant 0 : i32
      %scan3A_276 = arith.constant 8 : i32
      %scan3A_277 = arith.addi %scan3A_275, %scan3A_276 : i32
      %scan3A_278 = arith.constant 1 : i32
      %scan3A_279 = scf.for %scan3A_293 = %scan3A_275 to %scan3A_277 step %scan3A_278 iter_args(%scan3A_294 = %scan3A_274) -> (i32)  : i32 {
        %mul3A_295 = arith.constant 128 : i32
        %mul3A_296 = arith.muli %scan3A_272, %mul3A_295 : i32
        %mul3A_297 = arith.constant 16 : i32
        %mul3A_298 = arith.muli %scan3A_293, %mul3A_297 : i32
        %add3A_299 = arith.addi %mul3A_296, %mul3A_298 : i32
        %get3A_300 = arith.index_cast %add3A_299 : i32 to index
        %get3A_301 = tpu.vector_load %arg12[%get3A_300] {strides = array<i32>} : memref<10240xi32, #tpu.memory_space<vmem>>, vector<16xi32>,
        %get3A_302 = arith.index_cast %add3A_299 : i32 to index
        %get3A_303 = tpu.vector_load %arg13[%get3A_302] {strides = array<i32>} : memref<10240xi32, #tpu.memory_space<vmem>>, vector<16xi32>,
        %ne3A = arith.cmpi ne, %get3A_301, %get3A_303 : vector<16xi32>
        %convert_element_type3A_304 = arith.extui %ne3A : vector<16xi1> to vector<16xi32>
        %convert_element_type3A_305 = arith.sitofp %convert_element_type3A_304 : vector<16xi32> to vector<16xf32>
        %gather3A_306 = tpu.vector_load_idx %arg10[%get3A_301] : memref<20000xf32, #tpu.memory_space<vmem>>[vector<16xi32>], vector<16xf32>,
        %add3A_307 = arith.constant 10000 : i32
        %add3A_308 = vector.broadcast %add3A_307 : i32 to vector<16xi32>
        %add3A_309 = arith.addi %get3A_303, %add3A_308 : vector<16xi32>
        %gather3A_310 = tpu.vector_load_idx %arg10[%add3A_309] : memref<20000xf32, #tpu.memory_space<vmem>>[vector<16xi32>], vector<16xf32>,
        %add3A_311 = arith.addf %gather3A_306, %gather3A_310 : vector<16xf32>
        %gt3A = arith.constant 0.000000e+00 : f32
        %gt3A_312 = vector.broadcast %gt3A : f32 to vector<16xf32>
        %gt3A_313 = arith.cmpf ogt, %add3A_311, %gt3A_312 : vector<16xf32>
        %mul3A_314 = arith.constant 2.000000e-01 : f32
        %mul3A_315 = vector.broadcast %mul3A_314 : f32 to vector<16xf32>
        %mul3A_316 = arith.mulf %add3A_311, %mul3A_315 : vector<16xf32>
        %select_n3A_317 = arith.select %gt3A_313, %add3A_311, %mul3A_316 : vector<16xi1>, vector<16xf32>
        %sub3A = arith.subf %select_n3A_317, %gather3A_193 : vector<16xf32>
        %exp3A = math.exp %sub3A : vector<16xf32>
        %mul3A_318 = arith.mulf %exp3A, %convert_element_type3A_305 : vector<16xf32>
        %convert_element_type3A_319 = arith.extui %eq3A_0 : i1 to i32
        %cond3A_320 = arith.constant 0 : i32
        %cond3A_321 = arith.cmpi ne, %convert_element_type3A_319, %cond3A_320 : i32
        scf.if %cond3A_321 {
          tpu.vector_store_idx %arg11[%get3A_303], %mul3A_318 {add = true} : memref<10000xf32, #tpu.memory_space<vmem>>[vector<16xi32>], vector<16xf32>,
        } else {
        }
        %mul3A_322 = arith.constant 16 : i32
        %mul3A_323 = arith.muli %scan3A_293, %mul3A_322 : i32
        %swap3A = arith.index_cast %mul3A_323 : i32 to index
        %swap3A_324 = tpu.vector_load %arg16[%swap3A] {strides = array<i32>} : memref<128xf32, #tpu.memory_space<vmem>>, vector<16xf32>,
        tpu.vector_store %arg16[%swap3A], %mul3A_318 {strides = array<i32>} : memref<128xf32, #tpu.memory_space<vmem>>, vector<16xf32>,
        %add3A_325 = vector.broadcast %mul3A_208 : i32 to vector<16xi32>
        %add3A_326 = arith.addi %get3A_301, %add3A_325 : vector<16xi32>
        %mul3A_327 = arith.constant 16 : i32
        %mul3A_328 = arith.muli %scan3A_293, %mul3A_327 : i32
        %swap3A_329 = arith.index_cast %mul3A_328 : i32 to index
        %swap3A_330 = tpu.vector_load %arg15[%swap3A_329] {strides = array<i32>} : memref<128xi32, #tpu.memory_space<vmem>>, vector<16xi32>,
        tpu.vector_store %arg15[%swap3A_329], %add3A_326 {strides = array<i32>} : memref<128xi32, #tpu.memory_space<vmem>>, vector<16xi32>,
        %mul3A_331 = arith.constant 16 : i32
        %mul3A_332 = arith.muli %scan3A_293, %mul3A_331 : i32
        %swap3A_333 = arith.index_cast %mul3A_332 : i32 to index
        %swap3A_334 = tpu.vector_load %arg14[%swap3A_333] {strides = array<i32>} : memref<128xi32, #tpu.memory_space<vmem>>, vector<16xi32>,
        tpu.vector_store %arg14[%swap3A_333], %get3A_303 {strides = array<i32>} : memref<128xi32, #tpu.memory_space<vmem>>, vector<16xi32>,
        %scan3A_335 = arith.constant 0 : i32
        scf.yield %scan3A_335 : i32
      }
      %scan3A_280 = arith.constant 8 : i32
      %dma_start3A = arith.constant 0 : i32
      %dma_start3A_281 = arith.constant 0 : i32
      %dma_start3A_282 = tpu.memref_slice %arg6[%dma_start3A, %dma_start3A_281] : memref<120000x32xf32, #tpu.memory_space<hbm>> -> memref<120000x32xf32, #tpu.memory_space<hbm>>
      tpu.enqueue_indirect_dma source(%dma_start3A_282 : memref<120000x32xf32, #tpu.memory_space<hbm>>) target(%arg17 : memref<128x32xf32, #tpu.memory_space<vmem>>) offsets(%arg15 : memref<128xi32, #tpu.memory_space<vmem>>) semaphore(%arg20 : memref<!tpu.dma_semaphore, #tpu.memory_space<semaphore_mem>>)
      %dma_wait3A = arith.constant 0 : i32
      %dma_wait3A_283 = arith.constant 0 : i32
      %dma_wait3A_284 = tpu.memref_slice %arg6[%dma_wait3A, %dma_wait3A_283] : memref<120000x32xf32, #tpu.memory_space<hbm>> -> memref<120000x32xf32, #tpu.memory_space<hbm>>
      tpu.wait_indirect_dma semaphore(%arg20 : memref<!tpu.dma_semaphore, #tpu.memory_space<semaphore_mem>>) src(%dma_wait3A_284 : memref<120000x32xf32, #tpu.memory_space<hbm>>) dst(%arg17 : memref<128x32xf32, #tpu.memory_space<vmem>>)
      %scan3A_285 = arith.constant 0 : i32
      %scan3A_286 = arith.constant 0 : i32
      %scan3A_287 = arith.constant 8 : i32
      %scan3A_288 = arith.addi %scan3A_286, %scan3A_287 : i32
      %scan3A_289 = arith.constant 1 : i32
      %scan3A_290 = scf.for %scan3A_293 = %scan3A_286 to %scan3A_288 step %scan3A_289 iter_args(%scan3A_294 = %scan3A_285) -> (i32)  : i32 {
        %mul3A_295 = arith.constant 16 : i32
        %mul3A_296 = arith.muli %scan3A_293, %mul3A_295 : i32
        %get3A_297 = arith.index_cast %mul3A_296 : i32 to index
        %get3A_298 = tpu.vector_load %arg16[%get3A_297] {strides = array<i32>} : memref<128xf32, #tpu.memory_space<vmem>>, vector<16xf32>,
        %scan3A_299 = arith.constant 0 : i32
        %scan3A_300 = arith.constant 0 : i32
        %scan3A_301 = arith.constant 16 : i32
        %scan3A_302 = arith.addi %scan3A_300, %scan3A_301 : i32
        %scan3A_303 = arith.constant 1 : i32
        %scan3A_304 = scf.for %scan3A_307 = %scan3A_300 to %scan3A_302 step %scan3A_303 iter_args(%scan3A_308 = %scan3A_299) -> (i32)  : i32 {
          %broadcast_in_dim3A_309 = vector.broadcast %scan3A_307 : i32 to vector<16xi32>
          %lt3A_310 = arith.constant 0 : i32
          %lt3A_311 = vector.broadcast %lt3A_310 : i32 to vector<16xi32>
          %lt3A_312 = arith.cmpi slt, %broadcast_in_dim3A_309, %lt3A_311 : vector<16xi32>
          %add3A_313 = arith.constant 16 : i32
          %add3A_314 = vector.broadcast %add3A_313 : i32 to vector<16xi32>
          %add3A_315 = arith.addi %broadcast_in_dim3A_309, %add3A_314 : vector<16xi32>
          %select_n3A_316 = arith.select %lt3A_312, %add3A_315, %broadcast_in_dim3A_309 : vector<16xi1>, vector<16xi32>
          %broadcast_in_dim3A_317 = vector.shape_cast %select_n3A_316 : vector<16xi32> to vector<16x1xi32>
          %gather3A_318 = vector.shape_cast %broadcast_in_dim3A_317 : vector<16x1xi32> to vector<16xi32>
          %gather3A_319 = tpu.dynamic_gather %get3A_298[%gather3A_318] in [0] : vector<16xf32>, vector<16xi32> -> vector<16xf32>
          %mul3A_320 = arith.constant 16 : i32
          %mul3A_321 = arith.muli %scan3A_293, %mul3A_320 : i32
          %add3A_322 = arith.addi %mul3A_321, %scan3A_307 : i32
          %get3A_323 = arith.index_cast %add3A_322 : i32 to index
          %get3A_324 = arith.constant 0 : index
          %get3A_325 = tpu.vector_load %arg17[%get3A_323, %get3A_324] {strides = array<i32>} : memref<128x32xf32, #tpu.memory_space<vmem>>, vector<16xf32>,
          %mul3A_326 = arith.mulf %get3A_325, %gather3A_319 : vector<16xf32>
          %swap3A = arith.index_cast %add3A_322 : i32 to index
          %swap3A_327 = arith.constant 0 : index
          %swap3A_328 = tpu.vector_load %arg17[%swap3A, %swap3A_327] {strides = array<i32>} : memref<128x32xf32, #tpu.memory_space<vmem>>, vector<16xf32>,
          tpu.vector_store %arg17[%swap3A, %swap3A_327], %mul3A_326 {strides = array<i32>} : memref<128x32xf32, #tpu.memory_space<vmem>>, vector<16xf32>,
          %get3A_329 = arith.index_cast %add3A_322 : i32 to index
          %get3A_330 = arith.constant 16 : index
          %get3A_331 = tpu.vector_load %arg17[%get3A_329, %get3A_330] {strides = array<i32>} : memref<128x32xf32, #tpu.memory_space<vmem>>, vector<16xf32>,
          %mul3A_332 = arith.mulf %get3A_331, %gather3A_319 : vector<16xf32>
          %swap3A_333 = arith.index_cast %add3A_322 : i32 to index
          %swap3A_334 = arith.constant 16 : index
          %swap3A_335 = tpu.vector_load %arg17[%swap3A_333, %swap3A_334] {strides = array<i32>} : memref<128x32xf32, #tpu.memory_space<vmem>>, vector<16xf32>,
          tpu.vector_store %arg17[%swap3A_333, %swap3A_334], %mul3A_332 {strides = array<i32>} : memref<128x32xf32, #tpu.memory_space<vmem>>, vector<16xf32>,
          %scan3A_336 = arith.constant 0 : i32
          scf.yield %scan3A_336 : i32
        }
        %scan3A_305 = arith.constant 16 : i32
        %scan3A_306 = arith.constant 0 : i32
        scf.yield %scan3A_306 : i32
      }
      %scan3A_291 = arith.constant 8 : i32
      "tpu.region"() ({
        %run_scoped3A = tpu.sem_alloc : memref<!tpu.dma_semaphore, #tpu.memory_space<semaphore_mem>>
        %dma_start3A_293 = arith.constant 0 : i32
        %dma_start3A_294 = arith.constant 0 : i32
        %dma_start3A_295 = tpu.memref_slice %arg19[%dma_start3A_293, %dma_start3A_294] : memref<10000x32xf32, #tpu.memory_space<vmem_shared>> -> memref<10000x32xf32, #tpu.memory_space<vmem_shared>>
        tpu.enqueue_indirect_dma source(%arg17 : memref<128x32xf32, #tpu.memory_space<vmem>>) target(%dma_start3A_295 : memref<10000x32xf32, #tpu.memory_space<vmem_shared>>) offsets(%arg14 : memref<128xi32, #tpu.memory_space<vmem>>) semaphore(%run_scoped3A : memref<!tpu.dma_semaphore, #tpu.memory_space<semaphore_mem>>) {add = true}
        %dma_wait3A_296 = arith.constant 0 : i32
        %dma_wait3A_297 = arith.constant 0 : i32
        %dma_wait3A_298 = tpu.memref_slice %arg19[%dma_wait3A_296, %dma_wait3A_297] : memref<10000x32xf32, #tpu.memory_space<vmem_shared>> -> memref<10000x32xf32, #tpu.memory_space<vmem_shared>>
        tpu.wait_indirect_dma semaphore(%run_scoped3A : memref<!tpu.dma_semaphore, #tpu.memory_space<semaphore_mem>>) src(%arg17 : memref<128x32xf32, #tpu.memory_space<vmem>>) dst(%dma_wait3A_298 : memref<10000x32xf32, #tpu.memory_space<vmem_shared>>)
        tpu.yield
      }) : () -> ()
      %scan3A_292 = arith.constant 0 : i32
      scf.yield %scan3A_292 : i32
    }
    %scan3A_215 = arith.constant 80 : i32
    %barrier3A_216 = arith.constant 0 : index
    tpu.barrier barrier_id(%barrier3A_216)
    %lt3A_217 = arith.constant 15 : i32
    %lt3A_218 = arith.cmpi slt, %arg1, %lt3A_217 : i32
    %convert_element_type3A_219 = arith.extui %lt3A_218 : i1 to i32
    %cond3A_220 = arith.constant 0 : i32
    %cond3A_221 = arith.cmpi ne, %convert_element_type3A_219, %cond3A_220 : i32
    scf.if %cond3A_221 {
      %mul3A_272 = arith.constant 640 : i32
      %mul3A_273 = arith.muli %arg1, %mul3A_272 : i32
      %mul3A_274 = arith.constant 640 : i32
      %mul3A_275 = arith.muli %arg1, %mul3A_274 : i32
      "tpu.region"() ({
        %run_scoped3A = tpu.sem_alloc : memref<!tpu.dma_semaphore, #tpu.memory_space<semaphore_mem>>
        %dma_start3A = arith.constant 0 : i32
        %dma_start3A_276 = tpu.memref_slice %arg8[%add3A_181, %mul3A_275, %dma_start3A] : memref<12x10000x32xf32, #tpu.memory_space<hbm>> -> memref<1x640x32xf32, #tpu.memory_space<hbm>>
        %dma_start3A_277 = tpu.memref_squeeze %dma_start3A_276 : memref<1x640x32xf32, #tpu.memory_space<hbm>> -> memref<640x32xf32, #tpu.memory_space<hbm>>
        %dma_start3A_278 = arith.constant 0 : i32
        %dma_start3A_279 = tpu.memref_slice %arg19[%mul3A_273, %dma_start3A_278] : memref<10000x32xf32, #tpu.memory_space<vmem_shared>> -> memref<640x32xf32, #tpu.memory_space<vmem_shared>>
        tpu.enqueue_dma source(%dma_start3A_279 : memref<640x32xf32, #tpu.memory_space<vmem_shared>>) target(%dma_start3A_277 : memref<640x32xf32, #tpu.memory_space<hbm>>) target_semaphore(%run_scoped3A : memref<!tpu.dma_semaphore, #tpu.memory_space<semaphore_mem>>)
        %dma_wait3A = arith.constant 0 : i32
        %dma_wait3A_280 = tpu.memref_slice %arg8[%add3A_181, %mul3A_275, %dma_wait3A] : memref<12x10000x32xf32, #tpu.memory_space<hbm>> -> memref<1x640x32xf32, #tpu.memory_space<hbm>>
        %dma_wait3A_281 = tpu.memref_squeeze %dma_wait3A_280 : memref<1x640x32xf32, #tpu.memory_space<hbm>> -> memref<640x32xf32, #tpu.memory_space<hbm>>
        %dma_wait3A_282 = arith.constant 0 : i32
        %dma_wait3A_283 = tpu.memref_slice %arg19[%mul3A_273, %dma_wait3A_282] : memref<10000x32xf32, #tpu.memory_space<vmem_shared>> -> memref<640x32xf32, #tpu.memory_space<vmem_shared>>
        tpu.wait_dma2 semaphore(%run_scoped3A : memref<!tpu.dma_semaphore, #tpu.memory_space<semaphore_mem>>) src(%dma_wait3A_283 : memref<640x32xf32, #tpu.memory_space<vmem_shared>>) dst(%dma_wait3A_281 : memref<640x32xf32, #tpu.memory_space<hbm>>)
        tpu.yield
      }) : () -> ()
    } else {
    }
    %eq3A_222 = arith.constant 15 : i32
    %eq3A_223 = arith.cmpi eq, %arg1, %eq3A_222 : i32
    %convert_element_type3A_224 = arith.extui %eq3A_223 : i1 to i32
    %cond3A_225 = arith.constant 0 : i32
    %cond3A_226 = arith.cmpi ne, %convert_element_type3A_224, %cond3A_225 : i32
    scf.if %cond3A_226 {
      "tpu.region"() ({
        %run_scoped3A = tpu.sem_alloc : memref<!tpu.dma_semaphore, #tpu.memory_space<semaphore_mem>>
        %dma_start3A = arith.constant 9600 : i32
        %dma_start3A_272 = arith.constant 0 : i32
        %dma_start3A_273 = tpu.memref_slice %arg8[%add3A_181, %dma_start3A, %dma_start3A_272] : memref<12x10000x32xf32, #tpu.memory_space<hbm>> -> memref<1x400x32xf32, #tpu.memory_space<hbm>>
        %dma_start3A_274 = tpu.memref_squeeze %dma_start3A_273 : memref<1x400x32xf32, #tpu.memory_space<hbm>> -> memref<400x32xf32, #tpu.memory_space<hbm>>
        %dma_start3A_275 = arith.constant 9600 : i32
        %dma_start3A_276 = arith.constant 0 : i32
        %dma_start3A_277 = tpu.memref_slice %arg19[%dma_start3A_275, %dma_start3A_276] : memref<10000x32xf32, #tpu.memory_space<vmem_shared>> -> memref<400x32xf32, #tpu.memory_space<vmem_shared>>
        tpu.enqueue_dma source(%dma_start3A_277 : memref<400x32xf32, #tpu.memory_space<vmem_shared>>) target(%dma_start3A_274 : memref<400x32xf32, #tpu.memory_space<hbm>>) target_semaphore(%run_scoped3A : memref<!tpu.dma_semaphore, #tpu.memory_space<semaphore_mem>>)
        %dma_wait3A = arith.constant 9600 : i32
        %dma_wait3A_278 = arith.constant 0 : i32
        %dma_wait3A_279 = tpu.memref_slice %arg8[%add3A_181, %dma_wait3A, %dma_wait3A_278] : memref<12x10000x32xf32, #tpu.memory_space<hbm>> -> memref<1x400x32xf32, #tpu.memory_space<hbm>>
        %dma_wait3A_280 = tpu.memref_squeeze %dma_wait3A_279 : memref<1x400x32xf32, #tpu.memory_space<hbm>> -> memref<400x32xf32, #tpu.memory_space<hbm>>
        %dma_wait3A_281 = arith.constant 9600 : i32
        %dma_wait3A_282 = arith.constant 0 : i32
        %dma_wait3A_283 = tpu.memref_slice %arg19[%dma_wait3A_281, %dma_wait3A_282] : memref<10000x32xf32, #tpu.memory_space<vmem_shared>> -> memref<400x32xf32, #tpu.memory_space<vmem_shared>>
        tpu.wait_dma2 semaphore(%run_scoped3A : memref<!tpu.dma_semaphore, #tpu.memory_space<semaphore_mem>>) src(%dma_wait3A_283 : memref<400x32xf32, #tpu.memory_space<vmem_shared>>) dst(%dma_wait3A_280 : memref<400x32xf32, #tpu.memory_space<hbm>>)
        tpu.yield
      }) : () -> ()
    } else {
    }
    %convert_element_type3A_227 = arith.extui %eq3A_0 : i1 to i32
    %cond3A_228 = arith.constant 0 : i32
    %cond3A_229 = arith.cmpi ne, %convert_element_type3A_227, %cond3A_228 : i32
    scf.if %cond3A_229 {
      %mul3A_272 = arith.constant 3 : i32
      %mul3A_273 = arith.muli %arg1, %mul3A_272 : i32
      %mul3A_274 = arith.constant 10000 : i32
      %mul3A_275 = arith.muli %mul3A_273, %mul3A_274 : i32
      %add3A_276 = arith.constant 20000 : i32
      %add3A_277 = arith.addi %mul3A_275, %add3A_276 : i32
      "tpu.region"() ({
        %run_scoped3A = tpu.sem_alloc : memref<!tpu.dma_semaphore, #tpu.memory_space<semaphore_mem>>
        %dma_start3A = tpu.memref_slice %arg9[%add3A_277] : memref<480000xf32, #tpu.memory_space<hbm>> -> memref<10000xf32, #tpu.memory_space<hbm>>
        %dma_start3A_278 = tpu.memref_slice %arg9[%add3A_277] : memref<480000xf32, #tpu.memory_space<hbm>> -> memref<10000xf32, #tpu.memory_space<hbm>>
        tpu.enqueue_dma source(%arg11 : memref<10000xf32, #tpu.memory_space<vmem>>) target(%dma_start3A_278 : memref<10000xf32, #tpu.memory_space<hbm>>) target_semaphore(%run_scoped3A : memref<!tpu.dma_semaphore, #tpu.memory_space<semaphore_mem>>)
        %dma_wait3A = tpu.memref_slice %arg9[%add3A_277] : memref<480000xf32, #tpu.memory_space<hbm>> -> memref<10000xf32, #tpu.memory_space<hbm>>
        %dma_wait3A_279 = tpu.memref_slice %arg9[%add3A_277] : memref<480000xf32, #tpu.memory_space<hbm>> -> memref<10000xf32, #tpu.memory_space<hbm>>
        tpu.wait_dma2 semaphore(%run_scoped3A : memref<!tpu.dma_semaphore, #tpu.memory_space<semaphore_mem>>) src(%arg11 : memref<10000xf32, #tpu.memory_space<vmem>>) dst(%dma_wait3A_279 : memref<10000xf32, #tpu.memory_space<hbm>>)
        tpu.yield
      }) : () -> ()
    } else {
    }
    %barrier3A_230 = arith.constant 0 : index
    tpu.barrier barrier_id(%barrier3A_230)
    %add3A_231 = arith.constant 10 : i32
    %add3A_232 = arith.addi %add3A_231, %arg0 : i32
    %broadcast_in_dim3A_233 = arith.constant 2 : i32
    %broadcast_in_dim3A_234 = vector.broadcast %broadcast_in_dim3A_233 : i32 to vector<16xi32>
    %lt3A_235 = arith.constant 0 : i32
    %lt3A_236 = vector.broadcast %lt3A_235 : i32 to vector<16xi32>
    %lt3A_237 = arith.cmpi slt, %broadcast_in_dim3A_234, %lt3A_236 : vector<16xi32>
    %add3A_238 = arith.constant 16 : i32
    %add3A_239 = vector.broadcast %add3A_238 : i32 to vector<16xi32>
    %add3A_240 = arith.addi %broadcast_in_dim3A_234, %add3A_239 : vector<16xi32>
    %select_n3A_241 = arith.select %lt3A_237, %add3A_240, %broadcast_in_dim3A_234 : vector<16xi1>, vector<16xi32>
    %broadcast_in_dim3A_242 = vector.shape_cast %select_n3A_241 : vector<16xi32> to vector<16x1xi32>
    %gather3A_243 = vector.shape_cast %broadcast_in_dim3A_242 : vector<16x1xi32> to vector<16xi32>
    %gather3A_244 = tpu.dynamic_gather %get3A_1[%gather3A_243] in [0] : vector<16xf32>, vector<16xi32> -> vector<16xf32>
    %eq3A_245 = arith.constant 0 : i32
    %eq3A_246 = arith.cmpi eq, %arg1, %eq3A_245 : i32
    %convert_element_type3A_247 = arith.extui %eq3A_246 : i1 to i32
    %cond3A_248 = arith.constant 0 : i32
    %cond3A_249 = arith.cmpi ne, %convert_element_type3A_247, %cond3A_248 : i32
    scf.if %cond3A_249 {
      "tpu.region"() ({
        %run_scoped3A = tpu.sem_alloc : memref<!tpu.dma_semaphore, #tpu.memory_space<semaphore_mem>>
        tpu.enqueue_dma source(%arg7 : memref<10000x32xf32, #tpu.memory_space<hbm>>) target(%arg19 : memref<10000x32xf32, #tpu.memory_space<vmem_shared>>) target_semaphore(%run_scoped3A : memref<!tpu.dma_semaphore, #tpu.memory_space<semaphore_mem>>)
        tpu.wait_dma2 semaphore(%run_scoped3A : memref<!tpu.dma_semaphore, #tpu.memory_space<semaphore_mem>>) src(%arg7 : memref<10000x32xf32, #tpu.memory_space<hbm>>) dst(%arg19 : memref<10000x32xf32, #tpu.memory_space<vmem_shared>>)
        tpu.yield
      }) : () -> ()
    } else {
    }
    %barrier3A_250 = arith.constant 0 : index
    tpu.barrier barrier_id(%barrier3A_250)
    %mul3A_251 = arith.constant 10000 : i32
    %mul3A_252 = arith.muli %add3A_232, %mul3A_251 : i32
    %scan3A_253 = arith.constant 0 : i32
    %scan3A_254 = arith.constant 0 : i32
    %scan3A_255 = arith.constant 80 : i32
    %scan3A_256 = arith.addi %scan3A_254, %scan3A_255 : i32
    %scan3A_257 = arith.constant 1 : i32
    %scan3A_258 = scf.for %scan3A_272 = %scan3A_254 to %scan3A_256 step %scan3A_257 iter_args(%scan3A_273 = %scan3A_253) -> (i32)  : i32 {
      %scan3A_274 = arith.constant 0 : i32
      %scan3A_275 = arith.constant 0 : i32
      %scan3A_276 = arith.constant 8 : i32
      %scan3A_277 = arith.addi %scan3A_275, %scan3A_276 : i32
      %scan3A_278 = arith.constant 1 : i32
      %scan3A_279 = scf.for %scan3A_293 = %scan3A_275 to %scan3A_277 step %scan3A_278 iter_args(%scan3A_294 = %scan3A_274) -> (i32)  : i32 {
        %mul3A_295 = arith.constant 128 : i32
        %mul3A_296 = arith.muli %scan3A_272, %mul3A_295 : i32
        %mul3A_297 = arith.constant 16 : i32
        %mul3A_298 = arith.muli %scan3A_293, %mul3A_297 : i32
        %add3A_299 = arith.addi %mul3A_296, %mul3A_298 : i32
        %get3A_300 = arith.index_cast %add3A_299 : i32 to index
        %get3A_301 = tpu.vector_load %arg12[%get3A_300] {strides = array<i32>} : memref<10240xi32, #tpu.memory_space<vmem>>, vector<16xi32>,
        %get3A_302 = arith.index_cast %add3A_299 : i32 to index
        %get3A_303 = tpu.vector_load %arg13[%get3A_302] {strides = array<i32>} : memref<10240xi32, #tpu.memory_space<vmem>>, vector<16xi32>,
        %ne3A = arith.cmpi ne, %get3A_301, %get3A_303 : vector<16xi32>
        %convert_element_type3A_304 = arith.extui %ne3A : vector<16xi1> to vector<16xi32>
        %convert_element_type3A_305 = arith.sitofp %convert_element_type3A_304 : vector<16xi32> to vector<16xf32>
        %gather3A_306 = tpu.vector_load_idx %arg10[%get3A_301] : memref<20000xf32, #tpu.memory_space<vmem>>[vector<16xi32>], vector<16xf32>,
        %add3A_307 = arith.constant 10000 : i32
        %add3A_308 = vector.broadcast %add3A_307 : i32 to vector<16xi32>
        %add3A_309 = arith.addi %get3A_303, %add3A_308 : vector<16xi32>
        %gather3A_310 = tpu.vector_load_idx %arg10[%add3A_309] : memref<20000xf32, #tpu.memory_space<vmem>>[vector<16xi32>], vector<16xf32>,
        %add3A_311 = arith.addf %gather3A_306, %gather3A_310 : vector<16xf32>
        %gt3A = arith.constant 0.000000e+00 : f32
        %gt3A_312 = vector.broadcast %gt3A : f32 to vector<16xf32>
        %gt3A_313 = arith.cmpf ogt, %add3A_311, %gt3A_312 : vector<16xf32>
        %mul3A_314 = arith.constant 2.000000e-01 : f32
        %mul3A_315 = vector.broadcast %mul3A_314 : f32 to vector<16xf32>
        %mul3A_316 = arith.mulf %add3A_311, %mul3A_315 : vector<16xf32>
        %select_n3A_317 = arith.select %gt3A_313, %add3A_311, %mul3A_316 : vector<16xi1>, vector<16xf32>
        %sub3A = arith.subf %select_n3A_317, %gather3A_244 : vector<16xf32>
        %exp3A = math.exp %sub3A : vector<16xf32>
        %mul3A_318 = arith.mulf %exp3A, %convert_element_type3A_305 : vector<16xf32>
        %mul3A_319 = arith.constant 16 : i32
        %mul3A_320 = arith.muli %scan3A_293, %mul3A_319 : i32
        %swap3A = arith.index_cast %mul3A_320 : i32 to index
        %swap3A_321 = tpu.vector_load %arg16[%swap3A] {strides = array<i32>} : memref<128xf32, #tpu.memory_space<vmem>>, vector<16xf32>,
        tpu.vector_store %arg16[%swap3A], %mul3A_318 {strides = array<i32>} : memref<128xf32, #tpu.memory_space<vmem>>, vector<16xf32>,
        %add3A_322 = vector.broadcast %mul3A_252 : i32 to vector<16xi32>
        %add3A_323 = arith.addi %get3A_301, %add3A_322 : vector<16xi32>
        %mul3A_324 = arith.constant 16 : i32
        %mul3A_325 = arith.muli %scan3A_293, %mul3A_324 : i32
        %swap3A_326 = arith.index_cast %mul3A_325 : i32 to index
        %swap3A_327 = tpu.vector_load %arg15[%swap3A_326] {strides = array<i32>} : memref<128xi32, #tpu.memory_space<vmem>>, vector<16xi32>,
        tpu.vector_store %arg15[%swap3A_326], %add3A_323 {strides = array<i32>} : memref<128xi32, #tpu.memory_space<vmem>>, vector<16xi32>,
        %mul3A_328 = arith.constant 16 : i32
        %mul3A_329 = arith.muli %scan3A_293, %mul3A_328 : i32
        %swap3A_330 = arith.index_cast %mul3A_329 : i32 to index
        %swap3A_331 = tpu.vector_load %arg14[%swap3A_330] {strides = array<i32>} : memref<128xi32, #tpu.memory_space<vmem>>, vector<16xi32>,
        tpu.vector_store %arg14[%swap3A_330], %get3A_303 {strides = array<i32>} : memref<128xi32, #tpu.memory_space<vmem>>, vector<16xi32>,
        %scan3A_332 = arith.constant 0 : i32
        scf.yield %scan3A_332 : i32
      }
      %scan3A_280 = arith.constant 8 : i32
      %dma_start3A = arith.constant 0 : i32
      %dma_start3A_281 = arith.constant 0 : i32
      %dma_start3A_282 = tpu.memref_slice %arg6[%dma_start3A, %dma_start3A_281] : memref<120000x32xf32, #tpu.memory_space<hbm>> -> memref<120000x32xf32, #tpu.memory_space<hbm>>
      tpu.enqueue_indirect_dma source(%dma_start3A_282 : memref<120000x32xf32, #tpu.memory_space<hbm>>) target(%arg17 : memref<128x32xf32, #tpu.memory_space<vmem>>) offsets(%arg15 : memref<128xi32, #tpu.memory_space<vmem>>) semaphore(%arg20 : memref<!tpu.dma_semaphore, #tpu.memory_space<semaphore_mem>>)
      %dma_wait3A = arith.constant 0 : i32
      %dma_wait3A_283 = arith.constant 0 : i32
      %dma_wait3A_284 = tpu.memref_slice %arg6[%dma_wait3A, %dma_wait3A_283] : memref<120000x32xf32, #tpu.memory_space<hbm>> -> memref<120000x32xf32, #tpu.memory_space<hbm>>
      tpu.wait_indirect_dma semaphore(%arg20 : memref<!tpu.dma_semaphore, #tpu.memory_space<semaphore_mem>>) src(%dma_wait3A_284 : memref<120000x32xf32, #tpu.memory_space<hbm>>) dst(%arg17 : memref<128x32xf32, #tpu.memory_space<vmem>>)
      %scan3A_285 = arith.constant 0 : i32
      %scan3A_286 = arith.constant 0 : i32
      %scan3A_287 = arith.constant 8 : i32
      %scan3A_288 = arith.addi %scan3A_286, %scan3A_287 : i32
      %scan3A_289 = arith.constant 1 : i32
      %scan3A_290 = scf.for %scan3A_293 = %scan3A_286 to %scan3A_288 step %scan3A_289 iter_args(%scan3A_294 = %scan3A_285) -> (i32)  : i32 {
        %mul3A_295 = arith.constant 16 : i32
        %mul3A_296 = arith.muli %scan3A_293, %mul3A_295 : i32
        %get3A_297 = arith.index_cast %mul3A_296 : i32 to index
        %get3A_298 = tpu.vector_load %arg16[%get3A_297] {strides = array<i32>} : memref<128xf32, #tpu.memory_space<vmem>>, vector<16xf32>,
        %scan3A_299 = arith.constant 0 : i32
        %scan3A_300 = arith.constant 0 : i32
        %scan3A_301 = arith.constant 16 : i32
        %scan3A_302 = arith.addi %scan3A_300, %scan3A_301 : i32
        %scan3A_303 = arith.constant 1 : i32
        %scan3A_304 = scf.for %scan3A_307 = %scan3A_300 to %scan3A_302 step %scan3A_303 iter_args(%scan3A_308 = %scan3A_299) -> (i32)  : i32 {
          %broadcast_in_dim3A_309 = vector.broadcast %scan3A_307 : i32 to vector<16xi32>
          %lt3A_310 = arith.constant 0 : i32
          %lt3A_311 = vector.broadcast %lt3A_310 : i32 to vector<16xi32>
          %lt3A_312 = arith.cmpi slt, %broadcast_in_dim3A_309, %lt3A_311 : vector<16xi32>
          %add3A_313 = arith.constant 16 : i32
          %add3A_314 = vector.broadcast %add3A_313 : i32 to vector<16xi32>
          %add3A_315 = arith.addi %broadcast_in_dim3A_309, %add3A_314 : vector<16xi32>
          %select_n3A_316 = arith.select %lt3A_312, %add3A_315, %broadcast_in_dim3A_309 : vector<16xi1>, vector<16xi32>
          %broadcast_in_dim3A_317 = vector.shape_cast %select_n3A_316 : vector<16xi32> to vector<16x1xi32>
          %gather3A_318 = vector.shape_cast %broadcast_in_dim3A_317 : vector<16x1xi32> to vector<16xi32>
          %gather3A_319 = tpu.dynamic_gather %get3A_298[%gather3A_318] in [0] : vector<16xf32>, vector<16xi32> -> vector<16xf32>
          %mul3A_320 = arith.constant 16 : i32
          %mul3A_321 = arith.muli %scan3A_293, %mul3A_320 : i32
          %add3A_322 = arith.addi %mul3A_321, %scan3A_307 : i32
          %get3A_323 = arith.index_cast %add3A_322 : i32 to index
          %get3A_324 = arith.constant 0 : index
          %get3A_325 = tpu.vector_load %arg17[%get3A_323, %get3A_324] {strides = array<i32>} : memref<128x32xf32, #tpu.memory_space<vmem>>, vector<16xf32>,
          %mul3A_326 = arith.mulf %get3A_325, %gather3A_319 : vector<16xf32>
          %swap3A = arith.index_cast %add3A_322 : i32 to index
          %swap3A_327 = arith.constant 0 : index
          %swap3A_328 = tpu.vector_load %arg17[%swap3A, %swap3A_327] {strides = array<i32>} : memref<128x32xf32, #tpu.memory_space<vmem>>, vector<16xf32>,
          tpu.vector_store %arg17[%swap3A, %swap3A_327], %mul3A_326 {strides = array<i32>} : memref<128x32xf32, #tpu.memory_space<vmem>>, vector<16xf32>,
          %get3A_329 = arith.index_cast %add3A_322 : i32 to index
          %get3A_330 = arith.constant 16 : index
          %get3A_331 = tpu.vector_load %arg17[%get3A_329, %get3A_330] {strides = array<i32>} : memref<128x32xf32, #tpu.memory_space<vmem>>, vector<16xf32>,
          %mul3A_332 = arith.mulf %get3A_331, %gather3A_319 : vector<16xf32>
          %swap3A_333 = arith.index_cast %add3A_322 : i32 to index
          %swap3A_334 = arith.constant 16 : index
          %swap3A_335 = tpu.vector_load %arg17[%swap3A_333, %swap3A_334] {strides = array<i32>} : memref<128x32xf32, #tpu.memory_space<vmem>>, vector<16xf32>,
          tpu.vector_store %arg17[%swap3A_333, %swap3A_334], %mul3A_332 {strides = array<i32>} : memref<128x32xf32, #tpu.memory_space<vmem>>, vector<16xf32>,
          %scan3A_336 = arith.constant 0 : i32
          scf.yield %scan3A_336 : i32
        }
        %scan3A_305 = arith.constant 16 : i32
        %scan3A_306 = arith.constant 0 : i32
        scf.yield %scan3A_306 : i32
      }
      %scan3A_291 = arith.constant 8 : i32
      "tpu.region"() ({
        %run_scoped3A = tpu.sem_alloc : memref<!tpu.dma_semaphore, #tpu.memory_space<semaphore_mem>>
        %dma_start3A_293 = arith.constant 0 : i32
        %dma_start3A_294 = arith.constant 0 : i32
        %dma_start3A_295 = tpu.memref_slice %arg19[%dma_start3A_293, %dma_start3A_294] : memref<10000x32xf32, #tpu.memory_space<vmem_shared>> -> memref<10000x32xf32, #tpu.memory_space<vmem_shared>>
        tpu.enqueue_indirect_dma source(%arg17 : memref<128x32xf32, #tpu.memory_space<vmem>>) target(%dma_start3A_295 : memref<10000x32xf32, #tpu.memory_space<vmem_shared>>) offsets(%arg14 : memref<128xi32, #tpu.memory_space<vmem>>) semaphore(%run_scoped3A : memref<!tpu.dma_semaphore, #tpu.memory_space<semaphore_mem>>) {add = true}
        %dma_wait3A_296 = arith.constant 0 : i32
        %dma_wait3A_297 = arith.constant 0 : i32
        %dma_wait3A_298 = tpu.memref_slice %arg19[%dma_wait3A_296, %dma_wait3A_297] : memref<10000x32xf32, #tpu.memory_space<vmem_shared>> -> memref<10000x32xf32, #tpu.memory_space<vmem_shared>>
        tpu.wait_indirect_dma semaphore(%run_scoped3A : memref<!tpu.dma_semaphore, #tpu.memory_space<semaphore_mem>>) src(%arg17 : memref<128x32xf32, #tpu.memory_space<vmem>>) dst(%dma_wait3A_298 : memref<10000x32xf32, #tpu.memory_space<vmem_shared>>)
        tpu.yield
      }) : () -> ()
      %scan3A_292 = arith.constant 0 : i32
      scf.yield %scan3A_292 : i32
    }
    %scan3A_259 = arith.constant 80 : i32
    %barrier3A_260 = arith.constant 0 : index
    tpu.barrier barrier_id(%barrier3A_260)
    %lt3A_261 = arith.constant 15 : i32
    %lt3A_262 = arith.cmpi slt, %arg1, %lt3A_261 : i32
    %convert_element_type3A_263 = arith.extui %lt3A_262 : i1 to i32
    %cond3A_264 = arith.constant 0 : i32
    %cond3A_265 = arith.cmpi ne, %convert_element_type3A_263, %cond3A_264 : i32
    scf.if %cond3A_265 {
      %mul3A_272 = arith.constant 640 : i32
      %mul3A_273 = arith.muli %arg1, %mul3A_272 : i32
      %mul3A_274 = arith.constant 640 : i32
      %mul3A_275 = arith.muli %arg1, %mul3A_274 : i32
      "tpu.region"() ({
        %run_scoped3A = tpu.sem_alloc : memref<!tpu.dma_semaphore, #tpu.memory_space<semaphore_mem>>
        %dma_start3A = arith.constant 0 : i32
        %dma_start3A_276 = tpu.memref_slice %arg8[%add3A_232, %mul3A_275, %dma_start3A] : memref<12x10000x32xf32, #tpu.memory_space<hbm>> -> memref<1x640x32xf32, #tpu.memory_space<hbm>>
        %dma_start3A_277 = tpu.memref_squeeze %dma_start3A_276 : memref<1x640x32xf32, #tpu.memory_space<hbm>> -> memref<640x32xf32, #tpu.memory_space<hbm>>
        %dma_start3A_278 = arith.constant 0 : i32
        %dma_start3A_279 = tpu.memref_slice %arg19[%mul3A_273, %dma_start3A_278] : memref<10000x32xf32, #tpu.memory_space<vmem_shared>> -> memref<640x32xf32, #tpu.memory_space<vmem_shared>>
        tpu.enqueue_dma source(%dma_start3A_279 : memref<640x32xf32, #tpu.memory_space<vmem_shared>>) target(%dma_start3A_277 : memref<640x32xf32, #tpu.memory_space<hbm>>) target_semaphore(%run_scoped3A : memref<!tpu.dma_semaphore, #tpu.memory_space<semaphore_mem>>)
        %dma_wait3A = arith.constant 0 : i32
        %dma_wait3A_280 = tpu.memref_slice %arg8[%add3A_232, %mul3A_275, %dma_wait3A] : memref<12x10000x32xf32, #tpu.memory_space<hbm>> -> memref<1x640x32xf32, #tpu.memory_space<hbm>>
        %dma_wait3A_281 = tpu.memref_squeeze %dma_wait3A_280 : memref<1x640x32xf32, #tpu.memory_space<hbm>> -> memref<640x32xf32, #tpu.memory_space<hbm>>
        %dma_wait3A_282 = arith.constant 0 : i32
        %dma_wait3A_283 = tpu.memref_slice %arg19[%mul3A_273, %dma_wait3A_282] : memref<10000x32xf32, #tpu.memory_space<vmem_shared>> -> memref<640x32xf32, #tpu.memory_space<vmem_shared>>
        tpu.wait_dma2 semaphore(%run_scoped3A : memref<!tpu.dma_semaphore, #tpu.memory_space<semaphore_mem>>) src(%dma_wait3A_283 : memref<640x32xf32, #tpu.memory_space<vmem_shared>>) dst(%dma_wait3A_281 : memref<640x32xf32, #tpu.memory_space<hbm>>)
        tpu.yield
      }) : () -> ()
    } else {
    }
    %eq3A_266 = arith.constant 15 : i32
    %eq3A_267 = arith.cmpi eq, %arg1, %eq3A_266 : i32
    %convert_element_type3A_268 = arith.extui %eq3A_267 : i1 to i32
    %cond3A_269 = arith.constant 0 : i32
    %cond3A_270 = arith.cmpi ne, %convert_element_type3A_268, %cond3A_269 : i32
    scf.if %cond3A_270 {
      "tpu.region"() ({
        %run_scoped3A = tpu.sem_alloc : memref<!tpu.dma_semaphore, #tpu.memory_space<semaphore_mem>>
        %dma_start3A = arith.constant 9600 : i32
        %dma_start3A_272 = arith.constant 0 : i32
        %dma_start3A_273 = tpu.memref_slice %arg8[%add3A_232, %dma_start3A, %dma_start3A_272] : memref<12x10000x32xf32, #tpu.memory_space<hbm>> -> memref<1x400x32xf32, #tpu.memory_space<hbm>>
        %dma_start3A_274 = tpu.memref_squeeze %dma_start3A_273 : memref<1x400x32xf32, #tpu.memory_space<hbm>> -> memref<400x32xf32, #tpu.memory_space<hbm>>
        %dma_start3A_275 = arith.constant 9600 : i32
        %dma_start3A_276 = arith.constant 0 : i32
        %dma_start3A_277 = tpu.memref_slice %arg19[%dma_start3A_275, %dma_start3A_276] : memref<10000x32xf32, #tpu.memory_space<vmem_shared>> -> memref<400x32xf32, #tpu.memory_space<vmem_shared>>
        tpu.enqueue_dma source(%dma_start3A_277 : memref<400x32xf32, #tpu.memory_space<vmem_shared>>) target(%dma_start3A_274 : memref<400x32xf32, #tpu.memory_space<hbm>>) target_semaphore(%run_scoped3A : memref<!tpu.dma_semaphore, #tpu.memory_space<semaphore_mem>>)
        %dma_wait3A = arith.constant 9600 : i32
        %dma_wait3A_278 = arith.constant 0 : i32
        %dma_wait3A_279 = tpu.memref_slice %arg8[%add3A_232, %dma_wait3A, %dma_wait3A_278] : memref<12x10000x32xf32, #tpu.memory_space<hbm>> -> memref<1x400x32xf32, #tpu.memory_space<hbm>>
        %dma_wait3A_280 = tpu.memref_squeeze %dma_wait3A_279 : memref<1x400x32xf32, #tpu.memory_space<hbm>> -> memref<400x32xf32, #tpu.memory_space<hbm>>
        %dma_wait3A_281 = arith.constant 9600 : i32
        %dma_wait3A_282 = arith.constant 0 : i32
        %dma_wait3A_283 = tpu.memref_slice %arg19[%dma_wait3A_281, %dma_wait3A_282] : memref<10000x32xf32, #tpu.memory_space<vmem_shared>> -> memref<400x32xf32, #tpu.memory_space<vmem_shared>>
        tpu.wait_dma2 semaphore(%run_scoped3A : memref<!tpu.dma_semaphore, #tpu.memory_space<semaphore_mem>>) src(%dma_wait3A_283 : memref<400x32xf32, #tpu.memory_space<vmem_shared>>) dst(%dma_wait3A_280 : memref<400x32xf32, #tpu.memory_space<hbm>>)
        tpu.yield
      }) : () -> ()
    } else {
    }
    %barrier3A_271 = arith.constant 0 : index
    tpu.barrier barrier_id(%barrier3A_271)
    return
  }
}

module attributes {stable_mosaic.version = 14 : i64} {
  func.func @_tc1_body(%arg0: i32, %arg1: memref<1000x128xf32, #tpu.memory_space<vmem>>, %arg2: memref<384x128xf32, #tpu.memory_space<vmem>>, %arg3: memref<384x8xf32, #tpu.memory_space<vmem>>, %arg4: memref<1000x384xf32, #tpu.memory_space<vmem>>, %arg5: memref<12x1000x32xf32, #tpu.memory_space<vmem>>, %arg6: memref<1000x8xf32, #tpu.memory_space<vmem>>) attributes {dimension_semantics = [#tpu.dimension_semantics<arbitrary>], iteration_bounds = array<i64: 10>, scalar_prefetch = 0 : i64, scratch_operands = 0 : i64, tpu.core_type = #tpu.core_type<tc>, window_params = [{transform_indices = @transform_0, window_bounds = array<i64: 1000, 128>}, {pipeline_mode = #tpu.pipeline_mode<synchronous>, transform_indices = @transform_1, window_bounds = array<i64: 384, 128>}, {pipeline_mode = #tpu.pipeline_mode<synchronous>, transform_indices = @transform_2, window_bounds = array<i64: 384, 8>}, {transform_indices = @transform_3, window_bounds = array<i64: 1000, 384>}, {transform_indices = @transform_4, window_bounds = array<i64: 12, 1000, 32>}, {transform_indices = @transform_5, window_bounds = array<i64: 1000, 8>}]} {
    %get3A = arith.constant 0 : index
    %get3A_0 = arith.constant 0 : index
    %get3A_1 = vector.load %arg1[%get3A, %get3A_0] : memref<1000x128xf32, #tpu.memory_space<vmem>>, vector<1000x128xf32>
    %get3A_2 = arith.constant 0 : index
    %get3A_3 = arith.constant 0 : index
    %get3A_4 = vector.load %arg2[%get3A_2, %get3A_3] : memref<384x128xf32, #tpu.memory_space<vmem>>, vector<384x128xf32>
    %dot_general3A = arith.constant dense<0.000000e+00> : vector<1000x384xf32>
    %dot_general3A_5 = tpu.matmul %get3A_1, %get3A_4, %dot_general3A {dimension_numbers = #tpu.dot_dimension_numbers<[1], [1], [0], [0], [0, 0, 1, 0], [], []>, transpose_lhs_hint = false} : vector<1000x128xf32>, vector<384x128xf32>, vector<1000x384xf32> -> vector<1000x384xf32>
    %swap3A = arith.constant 0 : index
    %swap3A_6 = arith.constant 0 : index
    %swap3A_7 = vector.load %arg4[%swap3A, %swap3A_6] : memref<1000x384xf32, #tpu.memory_space<vmem>>, vector<1000x384xf32>
    tpu.vector_store %arg4[%swap3A, %swap3A_6], %dot_general3A_5 {strides = array<i32>} : memref<1000x384xf32, #tpu.memory_space<vmem>>, vector<1000x384xf32>,
    %slice3A = vector.extract_strided_slice %dot_general3A_5 {offsets = [0, 0], sizes = [1000, 32], strides = [1, 1]} : vector<1000x384xf32> to vector<1000x32xf32>
    %swap3A_8 = arith.constant 0 : index
    %swap3A_9 = arith.constant 0 : index
    %swap3A_10 = arith.constant 0 : index
    %swap3A_11 = vector.load %arg5[%swap3A_8, %swap3A_9, %swap3A_10] : memref<12x1000x32xf32, #tpu.memory_space<vmem>>, vector<1x1000x32xf32>
    %swap3A_12 = vector.shape_cast %swap3A_11 : vector<1x1000x32xf32> to vector<1000x32xf32>
    %swap3A_13 = vector.shape_cast %slice3A : vector<1000x32xf32> to vector<1x1000x32xf32>
    tpu.vector_store %arg5[%swap3A_8, %swap3A_9, %swap3A_10], %swap3A_13 {strides = array<i32>} : memref<12x1000x32xf32, #tpu.memory_space<vmem>>, vector<1x1000x32xf32>,
    %slice3A_14 = vector.extract_strided_slice %dot_general3A_5 {offsets = [0, 32], sizes = [1000, 32], strides = [1, 1]} : vector<1000x384xf32> to vector<1000x32xf32>
    %swap3A_15 = arith.constant 1 : index
    %swap3A_16 = arith.constant 0 : index
    %swap3A_17 = arith.constant 0 : index
    %swap3A_18 = vector.load %arg5[%swap3A_15, %swap3A_16, %swap3A_17] : memref<12x1000x32xf32, #tpu.memory_space<vmem>>, vector<1x1000x32xf32>
    %swap3A_19 = vector.shape_cast %swap3A_18 : vector<1x1000x32xf32> to vector<1000x32xf32>
    %swap3A_20 = vector.shape_cast %slice3A_14 : vector<1000x32xf32> to vector<1x1000x32xf32>
    tpu.vector_store %arg5[%swap3A_15, %swap3A_16, %swap3A_17], %swap3A_20 {strides = array<i32>} : memref<12x1000x32xf32, #tpu.memory_space<vmem>>, vector<1x1000x32xf32>,
    %slice3A_21 = vector.extract_strided_slice %dot_general3A_5 {offsets = [0, 64], sizes = [1000, 32], strides = [1, 1]} : vector<1000x384xf32> to vector<1000x32xf32>
    %swap3A_22 = arith.constant 2 : index
    %swap3A_23 = arith.constant 0 : index
    %swap3A_24 = arith.constant 0 : index
    %swap3A_25 = vector.load %arg5[%swap3A_22, %swap3A_23, %swap3A_24] : memref<12x1000x32xf32, #tpu.memory_space<vmem>>, vector<1x1000x32xf32>
    %swap3A_26 = vector.shape_cast %swap3A_25 : vector<1x1000x32xf32> to vector<1000x32xf32>
    %swap3A_27 = vector.shape_cast %slice3A_21 : vector<1000x32xf32> to vector<1x1000x32xf32>
    tpu.vector_store %arg5[%swap3A_22, %swap3A_23, %swap3A_24], %swap3A_27 {strides = array<i32>} : memref<12x1000x32xf32, #tpu.memory_space<vmem>>, vector<1x1000x32xf32>,
    %slice3A_28 = vector.extract_strided_slice %dot_general3A_5 {offsets = [0, 96], sizes = [1000, 32], strides = [1, 1]} : vector<1000x384xf32> to vector<1000x32xf32>
    %swap3A_29 = arith.constant 3 : index
    %swap3A_30 = arith.constant 0 : index
    %swap3A_31 = arith.constant 0 : index
    %swap3A_32 = vector.load %arg5[%swap3A_29, %swap3A_30, %swap3A_31] : memref<12x1000x32xf32, #tpu.memory_space<vmem>>, vector<1x1000x32xf32>
    %swap3A_33 = vector.shape_cast %swap3A_32 : vector<1x1000x32xf32> to vector<1000x32xf32>
    %swap3A_34 = vector.shape_cast %slice3A_28 : vector<1000x32xf32> to vector<1x1000x32xf32>
    tpu.vector_store %arg5[%swap3A_29, %swap3A_30, %swap3A_31], %swap3A_34 {strides = array<i32>} : memref<12x1000x32xf32, #tpu.memory_space<vmem>>, vector<1x1000x32xf32>,
    %slice3A_35 = vector.extract_strided_slice %dot_general3A_5 {offsets = [0, 128], sizes = [1000, 32], strides = [1, 1]} : vector<1000x384xf32> to vector<1000x32xf32>
    %swap3A_36 = arith.constant 4 : index
    %swap3A_37 = arith.constant 0 : index
    %swap3A_38 = arith.constant 0 : index
    %swap3A_39 = vector.load %arg5[%swap3A_36, %swap3A_37, %swap3A_38] : memref<12x1000x32xf32, #tpu.memory_space<vmem>>, vector<1x1000x32xf32>
    %swap3A_40 = vector.shape_cast %swap3A_39 : vector<1x1000x32xf32> to vector<1000x32xf32>
    %swap3A_41 = vector.shape_cast %slice3A_35 : vector<1000x32xf32> to vector<1x1000x32xf32>
    tpu.vector_store %arg5[%swap3A_36, %swap3A_37, %swap3A_38], %swap3A_41 {strides = array<i32>} : memref<12x1000x32xf32, #tpu.memory_space<vmem>>, vector<1x1000x32xf32>,
    %slice3A_42 = vector.extract_strided_slice %dot_general3A_5 {offsets = [0, 160], sizes = [1000, 32], strides = [1, 1]} : vector<1000x384xf32> to vector<1000x32xf32>
    %swap3A_43 = arith.constant 5 : index
    %swap3A_44 = arith.constant 0 : index
    %swap3A_45 = arith.constant 0 : index
    %swap3A_46 = vector.load %arg5[%swap3A_43, %swap3A_44, %swap3A_45] : memref<12x1000x32xf32, #tpu.memory_space<vmem>>, vector<1x1000x32xf32>
    %swap3A_47 = vector.shape_cast %swap3A_46 : vector<1x1000x32xf32> to vector<1000x32xf32>
    %swap3A_48 = vector.shape_cast %slice3A_42 : vector<1000x32xf32> to vector<1x1000x32xf32>
    tpu.vector_store %arg5[%swap3A_43, %swap3A_44, %swap3A_45], %swap3A_48 {strides = array<i32>} : memref<12x1000x32xf32, #tpu.memory_space<vmem>>, vector<1x1000x32xf32>,
    %slice3A_49 = vector.extract_strided_slice %dot_general3A_5 {offsets = [0, 192], sizes = [1000, 32], strides = [1, 1]} : vector<1000x384xf32> to vector<1000x32xf32>
    %swap3A_50 = arith.constant 6 : index
    %swap3A_51 = arith.constant 0 : index
    %swap3A_52 = arith.constant 0 : index
    %swap3A_53 = vector.load %arg5[%swap3A_50, %swap3A_51, %swap3A_52] : memref<12x1000x32xf32, #tpu.memory_space<vmem>>, vector<1x1000x32xf32>
    %swap3A_54 = vector.shape_cast %swap3A_53 : vector<1x1000x32xf32> to vector<1000x32xf32>
    %swap3A_55 = vector.shape_cast %slice3A_49 : vector<1000x32xf32> to vector<1x1000x32xf32>
    tpu.vector_store %arg5[%swap3A_50, %swap3A_51, %swap3A_52], %swap3A_55 {strides = array<i32>} : memref<12x1000x32xf32, #tpu.memory_space<vmem>>, vector<1x1000x32xf32>,
    %slice3A_56 = vector.extract_strided_slice %dot_general3A_5 {offsets = [0, 224], sizes = [1000, 32], strides = [1, 1]} : vector<1000x384xf32> to vector<1000x32xf32>
    %swap3A_57 = arith.constant 7 : index
    %swap3A_58 = arith.constant 0 : index
    %swap3A_59 = arith.constant 0 : index
    %swap3A_60 = vector.load %arg5[%swap3A_57, %swap3A_58, %swap3A_59] : memref<12x1000x32xf32, #tpu.memory_space<vmem>>, vector<1x1000x32xf32>
    %swap3A_61 = vector.shape_cast %swap3A_60 : vector<1x1000x32xf32> to vector<1000x32xf32>
    %swap3A_62 = vector.shape_cast %slice3A_56 : vector<1000x32xf32> to vector<1x1000x32xf32>
    tpu.vector_store %arg5[%swap3A_57, %swap3A_58, %swap3A_59], %swap3A_62 {strides = array<i32>} : memref<12x1000x32xf32, #tpu.memory_space<vmem>>, vector<1x1000x32xf32>,
    %slice3A_63 = vector.extract_strided_slice %dot_general3A_5 {offsets = [0, 256], sizes = [1000, 32], strides = [1, 1]} : vector<1000x384xf32> to vector<1000x32xf32>
    %swap3A_64 = arith.constant 8 : index
    %swap3A_65 = arith.constant 0 : index
    %swap3A_66 = arith.constant 0 : index
    %swap3A_67 = vector.load %arg5[%swap3A_64, %swap3A_65, %swap3A_66] : memref<12x1000x32xf32, #tpu.memory_space<vmem>>, vector<1x1000x32xf32>
    %swap3A_68 = vector.shape_cast %swap3A_67 : vector<1x1000x32xf32> to vector<1000x32xf32>
    %swap3A_69 = vector.shape_cast %slice3A_63 : vector<1000x32xf32> to vector<1x1000x32xf32>
    tpu.vector_store %arg5[%swap3A_64, %swap3A_65, %swap3A_66], %swap3A_69 {strides = array<i32>} : memref<12x1000x32xf32, #tpu.memory_space<vmem>>, vector<1x1000x32xf32>,
    %slice3A_70 = vector.extract_strided_slice %dot_general3A_5 {offsets = [0, 288], sizes = [1000, 32], strides = [1, 1]} : vector<1000x384xf32> to vector<1000x32xf32>
    %swap3A_71 = arith.constant 9 : index
    %swap3A_72 = arith.constant 0 : index
    %swap3A_73 = arith.constant 0 : index
    %swap3A_74 = vector.load %arg5[%swap3A_71, %swap3A_72, %swap3A_73] : memref<12x1000x32xf32, #tpu.memory_space<vmem>>, vector<1x1000x32xf32>
    %swap3A_75 = vector.shape_cast %swap3A_74 : vector<1x1000x32xf32> to vector<1000x32xf32>
    %swap3A_76 = vector.shape_cast %slice3A_70 : vector<1000x32xf32> to vector<1x1000x32xf32>
    tpu.vector_store %arg5[%swap3A_71, %swap3A_72, %swap3A_73], %swap3A_76 {strides = array<i32>} : memref<12x1000x32xf32, #tpu.memory_space<vmem>>, vector<1x1000x32xf32>,
    %slice3A_77 = vector.extract_strided_slice %dot_general3A_5 {offsets = [0, 320], sizes = [1000, 32], strides = [1, 1]} : vector<1000x384xf32> to vector<1000x32xf32>
    %swap3A_78 = arith.constant 10 : index
    %swap3A_79 = arith.constant 0 : index
    %swap3A_80 = arith.constant 0 : index
    %swap3A_81 = vector.load %arg5[%swap3A_78, %swap3A_79, %swap3A_80] : memref<12x1000x32xf32, #tpu.memory_space<vmem>>, vector<1x1000x32xf32>
    %swap3A_82 = vector.shape_cast %swap3A_81 : vector<1x1000x32xf32> to vector<1000x32xf32>
    %swap3A_83 = vector.shape_cast %slice3A_77 : vector<1000x32xf32> to vector<1x1000x32xf32>
    tpu.vector_store %arg5[%swap3A_78, %swap3A_79, %swap3A_80], %swap3A_83 {strides = array<i32>} : memref<12x1000x32xf32, #tpu.memory_space<vmem>>, vector<1x1000x32xf32>,
    %slice3A_84 = vector.extract_strided_slice %dot_general3A_5 {offsets = [0, 352], sizes = [1000, 32], strides = [1, 1]} : vector<1000x384xf32> to vector<1000x32xf32>
    %swap3A_85 = arith.constant 11 : index
    %swap3A_86 = arith.constant 0 : index
    %swap3A_87 = arith.constant 0 : index
    %swap3A_88 = vector.load %arg5[%swap3A_85, %swap3A_86, %swap3A_87] : memref<12x1000x32xf32, #tpu.memory_space<vmem>>, vector<1x1000x32xf32>
    %swap3A_89 = vector.shape_cast %swap3A_88 : vector<1x1000x32xf32> to vector<1000x32xf32>
    %swap3A_90 = vector.shape_cast %slice3A_84 : vector<1000x32xf32> to vector<1x1000x32xf32>
    tpu.vector_store %arg5[%swap3A_85, %swap3A_86, %swap3A_87], %swap3A_90 {strides = array<i32>} : memref<12x1000x32xf32, #tpu.memory_space<vmem>>, vector<1x1000x32xf32>,
    %get3A_91 = arith.constant 0 : index
    %get3A_92 = arith.constant 0 : index
    %get3A_93 = vector.load %arg3[%get3A_91, %get3A_92] : memref<384x8xf32, #tpu.memory_space<vmem>>, vector<384x8xf32>
    %dot_general3A_94 = arith.constant dense<0.000000e+00> : vector<1000x8xf32>
    %dot_general3A_95 = tpu.matmul %dot_general3A_5, %get3A_93, %dot_general3A_94 {dimension_numbers = #tpu.dot_dimension_numbers<[1], [0], [0], [1], [0, 0, 1, 1], [], []>, transpose_lhs_hint = false} : vector<1000x384xf32>, vector<384x8xf32>, vector<1000x8xf32> -> vector<1000x8xf32>
    %swap3A_96 = arith.constant 0 : index
    %swap3A_97 = arith.constant 0 : index
    %swap3A_98 = vector.load %arg6[%swap3A_96, %swap3A_97] : memref<1000x8xf32, #tpu.memory_space<vmem>>, vector<1000x8xf32>
    tpu.vector_store %arg6[%swap3A_96, %swap3A_97], %dot_general3A_95 {strides = array<i32>} : memref<1000x8xf32, #tpu.memory_space<vmem>>, vector<1000x8xf32>,
    return
  }
  func.func @transform_0(%arg0: i32) -> (i32, i32) {
    %c0_i32 = arith.constant 0 : i32
    %c0_i32_0 = arith.constant 0 : i32
    return %arg0, %c0_i32 : i32, i32
  }
  func.func @transform_1(%arg0: i32) -> (i32, i32) {
    %c0_i32 = arith.constant 0 : i32
    %c0_i32_0 = arith.constant 0 : i32
    %c0_i32_1 = arith.constant 0 : i32
    return %c0_i32, %c0_i32_0 : i32, i32
  }
  func.func @transform_2(%arg0: i32) -> (i32, i32) {
    %c0_i32 = arith.constant 0 : i32
    %c0_i32_0 = arith.constant 0 : i32
    %c0_i32_1 = arith.constant 0 : i32
    return %c0_i32, %c0_i32_0 : i32, i32
  }
  func.func @transform_3(%arg0: i32) -> (i32, i32) {
    %c0_i32 = arith.constant 0 : i32
    %c0_i32_0 = arith.constant 0 : i32
    return %arg0, %c0_i32 : i32, i32
  }
  func.func @transform_4(%arg0: i32) -> (i32, i32, i32) {
    %c0_i32 = arith.constant 0 : i32
    %c0_i32_0 = arith.constant 0 : i32
    %c0_i32_1 = arith.constant 0 : i32
    return %c0_i32, %arg0, %c0_i32_0 : i32, i32, i32
  }
  func.func @transform_5(%arg0: i32) -> (i32, i32) {
    %c0_i32 = arith.constant 0 : i32
    %c0_i32_0 = arith.constant 0 : i32
    return %arg0, %c0_i32 : i32, i32
  }
}

module attributes {stable_mosaic.version = 14 : i64} {
  func.func @_tc1b_body(%arg0: memref<10000x8xf32, #tpu.memory_space<vmem>>, %arg1: memref<1x16xf32, #tpu.memory_space<vmem>>) attributes {dimension_semantics = [], scalar_prefetch = 0 : i64, scratch_operands = 0 : i64, tpu.core_type = #tpu.core_type<tc>} {
    %get3A = arith.constant 0 : index
    %get3A_0 = arith.constant 0 : index
    %get3A_1 = vector.load %arg0[%get3A, %get3A_0] : memref<10000x8xf32, #tpu.memory_space<vmem>>, vector<10000x8xf32>
    %reduce_max3A = arith.constant dense<0xFF800000> : vector<8xf32>
    %reduce_max3A_2 = vector.multi_reduction <maximumf>, %get3A_1, %reduce_max3A [0] : vector<10000x8xf32> to vector<8xf32>
    %slice3A = vector.extract_strided_slice %reduce_max3A_2 {offsets = [0], sizes = [3], strides = [1]} : vector<8xf32> to vector<3xf32>
    %slice3A_3 = vector.extract_strided_slice %reduce_max3A_2 {offsets = [3], sizes = [3], strides = [1]} : vector<8xf32> to vector<3xf32>
    %add3A = arith.addf %slice3A, %slice3A_3 : vector<3xf32>
    %gt3A = arith.constant 0.000000e+00 : f32
    %gt3A_4 = vector.broadcast %gt3A : f32 to vector<3xf32>
    %gt3A_5 = arith.cmpf ogt, %add3A, %gt3A_4 : vector<3xf32>
    %mul3A = arith.constant 2.000000e-01 : f32
    %mul3A_6 = vector.broadcast %mul3A : f32 to vector<3xf32>
    %mul3A_7 = arith.mulf %add3A, %mul3A_6 : vector<3xf32>
    %select_n3A = arith.select %gt3A_5, %add3A, %mul3A_7 : vector<3xi1>, vector<3xf32>
    %broadcast_in_dim3A = arith.constant 0.000000e+00 : f32
    %broadcast_in_dim3A_8 = vector.broadcast %broadcast_in_dim3A : f32 to vector<13xf32>
    %concatenate3A = tpu.concatenate %select_n3A, %broadcast_in_dim3A_8 in 0 : vector<3xf32>, vector<13xf32> -> vector<16xf32>
    %broadcast_in_dim3A_9 = vector.shape_cast %concatenate3A : vector<16xf32> to vector<1x16xf32>
    %swap3A = arith.constant 0 : index
    %swap3A_10 = arith.constant 0 : index
    %swap3A_11 = vector.load %arg1[%swap3A, %swap3A_10] : memref<1x16xf32, #tpu.memory_space<vmem>>, vector<1x16xf32>
    tpu.vector_store %arg1[%swap3A, %swap3A_10], %broadcast_in_dim3A_9 {strides = array<i32>} : memref<1x16xf32, #tpu.memory_space<vmem>>, vector<1x16xf32>,
    return
  }
}

module attributes {stable_mosaic.version = 14 : i64} {
  func.func @_tc2_body(%arg0: i32, %arg1: memref<12x1000x32xf32, #tpu.memory_space<vmem>>, %arg2: memref<1000x3x16xf32, #tpu.memory_space<vmem>>, %arg3: memref<1000x8xf32, #tpu.memory_space<vmem>>, %arg4: memref<1x16xf32, #tpu.memory_space<vmem>>, %arg5: memref<1000x384xf32, #tpu.memory_space<vmem>>, %arg6: memref<1x384xf32, #tpu.memory_space<vmem>>, %arg7: memref<1000x384xf32, #tpu.memory_space<vmem>>, %arg8: memref<8x384xf32, #tpu.memory_space<vmem>>) attributes {dimension_semantics = [#tpu.dimension_semantics<arbitrary>], iteration_bounds = array<i64: 10>, scalar_prefetch = 0 : i64, scratch_operands = 0 : i64, tpu.core_type = #tpu.core_type<tc>, window_params = [{transform_indices = @transform_0, window_bounds = array<i64: 12, 1000, 32>}, {transform_indices = @transform_1, window_bounds = array<i64: 1000, 3, 16>}, {transform_indices = @transform_2, window_bounds = array<i64: 1000, 8>}, {pipeline_mode = #tpu.pipeline_mode<synchronous>, transform_indices = @transform_3, window_bounds = array<i64: 1, 16>}, {transform_indices = @transform_4, window_bounds = array<i64: 1000, 384>}, {pipeline_mode = #tpu.pipeline_mode<synchronous>, transform_indices = @transform_5, window_bounds = array<i64: 1, 384>}, {transform_indices = @transform_6, window_bounds = array<i64: 1000, 384>}, {pipeline_mode = #tpu.pipeline_mode<synchronous>, transform_indices = @transform_7, window_bounds = array<i64: 8, 384>}]} {
    %get3A = arith.constant 0 : index
    %get3A_0 = arith.constant 0 : index
    %get3A_1 = arith.constant 0 : index
    %get3A_2 = vector.load %arg1[%get3A, %get3A_0, %get3A_1] : memref<12x1000x32xf32, #tpu.memory_space<vmem>>, vector<1x1000x32xf32>
    %get3A_3 = vector.shape_cast %get3A_2 : vector<1x1000x32xf32> to vector<1000x32xf32>
    %get3A_4 = arith.constant 1 : index
    %get3A_5 = arith.constant 0 : index
    %get3A_6 = arith.constant 0 : index
    %get3A_7 = vector.load %arg1[%get3A_4, %get3A_5, %get3A_6] : memref<12x1000x32xf32, #tpu.memory_space<vmem>>, vector<1x1000x32xf32>
    %get3A_8 = vector.shape_cast %get3A_7 : vector<1x1000x32xf32> to vector<1000x32xf32>
    %get3A_9 = arith.constant 2 : index
    %get3A_10 = arith.constant 0 : index
    %get3A_11 = arith.constant 0 : index
    %get3A_12 = vector.load %arg1[%get3A_9, %get3A_10, %get3A_11] : memref<12x1000x32xf32, #tpu.memory_space<vmem>>, vector<1x1000x32xf32>
    %get3A_13 = vector.shape_cast %get3A_12 : vector<1x1000x32xf32> to vector<1000x32xf32>
    %get3A_14 = arith.constant 3 : index
    %get3A_15 = arith.constant 0 : index
    %get3A_16 = arith.constant 0 : index
    %get3A_17 = vector.load %arg1[%get3A_14, %get3A_15, %get3A_16] : memref<12x1000x32xf32, #tpu.memory_space<vmem>>, vector<1x1000x32xf32>
    %get3A_18 = vector.shape_cast %get3A_17 : vector<1x1000x32xf32> to vector<1000x32xf32>
    %get3A_19 = arith.constant 4 : index
    %get3A_20 = arith.constant 0 : index
    %get3A_21 = arith.constant 0 : index
    %get3A_22 = vector.load %arg1[%get3A_19, %get3A_20, %get3A_21] : memref<12x1000x32xf32, #tpu.memory_space<vmem>>, vector<1x1000x32xf32>
    %get3A_23 = vector.shape_cast %get3A_22 : vector<1x1000x32xf32> to vector<1000x32xf32>
    %get3A_24 = arith.constant 5 : index
    %get3A_25 = arith.constant 0 : index
    %get3A_26 = arith.constant 0 : index
    %get3A_27 = vector.load %arg1[%get3A_24, %get3A_25, %get3A_26] : memref<12x1000x32xf32, #tpu.memory_space<vmem>>, vector<1x1000x32xf32>
    %get3A_28 = vector.shape_cast %get3A_27 : vector<1x1000x32xf32> to vector<1000x32xf32>
    %get3A_29 = arith.constant 6 : index
    %get3A_30 = arith.constant 0 : index
    %get3A_31 = arith.constant 0 : index
    %get3A_32 = vector.load %arg1[%get3A_29, %get3A_30, %get3A_31] : memref<12x1000x32xf32, #tpu.memory_space<vmem>>, vector<1x1000x32xf32>
    %get3A_33 = vector.shape_cast %get3A_32 : vector<1x1000x32xf32> to vector<1000x32xf32>
    %get3A_34 = arith.constant 7 : index
    %get3A_35 = arith.constant 0 : index
    %get3A_36 = arith.constant 0 : index
    %get3A_37 = vector.load %arg1[%get3A_34, %get3A_35, %get3A_36] : memref<12x1000x32xf32, #tpu.memory_space<vmem>>, vector<1x1000x32xf32>
    %get3A_38 = vector.shape_cast %get3A_37 : vector<1x1000x32xf32> to vector<1000x32xf32>
    %get3A_39 = arith.constant 8 : index
    %get3A_40 = arith.constant 0 : index
    %get3A_41 = arith.constant 0 : index
    %get3A_42 = vector.load %arg1[%get3A_39, %get3A_40, %get3A_41] : memref<12x1000x32xf32, #tpu.memory_space<vmem>>, vector<1x1000x32xf32>
    %get3A_43 = vector.shape_cast %get3A_42 : vector<1x1000x32xf32> to vector<1000x32xf32>
    %get3A_44 = arith.constant 9 : index
    %get3A_45 = arith.constant 0 : index
    %get3A_46 = arith.constant 0 : index
    %get3A_47 = vector.load %arg1[%get3A_44, %get3A_45, %get3A_46] : memref<12x1000x32xf32, #tpu.memory_space<vmem>>, vector<1x1000x32xf32>
    %get3A_48 = vector.shape_cast %get3A_47 : vector<1x1000x32xf32> to vector<1000x32xf32>
    %get3A_49 = arith.constant 10 : index
    %get3A_50 = arith.constant 0 : index
    %get3A_51 = arith.constant 0 : index
    %get3A_52 = vector.load %arg1[%get3A_49, %get3A_50, %get3A_51] : memref<12x1000x32xf32, #tpu.memory_space<vmem>>, vector<1x1000x32xf32>
    %get3A_53 = vector.shape_cast %get3A_52 : vector<1x1000x32xf32> to vector<1000x32xf32>
    %get3A_54 = arith.constant 11 : index
    %get3A_55 = arith.constant 0 : index
    %get3A_56 = arith.constant 0 : index
    %get3A_57 = vector.load %arg1[%get3A_54, %get3A_55, %get3A_56] : memref<12x1000x32xf32, #tpu.memory_space<vmem>>, vector<1x1000x32xf32>
    %get3A_58 = vector.shape_cast %get3A_57 : vector<1x1000x32xf32> to vector<1000x32xf32>
    %concatenate3A = tpu.concatenate %get3A_3, %get3A_8, %get3A_13, %get3A_18, %get3A_23, %get3A_28, %get3A_33, %get3A_38, %get3A_43, %get3A_48, %get3A_53, %get3A_58 in 1 : vector<1000x32xf32>, vector<1000x32xf32>, vector<1000x32xf32>, vector<1000x32xf32>, vector<1000x32xf32>, vector<1000x32xf32>, vector<1000x32xf32>, vector<1000x32xf32>, vector<1000x32xf32>, vector<1000x32xf32>, vector<1000x32xf32>, vector<1000x32xf32> -> vector<1000x384xf32>
    %get3A_59 = arith.constant 0 : index
    %get3A_60 = arith.constant 0 : index
    %get3A_61 = vector.load %arg5[%get3A_59, %get3A_60] : memref<1000x384xf32, #tpu.memory_space<vmem>>, vector<1000x384xf32>
    %get3A_62 = arith.constant 0 : index
    %get3A_63 = arith.constant 0 : index
    %get3A_64 = vector.load %arg3[%get3A_62, %get3A_63] : memref<1000x8xf32, #tpu.memory_space<vmem>>, vector<1000x8xf32>
    %get3A_65 = arith.constant 0 : index
    %get3A_66 = arith.constant 0 : index
    %get3A_67 = arith.constant 0 : index
    %get3A_68 = vector.load %arg2[%get3A_65, %get3A_66, %get3A_67] : memref<1000x3x16xf32, #tpu.memory_space<vmem>>, vector<1000x1x16xf32>
    %get3A_69 = vector.shape_cast %get3A_68 : vector<1000x1x16xf32> to vector<1000x16xf32>
    %reduce_sum3A = arith.constant dense<0.000000e+00> : vector<1000xf32>
    %reduce_sum3A_70 = vector.multi_reduction <add>, %get3A_69, %reduce_sum3A [1] : vector<1000x16xf32> to vector<1000xf32>
    %slice3A = vector.extract_strided_slice %get3A_64 {offsets = [0, 0], sizes = [1000, 1], strides = [1, 1]} : vector<1000x8xf32> to vector<1000x1xf32>
    %squeeze3A = vector.shape_cast %slice3A : vector<1000x1xf32> to vector<1000xf32>
    %slice3A_71 = vector.extract_strided_slice %get3A_64 {offsets = [0, 3], sizes = [1000, 1], strides = [1, 1]} : vector<1000x8xf32> to vector<1000x1xf32>
    %squeeze3A_72 = vector.shape_cast %slice3A_71 : vector<1000x1xf32> to vector<1000xf32>
    %add3A = arith.addf %squeeze3A, %squeeze3A_72 : vector<1000xf32>
    %gt3A = arith.constant 0.000000e+00 : f32
    %gt3A_73 = vector.broadcast %gt3A : f32 to vector<1000xf32>
    %gt3A_74 = arith.cmpf ogt, %add3A, %gt3A_73 : vector<1000xf32>
    %mul3A = arith.constant 2.000000e-01 : f32
    %mul3A_75 = vector.broadcast %mul3A : f32 to vector<1000xf32>
    %mul3A_76 = arith.mulf %add3A, %mul3A_75 : vector<1000xf32>
    %select_n3A = arith.select %gt3A_74, %add3A, %mul3A_76 : vector<1000xi1>, vector<1000xf32>
    %get3A_77 = arith.constant 0 : index
    %get3A_78 = arith.constant 0 : index
    %get3A_79 = vector.load %arg4[%get3A_77, %get3A_78] : memref<1x16xf32, #tpu.memory_space<vmem>>, vector<1x1xf32>
    %get3A_80 = vector.extract %get3A_79[0, 0] : f32 from vector<1x1xf32>
    %sub3A = vector.broadcast %get3A_80 : f32 to vector<1000xf32>
    %sub3A_81 = arith.subf %select_n3A, %sub3A : vector<1000xf32>
    %exp3A = math.exp %sub3A_81 : vector<1000xf32>
    %slice3A_82 = vector.extract_strided_slice %get3A_61 {offsets = [0, 0], sizes = [1000, 128], strides = [1, 1]} : vector<1000x384xf32> to vector<1000x128xf32>
    %slice3A_83 = vector.extract_strided_slice %concatenate3A {offsets = [0, 0], sizes = [1000, 128], strides = [1, 1]} : vector<1000x384xf32> to vector<1000x128xf32>
    %broadcast_in_dim3A = vector.shape_cast %exp3A : vector<1000xf32> to vector<1000x1xf32>
    %mul3A_84 = vector.broadcast %broadcast_in_dim3A : vector<1000x1xf32> to vector<1000x128xf32>
    %mul3A_85 = arith.mulf %mul3A_84, %slice3A_82 : vector<1000x128xf32>
    %add3A_86 = arith.addf %slice3A_83, %mul3A_85 : vector<1000x128xf32>
    %add3A_87 = arith.addf %reduce_sum3A_70, %exp3A : vector<1000xf32>
    %add3A_88 = arith.constant 1.000000e-16 : f32
    %add3A_89 = vector.broadcast %add3A_88 : f32 to vector<1000xf32>
    %add3A_90 = arith.addf %add3A_87, %add3A_89 : vector<1000xf32>
    %broadcast_in_dim3A_91 = vector.shape_cast %add3A_90 : vector<1000xf32> to vector<1000x1xf32>
    %div3A = vector.broadcast %broadcast_in_dim3A_91 : vector<1000x1xf32> to vector<1000x128xf32>
    %div3A_92 = arith.divf %add3A_86, %div3A : vector<1000x128xf32>
    %get3A_93 = arith.constant 0 : index
    %get3A_94 = arith.constant 1 : index
    %get3A_95 = arith.constant 0 : index
    %get3A_96 = vector.load %arg2[%get3A_93, %get3A_94, %get3A_95] : memref<1000x3x16xf32, #tpu.memory_space<vmem>>, vector<1000x1x16xf32>
    %get3A_97 = vector.shape_cast %get3A_96 : vector<1000x1x16xf32> to vector<1000x16xf32>
    %reduce_sum3A_98 = arith.constant dense<0.000000e+00> : vector<1000xf32>
    %reduce_sum3A_99 = vector.multi_reduction <add>, %get3A_97, %reduce_sum3A_98 [1] : vector<1000x16xf32> to vector<1000xf32>
    %slice3A_100 = vector.extract_strided_slice %get3A_64 {offsets = [0, 1], sizes = [1000, 1], strides = [1, 1]} : vector<1000x8xf32> to vector<1000x1xf32>
    %squeeze3A_101 = vector.shape_cast %slice3A_100 : vector<1000x1xf32> to vector<1000xf32>
    %slice3A_102 = vector.extract_strided_slice %get3A_64 {offsets = [0, 4], sizes = [1000, 1], strides = [1, 1]} : vector<1000x8xf32> to vector<1000x1xf32>
    %squeeze3A_103 = vector.shape_cast %slice3A_102 : vector<1000x1xf32> to vector<1000xf32>
    %add3A_104 = arith.addf %squeeze3A_101, %squeeze3A_103 : vector<1000xf32>
    %gt3A_105 = arith.constant 0.000000e+00 : f32
    %gt3A_106 = vector.broadcast %gt3A_105 : f32 to vector<1000xf32>
    %gt3A_107 = arith.cmpf ogt, %add3A_104, %gt3A_106 : vector<1000xf32>
    %mul3A_108 = arith.constant 2.000000e-01 : f32
    %mul3A_109 = vector.broadcast %mul3A_108 : f32 to vector<1000xf32>
    %mul3A_110 = arith.mulf %add3A_104, %mul3A_109 : vector<1000xf32>
    %select_n3A_111 = arith.select %gt3A_107, %add3A_104, %mul3A_110 : vector<1000xi1>, vector<1000xf32>
    %get3A_112 = arith.constant 0 : index
    %get3A_113 = arith.constant 1 : index
    %get3A_114 = vector.load %arg4[%get3A_112, %get3A_113] : memref<1x16xf32, #tpu.memory_space<vmem>>, vector<1x1xf32>
    %get3A_115 = vector.extract %get3A_114[0, 0] : f32 from vector<1x1xf32>
    %sub3A_116 = vector.broadcast %get3A_115 : f32 to vector<1000xf32>
    %sub3A_117 = arith.subf %select_n3A_111, %sub3A_116 : vector<1000xf32>
    %exp3A_118 = math.exp %sub3A_117 : vector<1000xf32>
    %slice3A_119 = vector.extract_strided_slice %get3A_61 {offsets = [0, 128], sizes = [1000, 128], strides = [1, 1]} : vector<1000x384xf32> to vector<1000x128xf32>
    %slice3A_120 = vector.extract_strided_slice %concatenate3A {offsets = [0, 128], sizes = [1000, 128], strides = [1, 1]} : vector<1000x384xf32> to vector<1000x128xf32>
    %broadcast_in_dim3A_121 = vector.shape_cast %exp3A_118 : vector<1000xf32> to vector<1000x1xf32>
    %mul3A_122 = vector.broadcast %broadcast_in_dim3A_121 : vector<1000x1xf32> to vector<1000x128xf32>
    %mul3A_123 = arith.mulf %mul3A_122, %slice3A_119 : vector<1000x128xf32>
    %add3A_124 = arith.addf %slice3A_120, %mul3A_123 : vector<1000x128xf32>
    %add3A_125 = arith.addf %reduce_sum3A_99, %exp3A_118 : vector<1000xf32>
    %add3A_126 = arith.constant 1.000000e-16 : f32
    %add3A_127 = vector.broadcast %add3A_126 : f32 to vector<1000xf32>
    %add3A_128 = arith.addf %add3A_125, %add3A_127 : vector<1000xf32>
    %broadcast_in_dim3A_129 = vector.shape_cast %add3A_128 : vector<1000xf32> to vector<1000x1xf32>
    %div3A_130 = vector.broadcast %broadcast_in_dim3A_129 : vector<1000x1xf32> to vector<1000x128xf32>
    %div3A_131 = arith.divf %add3A_124, %div3A_130 : vector<1000x128xf32>
    %get3A_132 = arith.constant 0 : index
    %get3A_133 = arith.constant 2 : index
    %get3A_134 = arith.constant 0 : index
    %get3A_135 = vector.load %arg2[%get3A_132, %get3A_133, %get3A_134] : memref<1000x3x16xf32, #tpu.memory_space<vmem>>, vector<1000x1x16xf32>
    %get3A_136 = vector.shape_cast %get3A_135 : vector<1000x1x16xf32> to vector<1000x16xf32>
    %reduce_sum3A_137 = arith.constant dense<0.000000e+00> : vector<1000xf32>
    %reduce_sum3A_138 = vector.multi_reduction <add>, %get3A_136, %reduce_sum3A_137 [1] : vector<1000x16xf32> to vector<1000xf32>
    %slice3A_139 = vector.extract_strided_slice %get3A_64 {offsets = [0, 2], sizes = [1000, 1], strides = [1, 1]} : vector<1000x8xf32> to vector<1000x1xf32>
    %squeeze3A_140 = vector.shape_cast %slice3A_139 : vector<1000x1xf32> to vector<1000xf32>
    %slice3A_141 = vector.extract_strided_slice %get3A_64 {offsets = [0, 5], sizes = [1000, 1], strides = [1, 1]} : vector<1000x8xf32> to vector<1000x1xf32>
    %squeeze3A_142 = vector.shape_cast %slice3A_141 : vector<1000x1xf32> to vector<1000xf32>
    %add3A_143 = arith.addf %squeeze3A_140, %squeeze3A_142 : vector<1000xf32>
    %gt3A_144 = arith.constant 0.000000e+00 : f32
    %gt3A_145 = vector.broadcast %gt3A_144 : f32 to vector<1000xf32>
    %gt3A_146 = arith.cmpf ogt, %add3A_143, %gt3A_145 : vector<1000xf32>
    %mul3A_147 = arith.constant 2.000000e-01 : f32
    %mul3A_148 = vector.broadcast %mul3A_147 : f32 to vector<1000xf32>
    %mul3A_149 = arith.mulf %add3A_143, %mul3A_148 : vector<1000xf32>
    %select_n3A_150 = arith.select %gt3A_146, %add3A_143, %mul3A_149 : vector<1000xi1>, vector<1000xf32>
    %get3A_151 = arith.constant 0 : index
    %get3A_152 = arith.constant 2 : index
    %get3A_153 = vector.load %arg4[%get3A_151, %get3A_152] : memref<1x16xf32, #tpu.memory_space<vmem>>, vector<1x1xf32>
    %get3A_154 = vector.extract %get3A_153[0, 0] : f32 from vector<1x1xf32>
    %sub3A_155 = vector.broadcast %get3A_154 : f32 to vector<1000xf32>
    %sub3A_156 = arith.subf %select_n3A_150, %sub3A_155 : vector<1000xf32>
    %exp3A_157 = math.exp %sub3A_156 : vector<1000xf32>
    %slice3A_158 = vector.extract_strided_slice %get3A_61 {offsets = [0, 256], sizes = [1000, 128], strides = [1, 1]} : vector<1000x384xf32> to vector<1000x128xf32>
    %slice3A_159 = vector.extract_strided_slice %concatenate3A {offsets = [0, 256], sizes = [1000, 128], strides = [1, 1]} : vector<1000x384xf32> to vector<1000x128xf32>
    %broadcast_in_dim3A_160 = vector.shape_cast %exp3A_157 : vector<1000xf32> to vector<1000x1xf32>
    %mul3A_161 = vector.broadcast %broadcast_in_dim3A_160 : vector<1000x1xf32> to vector<1000x128xf32>
    %mul3A_162 = arith.mulf %mul3A_161, %slice3A_158 : vector<1000x128xf32>
    %add3A_163 = arith.addf %slice3A_159, %mul3A_162 : vector<1000x128xf32>
    %add3A_164 = arith.addf %reduce_sum3A_138, %exp3A_157 : vector<1000xf32>
    %add3A_165 = arith.constant 1.000000e-16 : f32
    %add3A_166 = vector.broadcast %add3A_165 : f32 to vector<1000xf32>
    %add3A_167 = arith.addf %add3A_164, %add3A_166 : vector<1000xf32>
    %broadcast_in_dim3A_168 = vector.shape_cast %add3A_167 : vector<1000xf32> to vector<1000x1xf32>
    %div3A_169 = vector.broadcast %broadcast_in_dim3A_168 : vector<1000x1xf32> to vector<1000x128xf32>
    %div3A_170 = arith.divf %add3A_163, %div3A_169 : vector<1000x128xf32>
    %concatenate3A_171 = tpu.concatenate %div3A_92, %div3A_131, %div3A_170 in 1 : vector<1000x128xf32>, vector<1000x128xf32>, vector<1000x128xf32> -> vector<1000x384xf32>
    %get3A_172 = arith.constant 0 : index
    %get3A_173 = arith.constant 0 : index
    %get3A_174 = vector.load %arg6[%get3A_172, %get3A_173] : memref<1x384xf32, #tpu.memory_space<vmem>>, vector<1x384xf32>
    %add3A_175 = vector.broadcast %get3A_174 : vector<1x384xf32> to vector<1000x384xf32>
    %add3A_176 = arith.addf %concatenate3A_171, %add3A_175 : vector<1000x384xf32>
    %tanh3A = math.tanh %add3A_176 : vector<1000x384xf32>
    %swap3A = arith.constant 0 : index
    %swap3A_177 = arith.constant 0 : index
    %swap3A_178 = vector.load %arg7[%swap3A, %swap3A_177] : memref<1000x384xf32, #tpu.memory_space<vmem>>, vector<1000x384xf32>
    tpu.vector_store %arg7[%swap3A, %swap3A_177], %tanh3A {strides = array<i32>} : memref<1000x384xf32, #tpu.memory_space<vmem>>, vector<1000x384xf32>,
    %eq3A = arith.constant 0 : i32
    %eq3A_179 = arith.cmpi eq, %arg0, %eq3A : i32
    %convert_element_type3A = arith.extui %eq3A_179 : i1 to i32
    %cond3A = arith.constant 0 : i32
    %cond3A_180 = arith.cmpi ne, %convert_element_type3A, %cond3A : i32
    scf.if %cond3A_180 {
      %broadcast_in_dim3A_206 = arith.constant 0.000000e+00 : f32
      %broadcast_in_dim3A_207 = vector.broadcast %broadcast_in_dim3A_206 : f32 to vector<8x384xf32>
      %swap3A_208 = arith.constant 0 : index
      %swap3A_209 = arith.constant 0 : index
      %swap3A_210 = vector.load %arg8[%swap3A_208, %swap3A_209] : memref<8x384xf32, #tpu.memory_space<vmem>>, vector<8x384xf32>
      tpu.vector_store %arg8[%swap3A_208, %swap3A_209], %broadcast_in_dim3A_207 {strides = array<i32>} : memref<8x384xf32, #tpu.memory_space<vmem>>, vector<8x384xf32>,
    } else {
    }
    %get3A_181 = arith.constant 0 : index
    %get3A_182 = arith.constant 0 : index
    %get3A_183 = vector.load %arg8[%get3A_181, %get3A_182] : memref<8x384xf32, #tpu.memory_space<vmem>>, vector<1x384xf32>
    %get3A_184 = vector.shape_cast %get3A_183 : vector<1x384xf32> to vector<384xf32>
    %reduce_sum3A_185 = arith.constant dense<0.000000e+00> : vector<384xf32>
    %reduce_sum3A_186 = vector.multi_reduction <add>, %tanh3A, %reduce_sum3A_185 [0] : vector<1000x384xf32> to vector<384xf32>
    %add3A_187 = arith.addf %get3A_184, %reduce_sum3A_186 : vector<384xf32>
    %swap3A_188 = arith.constant 0 : index
    %swap3A_189 = arith.constant 0 : index
    %swap3A_190 = vector.load %arg8[%swap3A_188, %swap3A_189] : memref<8x384xf32, #tpu.memory_space<vmem>>, vector<1x384xf32>
    %swap3A_191 = vector.shape_cast %swap3A_190 : vector<1x384xf32> to vector<384xf32>
    %swap3A_192 = vector.shape_cast %add3A_187 : vector<384xf32> to vector<1x384xf32>
    tpu.vector_store %arg8[%swap3A_188, %swap3A_189], %swap3A_192 {strides = array<i32>} : memref<8x384xf32, #tpu.memory_space<vmem>>, vector<1x384xf32>,
    %get3A_193 = arith.constant 1 : index
    %get3A_194 = arith.constant 0 : index
    %get3A_195 = vector.load %arg8[%get3A_193, %get3A_194] : memref<8x384xf32, #tpu.memory_space<vmem>>, vector<1x384xf32>
    %get3A_196 = vector.shape_cast %get3A_195 : vector<1x384xf32> to vector<384xf32>
    %mul3A_197 = arith.mulf %tanh3A, %tanh3A : vector<1000x384xf32>
    %reduce_sum3A_198 = arith.constant dense<0.000000e+00> : vector<384xf32>
    %reduce_sum3A_199 = vector.multi_reduction <add>, %mul3A_197, %reduce_sum3A_198 [0] : vector<1000x384xf32> to vector<384xf32>
    %add3A_200 = arith.addf %get3A_196, %reduce_sum3A_199 : vector<384xf32>
    %swap3A_201 = arith.constant 1 : index
    %swap3A_202 = arith.constant 0 : index
    %swap3A_203 = vector.load %arg8[%swap3A_201, %swap3A_202] : memref<8x384xf32, #tpu.memory_space<vmem>>, vector<1x384xf32>
    %swap3A_204 = vector.shape_cast %swap3A_203 : vector<1x384xf32> to vector<384xf32>
    %swap3A_205 = vector.shape_cast %add3A_200 : vector<384xf32> to vector<1x384xf32>
    tpu.vector_store %arg8[%swap3A_201, %swap3A_202], %swap3A_205 {strides = array<i32>} : memref<8x384xf32, #tpu.memory_space<vmem>>, vector<1x384xf32>,
    return
  }
  func.func @transform_0(%arg0: i32) -> (i32, i32, i32) {
    %c0_i32 = arith.constant 0 : i32
    %c0_i32_0 = arith.constant 0 : i32
    %c0_i32_1 = arith.constant 0 : i32
    return %c0_i32, %arg0, %c0_i32_0 : i32, i32, i32
  }
  func.func @transform_1(%arg0: i32) -> (i32, i32, i32) {
    %c0_i32 = arith.constant 0 : i32
    %c0_i32_0 = arith.constant 0 : i32
    %c0_i32_1 = arith.constant 0 : i32
    return %arg0, %c0_i32, %c0_i32_0 : i32, i32, i32
  }
  func.func @transform_2(%arg0: i32) -> (i32, i32) {
    %c0_i32 = arith.constant 0 : i32
    %c0_i32_0 = arith.constant 0 : i32
    return %arg0, %c0_i32 : i32, i32
  }
  func.func @transform_3(%arg0: i32) -> (i32, i32) {
    %c0_i32 = arith.constant 0 : i32
    %c0_i32_0 = arith.constant 0 : i32
    %c0_i32_1 = arith.constant 0 : i32
    return %c0_i32, %c0_i32_0 : i32, i32
  }
  func.func @transform_4(%arg0: i32) -> (i32, i32) {
    %c0_i32 = arith.constant 0 : i32
    %c0_i32_0 = arith.constant 0 : i32
    return %arg0, %c0_i32 : i32, i32
  }
  func.func @transform_5(%arg0: i32) -> (i32, i32) {
    %c0_i32 = arith.constant 0 : i32
    %c0_i32_0 = arith.constant 0 : i32
    %c0_i32_1 = arith.constant 0 : i32
    return %c0_i32, %c0_i32_0 : i32, i32
  }
  func.func @transform_6(%arg0: i32) -> (i32, i32) {
    %c0_i32 = arith.constant 0 : i32
    %c0_i32_0 = arith.constant 0 : i32
    return %arg0, %c0_i32 : i32, i32
  }
  func.func @transform_7(%arg0: i32) -> (i32, i32) {
    %c0_i32 = arith.constant 0 : i32
    %c0_i32_0 = arith.constant 0 : i32
    %c0_i32_1 = arith.constant 0 : i32
    return %c0_i32, %c0_i32_0 : i32, i32
  }
}

module attributes {stable_mosaic.version = 14 : i64} {
  func.func @_tc3_body(%arg0: i32, %arg1: memref<1000x384xf32, #tpu.memory_space<vmem>>, %arg2: memref<8x384xf32, #tpu.memory_space<vmem>>, %arg3: memref<1x384xf32, #tpu.memory_space<vmem>>, %arg4: memref<1x384xf32, #tpu.memory_space<vmem>>, %arg5: memref<1x384xf32, #tpu.memory_space<vmem>>, %arg6: memref<1000x384xf32, #tpu.memory_space<vmem>>, %arg7: memref<1000x1xf32, #tpu.memory_space<vmem>>) attributes {dimension_semantics = [#tpu.dimension_semantics<arbitrary>], iteration_bounds = array<i64: 10>, scalar_prefetch = 0 : i64, scratch_operands = 0 : i64, tpu.core_type = #tpu.core_type<tc>, window_params = [{transform_indices = @transform_0, window_bounds = array<i64: 1000, 384>}, {pipeline_mode = #tpu.pipeline_mode<synchronous>, transform_indices = @transform_1, window_bounds = array<i64: 8, 384>}, {pipeline_mode = #tpu.pipeline_mode<synchronous>, transform_indices = @transform_2, window_bounds = array<i64: 1, 384>}, {pipeline_mode = #tpu.pipeline_mode<synchronous>, transform_indices = @transform_3, window_bounds = array<i64: 1, 384>}, {pipeline_mode = #tpu.pipeline_mode<synchronous>, transform_indices = @transform_4, window_bounds = array<i64: 1, 384>}, {transform_indices = @transform_5, window_bounds = array<i64: 1000, 384>}, {transform_indices = @transform_6, window_bounds = array<i64: 1000, 1>}]} {
    %get3A = arith.constant 0 : index
    %get3A_0 = arith.constant 0 : index
    %get3A_1 = vector.load %arg2[%get3A, %get3A_0] : memref<8x384xf32, #tpu.memory_space<vmem>>, vector<1x384xf32>
    %get3A_2 = vector.shape_cast %get3A_1 : vector<1x384xf32> to vector<384xf32>
    %div3A = arith.constant 1.000000e+04 : f32
    %div3A_3 = vector.broadcast %div3A : f32 to vector<384xf32>
    %div3A_4 = arith.divf %get3A_2, %div3A_3 : vector<384xf32>
    %get3A_5 = arith.constant 1 : index
    %get3A_6 = arith.constant 0 : index
    %get3A_7 = vector.load %arg2[%get3A_5, %get3A_6] : memref<8x384xf32, #tpu.memory_space<vmem>>, vector<1x384xf32>
    %get3A_8 = vector.shape_cast %get3A_7 : vector<1x384xf32> to vector<384xf32>
    %div3A_9 = arith.constant 1.000000e+04 : f32
    %div3A_10 = vector.broadcast %div3A_9 : f32 to vector<384xf32>
    %div3A_11 = arith.divf %get3A_8, %div3A_10 : vector<384xf32>
    %mul3A = arith.mulf %div3A_4, %div3A_4 : vector<384xf32>
    %sub3A = arith.subf %div3A_11, %mul3A : vector<384xf32>
    %add3A = arith.constant 9.99999974E-6 : f32
    %add3A_12 = vector.broadcast %add3A : f32 to vector<384xf32>
    %add3A_13 = arith.addf %sub3A, %add3A_12 : vector<384xf32>
    %rsqrt3A = math.rsqrt %add3A_13 : vector<384xf32>
    %get3A_14 = arith.constant 0 : index
    %get3A_15 = arith.constant 0 : index
    %get3A_16 = vector.load %arg1[%get3A_14, %get3A_15] : memref<1000x384xf32, #tpu.memory_space<vmem>>, vector<1000x384xf32>
    %broadcast_in_dim3A = vector.shape_cast %div3A_4 : vector<384xf32> to vector<1x384xf32>
    %sub3A_17 = vector.broadcast %broadcast_in_dim3A : vector<1x384xf32> to vector<1000x384xf32>
    %sub3A_18 = arith.subf %get3A_16, %sub3A_17 : vector<1000x384xf32>
    %broadcast_in_dim3A_19 = vector.shape_cast %rsqrt3A : vector<384xf32> to vector<1x384xf32>
    %mul3A_20 = vector.broadcast %broadcast_in_dim3A_19 : vector<1x384xf32> to vector<1000x384xf32>
    %mul3A_21 = arith.mulf %sub3A_18, %mul3A_20 : vector<1000x384xf32>
    %get3A_22 = arith.constant 0 : index
    %get3A_23 = arith.constant 0 : index
    %get3A_24 = vector.load %arg3[%get3A_22, %get3A_23] : memref<1x384xf32, #tpu.memory_space<vmem>>, vector<1x384xf32>
    %mul3A_25 = vector.broadcast %get3A_24 : vector<1x384xf32> to vector<1000x384xf32>
    %mul3A_26 = arith.mulf %mul3A_21, %mul3A_25 : vector<1000x384xf32>
    %get3A_27 = arith.constant 0 : index
    %get3A_28 = arith.constant 0 : index
    %get3A_29 = vector.load %arg4[%get3A_27, %get3A_28] : memref<1x384xf32, #tpu.memory_space<vmem>>, vector<1x384xf32>
    %add3A_30 = vector.broadcast %get3A_29 : vector<1x384xf32> to vector<1000x384xf32>
    %add3A_31 = arith.addf %mul3A_26, %add3A_30 : vector<1000x384xf32>
    %get3A_32 = arith.constant 0 : index
    %get3A_33 = arith.constant 0 : index
    %get3A_34 = vector.load %arg5[%get3A_32, %get3A_33] : memref<1x384xf32, #tpu.memory_space<vmem>>, vector<1x384xf32>
    %get3A_35 = vector.shape_cast %get3A_34 : vector<1x384xf32> to vector<384xf32>
    %broadcast_in_dim3A_36 = vector.shape_cast %get3A_35 : vector<384xf32> to vector<1x384xf32>
    %mul3A_37 = vector.broadcast %broadcast_in_dim3A_36 : vector<1x384xf32> to vector<1000x384xf32>
    %mul3A_38 = arith.mulf %add3A_31, %mul3A_37 : vector<1000x384xf32>
    %reduce_sum3A = arith.constant dense<0.000000e+00> : vector<1000xf32>
    %reduce_sum3A_39 = vector.multi_reduction <add>, %mul3A_38, %reduce_sum3A [1] : vector<1000x384xf32> to vector<1000xf32>
    %mul3A_40 = arith.mulf %get3A_35, %get3A_35 : vector<384xf32>
    %reduce_sum3A_41 = vector.shape_cast %mul3A_40 : vector<384xf32> to vector<1x384xf32>
    %reduce_sum3A_42 = arith.constant dense<0.000000e+00> : vector<1xf32>
    %reduce_sum3A_43 = vector.multi_reduction <add>, %reduce_sum3A_41, %reduce_sum3A_42 [1] : vector<1x384xf32> to vector<1xf32>
    %reduce_sum3A_44 = vector.shape_cast %reduce_sum3A_43 : vector<1xf32> to vector<1x1xf32>
    %reduce_sum3A_45 = vector.extract %reduce_sum3A_44[0, 0] : f32 from vector<1x1xf32>
    %sqrt3A = math.sqrt %reduce_sum3A_45 : f32
    %div3A_46 = vector.broadcast %sqrt3A : f32 to vector<1000xf32>
    %div3A_47 = arith.divf %reduce_sum3A_39, %div3A_46 : vector<1000xf32>
    %tanh3A = math.tanh %div3A_47 : vector<1000xf32>
    %broadcast_in_dim3A_48 = vector.shape_cast %tanh3A : vector<1000xf32> to vector<1000x1xf32>
    %mul3A_49 = vector.broadcast %broadcast_in_dim3A_48 : vector<1000x1xf32> to vector<1000x384xf32>
    %mul3A_50 = arith.mulf %add3A_31, %mul3A_49 : vector<1000x384xf32>
    %max3A = arith.constant 0.000000e+00 : f32
    %max3A_51 = vector.broadcast %max3A : f32 to vector<1000x384xf32>
    %max3A_52 = arith.maximumf %mul3A_50, %max3A_51 : vector<1000x384xf32>
    %swap3A = arith.constant 0 : index
    %swap3A_53 = arith.constant 0 : index
    %swap3A_54 = vector.load %arg6[%swap3A, %swap3A_53] : memref<1000x384xf32, #tpu.memory_space<vmem>>, vector<1000x384xf32>
    tpu.vector_store %arg6[%swap3A, %swap3A_53], %max3A_52 {strides = array<i32>} : memref<1000x384xf32, #tpu.memory_space<vmem>>, vector<1000x384xf32>,
    %broadcast_in_dim3A_55 = vector.shape_cast %reduce_sum3A_39 : vector<1000xf32> to vector<1000x1xf32>
    %swap3A_56 = arith.constant 0 : index
    %swap3A_57 = arith.constant 0 : index
    %swap3A_58 = vector.load %arg7[%swap3A_56, %swap3A_57] : memref<1000x1xf32, #tpu.memory_space<vmem>>, vector<1000x1xf32>
    tpu.vector_store %arg7[%swap3A_56, %swap3A_57], %broadcast_in_dim3A_55 {strides = array<i32>} : memref<1000x1xf32, #tpu.memory_space<vmem>>, vector<1000x1xf32>,
    return
  }
  func.func @transform_0(%arg0: i32) -> (i32, i32) {
    %c0_i32 = arith.constant 0 : i32
    %c0_i32_0 = arith.constant 0 : i32
    return %arg0, %c0_i32 : i32, i32
  }
  func.func @transform_1(%arg0: i32) -> (i32, i32) {
    %c0_i32 = arith.constant 0 : i32
    %c0_i32_0 = arith.constant 0 : i32
    %c0_i32_1 = arith.constant 0 : i32
    return %c0_i32, %c0_i32_0 : i32, i32
  }
  func.func @transform_2(%arg0: i32) -> (i32, i32) {
    %c0_i32 = arith.constant 0 : i32
    %c0_i32_0 = arith.constant 0 : i32
    %c0_i32_1 = arith.constant 0 : i32
    return %c0_i32, %c0_i32_0 : i32, i32
  }
  func.func @transform_3(%arg0: i32) -> (i32, i32) {
    %c0_i32 = arith.constant 0 : i32
    %c0_i32_0 = arith.constant 0 : i32
    %c0_i32_1 = arith.constant 0 : i32
    return %c0_i32, %c0_i32_0 : i32, i32
  }
  func.func @transform_4(%arg0: i32) -> (i32, i32) {
    %c0_i32 = arith.constant 0 : i32
    %c0_i32_0 = arith.constant 0 : i32
    %c0_i32_1 = arith.constant 0 : i32
    return %c0_i32, %c0_i32_0 : i32, i32
  }
  func.func @transform_5(%arg0: i32) -> (i32, i32) {
    %c0_i32 = arith.constant 0 : i32
    %c0_i32_0 = arith.constant 0 : i32
    return %arg0, %c0_i32 : i32, i32
  }
  func.func @transform_6(%arg0: i32) -> (i32, i32) {
    %c0_i32 = arith.constant 0 : i32
    %c0_i32_0 = arith.constant 0 : i32
    return %arg0, %c0_i32 : i32, i32
  }
}

module attributes {stable_mosaic.version = 14 : i64} {
  func.func @_tc5_body(%arg0: i32, %arg1: memref<1000x384xf32, #tpu.memory_space<vmem>>, %arg2: memref<128x384xf32, #tpu.memory_space<vmem>>, %arg3: memref<2x128xf32, #tpu.memory_space<vmem>>, %arg4: memref<1000x128xf32, #tpu.memory_space<vmem>>, %arg5: memref<4x1000x32xf32, #tpu.memory_space<vmem>>, %arg6: memref<1000x1xf32, #tpu.memory_space<vmem>>, %arg7: memref<1000x1xf32, #tpu.memory_space<vmem>>) attributes {dimension_semantics = [#tpu.dimension_semantics<arbitrary>], iteration_bounds = array<i64: 10>, scalar_prefetch = 0 : i64, scratch_operands = 0 : i64, tpu.core_type = #tpu.core_type<tc>, window_params = [{transform_indices = @transform_0, window_bounds = array<i64: 1000, 384>}, {pipeline_mode = #tpu.pipeline_mode<synchronous>, transform_indices = @transform_1, window_bounds = array<i64: 128, 384>}, {pipeline_mode = #tpu.pipeline_mode<synchronous>, transform_indices = @transform_2, window_bounds = array<i64: 2, 128>}, {transform_indices = @transform_3, window_bounds = array<i64: 1000, 128>}, {transform_indices = @transform_4, window_bounds = array<i64: 4, 1000, 32>}, {transform_indices = @transform_5, window_bounds = array<i64: 1000, 1>}, {transform_indices = @transform_6, window_bounds = array<i64: 1000, 1>}]} {
    %get3A = arith.constant 0 : index
    %get3A_0 = arith.constant 0 : index
    %get3A_1 = vector.load %arg1[%get3A, %get3A_0] : memref<1000x384xf32, #tpu.memory_space<vmem>>, vector<1000x384xf32>
    %get3A_2 = arith.constant 0 : index
    %get3A_3 = arith.constant 0 : index
    %get3A_4 = vector.load %arg2[%get3A_2, %get3A_3] : memref<128x384xf32, #tpu.memory_space<vmem>>, vector<128x384xf32>
    %dot_general3A = arith.constant dense<0.000000e+00> : vector<1000x128xf32>
    %dot_general3A_5 = tpu.matmul %get3A_1, %get3A_4, %dot_general3A {dimension_numbers = #tpu.dot_dimension_numbers<[1], [1], [0], [0], [0, 0, 1, 0], [], []>, transpose_lhs_hint = false} : vector<1000x384xf32>, vector<128x384xf32>, vector<1000x128xf32> -> vector<1000x128xf32>
    %swap3A = arith.constant 0 : index
    %swap3A_6 = arith.constant 0 : index
    %swap3A_7 = vector.load %arg4[%swap3A, %swap3A_6] : memref<1000x128xf32, #tpu.memory_space<vmem>>, vector<1000x128xf32>
    tpu.vector_store %arg4[%swap3A, %swap3A_6], %dot_general3A_5 {strides = array<i32>} : memref<1000x128xf32, #tpu.memory_space<vmem>>, vector<1000x128xf32>,
    %slice3A = vector.extract_strided_slice %dot_general3A_5 {offsets = [0, 0], sizes = [1000, 32], strides = [1, 1]} : vector<1000x128xf32> to vector<1000x32xf32>
    %swap3A_8 = arith.constant 0 : index
    %swap3A_9 = arith.constant 0 : index
    %swap3A_10 = arith.constant 0 : index
    %swap3A_11 = vector.load %arg5[%swap3A_8, %swap3A_9, %swap3A_10] : memref<4x1000x32xf32, #tpu.memory_space<vmem>>, vector<1x1000x32xf32>
    %swap3A_12 = vector.shape_cast %swap3A_11 : vector<1x1000x32xf32> to vector<1000x32xf32>
    %swap3A_13 = vector.shape_cast %slice3A : vector<1000x32xf32> to vector<1x1000x32xf32>
    tpu.vector_store %arg5[%swap3A_8, %swap3A_9, %swap3A_10], %swap3A_13 {strides = array<i32>} : memref<4x1000x32xf32, #tpu.memory_space<vmem>>, vector<1x1000x32xf32>,
    %slice3A_14 = vector.extract_strided_slice %dot_general3A_5 {offsets = [0, 32], sizes = [1000, 32], strides = [1, 1]} : vector<1000x128xf32> to vector<1000x32xf32>
    %swap3A_15 = arith.constant 1 : index
    %swap3A_16 = arith.constant 0 : index
    %swap3A_17 = arith.constant 0 : index
    %swap3A_18 = vector.load %arg5[%swap3A_15, %swap3A_16, %swap3A_17] : memref<4x1000x32xf32, #tpu.memory_space<vmem>>, vector<1x1000x32xf32>
    %swap3A_19 = vector.shape_cast %swap3A_18 : vector<1x1000x32xf32> to vector<1000x32xf32>
    %swap3A_20 = vector.shape_cast %slice3A_14 : vector<1000x32xf32> to vector<1x1000x32xf32>
    tpu.vector_store %arg5[%swap3A_15, %swap3A_16, %swap3A_17], %swap3A_20 {strides = array<i32>} : memref<4x1000x32xf32, #tpu.memory_space<vmem>>, vector<1x1000x32xf32>,
    %slice3A_21 = vector.extract_strided_slice %dot_general3A_5 {offsets = [0, 64], sizes = [1000, 32], strides = [1, 1]} : vector<1000x128xf32> to vector<1000x32xf32>
    %swap3A_22 = arith.constant 2 : index
    %swap3A_23 = arith.constant 0 : index
    %swap3A_24 = arith.constant 0 : index
    %swap3A_25 = vector.load %arg5[%swap3A_22, %swap3A_23, %swap3A_24] : memref<4x1000x32xf32, #tpu.memory_space<vmem>>, vector<1x1000x32xf32>
    %swap3A_26 = vector.shape_cast %swap3A_25 : vector<1x1000x32xf32> to vector<1000x32xf32>
    %swap3A_27 = vector.shape_cast %slice3A_21 : vector<1000x32xf32> to vector<1x1000x32xf32>
    tpu.vector_store %arg5[%swap3A_22, %swap3A_23, %swap3A_24], %swap3A_27 {strides = array<i32>} : memref<4x1000x32xf32, #tpu.memory_space<vmem>>, vector<1x1000x32xf32>,
    %slice3A_28 = vector.extract_strided_slice %dot_general3A_5 {offsets = [0, 96], sizes = [1000, 32], strides = [1, 1]} : vector<1000x128xf32> to vector<1000x32xf32>
    %swap3A_29 = arith.constant 3 : index
    %swap3A_30 = arith.constant 0 : index
    %swap3A_31 = arith.constant 0 : index
    %swap3A_32 = vector.load %arg5[%swap3A_29, %swap3A_30, %swap3A_31] : memref<4x1000x32xf32, #tpu.memory_space<vmem>>, vector<1x1000x32xf32>
    %swap3A_33 = vector.shape_cast %swap3A_32 : vector<1x1000x32xf32> to vector<1000x32xf32>
    %swap3A_34 = vector.shape_cast %slice3A_28 : vector<1000x32xf32> to vector<1x1000x32xf32>
    tpu.vector_store %arg5[%swap3A_29, %swap3A_30, %swap3A_31], %swap3A_34 {strides = array<i32>} : memref<4x1000x32xf32, #tpu.memory_space<vmem>>, vector<1x1000x32xf32>,
    %get3A_35 = arith.constant 0 : index
    %get3A_36 = arith.constant 0 : index
    %get3A_37 = vector.load %arg3[%get3A_35, %get3A_36] : memref<2x128xf32, #tpu.memory_space<vmem>>, vector<1x128xf32>
    %get3A_38 = vector.shape_cast %get3A_37 : vector<1x128xf32> to vector<128xf32>
    %broadcast_in_dim3A = vector.shape_cast %get3A_38 : vector<128xf32> to vector<1x128xf32>
    %mul3A = vector.broadcast %broadcast_in_dim3A : vector<1x128xf32> to vector<1000x128xf32>
    %mul3A_39 = arith.mulf %dot_general3A_5, %mul3A : vector<1000x128xf32>
    %reduce_sum3A = arith.constant dense<0.000000e+00> : vector<1000xf32>
    %reduce_sum3A_40 = vector.multi_reduction <add>, %mul3A_39, %reduce_sum3A [1] : vector<1000x128xf32> to vector<1000xf32>
    %broadcast_in_dim3A_41 = vector.shape_cast %reduce_sum3A_40 : vector<1000xf32> to vector<1000x1xf32>
    %swap3A_42 = arith.constant 0 : index
    %swap3A_43 = arith.constant 0 : index
    %swap3A_44 = vector.load %arg6[%swap3A_42, %swap3A_43] : memref<1000x1xf32, #tpu.memory_space<vmem>>, vector<1000x1xf32>
    tpu.vector_store %arg6[%swap3A_42, %swap3A_43], %broadcast_in_dim3A_41 {strides = array<i32>} : memref<1000x1xf32, #tpu.memory_space<vmem>>, vector<1000x1xf32>,
    %get3A_45 = arith.constant 1 : index
    %get3A_46 = arith.constant 0 : index
    %get3A_47 = vector.load %arg3[%get3A_45, %get3A_46] : memref<2x128xf32, #tpu.memory_space<vmem>>, vector<1x128xf32>
    %get3A_48 = vector.shape_cast %get3A_47 : vector<1x128xf32> to vector<128xf32>
    %broadcast_in_dim3A_49 = vector.shape_cast %get3A_48 : vector<128xf32> to vector<1x128xf32>
    %mul3A_50 = vector.broadcast %broadcast_in_dim3A_49 : vector<1x128xf32> to vector<1000x128xf32>
    %mul3A_51 = arith.mulf %dot_general3A_5, %mul3A_50 : vector<1000x128xf32>
    %reduce_sum3A_52 = arith.constant dense<0.000000e+00> : vector<1000xf32>
    %reduce_sum3A_53 = vector.multi_reduction <add>, %mul3A_51, %reduce_sum3A_52 [1] : vector<1000x128xf32> to vector<1000xf32>
    %broadcast_in_dim3A_54 = vector.shape_cast %reduce_sum3A_53 : vector<1000xf32> to vector<1000x1xf32>
    %swap3A_55 = arith.constant 0 : index
    %swap3A_56 = arith.constant 0 : index
    %swap3A_57 = vector.load %arg7[%swap3A_55, %swap3A_56] : memref<1000x1xf32, #tpu.memory_space<vmem>>, vector<1000x1xf32>
    tpu.vector_store %arg7[%swap3A_55, %swap3A_56], %broadcast_in_dim3A_54 {strides = array<i32>} : memref<1000x1xf32, #tpu.memory_space<vmem>>, vector<1000x1xf32>,
    return
  }
  func.func @transform_0(%arg0: i32) -> (i32, i32) {
    %c0_i32 = arith.constant 0 : i32
    %c0_i32_0 = arith.constant 0 : i32
    return %arg0, %c0_i32 : i32, i32
  }
  func.func @transform_1(%arg0: i32) -> (i32, i32) {
    %c0_i32 = arith.constant 0 : i32
    %c0_i32_0 = arith.constant 0 : i32
    %c0_i32_1 = arith.constant 0 : i32
    return %c0_i32, %c0_i32_0 : i32, i32
  }
  func.func @transform_2(%arg0: i32) -> (i32, i32) {
    %c0_i32 = arith.constant 0 : i32
    %c0_i32_0 = arith.constant 0 : i32
    %c0_i32_1 = arith.constant 0 : i32
    return %c0_i32, %c0_i32_0 : i32, i32
  }
  func.func @transform_3(%arg0: i32) -> (i32, i32) {
    %c0_i32 = arith.constant 0 : i32
    %c0_i32_0 = arith.constant 0 : i32
    return %arg0, %c0_i32 : i32, i32
  }
  func.func @transform_4(%arg0: i32) -> (i32, i32, i32) {
    %c0_i32 = arith.constant 0 : i32
    %c0_i32_0 = arith.constant 0 : i32
    %c0_i32_1 = arith.constant 0 : i32
    return %c0_i32, %arg0, %c0_i32_0 : i32, i32, i32
  }
  func.func @transform_5(%arg0: i32) -> (i32, i32) {
    %c0_i32 = arith.constant 0 : i32
    %c0_i32_0 = arith.constant 0 : i32
    return %arg0, %c0_i32 : i32, i32
  }
  func.func @transform_6(%arg0: i32) -> (i32, i32) {
    %c0_i32 = arith.constant 0 : i32
    %c0_i32_0 = arith.constant 0 : i32
    return %arg0, %c0_i32 : i32, i32
  }
}

module attributes {stable_mosaic.version = 14 : i64} {
  func.func @_tc5b_body(%arg0: memref<10000x1xf32, #tpu.memory_space<vmem>>, %arg1: memref<10000x1xf32, #tpu.memory_space<vmem>>, %arg2: memref<1x16xf32, #tpu.memory_space<vmem>>) attributes {dimension_semantics = [], scalar_prefetch = 0 : i64, scratch_operands = 0 : i64, tpu.core_type = #tpu.core_type<tc>} {
    %get3A = arith.constant 0 : index
    %get3A_0 = arith.constant 0 : index
    %get3A_1 = vector.load %arg0[%get3A, %get3A_0] : memref<10000x1xf32, #tpu.memory_space<vmem>>, vector<10000x1xf32>
    %reduce_max3A = vector.shape_cast %get3A_1 : vector<10000x1xf32> to vector<1x10000x1xf32>
    %reduce_max3A_2 = arith.constant dense<0xFF800000> : vector<1xf32>
    %reduce_max3A_3 = vector.multi_reduction <maximumf>, %reduce_max3A, %reduce_max3A_2 [1, 2] : vector<1x10000x1xf32> to vector<1xf32>
    %reduce_max3A_4 = vector.shape_cast %reduce_max3A_3 : vector<1xf32> to vector<1x1x1xf32>
    %reduce_max3A_5 = vector.extract %reduce_max3A_4[0, 0, 0] : f32 from vector<1x1x1xf32>
    %get3A_6 = arith.constant 0 : index
    %get3A_7 = arith.constant 0 : index
    %get3A_8 = vector.load %arg1[%get3A_6, %get3A_7] : memref<10000x1xf32, #tpu.memory_space<vmem>>, vector<10000x1xf32>
    %reduce_max3A_9 = vector.shape_cast %get3A_8 : vector<10000x1xf32> to vector<1x10000x1xf32>
    %reduce_max3A_10 = arith.constant dense<0xFF800000> : vector<1xf32>
    %reduce_max3A_11 = vector.multi_reduction <maximumf>, %reduce_max3A_9, %reduce_max3A_10 [1, 2] : vector<1x10000x1xf32> to vector<1xf32>
    %reduce_max3A_12 = vector.shape_cast %reduce_max3A_11 : vector<1xf32> to vector<1x1x1xf32>
    %reduce_max3A_13 = vector.extract %reduce_max3A_12[0, 0, 0] : f32 from vector<1x1x1xf32>
    %add3A = arith.addf %reduce_max3A_5, %reduce_max3A_13 : f32
    %gt3A = arith.constant 0.000000e+00 : f32
    %gt3A_14 = arith.cmpf ogt, %add3A, %gt3A : f32
    %mul3A = arith.constant 2.000000e-01 : f32
    %mul3A_15 = arith.mulf %add3A, %mul3A : f32
    %select_n3A = arith.select %gt3A_14, %add3A, %mul3A_15 : f32
    %iota3A = tpu.iota {dimensions = array<i32: 1>} : vector<1x16xi32>
    %eq3A = arith.constant 0 : i32
    %eq3A_16 = vector.broadcast %eq3A : i32 to vector<1x16xi32>
    %eq3A_17 = arith.cmpi eq, %iota3A, %eq3A_16 : vector<1x16xi32>
    %jit3A = arith.constant 0.000000e+00 : f32
    %broadcast_in_dim3A = vector.broadcast %select_n3A : f32 to vector<1x16xf32>
    %broadcast_in_dim3A_18 = vector.broadcast %jit3A : f32 to vector<1x16xf32>
    %select_n3A_19 = arith.select %eq3A_17, %broadcast_in_dim3A, %broadcast_in_dim3A_18 : vector<1x16xi1>, vector<1x16xf32>
    %swap3A = arith.constant 0 : index
    %swap3A_20 = arith.constant 0 : index
    %swap3A_21 = vector.load %arg2[%swap3A, %swap3A_20] : memref<1x16xf32, #tpu.memory_space<vmem>>, vector<1x16xf32>
    tpu.vector_store %arg2[%swap3A, %swap3A_20], %select_n3A_19 {strides = array<i32>} : memref<1x16xf32, #tpu.memory_space<vmem>>, vector<1x16xf32>,
    return
  }
}

module attributes {stable_mosaic.version = 14 : i64} {
  func.func @_rank_pair_body(%arg0: i32, %arg1: i32, %arg2: memref<1024x1xf32, #tpu.memory_space<vmem>>, %arg3: memref<1x1024xf32, #tpu.memory_space<vmem>>, %arg4: memref<1024x1xi32, #tpu.memory_space<vmem>>, %arg5: memref<1x1024xi32, #tpu.memory_space<vmem>>, %arg6: memref<1024x1xi32, #tpu.memory_space<vmem>>) attributes {dimension_semantics = [#tpu.dimension_semantics<arbitrary>, #tpu.dimension_semantics<arbitrary>], iteration_bounds = array<i64: 10, 10>, scalar_prefetch = 0 : i64, scratch_operands = 0 : i64, tpu.core_type = #tpu.core_type<tc>, window_params = [{transform_indices = @transform_0, window_bounds = array<i64: 1024, 1>}, {transform_indices = @transform_1, window_bounds = array<i64: 1, 1024>}, {transform_indices = @transform_2, window_bounds = array<i64: 1024, 1>}, {transform_indices = @transform_3, window_bounds = array<i64: 1, 1024>}, {transform_indices = @transform_4, window_bounds = array<i64: 1024, 1>}]} {
    %get3A = arith.constant 0 : index
    %get3A_0 = arith.constant 0 : index
    %get3A_1 = vector.load %arg2[%get3A, %get3A_0] : memref<1024x1xf32, #tpu.memory_space<vmem>>, vector<1024x1xf32>
    %get3A_2 = vector.shape_cast %get3A_1 : vector<1024x1xf32> to vector<1024xf32>
    %get3A_3 = arith.constant 0 : index
    %get3A_4 = arith.constant 0 : index
    %get3A_5 = vector.load %arg3[%get3A_3, %get3A_4] : memref<1x1024xf32, #tpu.memory_space<vmem>>, vector<1x1024xf32>
    %get3A_6 = vector.shape_cast %get3A_5 : vector<1x1024xf32> to vector<1024xf32>
    %broadcast_in_dim3A = vector.shape_cast %get3A_6 : vector<1024xf32> to vector<1x1024xf32>
    %broadcast_in_dim3A_7 = vector.shape_cast %get3A_2 : vector<1024xf32> to vector<1024x1xf32>
    %gt3A = vector.broadcast %broadcast_in_dim3A : vector<1x1024xf32> to vector<1024x1024xf32>
    %gt3A_8 = vector.broadcast %broadcast_in_dim3A_7 : vector<1024x1xf32> to vector<1024x1024xf32>
    %gt3A_9 = arith.cmpf ogt, %gt3A, %gt3A_8 : vector<1024x1024xf32>
    %broadcast_in_dim3A_10 = vector.shape_cast %get3A_6 : vector<1024xf32> to vector<1x1024xf32>
    %broadcast_in_dim3A_11 = vector.shape_cast %get3A_2 : vector<1024xf32> to vector<1024x1xf32>
    %eq3A = vector.broadcast %broadcast_in_dim3A_10 : vector<1x1024xf32> to vector<1024x1024xf32>
    %eq3A_12 = vector.broadcast %broadcast_in_dim3A_11 : vector<1024x1xf32> to vector<1024x1024xf32>
    %eq3A_13 = arith.cmpf oeq, %eq3A, %eq3A_12 : vector<1024x1024xf32>
    %mul3A = arith.constant 1024 : i32
    %mul3A_14 = arith.muli %arg0, %mul3A : i32
    %iota3A = tpu.iota {dimensions = array<i32: 0>} : vector<1024x1024xi32>
    %add3A = vector.broadcast %mul3A_14 : i32 to vector<1024x1024xi32>
    %add3A_15 = arith.addi %add3A, %iota3A : vector<1024x1024xi32>
    %mul3A_16 = arith.constant 1024 : i32
    %mul3A_17 = arith.muli %arg1, %mul3A_16 : i32
    %iota3A_18 = tpu.iota {dimensions = array<i32: 1>} : vector<1024x1024xi32>
    %add3A_19 = vector.broadcast %mul3A_17 : i32 to vector<1024x1024xi32>
    %add3A_20 = arith.addi %add3A_19, %iota3A_18 : vector<1024x1024xi32>
    %lt3A = arith.cmpi slt, %add3A_20, %add3A_15 : vector<1024x1024xi32>
    %and3A = arith.andi %eq3A_13, %lt3A : vector<1024x1024xi1>
    %or3A = arith.ori %gt3A_9, %and3A : vector<1024x1024xi1>
    %convert_element_type3A = arith.extui %or3A : vector<1024x1024xi1> to vector<1024x1024xi32>
    %reduce_sum3A = arith.constant dense<0> : vector<1024xi32>
    %reduce_sum3A_21 = vector.multi_reduction <add>, %convert_element_type3A, %reduce_sum3A [1] : vector<1024x1024xi32> to vector<1024xi32>
    %broadcast_in_dim3A_22 = vector.shape_cast %reduce_sum3A_21 : vector<1024xi32> to vector<1024x1xi32>
    %eq3A_23 = arith.constant 0 : i32
    %eq3A_24 = arith.cmpi eq, %arg1, %eq3A_23 : i32
    %convert_element_type3A_25 = arith.extui %eq3A_24 : i1 to i32
    %cond3A = arith.constant 0 : i32
    %cond3A_26 = arith.cmpi ne, %convert_element_type3A_25, %cond3A : i32
    scf.if %cond3A_26 {
      %broadcast_in_dim3A_33 = arith.constant 0 : i32
      %broadcast_in_dim3A_34 = vector.broadcast %broadcast_in_dim3A_33 : i32 to vector<1024x1xi32>
      %swap3A_35 = arith.constant 0 : index
      %swap3A_36 = arith.constant 0 : index
      %swap3A_37 = vector.load %arg6[%swap3A_35, %swap3A_36] : memref<1024x1xi32, #tpu.memory_space<vmem>>, vector<1024x1xi32>
      tpu.vector_store %arg6[%swap3A_35, %swap3A_36], %broadcast_in_dim3A_34 {strides = array<i32>} : memref<1024x1xi32, #tpu.memory_space<vmem>>, vector<1024x1xi32>,
    } else {
    }
    %get3A_27 = arith.constant 0 : index
    %get3A_28 = arith.constant 0 : index
    %get3A_29 = vector.load %arg6[%get3A_27, %get3A_28] : memref<1024x1xi32, #tpu.memory_space<vmem>>, vector<1024x1xi32>
    %add3A_30 = arith.addi %get3A_29, %broadcast_in_dim3A_22 : vector<1024x1xi32>
    %swap3A = arith.constant 0 : index
    %swap3A_31 = arith.constant 0 : index
    %swap3A_32 = vector.load %arg6[%swap3A, %swap3A_31] : memref<1024x1xi32, #tpu.memory_space<vmem>>, vector<1024x1xi32>
    tpu.vector_store %arg6[%swap3A, %swap3A_31], %add3A_30 {strides = array<i32>} : memref<1024x1xi32, #tpu.memory_space<vmem>>, vector<1024x1xi32>,
    return
  }
  func.func @transform_0(%arg0: i32, %arg1: i32) -> (i32, i32) {
    %c0_i32 = arith.constant 0 : i32
    %c0_i32_0 = arith.constant 0 : i32
    return %arg0, %c0_i32 : i32, i32
  }
  func.func @transform_1(%arg0: i32, %arg1: i32) -> (i32, i32) {
    %c0_i32 = arith.constant 0 : i32
    %c0_i32_0 = arith.constant 0 : i32
    return %c0_i32, %arg1 : i32, i32
  }
  func.func @transform_2(%arg0: i32, %arg1: i32) -> (i32, i32) {
    %c0_i32 = arith.constant 0 : i32
    %c0_i32_0 = arith.constant 0 : i32
    return %arg0, %c0_i32 : i32, i32
  }
  func.func @transform_3(%arg0: i32, %arg1: i32) -> (i32, i32) {
    %c0_i32 = arith.constant 0 : i32
    %c0_i32_0 = arith.constant 0 : i32
    return %c0_i32, %arg1 : i32, i32
  }
  func.func @transform_4(%arg0: i32, %arg1: i32) -> (i32, i32) {
    %c0_i32 = arith.constant 0 : i32
    %c0_i32_0 = arith.constant 0 : i32
    return %arg0, %c0_i32 : i32, i32
  }
}

module attributes {stable_mosaic.version = 14 : i64} {
  func.func @_tc6_body(%arg0: i32, %arg1: memref<4x1000x32xf32, #tpu.memory_space<vmem>>, %arg2: memref<1000x16xf32, #tpu.memory_space<vmem>>, %arg3: memref<1000x128xf32, #tpu.memory_space<vmem>>, %arg4: memref<1000x1xf32, #tpu.memory_space<vmem>>, %arg5: memref<1000x1xf32, #tpu.memory_space<vmem>>, %arg6: memref<1x16xf32, #tpu.memory_space<vmem>>, %arg7: memref<1000x1xi32, #tpu.memory_space<vmem>>, %arg8: memref<1x128xf32, #tpu.memory_space<vmem>>, %arg9: memref<1000x128xf32, #tpu.memory_space<vmem>>, %arg10: memref<8x128xf32, #tpu.memory_space<vmem>>) attributes {dimension_semantics = [#tpu.dimension_semantics<arbitrary>], iteration_bounds = array<i64: 10>, scalar_prefetch = 0 : i64, scratch_operands = 0 : i64, tpu.core_type = #tpu.core_type<tc>, window_params = [{transform_indices = @transform_0, window_bounds = array<i64: 4, 1000, 32>}, {transform_indices = @transform_1, window_bounds = array<i64: 1000, 16>}, {transform_indices = @transform_2, window_bounds = array<i64: 1000, 128>}, {transform_indices = @transform_3, window_bounds = array<i64: 1000, 1>}, {transform_indices = @transform_4, window_bounds = array<i64: 1000, 1>}, {pipeline_mode = #tpu.pipeline_mode<synchronous>, transform_indices = @transform_5, window_bounds = array<i64: 1, 16>}, {transform_indices = @transform_6, window_bounds = array<i64: 1000, 1>}, {pipeline_mode = #tpu.pipeline_mode<synchronous>, transform_indices = @transform_7, window_bounds = array<i64: 1, 128>}, {transform_indices = @transform_8, window_bounds = array<i64: 1000, 128>}, {pipeline_mode = #tpu.pipeline_mode<synchronous>, transform_indices = @transform_9, window_bounds = array<i64: 8, 128>}]} {
    %get3A = arith.constant 0 : index
    %get3A_0 = arith.constant 0 : index
    %get3A_1 = vector.load %arg2[%get3A, %get3A_0] : memref<1000x16xf32, #tpu.memory_space<vmem>>, vector<1000x16xf32>
    %reduce_sum3A = arith.constant dense<0.000000e+00> : vector<1000xf32>
    %reduce_sum3A_2 = vector.multi_reduction <add>, %get3A_1, %reduce_sum3A [1] : vector<1000x16xf32> to vector<1000xf32>
    %get3A_3 = arith.constant 0 : index
    %get3A_4 = arith.constant 0 : index
    %get3A_5 = vector.load %arg4[%get3A_3, %get3A_4] : memref<1000x1xf32, #tpu.memory_space<vmem>>, vector<1000x1xf32>
    %get3A_6 = vector.shape_cast %get3A_5 : vector<1000x1xf32> to vector<1000xf32>
    %get3A_7 = arith.constant 0 : index
    %get3A_8 = arith.constant 0 : index
    %get3A_9 = vector.load %arg5[%get3A_7, %get3A_8] : memref<1000x1xf32, #tpu.memory_space<vmem>>, vector<1000x1xf32>
    %get3A_10 = vector.shape_cast %get3A_9 : vector<1000x1xf32> to vector<1000xf32>
    %add3A = arith.addf %get3A_6, %get3A_10 : vector<1000xf32>
    %gt3A = arith.constant 0.000000e+00 : f32
    %gt3A_11 = vector.broadcast %gt3A : f32 to vector<1000xf32>
    %gt3A_12 = arith.cmpf ogt, %add3A, %gt3A_11 : vector<1000xf32>
    %mul3A = arith.constant 2.000000e-01 : f32
    %mul3A_13 = vector.broadcast %mul3A : f32 to vector<1000xf32>
    %mul3A_14 = arith.mulf %add3A, %mul3A_13 : vector<1000xf32>
    %select_n3A = arith.select %gt3A_12, %add3A, %mul3A_14 : vector<1000xi1>, vector<1000xf32>
    %get3A_15 = arith.constant 0 : index
    %get3A_16 = arith.constant 0 : index
    %get3A_17 = vector.load %arg6[%get3A_15, %get3A_16] : memref<1x16xf32, #tpu.memory_space<vmem>>, vector<1x1xf32>
    %get3A_18 = vector.extract %get3A_17[0, 0] : f32 from vector<1x1xf32>
    %sub3A = vector.broadcast %get3A_18 : f32 to vector<1000xf32>
    %sub3A_19 = arith.subf %select_n3A, %sub3A : vector<1000xf32>
    %exp3A = math.exp %sub3A_19 : vector<1000xf32>
    %get3A_20 = arith.constant 0 : index
    %get3A_21 = arith.constant 0 : index
    %get3A_22 = vector.load %arg3[%get3A_20, %get3A_21] : memref<1000x128xf32, #tpu.memory_space<vmem>>, vector<1000x128xf32>
    %get3A_23 = arith.constant 0 : index
    %get3A_24 = arith.constant 0 : index
    %get3A_25 = arith.constant 0 : index
    %get3A_26 = vector.load %arg1[%get3A_23, %get3A_24, %get3A_25] : memref<4x1000x32xf32, #tpu.memory_space<vmem>>, vector<1x1000x32xf32>
    %get3A_27 = vector.shape_cast %get3A_26 : vector<1x1000x32xf32> to vector<1000x32xf32>
    %get3A_28 = arith.constant 1 : index
    %get3A_29 = arith.constant 0 : index
    %get3A_30 = arith.constant 0 : index
    %get3A_31 = vector.load %arg1[%get3A_28, %get3A_29, %get3A_30] : memref<4x1000x32xf32, #tpu.memory_space<vmem>>, vector<1x1000x32xf32>
    %get3A_32 = vector.shape_cast %get3A_31 : vector<1x1000x32xf32> to vector<1000x32xf32>
    %get3A_33 = arith.constant 2 : index
    %get3A_34 = arith.constant 0 : index
    %get3A_35 = arith.constant 0 : index
    %get3A_36 = vector.load %arg1[%get3A_33, %get3A_34, %get3A_35] : memref<4x1000x32xf32, #tpu.memory_space<vmem>>, vector<1x1000x32xf32>
    %get3A_37 = vector.shape_cast %get3A_36 : vector<1x1000x32xf32> to vector<1000x32xf32>
    %get3A_38 = arith.constant 3 : index
    %get3A_39 = arith.constant 0 : index
    %get3A_40 = arith.constant 0 : index
    %get3A_41 = vector.load %arg1[%get3A_38, %get3A_39, %get3A_40] : memref<4x1000x32xf32, #tpu.memory_space<vmem>>, vector<1x1000x32xf32>
    %get3A_42 = vector.shape_cast %get3A_41 : vector<1x1000x32xf32> to vector<1000x32xf32>
    %concatenate3A = tpu.concatenate %get3A_27, %get3A_32, %get3A_37, %get3A_42 in 1 : vector<1000x32xf32>, vector<1000x32xf32>, vector<1000x32xf32>, vector<1000x32xf32> -> vector<1000x128xf32>
    %broadcast_in_dim3A = vector.shape_cast %exp3A : vector<1000xf32> to vector<1000x1xf32>
    %mul3A_43 = vector.broadcast %broadcast_in_dim3A : vector<1000x1xf32> to vector<1000x128xf32>
    %mul3A_44 = arith.mulf %mul3A_43, %get3A_22 : vector<1000x128xf32>
    %add3A_45 = arith.addf %concatenate3A, %mul3A_44 : vector<1000x128xf32>
    %add3A_46 = arith.addf %reduce_sum3A_2, %exp3A : vector<1000xf32>
    %add3A_47 = arith.constant 1.000000e-16 : f32
    %add3A_48 = vector.broadcast %add3A_47 : f32 to vector<1000xf32>
    %add3A_49 = arith.addf %add3A_46, %add3A_48 : vector<1000xf32>
    %broadcast_in_dim3A_50 = vector.shape_cast %add3A_49 : vector<1000xf32> to vector<1000x1xf32>
    %div3A = vector.broadcast %broadcast_in_dim3A_50 : vector<1000x1xf32> to vector<1000x128xf32>
    %div3A_51 = arith.divf %add3A_45, %div3A : vector<1000x128xf32>
    %get3A_52 = arith.constant 0 : index
    %get3A_53 = arith.constant 0 : index
    %get3A_54 = vector.load %arg8[%get3A_52, %get3A_53] : memref<1x128xf32, #tpu.memory_space<vmem>>, vector<1x128xf32>
    %add3A_55 = vector.broadcast %get3A_54 : vector<1x128xf32> to vector<1000x128xf32>
    %add3A_56 = arith.addf %div3A_51, %add3A_55 : vector<1000x128xf32>
    %tanh3A = math.tanh %add3A_56 : vector<1000x128xf32>
    %swap3A = arith.constant 0 : index
    %swap3A_57 = arith.constant 0 : index
    %swap3A_58 = vector.load %arg9[%swap3A, %swap3A_57] : memref<1000x128xf32, #tpu.memory_space<vmem>>, vector<1000x128xf32>
    tpu.vector_store %arg9[%swap3A, %swap3A_57], %tanh3A {strides = array<i32>} : memref<1000x128xf32, #tpu.memory_space<vmem>>, vector<1000x128xf32>,
    %get3A_59 = arith.constant 0 : index
    %get3A_60 = arith.constant 0 : index
    %get3A_61 = vector.load %arg7[%get3A_59, %get3A_60] : memref<1000x1xi32, #tpu.memory_space<vmem>>, vector<1000x1xi32>
    %get3A_62 = vector.shape_cast %get3A_61 : vector<1000x1xi32> to vector<1000xi32>
    %lt3A = arith.constant 7000 : i32
    %lt3A_63 = vector.broadcast %lt3A : i32 to vector<1000xi32>
    %lt3A_64 = arith.cmpi slt, %get3A_62, %lt3A_63 : vector<1000xi32>
    %convert_element_type3A = arith.extui %lt3A_64 : vector<1000xi1> to vector<1000xi32>
    %convert_element_type3A_65 = arith.sitofp %convert_element_type3A : vector<1000xi32> to vector<1000xf32>
    %broadcast_in_dim3A_66 = vector.shape_cast %convert_element_type3A_65 : vector<1000xf32> to vector<1000x1xf32>
    %eq3A = arith.constant 0 : i32
    %eq3A_67 = arith.cmpi eq, %arg0, %eq3A : i32
    %convert_element_type3A_68 = arith.extui %eq3A_67 : i1 to i32
    %cond3A = arith.constant 0 : i32
    %cond3A_69 = arith.cmpi ne, %convert_element_type3A_68, %cond3A : i32
    scf.if %cond3A_69 {
      %broadcast_in_dim3A_99 = arith.constant 0.000000e+00 : f32
      %broadcast_in_dim3A_100 = vector.broadcast %broadcast_in_dim3A_99 : f32 to vector<8x128xf32>
      %swap3A_101 = arith.constant 0 : index
      %swap3A_102 = arith.constant 0 : index
      %swap3A_103 = vector.load %arg10[%swap3A_101, %swap3A_102] : memref<8x128xf32, #tpu.memory_space<vmem>>, vector<8x128xf32>
      tpu.vector_store %arg10[%swap3A_101, %swap3A_102], %broadcast_in_dim3A_100 {strides = array<i32>} : memref<8x128xf32, #tpu.memory_space<vmem>>, vector<8x128xf32>,
    } else {
    }
    %get3A_70 = arith.constant 0 : index
    %get3A_71 = arith.constant 0 : index
    %get3A_72 = vector.load %arg10[%get3A_70, %get3A_71] : memref<8x128xf32, #tpu.memory_space<vmem>>, vector<1x128xf32>
    %get3A_73 = vector.shape_cast %get3A_72 : vector<1x128xf32> to vector<128xf32>
    %mul3A_74 = vector.broadcast %broadcast_in_dim3A_66 : vector<1000x1xf32> to vector<1000x128xf32>
    %mul3A_75 = arith.mulf %tanh3A, %mul3A_74 : vector<1000x128xf32>
    %reduce_sum3A_76 = arith.constant dense<0.000000e+00> : vector<128xf32>
    %reduce_sum3A_77 = vector.multi_reduction <add>, %mul3A_75, %reduce_sum3A_76 [0] : vector<1000x128xf32> to vector<128xf32>
    %add3A_78 = arith.addf %get3A_73, %reduce_sum3A_77 : vector<128xf32>
    %swap3A_79 = arith.constant 0 : index
    %swap3A_80 = arith.constant 0 : index
    %swap3A_81 = vector.load %arg10[%swap3A_79, %swap3A_80] : memref<8x128xf32, #tpu.memory_space<vmem>>, vector<1x128xf32>
    %swap3A_82 = vector.shape_cast %swap3A_81 : vector<1x128xf32> to vector<128xf32>
    %swap3A_83 = vector.shape_cast %add3A_78 : vector<128xf32> to vector<1x128xf32>
    tpu.vector_store %arg10[%swap3A_79, %swap3A_80], %swap3A_83 {strides = array<i32>} : memref<8x128xf32, #tpu.memory_space<vmem>>, vector<1x128xf32>,
    %get3A_84 = arith.constant 1 : index
    %get3A_85 = arith.constant 0 : index
    %get3A_86 = vector.load %arg10[%get3A_84, %get3A_85] : memref<8x128xf32, #tpu.memory_space<vmem>>, vector<1x128xf32>
    %get3A_87 = vector.shape_cast %get3A_86 : vector<1x128xf32> to vector<128xf32>
    %mul3A_88 = arith.mulf %tanh3A, %tanh3A : vector<1000x128xf32>
    %mul3A_89 = vector.broadcast %broadcast_in_dim3A_66 : vector<1000x1xf32> to vector<1000x128xf32>
    %mul3A_90 = arith.mulf %mul3A_88, %mul3A_89 : vector<1000x128xf32>
    %reduce_sum3A_91 = arith.constant dense<0.000000e+00> : vector<128xf32>
    %reduce_sum3A_92 = vector.multi_reduction <add>, %mul3A_90, %reduce_sum3A_91 [0] : vector<1000x128xf32> to vector<128xf32>
    %add3A_93 = arith.addf %get3A_87, %reduce_sum3A_92 : vector<128xf32>
    %swap3A_94 = arith.constant 1 : index
    %swap3A_95 = arith.constant 0 : index
    %swap3A_96 = vector.load %arg10[%swap3A_94, %swap3A_95] : memref<8x128xf32, #tpu.memory_space<vmem>>, vector<1x128xf32>
    %swap3A_97 = vector.shape_cast %swap3A_96 : vector<1x128xf32> to vector<128xf32>
    %swap3A_98 = vector.shape_cast %add3A_93 : vector<128xf32> to vector<1x128xf32>
    tpu.vector_store %arg10[%swap3A_94, %swap3A_95], %swap3A_98 {strides = array<i32>} : memref<8x128xf32, #tpu.memory_space<vmem>>, vector<1x128xf32>,
    return
  }
  func.func @transform_0(%arg0: i32) -> (i32, i32, i32) {
    %c0_i32 = arith.constant 0 : i32
    %c0_i32_0 = arith.constant 0 : i32
    %c0_i32_1 = arith.constant 0 : i32
    return %c0_i32, %arg0, %c0_i32_0 : i32, i32, i32
  }
  func.func @transform_1(%arg0: i32) -> (i32, i32) {
    %c0_i32 = arith.constant 0 : i32
    %c0_i32_0 = arith.constant 0 : i32
    return %arg0, %c0_i32 : i32, i32
  }
  func.func @transform_2(%arg0: i32) -> (i32, i32) {
    %c0_i32 = arith.constant 0 : i32
    %c0_i32_0 = arith.constant 0 : i32
    return %arg0, %c0_i32 : i32, i32
  }
  func.func @transform_3(%arg0: i32) -> (i32, i32) {
    %c0_i32 = arith.constant 0 : i32
    %c0_i32_0 = arith.constant 0 : i32
    return %arg0, %c0_i32 : i32, i32
  }
  func.func @transform_4(%arg0: i32) -> (i32, i32) {
    %c0_i32 = arith.constant 0 : i32
    %c0_i32_0 = arith.constant 0 : i32
    return %arg0, %c0_i32 : i32, i32
  }
  func.func @transform_5(%arg0: i32) -> (i32, i32) {
    %c0_i32 = arith.constant 0 : i32
    %c0_i32_0 = arith.constant 0 : i32
    %c0_i32_1 = arith.constant 0 : i32
    return %c0_i32, %c0_i32_0 : i32, i32
  }
  func.func @transform_6(%arg0: i32) -> (i32, i32) {
    %c0_i32 = arith.constant 0 : i32
    %c0_i32_0 = arith.constant 0 : i32
    return %arg0, %c0_i32 : i32, i32
  }
  func.func @transform_7(%arg0: i32) -> (i32, i32) {
    %c0_i32 = arith.constant 0 : i32
    %c0_i32_0 = arith.constant 0 : i32
    %c0_i32_1 = arith.constant 0 : i32
    return %c0_i32, %c0_i32_0 : i32, i32
  }
  func.func @transform_8(%arg0: i32) -> (i32, i32) {
    %c0_i32 = arith.constant 0 : i32
    %c0_i32_0 = arith.constant 0 : i32
    return %arg0, %c0_i32 : i32, i32
  }
  func.func @transform_9(%arg0: i32) -> (i32, i32) {
    %c0_i32 = arith.constant 0 : i32
    %c0_i32_0 = arith.constant 0 : i32
    %c0_i32_1 = arith.constant 0 : i32
    return %c0_i32, %c0_i32_0 : i32, i32
  }
}

module attributes {stable_mosaic.version = 14 : i64} {
  func.func @_tc7_body(%arg0: i32, %arg1: memref<1000x128xf32, #tpu.memory_space<vmem>>, %arg2: memref<8x128xf32, #tpu.memory_space<vmem>>, %arg3: memref<1x128xf32, #tpu.memory_space<vmem>>, %arg4: memref<1x128xf32, #tpu.memory_space<vmem>>, %arg5: memref<1x128xf32, #tpu.memory_space<vmem>>, %arg6: memref<1000x128xf32, #tpu.memory_space<vmem>>, %arg7: memref<1000x1xf32, #tpu.memory_space<vmem>>) attributes {dimension_semantics = [#tpu.dimension_semantics<arbitrary>], iteration_bounds = array<i64: 10>, scalar_prefetch = 0 : i64, scratch_operands = 0 : i64, tpu.core_type = #tpu.core_type<tc>, window_params = [{transform_indices = @transform_0, window_bounds = array<i64: 1000, 128>}, {pipeline_mode = #tpu.pipeline_mode<synchronous>, transform_indices = @transform_1, window_bounds = array<i64: 8, 128>}, {pipeline_mode = #tpu.pipeline_mode<synchronous>, transform_indices = @transform_2, window_bounds = array<i64: 1, 128>}, {pipeline_mode = #tpu.pipeline_mode<synchronous>, transform_indices = @transform_3, window_bounds = array<i64: 1, 128>}, {pipeline_mode = #tpu.pipeline_mode<synchronous>, transform_indices = @transform_4, window_bounds = array<i64: 1, 128>}, {transform_indices = @transform_5, window_bounds = array<i64: 1000, 128>}, {transform_indices = @transform_6, window_bounds = array<i64: 1000, 1>}]} {
    %get3A = arith.constant 0 : index
    %get3A_0 = arith.constant 0 : index
    %get3A_1 = vector.load %arg2[%get3A, %get3A_0] : memref<8x128xf32, #tpu.memory_space<vmem>>, vector<1x128xf32>
    %get3A_2 = vector.shape_cast %get3A_1 : vector<1x128xf32> to vector<128xf32>
    %div3A = arith.constant 7.000000e+03 : f32
    %div3A_3 = vector.broadcast %div3A : f32 to vector<128xf32>
    %div3A_4 = arith.divf %get3A_2, %div3A_3 : vector<128xf32>
    %get3A_5 = arith.constant 1 : index
    %get3A_6 = arith.constant 0 : index
    %get3A_7 = vector.load %arg2[%get3A_5, %get3A_6] : memref<8x128xf32, #tpu.memory_space<vmem>>, vector<1x128xf32>
    %get3A_8 = vector.shape_cast %get3A_7 : vector<1x128xf32> to vector<128xf32>
    %div3A_9 = arith.constant 7.000000e+03 : f32
    %div3A_10 = vector.broadcast %div3A_9 : f32 to vector<128xf32>
    %div3A_11 = arith.divf %get3A_8, %div3A_10 : vector<128xf32>
    %mul3A = arith.mulf %div3A_4, %div3A_4 : vector<128xf32>
    %sub3A = arith.subf %div3A_11, %mul3A : vector<128xf32>
    %add3A = arith.constant 9.99999974E-6 : f32
    %add3A_12 = vector.broadcast %add3A : f32 to vector<128xf32>
    %add3A_13 = arith.addf %sub3A, %add3A_12 : vector<128xf32>
    %rsqrt3A = math.rsqrt %add3A_13 : vector<128xf32>
    %get3A_14 = arith.constant 0 : index
    %get3A_15 = arith.constant 0 : index
    %get3A_16 = vector.load %arg1[%get3A_14, %get3A_15] : memref<1000x128xf32, #tpu.memory_space<vmem>>, vector<1000x128xf32>
    %broadcast_in_dim3A = vector.shape_cast %div3A_4 : vector<128xf32> to vector<1x128xf32>
    %sub3A_17 = vector.broadcast %broadcast_in_dim3A : vector<1x128xf32> to vector<1000x128xf32>
    %sub3A_18 = arith.subf %get3A_16, %sub3A_17 : vector<1000x128xf32>
    %broadcast_in_dim3A_19 = vector.shape_cast %rsqrt3A : vector<128xf32> to vector<1x128xf32>
    %mul3A_20 = vector.broadcast %broadcast_in_dim3A_19 : vector<1x128xf32> to vector<1000x128xf32>
    %mul3A_21 = arith.mulf %sub3A_18, %mul3A_20 : vector<1000x128xf32>
    %get3A_22 = arith.constant 0 : index
    %get3A_23 = arith.constant 0 : index
    %get3A_24 = vector.load %arg3[%get3A_22, %get3A_23] : memref<1x128xf32, #tpu.memory_space<vmem>>, vector<1x128xf32>
    %mul3A_25 = vector.broadcast %get3A_24 : vector<1x128xf32> to vector<1000x128xf32>
    %mul3A_26 = arith.mulf %mul3A_21, %mul3A_25 : vector<1000x128xf32>
    %get3A_27 = arith.constant 0 : index
    %get3A_28 = arith.constant 0 : index
    %get3A_29 = vector.load %arg4[%get3A_27, %get3A_28] : memref<1x128xf32, #tpu.memory_space<vmem>>, vector<1x128xf32>
    %add3A_30 = vector.broadcast %get3A_29 : vector<1x128xf32> to vector<1000x128xf32>
    %add3A_31 = arith.addf %mul3A_26, %add3A_30 : vector<1000x128xf32>
    %get3A_32 = arith.constant 0 : index
    %get3A_33 = arith.constant 0 : index
    %get3A_34 = vector.load %arg5[%get3A_32, %get3A_33] : memref<1x128xf32, #tpu.memory_space<vmem>>, vector<1x128xf32>
    %get3A_35 = vector.shape_cast %get3A_34 : vector<1x128xf32> to vector<128xf32>
    %broadcast_in_dim3A_36 = vector.shape_cast %get3A_35 : vector<128xf32> to vector<1x128xf32>
    %mul3A_37 = vector.broadcast %broadcast_in_dim3A_36 : vector<1x128xf32> to vector<1000x128xf32>
    %mul3A_38 = arith.mulf %add3A_31, %mul3A_37 : vector<1000x128xf32>
    %reduce_sum3A = arith.constant dense<0.000000e+00> : vector<1000xf32>
    %reduce_sum3A_39 = vector.multi_reduction <add>, %mul3A_38, %reduce_sum3A [1] : vector<1000x128xf32> to vector<1000xf32>
    %mul3A_40 = arith.mulf %get3A_35, %get3A_35 : vector<128xf32>
    %reduce_sum3A_41 = vector.shape_cast %mul3A_40 : vector<128xf32> to vector<1x128xf32>
    %reduce_sum3A_42 = arith.constant dense<0.000000e+00> : vector<1xf32>
    %reduce_sum3A_43 = vector.multi_reduction <add>, %reduce_sum3A_41, %reduce_sum3A_42 [1] : vector<1x128xf32> to vector<1xf32>
    %reduce_sum3A_44 = vector.shape_cast %reduce_sum3A_43 : vector<1xf32> to vector<1x1xf32>
    %reduce_sum3A_45 = vector.extract %reduce_sum3A_44[0, 0] : f32 from vector<1x1xf32>
    %sqrt3A = math.sqrt %reduce_sum3A_45 : f32
    %div3A_46 = vector.broadcast %sqrt3A : f32 to vector<1000xf32>
    %div3A_47 = arith.divf %reduce_sum3A_39, %div3A_46 : vector<1000xf32>
    %tanh3A = math.tanh %div3A_47 : vector<1000xf32>
    %broadcast_in_dim3A_48 = vector.shape_cast %tanh3A : vector<1000xf32> to vector<1000x1xf32>
    %mul3A_49 = vector.broadcast %broadcast_in_dim3A_48 : vector<1000x1xf32> to vector<1000x128xf32>
    %mul3A_50 = arith.mulf %add3A_31, %mul3A_49 : vector<1000x128xf32>
    %swap3A = arith.constant 0 : index
    %swap3A_51 = arith.constant 0 : index
    %swap3A_52 = vector.load %arg6[%swap3A, %swap3A_51] : memref<1000x128xf32, #tpu.memory_space<vmem>>, vector<1000x128xf32>
    tpu.vector_store %arg6[%swap3A, %swap3A_51], %mul3A_50 {strides = array<i32>} : memref<1000x128xf32, #tpu.memory_space<vmem>>, vector<1000x128xf32>,
    %broadcast_in_dim3A_53 = vector.shape_cast %reduce_sum3A_39 : vector<1000xf32> to vector<1000x1xf32>
    %swap3A_54 = arith.constant 0 : index
    %swap3A_55 = arith.constant 0 : index
    %swap3A_56 = vector.load %arg7[%swap3A_54, %swap3A_55] : memref<1000x1xf32, #tpu.memory_space<vmem>>, vector<1000x1xf32>
    tpu.vector_store %arg7[%swap3A_54, %swap3A_55], %broadcast_in_dim3A_53 {strides = array<i32>} : memref<1000x1xf32, #tpu.memory_space<vmem>>, vector<1000x1xf32>,
    return
  }
  func.func @transform_0(%arg0: i32) -> (i32, i32) {
    %c0_i32 = arith.constant 0 : i32
    %c0_i32_0 = arith.constant 0 : i32
    return %arg0, %c0_i32 : i32, i32
  }
  func.func @transform_1(%arg0: i32) -> (i32, i32) {
    %c0_i32 = arith.constant 0 : i32
    %c0_i32_0 = arith.constant 0 : i32
    %c0_i32_1 = arith.constant 0 : i32
    return %c0_i32, %c0_i32_0 : i32, i32
  }
  func.func @transform_2(%arg0: i32) -> (i32, i32) {
    %c0_i32 = arith.constant 0 : i32
    %c0_i32_0 = arith.constant 0 : i32
    %c0_i32_1 = arith.constant 0 : i32
    return %c0_i32, %c0_i32_0 : i32, i32
  }
  func.func @transform_3(%arg0: i32) -> (i32, i32) {
    %c0_i32 = arith.constant 0 : i32
    %c0_i32_0 = arith.constant 0 : i32
    %c0_i32_1 = arith.constant 0 : i32
    return %c0_i32, %c0_i32_0 : i32, i32
  }
  func.func @transform_4(%arg0: i32) -> (i32, i32) {
    %c0_i32 = arith.constant 0 : i32
    %c0_i32_0 = arith.constant 0 : i32
    %c0_i32_1 = arith.constant 0 : i32
    return %c0_i32, %c0_i32_0 : i32, i32
  }
  func.func @transform_5(%arg0: i32) -> (i32, i32) {
    %c0_i32 = arith.constant 0 : i32
    %c0_i32_0 = arith.constant 0 : i32
    return %arg0, %c0_i32 : i32, i32
  }
  func.func @transform_6(%arg0: i32) -> (i32, i32) {
    %c0_i32 = arith.constant 0 : i32
    %c0_i32_0 = arith.constant 0 : i32
    return %arg0, %c0_i32 : i32, i32
  }
}

module attributes {stable_mosaic.version = 14 : i64} {
  func.func @_rank_pair_body(%arg0: i32, %arg1: i32, %arg2: memref<1024x1xf32, #tpu.memory_space<vmem>>, %arg3: memref<1x1024xf32, #tpu.memory_space<vmem>>, %arg4: memref<1024x1xi32, #tpu.memory_space<vmem>>, %arg5: memref<1x1024xi32, #tpu.memory_space<vmem>>, %arg6: memref<1024x1xi32, #tpu.memory_space<vmem>>) attributes {dimension_semantics = [#tpu.dimension_semantics<arbitrary>, #tpu.dimension_semantics<arbitrary>], iteration_bounds = array<i64: 10, 10>, scalar_prefetch = 0 : i64, scratch_operands = 0 : i64, tpu.core_type = #tpu.core_type<tc>, window_params = [{transform_indices = @transform_0, window_bounds = array<i64: 1024, 1>}, {transform_indices = @transform_1, window_bounds = array<i64: 1, 1024>}, {transform_indices = @transform_2, window_bounds = array<i64: 1024, 1>}, {transform_indices = @transform_3, window_bounds = array<i64: 1, 1024>}, {transform_indices = @transform_4, window_bounds = array<i64: 1024, 1>}]} {
    %get3A = arith.constant 0 : index
    %get3A_0 = arith.constant 0 : index
    %get3A_1 = vector.load %arg2[%get3A, %get3A_0] : memref<1024x1xf32, #tpu.memory_space<vmem>>, vector<1024x1xf32>
    %get3A_2 = vector.shape_cast %get3A_1 : vector<1024x1xf32> to vector<1024xf32>
    %get3A_3 = arith.constant 0 : index
    %get3A_4 = arith.constant 0 : index
    %get3A_5 = vector.load %arg3[%get3A_3, %get3A_4] : memref<1x1024xf32, #tpu.memory_space<vmem>>, vector<1x1024xf32>
    %get3A_6 = vector.shape_cast %get3A_5 : vector<1x1024xf32> to vector<1024xf32>
    %broadcast_in_dim3A = vector.shape_cast %get3A_6 : vector<1024xf32> to vector<1x1024xf32>
    %broadcast_in_dim3A_7 = vector.shape_cast %get3A_2 : vector<1024xf32> to vector<1024x1xf32>
    %gt3A = vector.broadcast %broadcast_in_dim3A : vector<1x1024xf32> to vector<1024x1024xf32>
    %gt3A_8 = vector.broadcast %broadcast_in_dim3A_7 : vector<1024x1xf32> to vector<1024x1024xf32>
    %gt3A_9 = arith.cmpf ogt, %gt3A, %gt3A_8 : vector<1024x1024xf32>
    %broadcast_in_dim3A_10 = vector.shape_cast %get3A_6 : vector<1024xf32> to vector<1x1024xf32>
    %broadcast_in_dim3A_11 = vector.shape_cast %get3A_2 : vector<1024xf32> to vector<1024x1xf32>
    %eq3A = vector.broadcast %broadcast_in_dim3A_10 : vector<1x1024xf32> to vector<1024x1024xf32>
    %eq3A_12 = vector.broadcast %broadcast_in_dim3A_11 : vector<1024x1xf32> to vector<1024x1024xf32>
    %eq3A_13 = arith.cmpf oeq, %eq3A, %eq3A_12 : vector<1024x1024xf32>
    %get3A_14 = arith.constant 0 : index
    %get3A_15 = arith.constant 0 : index
    %get3A_16 = vector.load %arg4[%get3A_14, %get3A_15] : memref<1024x1xi32, #tpu.memory_space<vmem>>, vector<1024x1xi32>
    %get3A_17 = vector.shape_cast %get3A_16 : vector<1024x1xi32> to vector<1024xi32>
    %get3A_18 = arith.constant 0 : index
    %get3A_19 = arith.constant 0 : index
    %get3A_20 = vector.load %arg5[%get3A_18, %get3A_19] : memref<1x1024xi32, #tpu.memory_space<vmem>>, vector<1x1024xi32>
    %get3A_21 = vector.shape_cast %get3A_20 : vector<1x1024xi32> to vector<1024xi32>
    %lt3A = arith.constant 7000 : i32
    %lt3A_22 = vector.broadcast %lt3A : i32 to vector<1024xi32>
    %lt3A_23 = arith.cmpi slt, %get3A_21, %lt3A_22 : vector<1024xi32>
    %broadcast_in_dim3A_24 = vector.shape_cast %lt3A_23 : vector<1024xi1> to vector<1x1024xi1>
    %broadcast_in_dim3A_25 = vector.shape_cast %get3A_21 : vector<1024xi32> to vector<1x1024xi32>
    %broadcast_in_dim3A_26 = vector.shape_cast %get3A_17 : vector<1024xi32> to vector<1024x1xi32>
    %lt3A_27 = vector.broadcast %broadcast_in_dim3A_25 : vector<1x1024xi32> to vector<1024x1024xi32>
    %lt3A_28 = vector.broadcast %broadcast_in_dim3A_26 : vector<1024x1xi32> to vector<1024x1024xi32>
    %lt3A_29 = arith.cmpi slt, %lt3A_27, %lt3A_28 : vector<1024x1024xi32>
    %and3A = arith.andi %eq3A_13, %lt3A_29 : vector<1024x1024xi1>
    %or3A = arith.ori %gt3A_9, %and3A : vector<1024x1024xi1>
    %and3A_30 = vector.broadcast %broadcast_in_dim3A_24 : vector<1x1024xi1> to vector<1024x1024xi1>
    %and3A_31 = arith.andi %and3A_30, %or3A : vector<1024x1024xi1>
    %convert_element_type3A = arith.extui %and3A_31 : vector<1024x1024xi1> to vector<1024x1024xi32>
    %reduce_sum3A = arith.constant dense<0> : vector<1024xi32>
    %reduce_sum3A_32 = vector.multi_reduction <add>, %convert_element_type3A, %reduce_sum3A [1] : vector<1024x1024xi32> to vector<1024xi32>
    %broadcast_in_dim3A_33 = vector.shape_cast %reduce_sum3A_32 : vector<1024xi32> to vector<1024x1xi32>
    %eq3A_34 = arith.constant 0 : i32
    %eq3A_35 = arith.cmpi eq, %arg1, %eq3A_34 : i32
    %convert_element_type3A_36 = arith.extui %eq3A_35 : i1 to i32
    %cond3A = arith.constant 0 : i32
    %cond3A_37 = arith.cmpi ne, %convert_element_type3A_36, %cond3A : i32
    scf.if %cond3A_37 {
      %broadcast_in_dim3A_43 = arith.constant 0 : i32
      %broadcast_in_dim3A_44 = vector.broadcast %broadcast_in_dim3A_43 : i32 to vector<1024x1xi32>
      %swap3A_45 = arith.constant 0 : index
      %swap3A_46 = arith.constant 0 : index
      %swap3A_47 = vector.load %arg6[%swap3A_45, %swap3A_46] : memref<1024x1xi32, #tpu.memory_space<vmem>>, vector<1024x1xi32>
      tpu.vector_store %arg6[%swap3A_45, %swap3A_46], %broadcast_in_dim3A_44 {strides = array<i32>} : memref<1024x1xi32, #tpu.memory_space<vmem>>, vector<1024x1xi32>,
    } else {
    }
    %get3A_38 = arith.constant 0 : index
    %get3A_39 = arith.constant 0 : index
    %get3A_40 = vector.load %arg6[%get3A_38, %get3A_39] : memref<1024x1xi32, #tpu.memory_space<vmem>>, vector<1024x1xi32>
    %add3A = arith.addi %get3A_40, %broadcast_in_dim3A_33 : vector<1024x1xi32>
    %swap3A = arith.constant 0 : index
    %swap3A_41 = arith.constant 0 : index
    %swap3A_42 = vector.load %arg6[%swap3A, %swap3A_41] : memref<1024x1xi32, #tpu.memory_space<vmem>>, vector<1024x1xi32>
    tpu.vector_store %arg6[%swap3A, %swap3A_41], %add3A {strides = array<i32>} : memref<1024x1xi32, #tpu.memory_space<vmem>>, vector<1024x1xi32>,
    return
  }
  func.func @transform_0(%arg0: i32, %arg1: i32) -> (i32, i32) {
    %c0_i32 = arith.constant 0 : i32
    %c0_i32_0 = arith.constant 0 : i32
    return %arg0, %c0_i32 : i32, i32
  }
  func.func @transform_1(%arg0: i32, %arg1: i32) -> (i32, i32) {
    %c0_i32 = arith.constant 0 : i32
    %c0_i32_0 = arith.constant 0 : i32
    return %c0_i32, %arg1 : i32, i32
  }
  func.func @transform_2(%arg0: i32, %arg1: i32) -> (i32, i32) {
    %c0_i32 = arith.constant 0 : i32
    %c0_i32_0 = arith.constant 0 : i32
    return %arg0, %c0_i32 : i32, i32
  }
  func.func @transform_3(%arg0: i32, %arg1: i32) -> (i32, i32) {
    %c0_i32 = arith.constant 0 : i32
    %c0_i32_0 = arith.constant 0 : i32
    return %c0_i32, %arg1 : i32, i32
  }
  func.func @transform_4(%arg0: i32, %arg1: i32) -> (i32, i32) {
    %c0_i32 = arith.constant 0 : i32
    %c0_i32_0 = arith.constant 0 : i32
    return %arg0, %c0_i32 : i32, i32
  }
}

module attributes {stable_mosaic.version = 14 : i64} {
  func.func @_tc9_body(%arg0: i32, %arg1: memref<1000x128xf32, #tpu.memory_space<vmem>>, %arg2: memref<1000x1xi32, #tpu.memory_space<vmem>>, %arg3: memref<1000x1xi32, #tpu.memory_space<vmem>>, %arg4: memref<256x128xf32, #tpu.memory_space<vmem>>, %arg5: memref<1x256xf32, #tpu.memory_space<vmem>>, %arg6: memref<128x256xf32, #tpu.memory_space<vmem>>, %arg7: memref<1x128xf32, #tpu.memory_space<vmem>>, %arg8: memref<8x128xf32, #tpu.memory_space<vmem>>, %arg9: memref<1x128xf32, #tpu.memory_space<vmem>>) attributes {dimension_semantics = [#tpu.dimension_semantics<arbitrary>], iteration_bounds = array<i64: 10>, scalar_prefetch = 0 : i64, scratch_operands = 0 : i64, tpu.core_type = #tpu.core_type<tc>, window_params = [{transform_indices = @transform_0, window_bounds = array<i64: 1000, 128>}, {transform_indices = @transform_1, window_bounds = array<i64: 1000, 1>}, {transform_indices = @transform_2, window_bounds = array<i64: 1000, 1>}, {pipeline_mode = #tpu.pipeline_mode<synchronous>, transform_indices = @transform_3, window_bounds = array<i64: 256, 128>}, {pipeline_mode = #tpu.pipeline_mode<synchronous>, transform_indices = @transform_4, window_bounds = array<i64: 1, 256>}, {pipeline_mode = #tpu.pipeline_mode<synchronous>, transform_indices = @transform_5, window_bounds = array<i64: 128, 256>}, {pipeline_mode = #tpu.pipeline_mode<synchronous>, transform_indices = @transform_6, window_bounds = array<i64: 1, 128>}, {pipeline_mode = #tpu.pipeline_mode<synchronous>, transform_indices = @transform_7, window_bounds = array<i64: 8, 128>}, {pipeline_mode = #tpu.pipeline_mode<synchronous>, transform_indices = @transform_8, window_bounds = array<i64: 1, 128>}]} {
    %get3A = arith.constant 0 : index
    %get3A_0 = arith.constant 0 : index
    %get3A_1 = vector.load %arg2[%get3A, %get3A_0] : memref<1000x1xi32, #tpu.memory_space<vmem>>, vector<1000x1xi32>
    %get3A_2 = vector.shape_cast %get3A_1 : vector<1000x1xi32> to vector<1000xi32>
    %lt3A = arith.constant 7000 : i32
    %lt3A_3 = vector.broadcast %lt3A : i32 to vector<1000xi32>
    %lt3A_4 = arith.cmpi slt, %get3A_2, %lt3A_3 : vector<1000xi32>
    %get3A_5 = arith.constant 0 : index
    %get3A_6 = arith.constant 0 : index
    %get3A_7 = vector.load %arg3[%get3A_5, %get3A_6] : memref<1000x1xi32, #tpu.memory_space<vmem>>, vector<1000x1xi32>
    %get3A_8 = vector.shape_cast %get3A_7 : vector<1000x1xi32> to vector<1000xi32>
    %lt3A_9 = arith.constant 3500 : i32
    %lt3A_10 = vector.broadcast %lt3A_9 : i32 to vector<1000xi32>
    %lt3A_11 = arith.cmpi slt, %get3A_8, %lt3A_10 : vector<1000xi32>
    %and3A = arith.andi %lt3A_4, %lt3A_11 : vector<1000xi1>
    %broadcast_in_dim3A = vector.shape_cast %and3A : vector<1000xi1> to vector<1000x1xi1>
    %get3A_12 = arith.constant 0 : index
    %get3A_13 = arith.constant 0 : index
    %get3A_14 = vector.load %arg1[%get3A_12, %get3A_13] : memref<1000x128xf32, #tpu.memory_space<vmem>>, vector<1000x128xf32>
    %jit3A = arith.constant -1.000000e+30 : f32
    %broadcast_in_dim3A_15 = vector.shape_cast %broadcast_in_dim3A : vector<1000x1xi1> to vector<1000x1xi1>
    %broadcast_in_dim3A_16 = vector.broadcast %broadcast_in_dim3A_15 : vector<1000x1xi1> to vector<1000x128xi1>
    %broadcast_in_dim3A_17 = vector.broadcast %jit3A : f32 to vector<1000x128xf32>
    %select_n3A = arith.select %broadcast_in_dim3A_16, %get3A_14, %broadcast_in_dim3A_17 : vector<1000x128xi1>, vector<1000x128xf32>
    %reduce_max3A = arith.constant dense<0xFF800000> : vector<128xf32>
    %reduce_max3A_18 = vector.multi_reduction <maximumf>, %select_n3A, %reduce_max3A [0] : vector<1000x128xf32> to vector<128xf32>
    %broadcast_in_dim3A_19 = vector.shape_cast %reduce_max3A_18 : vector<128xf32> to vector<1x128xf32>
    %eq3A = arith.constant 0 : i32
    %eq3A_20 = arith.cmpi eq, %arg0, %eq3A : i32
    %convert_element_type3A = arith.extui %eq3A_20 : i1 to i32
    %cond3A = arith.constant 0 : i32
    %cond3A_21 = arith.cmpi ne, %convert_element_type3A, %cond3A : i32
    scf.if %cond3A_21 {
      %broadcast_in_dim3A_35 = arith.constant -1.000000e+30 : f32
      %broadcast_in_dim3A_36 = vector.broadcast %broadcast_in_dim3A_35 : f32 to vector<8x128xf32>
      %swap3A_37 = arith.constant 0 : index
      %swap3A_38 = arith.constant 0 : index
      %swap3A_39 = vector.load %arg8[%swap3A_37, %swap3A_38] : memref<8x128xf32, #tpu.memory_space<vmem>>, vector<8x128xf32>
      tpu.vector_store %arg8[%swap3A_37, %swap3A_38], %broadcast_in_dim3A_36 {strides = array<i32>} : memref<8x128xf32, #tpu.memory_space<vmem>>, vector<8x128xf32>,
      %broadcast_in_dim3A_40 = arith.constant 0.000000e+00 : f32
      %broadcast_in_dim3A_41 = vector.broadcast %broadcast_in_dim3A_40 : f32 to vector<1x128xf32>
      %swap3A_42 = arith.constant 0 : index
      %swap3A_43 = arith.constant 0 : index
      %swap3A_44 = vector.load %arg9[%swap3A_42, %swap3A_43] : memref<1x128xf32, #tpu.memory_space<vmem>>, vector<1x128xf32>
      tpu.vector_store %arg9[%swap3A_42, %swap3A_43], %broadcast_in_dim3A_41 {strides = array<i32>} : memref<1x128xf32, #tpu.memory_space<vmem>>, vector<1x128xf32>,
    } else {
    }
    %get3A_22 = arith.constant 0 : index
    %get3A_23 = arith.constant 0 : index
    %get3A_24 = vector.load %arg8[%get3A_22, %get3A_23] : memref<8x128xf32, #tpu.memory_space<vmem>>, vector<1x128xf32>
    %get3A_25 = vector.shape_cast %get3A_24 : vector<1x128xf32> to vector<128xf32>
    %squeeze3A = vector.shape_cast %broadcast_in_dim3A_19 : vector<1x128xf32> to vector<128xf32>
    %max3A = arith.maximumf %get3A_25, %squeeze3A : vector<128xf32>
    %swap3A = arith.constant 0 : index
    %swap3A_26 = arith.constant 0 : index
    %swap3A_27 = vector.load %arg8[%swap3A, %swap3A_26] : memref<8x128xf32, #tpu.memory_space<vmem>>, vector<1x128xf32>
    %swap3A_28 = vector.shape_cast %swap3A_27 : vector<1x128xf32> to vector<128xf32>
    %swap3A_29 = vector.shape_cast %max3A : vector<128xf32> to vector<1x128xf32>
    tpu.vector_store %arg8[%swap3A, %swap3A_26], %swap3A_29 {strides = array<i32>} : memref<8x128xf32, #tpu.memory_space<vmem>>, vector<1x128xf32>,
    %eq3A_30 = arith.constant 9 : i32
    %eq3A_31 = arith.cmpi eq, %arg0, %eq3A_30 : i32
    %convert_element_type3A_32 = arith.extui %eq3A_31 : i1 to i32
    %cond3A_33 = arith.constant 0 : i32
    %cond3A_34 = arith.cmpi ne, %convert_element_type3A_32, %cond3A_33 : i32
    scf.if %cond3A_34 {
      %get3A_35 = arith.constant 0 : index
      %get3A_36 = arith.constant 0 : index
      %get3A_37 = vector.load %arg8[%get3A_35, %get3A_36] : memref<8x128xf32, #tpu.memory_space<vmem>>, vector<1x128xf32>
      %get3A_38 = vector.shape_cast %get3A_37 : vector<1x128xf32> to vector<128xf32>
      %max3A_39 = arith.constant 0.000000e+00 : f32
      %max3A_40 = vector.broadcast %max3A_39 : f32 to vector<128xf32>
      %max3A_41 = arith.maximumf %get3A_38, %max3A_40 : vector<128xf32>
      %broadcast_in_dim3A_42 = vector.shape_cast %max3A_41 : vector<128xf32> to vector<1x128xf32>
      %get3A_43 = arith.constant 0 : index
      %get3A_44 = arith.constant 0 : index
      %get3A_45 = vector.load %arg4[%get3A_43, %get3A_44] : memref<256x128xf32, #tpu.memory_space<vmem>>, vector<256x128xf32>
      %dot_general3A = arith.constant dense<0.000000e+00> : vector<1x256xf32>
      %dot_general3A_46 = tpu.matmul %broadcast_in_dim3A_42, %get3A_45, %dot_general3A {dimension_numbers = #tpu.dot_dimension_numbers<[1], [1], [0], [0], [0, 0, 1, 0], [], []>, transpose_lhs_hint = false} : vector<1x128xf32>, vector<256x128xf32>, vector<1x256xf32> -> vector<1x256xf32>
      %get3A_47 = arith.constant 0 : index
      %get3A_48 = arith.constant 0 : index
      %get3A_49 = vector.load %arg5[%get3A_47, %get3A_48] : memref<1x256xf32, #tpu.memory_space<vmem>>, vector<1x256xf32>
      %add3A = arith.addf %dot_general3A_46, %get3A_49 : vector<1x256xf32>
      %max3A_50 = arith.constant 0.000000e+00 : f32
      %max3A_51 = vector.broadcast %max3A_50 : f32 to vector<1x256xf32>
      %max3A_52 = arith.maximumf %add3A, %max3A_51 : vector<1x256xf32>
      %get3A_53 = arith.constant 0 : index
      %get3A_54 = arith.constant 0 : index
      %get3A_55 = vector.load %arg6[%get3A_53, %get3A_54] : memref<128x256xf32, #tpu.memory_space<vmem>>, vector<128x256xf32>
      %dot_general3A_56 = arith.constant dense<0.000000e+00> : vector<1x128xf32>
      %dot_general3A_57 = tpu.matmul %max3A_52, %get3A_55, %dot_general3A_56 {dimension_numbers = #tpu.dot_dimension_numbers<[1], [1], [0], [0], [0, 0, 1, 0], [], []>, transpose_lhs_hint = false} : vector<1x256xf32>, vector<128x256xf32>, vector<1x128xf32> -> vector<1x128xf32>
      %get3A_58 = arith.constant 0 : index
      %get3A_59 = arith.constant 0 : index
      %get3A_60 = vector.load %arg7[%get3A_58, %get3A_59] : memref<1x128xf32, #tpu.memory_space<vmem>>, vector<1x128xf32>
      %add3A_61 = arith.addf %dot_general3A_57, %get3A_60 : vector<1x128xf32>
      %swap3A_62 = arith.constant 0 : index
      %swap3A_63 = arith.constant 0 : index
      %swap3A_64 = vector.load %arg9[%swap3A_62, %swap3A_63] : memref<1x128xf32, #tpu.memory_space<vmem>>, vector<1x128xf32>
      tpu.vector_store %arg9[%swap3A_62, %swap3A_63], %add3A_61 {strides = array<i32>} : memref<1x128xf32, #tpu.memory_space<vmem>>, vector<1x128xf32>,
    } else {
    }
    return
  }
  func.func @transform_0(%arg0: i32) -> (i32, i32) {
    %c0_i32 = arith.constant 0 : i32
    %c0_i32_0 = arith.constant 0 : i32
    return %arg0, %c0_i32 : i32, i32
  }
  func.func @transform_1(%arg0: i32) -> (i32, i32) {
    %c0_i32 = arith.constant 0 : i32
    %c0_i32_0 = arith.constant 0 : i32
    return %arg0, %c0_i32 : i32, i32
  }
  func.func @transform_2(%arg0: i32) -> (i32, i32) {
    %c0_i32 = arith.constant 0 : i32
    %c0_i32_0 = arith.constant 0 : i32
    return %arg0, %c0_i32 : i32, i32
  }
  func.func @transform_3(%arg0: i32) -> (i32, i32) {
    %c0_i32 = arith.constant 0 : i32
    %c0_i32_0 = arith.constant 0 : i32
    %c0_i32_1 = arith.constant 0 : i32
    return %c0_i32, %c0_i32_0 : i32, i32
  }
  func.func @transform_4(%arg0: i32) -> (i32, i32) {
    %c0_i32 = arith.constant 0 : i32
    %c0_i32_0 = arith.constant 0 : i32
    %c0_i32_1 = arith.constant 0 : i32
    return %c0_i32, %c0_i32_0 : i32, i32
  }
  func.func @transform_5(%arg0: i32) -> (i32, i32) {
    %c0_i32 = arith.constant 0 : i32
    %c0_i32_0 = arith.constant 0 : i32
    %c0_i32_1 = arith.constant 0 : i32
    return %c0_i32, %c0_i32_0 : i32, i32
  }
  func.func @transform_6(%arg0: i32) -> (i32, i32) {
    %c0_i32 = arith.constant 0 : i32
    %c0_i32_0 = arith.constant 0 : i32
    %c0_i32_1 = arith.constant 0 : i32
    return %c0_i32, %c0_i32_0 : i32, i32
  }
  func.func @transform_7(%arg0: i32) -> (i32, i32) {
    %c0_i32 = arith.constant 0 : i32
    %c0_i32_0 = arith.constant 0 : i32
    %c0_i32_1 = arith.constant 0 : i32
    return %c0_i32, %c0_i32_0 : i32, i32
  }
  func.func @transform_8(%arg0: i32) -> (i32, i32) {
    %c0_i32 = arith.constant 0 : i32
    %c0_i32_0 = arith.constant 0 : i32
    %c0_i32_1 = arith.constant 0 : i32
    return %c0_i32, %c0_i32_0 : i32, i32
  }
}

</mosaic_0001>

<sc_bundles>
// kernel: kernel.15.cloned.1.call-start
scs
__scs_entry_jumppad:
0x0: {  	(pc) =	sbr.rel $0x88, $3  }
0x1: {  	(tag) =	ssettag $0x0;
	lr =	simm.s32 $0x1  }
0x2: {  	[smem:$0x3F8D] =	sst lr;
	_ =	strace $0xD0000000  }
0x3: {  	_ = 	snop  }
0x4: {  	_ = 	snop  }
0x5: {  	_ = 	snop  }
0x6: {  	_ = 	snop  }
0x7: {  	_ = 	snop  }
__scs_overlays_trampoline_lowered:
0x8: {  	[smem:$0x3F9C] =	sst s0  }
0x9: {  	[smem:$0x3F9D] =	sst s1  }
0xa: {  	[smem:$0x3F9E] =	sst s2  }
0xb: {  	[smem:$0x3F9F] =	sst s3  }
0xc: {  	[smem:$0x3FA0] =	sst s4  }
0xd: {  	[smem:$0x3FA1] =	sst s5  }
0xe: {  	[smem:$0x3FA2] =	sst s6  }
0xf: {  	[smem:$0x3FA3] =	sst s7  }
0x10: {  	[smem:$0x3FA4] =	sst s8  }
0x11: {  	[smem:$0x3FA5] =	sst s9;
	s0 =	simm.s32 @!p0 $0x0  }
0x12: {  	s1 =	sld [smem:$0x3F8B];
	s0 =	simm.s32 @p0 $0x1  }
0x13: {  	[smem:$0x3FA6] =	sst s0;
	s0 =	simm.s32 @!p1 $0x0  }
0x14: {  	s2 =	sld [smem:$0x3F8A];
	s0 =	simm.s32 @p1 $0x1  }
0x15: {  	[smem:$0x3FA7] =	sst s0;
	s0 =	simm.s32 @!p2 $0x0  }
0x16: {  	s3 =	sld [smem:$0x3FDB];
	s0 =	simm.s32 @p2 $0x1  }
0x17: {  	s4 =	simm.s32 $0x1BF5;
	[smem:$0x3FA9] =	sst s0  }
0x18: {  	s0 =	sld [smem:$0x3F8C];
	_ =	swait.ge [sflag:s4], $0x0  }
0x19: {  	s7 =	sld [smem:$0x3F8D]  }
0x1a: {  	s8 =	sadd.s32 $0xFFFFE003, lr  }
0x1b: {  	s9 =	sadd.s32 $0xFFFFFEF7, lr;
	s5 =	simm.s32 $0xFFFFFFFF;
	p2 =	slt.u32 s8, $0xFFFFF086  }
0x1c: {  	p1 =	slt.u32 s9, $0xF7A;
	s5 =	simm.s32 @!p2 $0x0  }
0x1d: {  	s5 =	simm.s32 @p1 $0x1;
	p0 =	seq.s32 s7, s2  }
0x1e: {  	s7 =	smul.u32 @!p0 $0xF7A, s2;
	p2 =	seq.s32 @!p0 s5, $0x0  }
0x1f: {  	s9 =	smul.u32 $0xF7A, s1;
	s8 =	simm.s32 @!p0 $0x1BF5;
	p2 =	por !p2, p0  }
0x20: {  	[sflag:s8] =	ssyncset.s32 @!p0 $0xFFFFF086;
	s6 =	sadd.s32 @!p0 s3, s7;
	s7 =	simm.s32 @!p0 $0x108  }
0x21: {  	s3 =	sadd.s32 s3, s9;
	s6 =	sadd.s32 @!p0 $0x88, s6;
	s7 =	simm.s32 @p2 $0x1082  }
0x22: {  	[simem:s7], [sflag:s8] =	dma.local @!p0 [hbm:s6], $0xF7A  }
0x23: {  	s9 =	sor.u32 $0xD0000000, s2;
	s6 =	simm.s32 $0x108;
	_ =	swait.ge @!p0 [sflag:s8], $0x0  }
0x24: {  	s3 =	sadd.s32 $0x88, s3;
	s6 =	simm.s32 @!p1 $0x1082;
	[sflag:s4] =	ssyncset.s32 $0xFFFFF086  }
0x25: {  	[simem:s6], [sflag:s4] =	dma.local [hbm:s3], $0xF7A  }
0x26: {  	[smem:$0x3F8D] =	sst s1;
	(tag) =	ssettag s2;
	_ =	strace s9  }
0x27: {  	s1 =	sld [smem:$0x3F9D]  }
0x28: {  	s2 =	sld [smem:$0x3F9E]  }
0x29: {  	s4 =	sld [smem:$0x3FA0]  }
0x2a: {  	p0 =	seq.s32 s5, $0x0;
	s5 =	sld [smem:$0x3FA1]  }
0x2b: {  	s6 =	sld [smem:$0x3FA2]  }
0x2c: {  	s7 =	sld [smem:$0x3FA3]  }
0x2d: {  	s3 =	simm.s32 $0x108;
	s8 =	sld [smem:$0x3FA4]  }
0x2e: {  	s3 =	simm.s32 @!p0 $0x1082;
	s9 =	sld [smem:$0x3FA5]  }
0x2f: {  	lr =	sadd.s32 s0, s3;
	s0 =	sld [smem:$0x3F9C]  }
0x30: {  	s3 =	sld [smem:$0x3F9F]  }
0x31: {  	[smem:$0x3FA8] =	sst s10  }
0x32: {  	s10 =	sld [smem:$0x3FA6];
	_ =	sdelay $0x3  }
0x33: {  	p0 =	seq.s32 s10, $0x1;
	s10 =	sld [smem:$0x3FA8];
	_ =	sdelay $0x3  }
0x34: {  	[smem:$0x3FA8] =	sst s10  }
0x35: {  	s10 =	sld [smem:$0x3FA7];
	_ =	sdelay $0x3  }
0x36: {  	p1 =	seq.s32 s10, $0x1;
	s10 =	sld [smem:$0x3FA8];
	_ =	sdelay $0x3  }
0x37: {  	[smem:$0x3FA8] =	sst s10  }
0x38: {  	s10 =	sld [smem:$0x3FA9]  }
0x39: {  	_ = 	snop;
	(pc) =	sbr.ind lr, $3  }
0x3a: {  	_ = 	snop  }
0x3b: {  	_ = 	snop  }
0x3c: {  	p2 =	seq.s32 s10, $0x1;
	s10 =	sld [smem:$0x3FA8]  }
0x3d: {  	_ =	shalt  }
0x3e: {  	_ =	shalt  }
0x3f: {  	_ =	shalt  }
0x40: {  	_ =	shalt  }
0x41: {  	_ =	shalt  }
0x42: {  	_ =	shalt  }
0x43: {  	_ =	shalt  }
0x44: {  	_ =	shalt  }
0x45: {  	_ =	shalt  }
0x46: {  	_ =	shalt  }
0x47: {  	_ =	shalt  }
0x48: {  	_ =	shalt  }
0x49: {  	_ =	shalt  }
0x4a: {  	_ =	shalt  }
0x4b: {  	_ =	shalt  }
0x4c: {  	_ =	shalt  }
0x4d: {  	_ =	shalt  }
0x4e: {  	_ =	shalt  }
0x4f: {  	_ =	shalt  }
0x50: {  	_ =	shalt  }
0x51: {  	_ =	shalt  }
0x52: {  	_ =	shalt  }
0x53: {  	_ =	shalt  }
0x54: {  	_ =	shalt  }
0x55: {  	_ =	shalt  }
0x56: {  	_ =	shalt  }
0x57: {  	_ =	shalt  }
0x58: {  	_ =	shalt  }
0x59: {  	_ =	shalt  }
0x5a: {  	_ =	shalt  }
0x5b: {  	_ =	shalt  }
0x5c: {  	_ =	shalt  }
0x5d: {  	_ =	shalt  }
0x5e: {  	_ =	shalt  }
0x5f: {  	_ =	shalt  }
0x60: {  	_ =	shalt  }
0x61: {  	_ =	shalt  }
0x62: {  	_ =	shalt  }
0x63: {  	_ =	shalt  }
0x64: {  	_ =	shalt  }
0x65: {  	_ =	shalt  }
0x66: {  	_ =	shalt  }
0x67: {  	_ =	shalt  }
0x68: {  	_ =	shalt  }
0x69: {  	_ =	shalt  }
0x6a: {  	_ =	shalt  }
0x6b: {  	_ =	shalt  }
0x6c: {  	_ =	shalt  }
0x6d: {  	_ =	shalt  }
0x6e: {  	_ =	shalt  }
0x6f: {  	_ =	shalt  }
0x70: {  	_ =	shalt  }
0x71: {  	_ =	shalt  }
0x72: {  	_ =	shalt  }
0x73: {  	_ =	shalt  }
0x74: {  	_ =	shalt  }
0x75: {  	_ =	shalt  }
0x76: {  	_ =	shalt  }
0x77: {  	_ =	shalt  }
0x78: {  	_ =	shalt  }
0x79: {  	_ =	shalt  }
0x7a: {  	_ =	shalt  }
0x7b: {  	_ =	shalt  }
0x7c: {  	_ =	shalt  }
0x7d: {  	_ =	shalt  }
0x7e: {  	_ =	shalt  }
0x7f: {  	_ =	shalt  }
0x80: {  	_ =	shalt  }
0x81: {  	_ =	shalt  }
0x82: {  	_ =	shalt  }
0x83: {  	_ =	shalt  }
0x84: {  	_ =	shalt  }
0x85: {  	_ =	shalt  }
0x86: {  	_ =	shalt  }
0x87: {  	_ =	shalt  }
.Lfunc_end0:
.L_simem_size_0:
called_computation_lowered:
.L_overlay_start_0:
0x88: {  	s2 =	sld [smem:$0x3FD9]  }
0x89: {  	s3 =	sld [smem:$0x3FFE];
	_ =	sdelay $0x1  }
0x8a: {  	s1 =	srdreg.scid  }
0x8b: {  	s0 =	sand.u32 $0x1, s1  }
0x8c: {  	s17 =	sshll.u32 s0, $0xA;
	s2 =	sadd.s32 s3, s2  }
0x8d: {  	s2 =	sadd.s32 s2, s17  }
0x8e: {  	[smem:$0x3FB4] =	sst s2  }
0x8f: {  	_ = 	snop  }
0x90: {  	s2 =	sld [smem:$0x3FD0];
	(tm) =	ssettm $0x1  }
0x91: {  	s18 =	sld [smem:$0x3FFB];
	_ =	sdelay $0x3  }
0x92: {  	_ =	strace s18  }
0x93: {  	s3 =	sld [smem:$0x3FFC];
	_ =	sdelay $0x3  }
0x94: {  	_ =	strace s3  }
0x95: {  	s3 =	sld [smem:$0x3FFD];
	_ =	sdelay $0x3  }
0x96: {  	_ =	strace s3  }
0x97: {  	_ =	strace $0x8FFFFFFF  }
0x98: {  	s19 =	sld [smem:$0x3FDB];
	_ =	sdelay $0x1  }
0x99: {  	s4 =	simm.s32 $_scs_section_size  }
0x9a: {  	s5 =	simm.s32 $_size__tile_overlayer_lowered;
	s6 =	simm.s32 $_tile_overlayer_lowered  }
0x9b: {  	s22 =	simm.s32 $0x1BFF;
	s21 =	sshll.u32 s6, $0x1;
	s3 =	sadd.s32 s4, s19  }
0x9c: {  	s7 =	simm.s32 $0x0;
	s20 =	sshll.u32 s5, $0x1;
	s5 =	sadd.s32 s21, s3  }
0x9d: {  	[timem:s7], [sflag:s22] =	dma.local [hbm:s5], s20  }
0x9e: {  	_ =	swait.ge [sflag:s22], s20  }
0x9f: {  	s4 =	ssub.s32 $0x0, s20;
	[sflag:s22] =	ssyncset.done $0x0  }
0xa0: {  	[sflag:s22] =	ssyncadd.s32 s4;
	_ =	sdelay $0x1  }
0xa1: {  	s23 =	simm.s32 $0x1B8B  }
0xa2: {  	_ =	swait.ge [sflag:s23], $0x1  }
0xa3: {  	[sflag:s23] =	ssyncset.done $0x0  }
0xa4: {  	s25 =	simm.s32 $0x1B8E;
	s24 =	sld [smem:$0x3FFE];
	[sflag:s23] =	ssyncadd.s32 $0xFFFFFFFF  }
0xa5: {  	s26 =	simm.s32 $execute0_lowered;
	[smem:$0x3FD2] =	sst s25  }
0xa6: {  	s5 =	sshll.u32 s26, $0x1;
	_ =	strace $0x80000046;
	[dreg:$0x1] =	wrdreg $0xFFFFFFFF  }
0xa7: {  	s28 =	simm.s32 $_size_execute0_lowered;
	s3 =	sadd.s32 s3, s5;
	[dreg:$0x0] =	wrdreg $0x0  }
0xa8: {  	s5 =	sshll.u32 s28, $0x1;
	[dreg:$0x2] =	wrdreg s3  }
0xa9: {  	[dreg:$0x3] =	wrdreg s5  }
0xaa: {  	[dreg:$0x4] =	wrdreg $0xC0  }
0xab: {  	_ =	task [dreg:s7], $0x5FFFF  }
0xac: {  	[dreg:$0x1] =	wrdreg $0xFFFFFFFF  }
0xad: {  	[dreg:$0x0] =	wrdreg $0x60  }
0xae: {  	[dreg:$0x2] =	wrdreg s24  }
0xaf: {  	[dreg:$0x3] =	wrdreg s2  }
0xb0: {  	[dreg:$0x4] =	wrdreg $0xD6C00  }
0xb1: {  	[dreg:$0x5] =	wrdreg $0x9  }
0xb2: {  	_ =	task.clear_ibuf [dreg:s7], $0x6FFFF;
	_ =	strace $0x90000046  }
0xb3: {  	s29 =	simm.s32 $0x9;
	_ =	strace $0x80000048  }
0xb4: {  	_ =	swait.ge [sflag:s29], $0x1  }
0xb5: {  	[sflag:s29] =	ssyncadd.s32 $0xFFFFFFFF  }
0xb6: {  	_ =	strace $0x90000048  }
0xb7: {  	_ =	sfence  }
0xb8: {  	s30 =	sld [smem:$0x0];
	_ =	sdelay $0x2  }
0xb9: {  	s31 =	sshll.u32 s1, $0xD;
	s1 =	sshrl.u32 s1, $0x2  }
0xba: {  	s3 =	sand.u32 $0x4000, s31;
	s1 =	sadd.s32 s1, s30  }
0xbb: {  	s0 =	sor.u32 s3, s0;
	s1 =	sshll.u32 s1, $0x11  }
0xbc: {  	s0 =	sor.u32 s1, s0  }
0xbd: {  	s0 =	sadd.s32 $0x8F2B, s0  }
0xbe: {  	[sflag:s0] =	ssyncadd.remote.s32 $0x1  }
0xbf: {  	_ =	sfence.sel $0xFFFF  }
0xc0: {  	[dreg:$0x0] =	wrdreg $0xFFFFFFFF;
	(pc) =	sbr.abs _section_cstart, $3  }
0xc1: {  	[dreg:$0x1] =	wrdreg $0xFFFFFFFF  }
0xc2: {  	_ =	task.clear_ibuf [dreg:s7], $0x2FFFF;
	_ =	strace $0x9FFFFFFF  }
0xc3: {  	(tm) =	ssettm $0x7FFFFFFF  }
tec
execute0_lowered:
.L_overlay_start_1:
0x0: {  	(tag) =	ssettag $0x1  }
0x1: {  	s0 =	rddreg [dreg:$0x0]  }
0x2: {  	s2 =	rddreg [dreg:$0x2];
	s17 =	stileid.u32  }
0x3: {  	s3 =	simm.s32 $0x0;
	s1 =	srdreg.scid;
	s5 =	smul.u32 $0x500, s17  }
0x4: {  	[smem:$0x7FF] =	sst s3;
	s4 =	sand.u32 $0x1, s1;
	s11 =	smul.u32 $0xEA6, s17  }
0x5: {  	s8 =	sadd.s32 $0x19400, s0;
	s9 =	sadd.s32 $0x8E800, s0;
	s16 =	smul.u32 $0x7530, s17  }
0x6: {  	p1 =	sne.s32 s17, $0x0;
	p2 =	seq.s32 s17, $0xF;
	s6 =	smul.u32 $0x4E200, s4  }
0x7: {  	s12 =	sor.u32 $0x2, s4;
	s7 =	sadd.s32 s5, s0;
	s5 =	smul.u32 $0x5000, s17  }
0x8: {  	_ =	strace $0x80000047;
	s24 =	sor.u32 $0x4, s4;
	s13 =	smul.u32 $0x4E200, s12  }
0x9: {  	s1 =	ssub.s32 $0x2, s4;
	p0 =	sne.s32 s4, $0x0;
	s26 =	smul.u32 $0x4E200, s24  }
0xa: {  	s10 =	sshrl.u32 s1, $0x1;
	s22 =	sadd.s32 s9, s11;
	s12 =	smul.u32 $0x2710, s12  }
0xb: {  	s1 =	ssub.s32 s1, s10;
	s19 =	sadd.s32 $0xA600, s7;
	[dreg:$0x8] =	wrdreg s22  }
0xc: {  	s7 =	sadd.s32 $0x5600, s7;
	[dreg:$0x4] =	wrdreg s19;
	s20 =	sadd.s32 s5, s6  }
0xd: {  	s6 =	sshrl.u32 s6, $0x3;
	[dreg:$0x5] =	wrdreg s7;
	s23 =	sadd.s32 s5, s13  }
0xe: {  	s25 =	sshrl.u32 s13, $0x3;
	s14 =	sadd.s32 s5, s26;
	s15 =	sshrl.u32 s26, $0x3  }
0xf: {  	s19 =	sor.u32 $0x6, s4;
	s10 =	sshrl.u32 s20, $0x3;
	s6 =	sadd.s32 s8, s6  }
0x10: {  	s13 =	sadd.s32 s8, s25;
	s7 =	sshrl.u32 s14, $0x3;
	s18 =	sadd.s32 s8, s15  }
0x11: {  	s20 =	sshrl.u32 s16, $0x3;
	s15 =	sor.u32 $0xA, s4;
	s21 =	sadd.s32 s8, s10  }
0x12: {  	s6 =	sadd.s32 $0x9600, s6;
	s7 =	sadd.s32 s8, s7;
	[dreg:$0x6] =	wrdreg s21  }
0x13: {  	s10 =	sor.u32 $0x8, s4;
	s16 =	smul.u32 $0x4E200, s15;
	[dreg:$0x7] =	wrdreg s6  }
0x14: {  	s6 =	sshrl.u32 s23, $0x3;
	[dreg:$0xb] =	wrdreg s7;
	s21 =	smul.u32 $0x4E200, s19  }
0x15: {  	s7 =	sadd.s32 $0x9600, s18;
	s14 =	smul.u32 $0x4E200, s10;
	s18 =	sadd.s32 $0x2504A6, s0  }
0x16: {  	s10 =	smul.u32 $0x2710, s10;
	s6 =	sadd.s32 s8, s6;
	[dreg:$0xc] =	wrdreg s7  }
0x17: {  	s7 =	sadd.s32 s9, s20;
	s9 =	smul.u32 $0x2710, s19;
	s25 =	sadd.s32 s5, s16  }
0x18: {  	s19 =	sadd.s32 $0x251400, s0;
	s20 =	sadd.s32 $0xF600, s0;
	[dreg:$0x12] =	wrdreg s18  }
0x19: {  	[dreg:$0x9] =	wrdreg s6;
	s6 =	sadd.s32 $0x9600, s13;
	s22 =	sadd.s32 s5, s21  }
0x1a: {  	s11 =	sshrl.u32 s21, $0x3;
	s23 =	sadd.s32 s5, s14;
	s26 =	sshrl.u32 s14, $0x3  }
0x1b: {  	s14 =	sshrl.u32 s16, $0x3;
	s16 =	sadd.s32 $0x24F600, s0;
	s21 =	smul.u32 $0x2710, s4  }
0x1c: {  	s29 =	sadd.s32 $0x4E2, s7;
	s30 =	sadd.s32 $0x9C4, s7;
	s4 =	simm.s32 $0x2  }
0x1d: {  	s7 =	simm.s32 $0xC5B0;
	[dreg:$0xa] =	wrdreg s6;
	s6 =	smul.u32 $0x2710, s24  }
0x1e: {  	s13 =	sshrl.u32 s22, $0x3;
	[dreg:$0x11] =	wrdreg s16;
	s22 =	sadd.s32 $0x24FAE2, s0  }
0x1f: {  	s24 =	sshrl.u32 s23, $0x3;
	s23 =	sadd.s32 $0x250988, s0;
	[dreg:$0x13] =	wrdreg s22  }
0x20: {  	s11 =	sadd.s32 s8, s11;
	s13 =	sadd.s32 s8, s13;
	[dreg:$0x14] =	wrdreg s23  }
0x21: {  	v4 =	vmov s10;
	s10 =	simm.s32 $0xC530;
	s11 =	sadd.s32 $0x9600, s11;
	[dreg:$0xd] =	wrdreg s13  }
0x22: {  	v3 =	vmov s9;
	s9 =	simm.s32 $0x1;
	[dreg:$0xe] =	wrdreg s11;
	s11 =	sadd.s32 s8, s24  }
0x23: {  	s13 =	sshrl.u32 s25, $0x3;
	s24 =	sadd.s32 s5, s2;
	s25 =	sadd.s32 $0x24FFC4, s0  }
0x24: {  	s0 =	sadd.s32 $0x250E6A, s0;
	s5 =	simm.s32 $0x2710;
	[dreg:$0xf] =	wrdreg s11  }
0x25: {  	v2 =	vmov s6;
	s6 =	simm.s32 $0x80;
	s11 =	sadd.s32 s8, s26;
	[dreg:$0x15] =	wrdreg s24  }
0x26: {  	s13 =	sadd.s32 s8, s13;
	s8 =	sadd.s32 s8, s14;
	[dreg:$0x16] =	wrdreg s25  }
0x27: {  	v6 =	vimm.s32 $0x0;
	[dreg:$0x17] =	wrdreg s0;
	s26 =	smul.u32 $0x2710, s15;
	s0 =	smax.u32 s1, $0x1  }
0x28: {  	v7 =	vimm.f32 $0.0e+00;
	v8 =	vimm.s32 $0x1;
	v9 =	vimm.s32 $0x2;
	s1 =	sadd.s32 $0x4B000, s2;
	[dreg:$0x10] =	wrdreg s13;
	s28 =	sadd.s32 $0x9600, s11  }
0x29: {  	v1 =	vmov s12;
	v0 =	vmov s21;
	s31 =	sadd.s32 $0x9600, s8;
	s8 =	simm.s32 $0xC6B0;
	s11 =	simm.s32 $0x0;
	v5 =	vmov s26  }
.LBB2_1:
0x2a: {  	s12 =	rddreg [dreg:$0x1];
	s13 =	simm.s32 $0xD6B0  }
0x2b: {  	[tilespmem:s13], [sflag:$0x2] =	stream.linear.gather [hbm4b:s12+s3], $0x10, $0x38;
	[tilespmem:$0x124E0] =	vst v63  }
0x2c: {  	_ =	swait.ge [sflag:s4], $0x10  }
0x2d: {  	[sflag:s4] =	ssyncset.done $0x0  }
0x2e: {  	s22 =	simm.s32 $0x7530;
	s21 =	rddreg [dreg:$0x4];
	[sflag:s4] =	ssyncadd.s32 $0xFFFFFFF0  }
0x2f: {  	v10 =	vld [tilespmem:$0xD6B0];
	[tilespmem:s22], [sflag:$0x2] =	stream.linear.gather [hbm4b:s21+s3], $0x2800, $0x38  }
0x30: {  	_ =	swait.ge [sflag:s4], $0x2800  }
0x31: {  	[sflag:s4] =	ssyncset.done $0x0  }
0x32: {  	s24 =	simm.s32 $0x9D30;
	s23 =	rddreg [dreg:$0x5];
	[sflag:s4] =	ssyncadd.s32 $0xFFFFD800  }
0x33: {  	[tilespmem:s24], [sflag:$0x2] =	stream.linear.gather [hbm4b:s23+s3], $0x2800, $0x38;
	[tilespmem:$0x124E0] =	vst v63  }
0x34: {  	_ =	swait.ge [sflag:s4], $0x2800  }
0x35: {  	[sflag:s4] =	ssyncset.done $0x0  }
0x36: {  	s25 =	rddreg [dreg:$0x11];
	[sflag:s4] =	ssyncadd.s32 $0xFFFFD800  }
0x37: {  	[tilespmem:s3], [sflag:$0x2] =	stream.linear.gather [hbm4b:s25+s3], $0x2710, $0x38;
	[tilespmem:$0x124E0] =	vst v63  }
0x38: {  	_ =	swait.ge [sflag:s4], $0x2710  }
0x39: {  	[sflag:s4] =	ssyncset.done $0x0  }
0x3a: {  	s26 =	rddreg [dreg:$0x12];
	[sflag:s4] =	ssyncadd.s32 $0xFFFFD8F0  }
0x3b: {  	[tilespmem:s5], [sflag:$0x2] =	stream.linear.gather [hbm4b:s26+s3], $0x2710, $0x38;
	[tilespmem:$0x124E0] =	vst v63  }
0x3c: {  	_ =	swait.ge [sflag:s4], $0x2710  }
0x3d: {  	[sflag:s4] =	ssyncset.done $0x0  }
0x3e: {  	s12 =	simm.s32 $0x40;
	s13 =	simm.s32 $0x0;
	v11 =	vperm.xlane v10, v6;
	[sflag:s4] =	ssyncadd.s32 $0xFFFFD8F0  }
.LBB2_2:
0x3f: {  	p3 =	sne.s32 s12, $0x9C00;
	[tilespmem:s13+$0x4E20] =	vst v7;
	s13 =	smov.u32 s12;
	s12 =	sadd.s32 $0x40, s12  }
.Ltmp0:
0x40: {  	(pc) =	sbr.rel @p3 .LBB2_2-.Ltmp0, $2  }
0x41: {  	_ =	sdelay $0x2  }
0x42: {  	s13 =	sshra.s32 s13, $0x2  }
0x43: {  	[tilespmem:s13+$0x4E20] =	vst v7;
	s12 =	sshrl.u32 @!p1 s2, $0x3;
	s13 =	simm.s32 @!p1 $0x1C02  }
0x44: {  	[spmem:s12], [sflag:s13] =	dma.local @!p1 [hbm:s20], $0x9C40  }
0x45: {  	s13 =	simm.s32 @!p1 $0x2  }
0x46: {  	_ =	swait.ge @!p1 [sflag:s13], $0x9C40  }
0x47: {  	[sflag:s13] =	ssyncset.done @!p1 $0x0  }
0x48: {  	s14 =	simm.s32 $0x7530;
	[sflag:s13] =	ssyncadd.s32 @!p1 $0xFFFF63C0  }
0x49: {  	s15 =	simm.s32 $0x9D30;
	s13 =	simm.s32 $0x0;
	[bflag:$0x0] =	sbarrier.arrive $0xFFFF  }
.LBB2_4:
0x4a: {  	v12 =	vmov s15  }
0x4b: {  	v13 =	vmov s14;
	_ =	sdelay $0x2  }
0x4c: {  	s16 =	simm.s32 $0x0  }
0x4d: {  	v14 =	vld.idx.msk [tilespmem:v12+s16+$0x0 ss:$0x1], $0xffff  }
0x4e: {  	v15 =	vld.idx.msk [tilespmem:v13+s16+$0x0 ss:$0x1], $0xffff;
	_ =	sdelay $0x3  }
0x4f: {  	v16 =	vadd.s32 $0x2710, v14;
	_ =	sdelay $0x3  }
0x50: {  	v17 =	vld.idx.msk [tilespmem:v15+s3+$0x0], $0xffff  }
0x51: {  	v16 =	vld.idx.msk [tilespmem:v16+s3+$0x0], $0xffff;
	_ =	sdelay $0x4  }
0x52: {  	v16 =	vadd.f32 v16, v17;
	_ =	sdelay $0x1  }
0x53: {  	v17 =	vmul.f32 $2.000000030e-01, v16  }
0x54: {  	vm0 =	vgt.f32 v16, $0.0e+00  }
0x55: {  	v16 =	vsel vm0, v16, v17  }
0x56: {  	v16 =	vsub.f32 v16, v11;
	_ =	sdelay $0x1  }
0x57: {  	v16 =	vmul.f32 $1.442695020e+00, v16;
	_ =	sdelay $0x1  }
0x58: {  	(erf) = vpow2.f32 v16;
	_ =	sdelay $0x7  }
0x59: {  	vm15 =	vne.s32 v15, v14  }
0x5a: {  	v16 =	vsel vm15, $0x3F800000, v6;
	v17 =	vpop (erf)  }
0x5b: {  	s17 =	simm.s32 @!p0 $0x4E20;
	s18 =	simm.s32 $0x40;
	s21 =	simm.s32 @!p0 $0x4E20;
	v16 =	vmul.f32 v16, v17  }
.LBB2_5:
0x5c: {  	s22 =	smov.u32 s18;
	s18 =	sadd.s32 $0x40, s18  }
0x5d: {  	p3 =	sne.s32 s18, $0x200;
	[tilespmem:v14+s21+$0x0] =	vst.idx.add.f32.msk @!p0 $0xffff, v16;
	s21 =	smov.u32 s17  }
0x5e: {  	v15 =	vadd.s32 v0, v15;
	s22 =	sshra.s32 s22, $0x2;
	[tilespmem:s16+$0xC630] =	vst v16  }
0x5f: {  	[tilespmem:s16+$0xC530] =	vst v14  }
0x60: {  	[tilespmem:s16+$0xC5B0] =	vst v15;
	s16 =	smov.u32 s22  }
0x61: {  	v14 =	vld.idx.msk [tilespmem:v12+s16+$0x0 ss:$0x1], $0xffff  }
0x62: {  	v15 =	vld.idx.msk [tilespmem:v13+s16+$0x0 ss:$0x1], $0xffff;
	_ =	sdelay $0x4  }
0x63: {  	v16 =	vadd.s32 $0x2710, v14  }
0x64: {  	vm0 =	vne.s32 v15, v14;
	_ =	sdelay $0x1  }
0x65: {  	v17 =	vld.idx.msk [tilespmem:v15+s3+$0x0], $0xffff;
	_ =	sdelay $0x1  }
0x66: {  	v16 =	vld.idx.msk [tilespmem:v16+s3+$0x0], $0xffff;
	_ =	sdelay $0x5  }
0x67: {  	v16 =	vadd.f32 v16, v17;
	_ =	sdelay $0x1  }
0x68: {  	vm1 =	vgt.f32 v16, $0.0e+00;
	v17 =	vmul.f32 $2.000000030e-01, v16;
	_ =	sdelay $0x1  }
0x69: {  	v16 =	vsel vm1, v16, v17  }
0x6a: {  	v16 =	vsub.f32 v16, v11;
	_ =	sdelay $0x1  }
0x6b: {  	v16 =	vmul.f32 $1.442695020e+00, v16;
	_ =	sdelay $0x1  }
0x6c: {  	(erf) = vpow2.f32 v16;
	_ =	sdelay $0x5  }
.Ltmp1:
0x6d: {  	(pc) =	sbr.rel @p3 .LBB2_5-.Ltmp1, $3  }
0x6e: {  	_ =	sdelay $0x1  }
0x6f: {  	v16 =	vsel vm0, $0x3F800000, v6;
	v17 =	vpop (erf)  }
0x70: {  	v16 =	vmul.f32 v16, v17  }
0x71: {  	_ =	sdelay $0x3  }
0x72: {  	[tilespmem:v14+s21+$0x0] =	vst.idx.add.f32.msk @!p0 $0xffff, v16  }
0x73: {  	[tilespmem:s16+$0xC630] =	vst v16  }
0x74: {  	v12 =	vadd.s32 v0, v15;
	[tilespmem:s16+$0xC530] =	vst v14  }
0x75: {  	[tilespmem:s16+$0xC5B0] =	vst v12  }
0x76: {  	[tilespmem:s8], [sflag:$0x1] =	stream.indirect.gather [hbm4b:s19+s6], $0x20, s7, s6, $0xb8;
	[tilespmem:$0x124E0] =	vst v63  }
0x77: {  	_ =	swait.ge [sflag:s9], $0x1000  }
0x78: {  	[sflag:s9] =	ssyncset.done $0x0  }
0x79: {  	s17 =	simm.s32 $0xC6C0;
	s16 =	simm.s32 $0x0;
	[sflag:s9] =	ssyncadd.s32 $0xFFFFF000  }
.LBB2_7:
0x7a: {  	s18 =	sshll.u32 s16, $0x4  }
0x7b: {  	v12 =	vld [tilespmem:s18+$0xC630]  }
0x7c: {  	s22 =	simm.s32 $0x1  }
0x7d: {  	v13 =	vld [tilespmem:s17+$0x0];
	s21 =	smov.u32 s17;
	s23 =	simm.s32 $0x0;
	s18 =	smov.u32 s17  }
.LBB2_8:
0x7e: {  	p3 =	sne.s32 s22, $0xF;
	v14 =	vld [tilespmem:s21+$0xFFFFFFF0]  }
0x7f: {  	v15 =	vmov s23;
	s23 =	smov.u32 s22  }
0x80: {  	v15 =	vperm.xlane v12, v15  }
.Ltmp2:
0x81: {  	(pc) =	sbr.rel @p3 .LBB2_8-.Ltmp2, $4  }
0x82: {  	v13 =	vmul.f32 v13, v15  }
0x83: {  	v14 =	vmul.f32 v14, v15  }
0x84: {  	s21 =	sadd.s32 $0x20, s21;
	[tilespmem:s18+$0x0] =	vst v13  }
0x85: {  	s22 =	sadd.s32 $0x1, s22;
	v13 =	vld [tilespmem:s21+$0x0];
	[tilespmem:s18+$0xFFFFFFF0] =	vst v14;
	s18 =	smov.u32 s21  }
0x86: {  	v14 =	vld [tilespmem:s21+$0xFFFFFFF0]  }
0x87: {  	v15 =	vmov s23;
	s16 =	sadd.s32 $0x1, s16  }
0x88: {  	v12 =	vperm.xlane v12, v15;
	p3 =	sne.s32 s16, $0x8  }
.Ltmp3:
0x89: {  	_ = 	snop;
	(pc) =	sbr.rel @p3 .LBB2_7-.Ltmp3, $4  }
0x8a: {  	v13 =	vmul.f32 v13, v12  }
0x8b: {  	v12 =	vmul.f32 v14, v12  }
0x8c: {  	[tilespmem:s18+$0x0] =	vst v13  }
0x8d: {  	s17 =	sadd.s32 $0x200, s17;
	[tilespmem:s18+$0xFFFFFFF0] =	vst v12  }
0x8e: {  	s13 =	sadd.s32 $0x1, s13  }
0x8f: {  	p3 =	sne.s32 s13, $0x50  }
.Ltmp4:
0x90: {  	_ = 	snop;
	(pc) =	sbr.rel @p3 .LBB2_4-.Ltmp4, $4  }
0x91: {  	[spmem:s2] =	stream.indirect.scatter.add.f32 [tilespmem:s8], [sflag:$0x2], $0x20, s10, s6, $0xb8;
	[tilespmem:$0x124E0] =	vst v63  }
0x92: {  	_ =	swait.ge [sflag:s4], $0x1000  }
0x93: {  	[sflag:s4] =	ssyncset.done $0x0  }
0x94: {  	s14 =	sadd.s32 $0x80, s14;
	s15 =	sadd.s32 $0x80, s15;
	[sflag:s4] =	ssyncadd.s32 $0xFFFFF000  }
0x95: {  	[bflag:$0x0] =	sbarrier.arrive $0xFFFF  }
0x96: {  	s13 =	sshrl.u32 @p2 s1, $0x3;
	s14 =	simm.s32 @p2 $0x1FC2;
	s15 =	rddreg [dreg:$0x7]  }
0x97: {  	[hbm:s15], [sflag:s14] =	dma.local @p2 [spmem:s13], $0x640  }
0x98: {  	s14 =	simm.s32 @p2 $0x2  }
0x99: {  	s15 =	stileid.u32;
	_ =	swait.ge @p2 [sflag:s14], $0x640  }
0x9a: {  	s15 =	sshll.u32 @!p2 s15, $0x6;
	[sflag:s14] =	ssyncset.done @p2 $0x0  }
0x9b: {  	[sflag:s14] =	ssyncadd.s32 @p2 $0xFFFFF9C0;
	s14 =	sor.u32 @!p2 $0x1C02, s15;
	s15 =	rddreg [dreg:$0x15]  }
0x9c: {  	s16 =	rddreg [dreg:$0x6];
	s15 =	sshrl.u32 @!p2 s15, $0x3  }
0x9d: {  	[hbm:s16], [sflag:s14] =	dma.local @!p2 [spmem:s15], $0xA00  }
0x9e: {  	s16 =	simm.s32 @!p2 $0x2  }
0x9f: {  	_ =	swait.ge @!p2 [sflag:s16], $0xA00  }
0xa0: {  	s17 =	simm.s32 @!p0 $0x4E20;
	[sflag:s16] =	ssyncset.done @!p2 $0x0  }
0xa1: {  	s18 =	rddreg [dreg:$0x8];
	[sflag:s16] =	ssyncadd.s32 @!p2 $0xFFFFF600;
	s16 =	simm.s32 @!p0 $0x0  }
0xa2: {  	[hbm4b:s18+s16] =	stream.linear.scatter @!p0 [tilespmem:s17], [sflag:$0x2], $0x2710, $0x38;
	[tilespmem:$0x124E0] =	vst v63  }
0xa3: {  	s16 =	simm.s32 @!p0 $0x2  }
0xa4: {  	_ =	swait.ge @!p0 [sflag:s16], $0x2710  }
0xa5: {  	[sflag:s16] =	ssyncset.done @!p0 $0x0  }
0xa6: {  	[sflag:s16] =	ssyncadd.s32 @!p0 $0xFFFFD8F0  }
0xa7: {  	s16 =	simm.s32 @!p1 $0x1C02;
	[bflag:$0x0] =	sbarrier.arrive $0xFFFF  }
0xa8: {  	[spmem:s12], [sflag:s16] =	dma.local @!p1 [hbm:s20], $0x9C40  }
0xa9: {  	s16 =	simm.s32 @!p1 $0x2  }
0xaa: {  	_ =	swait.ge @!p1 [sflag:s16], $0x9C40  }
0xab: {  	[sflag:s16] =	ssyncset.done @!p1 $0x0  }
0xac: {  	s17 =	simm.s32 $0x7530;
	[sflag:s16] =	ssyncadd.s32 @!p1 $0xFFFF63C0  }
0xad: {  	s18 =	simm.s32 $0x9D30;
	s16 =	simm.s32 $0x0;
	[bflag:$0x0] =	sbarrier.arrive $0xFFFF  }
.LBB2_12:
0xae: {  	v13 =	vmov s18;
	_ =	sdelay $0x1  }
0xaf: {  	v12 =	vmov s17;
	_ =	sdelay $0x1  }
0xb0: {  	s21 =	simm.s32 $0x0;
	s22 =	simm.s32 $0x40  }
.LBB2_13:
0xb1: {  	p3 =	sne.s32 s22, $0x1C0;
	v14 =	vld.idx.msk [tilespmem:v13+s21+$0x0 ss:$0x1], $0xffff;
	_ =	sdelay $0x1  }
0xb2: {  	v15 =	vld.idx.msk [tilespmem:v12+s21+$0x0 ss:$0x1], $0xffff;
	_ =	sdelay $0x3  }
0xb3: {  	v16 =	vadd.s32 $0x2710, v14;
	_ =	sdelay $0x1  }
0xb4: {  	v17 =	vadd.s32 v1, v15;
	_ =	sdelay $0x1  }
0xb5: {  	v18 =	vld.idx.msk [tilespmem:v15+s3+$0x0], $0xffff  }
0xb6: {  	v16 =	vld.idx.msk [tilespmem:v16+s3+$0x0], $0xffff;
	[tilespmem:s21+$0xC5B0] =	vst v17  }
0xb7: {  	[tilespmem:s21+$0xC530] =	vst v14;
	_ =	sdelay $0x4  }
0xb8: {  	v16 =	vadd.f32 v16, v18;
	_ =	sdelay $0x1  }
0xb9: {  	v17 =	vmul.f32 $2.000000030e-01, v16  }
0xba: {  	vm0 =	vgt.f32 v16, $0.0e+00  }
0xbb: {  	v16 =	vsel vm0, v16, v17  }
0xbc: {  	v16 =	vsub.f32 v16, v11;
	_ =	sdelay $0x1  }
0xbd: {  	v16 =	vmul.f32 $1.442695020e+00, v16;
	_ =	sdelay $0x1  }
0xbe: {  	(erf) = vpow2.f32 v16;
	_ =	sdelay $0x7  }
.Ltmp5:
0xbf: {  	vm0 =	vne.s32 v15, v14;
	(pc) =	sbr.rel @p3 .LBB2_13-.Ltmp5, $3  }
0xc0: {  	v14 =	vsel vm0, $0x3F800000, v6;
	v15 =	vpop (erf)  }
0xc1: {  	v14 =	vmul.f32 v14, v15;
	_ =	sdelay $0x1  }
0xc2: {  	[tilespmem:s21+$0xC630] =	vst v14;
	s21 =	sshra.s32 s22, $0x2;
	s22 =	sadd.s32 $0x40, s22  }
0xc3: {  	_ =	sdelay $0x3  }
0xc4: {  	v13 =	vld.idx.msk [tilespmem:v13+s21+$0x0 ss:$0x1], $0xffff  }
0xc5: {  	v12 =	vld.idx.msk [tilespmem:v12+s21+$0x0 ss:$0x1], $0xffff;
	_ =	sdelay $0x3  }
0xc6: {  	v14 =	vadd.s32 $0x2710, v13;
	_ =	sdelay $0x3  }
0xc7: {  	v15 =	vld.idx.msk [tilespmem:v12+s3+$0x0], $0xffff  }
0xc8: {  	v14 =	vld.idx.msk [tilespmem:v14+s3+$0x0], $0xffff;
	_ =	sdelay $0x4  }
0xc9: {  	v14 =	vadd.f32 v14, v15;
	_ =	sdelay $0x1  }
0xca: {  	v15 =	vmul.f32 $2.000000030e-01, v14  }
0xcb: {  	vm0 =	vgt.f32 v14, $0.0e+00  }
0xcc: {  	v14 =	vsel vm0, v14, v15  }
0xcd: {  	v14 =	vsub.f32 v14, v11;
	_ =	sdelay $0x1  }
0xce: {  	v14 =	vmul.f32 $1.442695020e+00, v14;
	_ =	sdelay $0x1  }
0xcf: {  	(erf) = vpow2.f32 v14;
	_ =	sdelay $0x7  }
0xd0: {  	vm15 =	vne.s32 v12, v13  }
0xd1: {  	v61 =	vsel vm15, $0x3F800000, v6;
	v12 =	vadd.s32 v1, v12;
	v62 =	vpop (erf)  }
0xd2: {  	[tilespmem:s21+$0xC5B0] =	vst v12;
	v63 =	vmul.f32 v61, v62  }
0xd3: {  	[tilespmem:s21+$0xC530] =	vst v13  }
0xd4: {  	[tilespmem:s21+$0xC630] =	vst v63  }
0xd5: {  	[tilespmem:s8], [sflag:$0x1] =	stream.indirect.gather [hbm4b:s19+s6], $0x20, s7, s6, $0xb8;
	[tilespmem:$0x124E0] =	vst v63  }
0xd6: {  	_ =	swait.ge [sflag:s9], $0x1000  }
0xd7: {  	[sflag:s9] =	ssyncset.done $0x0  }
0xd8: {  	s22 =	simm.s32 $0xC6C0;
	s21 =	simm.s32 $0x0;
	[sflag:s9] =	ssyncadd.s32 $0xFFFFF000  }
.LBB2_15:
0xd9: {  	s23 =	sshll.u32 s21, $0x4  }
0xda: {  	v12 =	vld [tilespmem:s23+$0xC630]  }
0xdb: {  	s25 =	simm.s32 $0x1  }
0xdc: {  	v13 =	vld [tilespmem:s22+$0x0];
	s24 =	smov.u32 s22;
	s26 =	simm.s32 $0x0;
	s23 =	smov.u32 s22  }
.LBB2_16:
0xdd: {  	p3 =	sne.s32 s25, $0xF;
	v14 =	vld [tilespmem:s24+$0xFFFFFFF0]  }
0xde: {  	v15 =	vmov s26;
	s26 =	smov.u32 s25  }
0xdf: {  	v15 =	vperm.xlane v12, v15  }
.Ltmp6:
0xe0: {  	(pc) =	sbr.rel @p3 .LBB2_16-.Ltmp6, $4  }
0xe1: {  	v13 =	vmul.f32 v13, v15  }
0xe2: {  	v14 =	vmul.f32 v14, v15  }
0xe3: {  	s24 =	sadd.s32 $0x20, s24;
	[tilespmem:s23+$0x0] =	vst v13  }
0xe4: {  	s25 =	sadd.s32 $0x1, s25;
	v13 =	vld [tilespmem:s24+$0x0];
	[tilespmem:s23+$0xFFFFFFF0] =	vst v14;
	s23 =	smov.u32 s24  }
0xe5: {  	v14 =	vld [tilespmem:s24+$0xFFFFFFF0]  }
0xe6: {  	v15 =	vmov s26;
	s21 =	sadd.s32 $0x1, s21  }
0xe7: {  	v12 =	vperm.xlane v12, v15;
	p3 =	sne.s32 s21, $0x8  }
.Ltmp7:
0xe8: {  	_ = 	snop;
	(pc) =	sbr.rel @p3 .LBB2_15-.Ltmp7, $4  }
0xe9: {  	v13 =	vmul.f32 v13, v12  }
0xea: {  	v12 =	vmul.f32 v14, v12  }
0xeb: {  	[tilespmem:s23+$0x0] =	vst v13  }
0xec: {  	s22 =	sadd.s32 $0x200, s22;
	[tilespmem:s23+$0xFFFFFFF0] =	vst v12  }
0xed: {  	s16 =	sadd.s32 $0x1, s16  }
0xee: {  	p3 =	sne.s32 s16, $0x50  }
.Ltmp8:
0xef: {  	_ = 	snop;
	(pc) =	sbr.rel @p3 .LBB2_12-.Ltmp8, $4  }
0xf0: {  	[spmem:s2] =	stream.indirect.scatter.add.f32 [tilespmem:s8], [sflag:$0x2], $0x20, s10, s6, $0xb8;
	[tilespmem:$0x124E0] =	vst v63  }
0xf1: {  	_ =	swait.ge [sflag:s4], $0x1000  }
0xf2: {  	[sflag:s4] =	ssyncset.done $0x0  }
0xf3: {  	s17 =	sadd.s32 $0x80, s17;
	s18 =	sadd.s32 $0x80, s18;
	[sflag:s4] =	ssyncadd.s32 $0xFFFFF000  }
0xf4: {  	[bflag:$0x0] =	sbarrier.arrive $0xFFFF  }
0xf5: {  	s16 =	simm.s32 @p2 $0x1FC2;
	s17 =	rddreg [dreg:$0xa]  }
0xf6: {  	[hbm:s17], [sflag:s16] =	dma.local @p2 [spmem:s13], $0x640  }
0xf7: {  	s16 =	simm.s32 @p2 $0x2  }
0xf8: {  	_ =	swait.ge @p2 [sflag:s16], $0x640  }
0xf9: {  	[sflag:s16] =	ssyncset.done @p2 $0x0  }
0xfa: {  	[sflag:s16] =	ssyncadd.s32 @p2 $0xFFFFF9C0;
	s16 =	rddreg [dreg:$0x9]  }
0xfb: {  	[hbm:s16], [sflag:s14] =	dma.local @!p2 [spmem:s15], $0xA00  }
0xfc: {  	s16 =	simm.s32 @!p2 $0x2  }
0xfd: {  	_ =	swait.ge @!p2 [sflag:s16], $0xA00  }
0xfe: {  	[sflag:s16] =	ssyncset.done @!p2 $0x0  }
0xff: {  	[sflag:s16] =	ssyncadd.s32 @!p2 $0xFFFFF600  }
0x100: {  	[bflag:$0x0] =	sbarrier.arrive $0xFFFF  }
0x101: {  	s24 =	simm.s32 $0x0;
	s25 =	rddreg [dreg:$0x13]  }
0x102: {  	[tilespmem:s24], [sflag:$0x2] =	stream.linear.gather [hbm4b:s25+s24], $0x2710, $0x38;
	[tilespmem:$0x124E0] =	vst v63  }
0x103: {  	_ =	swait.ge [sflag:s4], $0x2710  }
0x104: {  	[sflag:s4] =	ssyncset.done $0x0  }
0x105: {  	s26 =	rddreg [dreg:$0x14];
	[sflag:s4] =	ssyncadd.s32 $0xFFFFD8F0  }
0x106: {  	[tilespmem:s5], [sflag:$0x2] =	stream.linear.gather [hbm4b:s26+s24], $0x2710, $0x38;
	[tilespmem:$0x124E0] =	vst v63  }
0x107: {  	_ =	swait.ge [sflag:s4], $0x2710  }
0x108: {  	[sflag:s4] =	ssyncset.done $0x0  }
0x109: {  	v11 =	vperm.xlane v10, v8;
	s17 =	simm.s32 $0x0;
	s16 =	simm.s32 $0x40;
	[sflag:s4] =	ssyncadd.s32 $0xFFFFD8F0  }
.LBB2_20:
0x10a: {  	p3 =	sne.s32 s16, $0x9C00;
	[tilespmem:s17+$0x4E20] =	vst v7;
	s17 =	smov.u32 s16;
	s16 =	sadd.s32 $0x40, s16  }
.Ltmp9:
0x10b: {  	(pc) =	sbr.rel @p3 .LBB2_20-.Ltmp9, $2  }
0x10c: {  	_ =	sdelay $0x2  }
0x10d: {  	s17 =	sshra.s32 s17, $0x2  }
0x10e: {  	[tilespmem:s17+$0x4E20] =	vst v7;
	s16 =	simm.s32 @!p1 $0x1C02  }
0x10f: {  	[spmem:s12], [sflag:s16] =	dma.local @!p1 [hbm:s20], $0x9C40  }
0x110: {  	s16 =	simm.s32 @!p1 $0x2  }
0x111: {  	_ =	swait.ge @!p1 [sflag:s16], $0x9C40  }
0x112: {  	[sflag:s16] =	ssyncset.done @!p1 $0x0  }
0x113: {  	s17 =	simm.s32 $0x7530;
	[sflag:s16] =	ssyncadd.s32 @!p1 $0xFFFF63C0  }
0x114: {  	s18 =	simm.s32 $0x9D30;
	s16 =	simm.s32 $0x0;
	[bflag:$0x0] =	sbarrier.arrive $0xFFFF  }
.LBB2_22:
0x115: {  	v12 =	vmov s18  }
0x116: {  	v13 =	vmov s17;
	_ =	sdelay $0x2  }
0x117: {  	s21 =	simm.s32 $0x0  }
0x118: {  	v14 =	vld.idx.msk [tilespmem:v12+s21+$0x0 ss:$0x1], $0xffff  }
0x119: {  	v15 =	vld.idx.msk [tilespmem:v13+s21+$0x0 ss:$0x1], $0xffff;
	_ =	sdelay $0x3  }
0x11a: {  	v16 =	vadd.s32 $0x2710, v14;
	_ =	sdelay $0x3  }
0x11b: {  	v17 =	vld.idx.msk [tilespmem:v15+s3+$0x0], $0xffff  }
0x11c: {  	v16 =	vld.idx.msk [tilespmem:v16+s3+$0x0], $0xffff;
	_ =	sdelay $0x4  }
0x11d: {  	v16 =	vadd.f32 v16, v17;
	_ =	sdelay $0x1  }
0x11e: {  	v17 =	vmul.f32 $2.000000030e-01, v16  }
0x11f: {  	vm0 =	vgt.f32 v16, $0.0e+00  }
0x120: {  	v16 =	vsel vm0, v16, v17  }
0x121: {  	v16 =	vsub.f32 v16, v11;
	_ =	sdelay $0x1  }
0x122: {  	v16 =	vmul.f32 $1.442695020e+00, v16;
	_ =	sdelay $0x1  }
0x123: {  	(erf) = vpow2.f32 v16;
	_ =	sdelay $0x7  }
0x124: {  	vm15 =	vne.s32 v15, v14  }
0x125: {  	v16 =	vsel vm15, $0x3F800000, v6;
	v17 =	vpop (erf)  }
0x126: {  	s22 =	simm.s32 @!p0 $0x4E20;
	s23 =	simm.s32 $0x40;
	s24 =	simm.s32 @!p0 $0x4E20;
	v16 =	vmul.f32 v16, v17  }
.LBB2_23:
0x127: {  	s25 =	smov.u32 s23;
	s23 =	sadd.s32 $0x40, s23  }
0x128: {  	p3 =	sne.s32 s23, $0x200;
	[tilespmem:v14+s24+$0x0] =	vst.idx.add.f32.msk @!p0 $0xffff, v16;
	s24 =	smov.u32 s22  }
0x129: {  	v15 =	vadd.s32 v2, v15;
	s25 =	sshra.s32 s25, $0x2;
	[tilespmem:s21+$0xC630] =	vst v16  }
0x12a: {  	[tilespmem:s21+$0xC530] =	vst v14  }
0x12b: {  	[tilespmem:s21+$0xC5B0] =	vst v15;
	s21 =	smov.u32 s25  }
0x12c: {  	v14 =	vld.idx.msk [tilespmem:v12+s21+$0x0 ss:$0x1], $0xffff  }
0x12d: {  	v15 =	vld.idx.msk [tilespmem:v13+s21+$0x0 ss:$0x1], $0xffff;
	_ =	sdelay $0x4  }
0x12e: {  	v16 =	vadd.s32 $0x2710, v14  }
0x12f: {  	vm0 =	vne.s32 v15, v14;
	_ =	sdelay $0x1  }
0x130: {  	v17 =	vld.idx.msk [tilespmem:v15+s3+$0x0], $0xffff;
	_ =	sdelay $0x1  }
0x131: {  	v16 =	vld.idx.msk [tilespmem:v16+s3+$0x0], $0xffff;
	_ =	sdelay $0x5  }
0x132: {  	v16 =	vadd.f32 v16, v17;
	_ =	sdelay $0x1  }
0x133: {  	vm1 =	vgt.f32 v16, $0.0e+00;
	v17 =	vmul.f32 $2.000000030e-01, v16;
	_ =	sdelay $0x1  }
0x134: {  	v16 =	vsel vm1, v16, v17  }
0x135: {  	v16 =	vsub.f32 v16, v11;
	_ =	sdelay $0x1  }
0x136: {  	v16 =	vmul.f32 $1.442695020e+00, v16;
	_ =	sdelay $0x1  }
0x137: {  	(erf) = vpow2.f32 v16;
	_ =	sdelay $0x5  }
.Ltmp10:
0x138: {  	(pc) =	sbr.rel @p3 .LBB2_23-.Ltmp10, $3  }
0x139: {  	_ =	sdelay $0x1  }
0x13a: {  	v16 =	vsel vm0, $0x3F800000, v6;
	v17 =	vpop (erf)  }
0x13b: {  	v16 =	vmul.f32 v16, v17  }
0x13c: {  	_ =	sdelay $0x3  }
0x13d: {  	[tilespmem:v14+s24+$0x0] =	vst.idx.add.f32.msk @!p0 $0xffff, v16  }
0x13e: {  	[tilespmem:s21+$0xC630] =	vst v16  }
0x13f: {  	v12 =	vadd.s32 v2, v15;
	[tilespmem:s21+$0xC530] =	vst v14  }
0x140: {  	[tilespmem:s21+$0xC5B0] =	vst v12  }
0x141: {  	[tilespmem:s8], [sflag:$0x1] =	stream.indirect.gather [hbm4b:s19+s6], $0x20, s7, s6, $0xb8;
	[tilespmem:$0x124E0] =	vst v63  }
0x142: {  	_ =	swait.ge [sflag:s9], $0x1000  }
0x143: {  	[sflag:s9] =	ssyncset.done $0x0  }
0x144: {  	s22 =	simm.s32 $0xC6C0;
	s21 =	simm.s32 $0x0;
	[sflag:s9] =	ssyncadd.s32 $0xFFFFF000  }
.LBB2_25:
0x145: {  	s23 =	sshll.u32 s21, $0x4  }
0x146: {  	v12 =	vld [tilespmem:s23+$0xC630]  }
0x147: {  	s25 =	simm.s32 $0x1  }
0x148: {  	v13 =	vld [tilespmem:s22+$0x0];
	s24 =	smov.u32 s22;
	s26 =	simm.s32 $0x0;
	s23 =	smov.u32 s22  }
.LBB2_26:
0x149: {  	p3 =	sne.s32 s25, $0xF;
	v14 =	vld [tilespmem:s24+$0xFFFFFFF0]  }
0x14a: {  	v15 =	vmov s26;
	s26 =	smov.u32 s25  }
0x14b: {  	v15 =	vperm.xlane v12, v15  }
.Ltmp11:
0x14c: {  	(pc) =	sbr.rel @p3 .LBB2_26-.Ltmp11, $4  }
0x14d: {  	v13 =	vmul.f32 v13, v15  }
0x14e: {  	v14 =	vmul.f32 v14, v15  }
0x14f: {  	s24 =	sadd.s32 $0x20, s24;
	[tilespmem:s23+$0x0] =	vst v13  }
0x150: {  	s25 =	sadd.s32 $0x1, s25;
	v13 =	vld [tilespmem:s24+$0x0];
	[tilespmem:s23+$0xFFFFFFF0] =	vst v14;
	s23 =	smov.u32 s24  }
0x151: {  	v14 =	vld [tilespmem:s24+$0xFFFFFFF0]  }
0x152: {  	v15 =	vmov s26;
	s21 =	sadd.s32 $0x1, s21  }
0x153: {  	v12 =	vperm.xlane v12, v15;
	p3 =	sne.s32 s21, $0x8  }
.Ltmp12:
0x154: {  	_ = 	snop;
	(pc) =	sbr.rel @p3 .LBB2_25-.Ltmp12, $4  }
0x155: {  	v13 =	vmul.f32 v13, v12  }
0x156: {  	v12 =	vmul.f32 v14, v12  }
0x157: {  	[tilespmem:s23+$0x0] =	vst v13  }
0x158: {  	s22 =	sadd.s32 $0x200, s22;
	[tilespmem:s23+$0xFFFFFFF0] =	vst v12  }
0x159: {  	s16 =	sadd.s32 $0x1, s16  }
0x15a: {  	p3 =	sne.s32 s16, $0x50  }
.Ltmp13:
0x15b: {  	_ = 	snop;
	(pc) =	sbr.rel @p3 .LBB2_22-.Ltmp13, $4  }
0x15c: {  	[spmem:s2] =	stream.indirect.scatter.add.f32 [tilespmem:s8], [sflag:$0x2], $0x20, s10, s6, $0xb8;
	[tilespmem:$0x124E0] =	vst v63  }
0x15d: {  	_ =	swait.ge [sflag:s4], $0x1000  }
0x15e: {  	[sflag:s4] =	ssyncset.done $0x0  }
0x15f: {  	s17 =	sadd.s32 $0x80, s17;
	s18 =	sadd.s32 $0x80, s18;
	[sflag:s4] =	ssyncadd.s32 $0xFFFFF000  }
0x160: {  	[bflag:$0x0] =	sbarrier.arrive $0xFFFF  }
0x161: {  	s16 =	simm.s32 @p2 $0x1FC2;
	s17 =	rddreg [dreg:$0xc]  }
0x162: {  	[hbm:s17], [sflag:s16] =	dma.local @p2 [spmem:s13], $0x640  }
0x163: {  	s16 =	simm.s32 @p2 $0x2  }
0x164: {  	_ =	swait.ge @p2 [sflag:s16], $0x640  }
0x165: {  	[sflag:s16] =	ssyncset.done @p2 $0x0  }
0x166: {  	[sflag:s16] =	ssyncadd.s32 @p2 $0xFFFFF9C0;
	s16 =	rddreg [dreg:$0xb]  }
0x167: {  	[hbm:s16], [sflag:s14] =	dma.local @!p2 [spmem:s15], $0xA00  }
0x168: {  	s16 =	simm.s32 @!p2 $0x2  }
0x169: {  	_ =	swait.ge @!p2 [sflag:s16], $0xA00  }
0x16a: {  	[sflag:s16] =	ssyncset.done @!p2 $0x0  }
0x16b: {  	s17 =	simm.s32 @!p0 $0x4E20;
	[sflag:s16] =	ssyncadd.s32 @!p2 $0xFFFFF600;
	s16 =	simm.s32 @!p0 $0x0  }
0x16c: {  	[hbm4b:s29+s16] =	stream.linear.scatter @!p0 [tilespmem:s17], [sflag:$0x2], $0x2710, $0x38;
	[tilespmem:$0x124E0] =	vst v63  }
0x16d: {  	s16 =	simm.s32 @!p0 $0x2  }
0x16e: {  	_ =	swait.ge @!p0 [sflag:s16], $0x2710  }
0x16f: {  	[sflag:s16] =	ssyncset.done @!p0 $0x0  }
0x170: {  	[sflag:s16] =	ssyncadd.s32 @!p0 $0xFFFFD8F0  }
0x171: {  	s16 =	simm.s32 @!p1 $0x1C02;
	[bflag:$0x0] =	sbarrier.arrive $0xFFFF  }
0x172: {  	[spmem:s12], [sflag:s16] =	dma.local @!p1 [hbm:s20], $0x9C40  }
0x173: {  	s16 =	simm.s32 @!p1 $0x2  }
0x174: {  	_ =	swait.ge @!p1 [sflag:s16], $0x9C40  }
0x175: {  	[sflag:s16] =	ssyncset.done @!p1 $0x0  }
0x176: {  	s18 =	simm.s32 $0x9D30;
	[sflag:s16] =	ssyncadd.s32 @!p1 $0xFFFF63C0  }
0x177: {  	s17 =	simm.s32 $0x7530;
	s16 =	simm.s32 $0x0;
	[bflag:$0x0] =	sbarrier.arrive $0xFFFF  }
.LBB2_30:
0x178: {  	v13 =	vmov s18;
	_ =	sdelay $0x1  }
0x179: {  	v12 =	vmov s17;
	_ =	sdelay $0x1  }
0x17a: {  	s21 =	simm.s32 $0x0;
	s22 =	simm.s32 $0x40  }
.LBB2_31:
0x17b: {  	p3 =	sne.s32 s22, $0x1C0;
	v14 =	vld.idx.msk [tilespmem:v13+s21+$0x0 ss:$0x1], $0xffff;
	_ =	sdelay $0x1  }
0x17c: {  	v15 =	vld.idx.msk [tilespmem:v12+s21+$0x0 ss:$0x1], $0xffff;
	_ =	sdelay $0x3  }
0x17d: {  	v16 =	vadd.s32 $0x2710, v14;
	_ =	sdelay $0x1  }
0x17e: {  	v17 =	vadd.s32 v3, v15;
	_ =	sdelay $0x1  }
0x17f: {  	v18 =	vld.idx.msk [tilespmem:v15+s3+$0x0], $0xffff  }
0x180: {  	v16 =	vld.idx.msk [tilespmem:v16+s3+$0x0], $0xffff;
	[tilespmem:s21+$0xC5B0] =	vst v17  }
0x181: {  	[tilespmem:s21+$0xC530] =	vst v14;
	_ =	sdelay $0x4  }
0x182: {  	v16 =	vadd.f32 v16, v18;
	_ =	sdelay $0x1  }
0x183: {  	v17 =	vmul.f32 $2.000000030e-01, v16  }
0x184: {  	vm0 =	vgt.f32 v16, $0.0e+00  }
0x185: {  	v16 =	vsel vm0, v16, v17  }
0x186: {  	v16 =	vsub.f32 v16, v11;
	_ =	sdelay $0x1  }
0x187: {  	v16 =	vmul.f32 $1.442695020e+00, v16;
	_ =	sdelay $0x1  }
0x188: {  	(erf) = vpow2.f32 v16;
	_ =	sdelay $0x7  }
.Ltmp14:
0x189: {  	vm0 =	vne.s32 v15, v14;
	(pc) =	sbr.rel @p3 .LBB2_31-.Ltmp14, $3  }
0x18a: {  	v14 =	vsel vm0, $0x3F800000, v6;
	v15 =	vpop (erf)  }
0x18b: {  	v14 =	vmul.f32 v14, v15;
	_ =	sdelay $0x1  }
0x18c: {  	[tilespmem:s21+$0xC630] =	vst v14;
	s21 =	sshra.s32 s22, $0x2;
	s22 =	sadd.s32 $0x40, s22  }
0x18d: {  	_ =	sdelay $0x3  }
0x18e: {  	v13 =	vld.idx.msk [tilespmem:v13+s21+$0x0 ss:$0x1], $0xffff  }
0x18f: {  	v12 =	vld.idx.msk [tilespmem:v12+s21+$0x0 ss:$0x1], $0xffff;
	_ =	sdelay $0x3  }
0x190: {  	v14 =	vadd.s32 $0x2710, v13;
	_ =	sdelay $0x3  }
0x191: {  	v15 =	vld.idx.msk [tilespmem:v12+s3+$0x0], $0xffff  }
0x192: {  	v14 =	vld.idx.msk [tilespmem:v14+s3+$0x0], $0xffff;
	_ =	sdelay $0x4  }
0x193: {  	v14 =	vadd.f32 v14, v15;
	_ =	sdelay $0x1  }
0x194: {  	v15 =	vmul.f32 $2.000000030e-01, v14  }
0x195: {  	vm0 =	vgt.f32 v14, $0.0e+00  }
0x196: {  	v14 =	vsel vm0, v14, v15  }
0x197: {  	v14 =	vsub.f32 v14, v11;
	_ =	sdelay $0x1  }
0x198: {  	v14 =	vmul.f32 $1.442695020e+00, v14;
	_ =	sdelay $0x1  }
0x199: {  	(erf) = vpow2.f32 v14;
	_ =	sdelay $0x7  }
0x19a: {  	vm15 =	vne.s32 v12, v13  }
0x19b: {  	v61 =	vsel vm15, $0x3F800000, v6;
	v12 =	vadd.s32 v3, v12;
	v62 =	vpop (erf)  }
0x19c: {  	[tilespmem:s21+$0xC5B0] =	vst v12;
	v63 =	vmul.f32 v61, v62  }
0x19d: {  	[tilespmem:s21+$0xC530] =	vst v13  }
0x19e: {  	[tilespmem:s21+$0xC630] =	vst v63  }
0x19f: {  	[tilespmem:s8], [sflag:$0x1] =	stream.indirect.gather [hbm4b:s19+s6], $0x20, s7, s6, $0xb8;
	[tilespmem:$0x124E0] =	vst v63  }
0x1a0: {  	_ =	swait.ge [sflag:s9], $0x1000  }
0x1a1: {  	[sflag:s9] =	ssyncset.done $0x0  }
0x1a2: {  	s22 =	simm.s32 $0xC6C0;
	s21 =	simm.s32 $0x0;
	[sflag:s9] =	ssyncadd.s32 $0xFFFFF000  }
.LBB2_33:
0x1a3: {  	s23 =	sshll.u32 s21, $0x4  }
0x1a4: {  	v12 =	vld [tilespmem:s23+$0xC630]  }
0x1a5: {  	s25 =	simm.s32 $0x1  }
0x1a6: {  	v13 =	vld [tilespmem:s22+$0x0];
	s24 =	smov.u32 s22;
	s26 =	simm.s32 $0x0;
	s23 =	smov.u32 s22  }
.LBB2_34:
0x1a7: {  	p3 =	sne.s32 s25, $0xF;
	v14 =	vld [tilespmem:s24+$0xFFFFFFF0]  }
0x1a8: {  	v15 =	vmov s26;
	s26 =	smov.u32 s25  }
0x1a9: {  	v15 =	vperm.xlane v12, v15  }
.Ltmp15:
0x1aa: {  	(pc) =	sbr.rel @p3 .LBB2_34-.Ltmp15, $4  }
0x1ab: {  	v13 =	vmul.f32 v13, v15  }
0x1ac: {  	v14 =	vmul.f32 v14, v15  }
0x1ad: {  	s24 =	sadd.s32 $0x20, s24;
	[tilespmem:s23+$0x0] =	vst v13  }
0x1ae: {  	s25 =	sadd.s32 $0x1, s25;
	v13 =	vld [tilespmem:s24+$0x0];
	[tilespmem:s23+$0xFFFFFFF0] =	vst v14;
	s23 =	smov.u32 s24  }
0x1af: {  	v14 =	vld [tilespmem:s24+$0xFFFFFFF0]  }
0x1b0: {  	v15 =	vmov s26;
	s21 =	sadd.s32 $0x1, s21  }
0x1b1: {  	v12 =	vperm.xlane v12, v15;
	p3 =	sne.s32 s21, $0x8  }
.Ltmp16:
0x1b2: {  	_ = 	snop;
	(pc) =	sbr.rel @p3 .LBB2_33-.Ltmp16, $4  }
0x1b3: {  	v13 =	vmul.f32 v13, v12  }
0x1b4: {  	v12 =	vmul.f32 v14, v12  }
0x1b5: {  	[tilespmem:s23+$0x0] =	vst v13  }
0x1b6: {  	s22 =	sadd.s32 $0x200, s22;
	[tilespmem:s23+$0xFFFFFFF0] =	vst v12  }
0x1b7: {  	s16 =	sadd.s32 $0x1, s16  }
0x1b8: {  	p3 =	sne.s32 s16, $0x50  }
.Ltmp17:
0x1b9: {  	_ = 	snop;
	(pc) =	sbr.rel @p3 .LBB2_30-.Ltmp17, $4  }
0x1ba: {  	[spmem:s2] =	stream.indirect.scatter.add.f32 [tilespmem:s8], [sflag:$0x2], $0x20, s10, s6, $0xb8;
	[tilespmem:$0x124E0] =	vst v63  }
0x1bb: {  	_ =	swait.ge [sflag:s4], $0x1000  }
0x1bc: {  	[sflag:s4] =	ssyncset.done $0x0  }
0x1bd: {  	s17 =	sadd.s32 $0x80, s17;
	s18 =	sadd.s32 $0x80, s18;
	[sflag:s4] =	ssyncadd.s32 $0xFFFFF000  }
0x1be: {  	[bflag:$0x0] =	sbarrier.arrive $0xFFFF  }
0x1bf: {  	s16 =	simm.s32 @p2 $0x1FC2;
	s17 =	rddreg [dreg:$0xe]  }
0x1c0: {  	[hbm:s17], [sflag:s16] =	dma.local @p2 [spmem:s13], $0x640  }
0x1c1: {  	s16 =	simm.s32 @p2 $0x2  }
0x1c2: {  	_ =	swait.ge @p2 [sflag:s16], $0x640  }
0x1c3: {  	[sflag:s16] =	ssyncset.done @p2 $0x0  }
0x1c4: {  	[sflag:s16] =	ssyncadd.s32 @p2 $0xFFFFF9C0;
	s16 =	rddreg [dreg:$0xd]  }
0x1c5: {  	[hbm:s16], [sflag:s14] =	dma.local @!p2 [spmem:s15], $0xA00  }
0x1c6: {  	s16 =	simm.s32 @!p2 $0x2  }
0x1c7: {  	_ =	swait.ge @!p2 [sflag:s16], $0xA00  }
0x1c8: {  	[sflag:s16] =	ssyncset.done @!p2 $0x0  }
0x1c9: {  	[sflag:s16] =	ssyncadd.s32 @!p2 $0xFFFFF600  }
0x1ca: {  	[bflag:$0x0] =	sbarrier.arrive $0xFFFF  }
0x1cb: {  	s24 =	simm.s32 $0x0;
	s25 =	rddreg [dreg:$0x16]  }
0x1cc: {  	[tilespmem:s24], [sflag:$0x2] =	stream.linear.gather [hbm4b:s25+s24], $0x2710, $0x38;
	[tilespmem:$0x124E0] =	vst v63  }
0x1cd: {  	_ =	swait.ge [sflag:s4], $0x2710  }
0x1ce: {  	[sflag:s4] =	ssyncset.done $0x0  }
0x1cf: {  	s26 =	rddreg [dreg:$0x17];
	[sflag:s4] =	ssyncadd.s32 $0xFFFFD8F0  }
0x1d0: {  	[tilespmem:s5], [sflag:$0x2] =	stream.linear.gather [hbm4b:s26+s24], $0x2710, $0x38;
	[tilespmem:$0x124E0] =	vst v63  }
0x1d1: {  	_ =	swait.ge [sflag:s4], $0x2710  }
0x1d2: {  	[sflag:s4] =	ssyncset.done $0x0  }
0x1d3: {  	v10 =	vperm.xlane v10, v9;
	s17 =	simm.s32 $0x0;
	s16 =	simm.s32 $0x40;
	[sflag:s4] =	ssyncadd.s32 $0xFFFFD8F0  }
.LBB2_38:
0x1d4: {  	p3 =	sne.s32 s16, $0x9C00;
	[tilespmem:s17+$0x4E20] =	vst v7;
	s17 =	smov.u32 s16;
	s16 =	sadd.s32 $0x40, s16  }
.Ltmp18:
0x1d5: {  	(pc) =	sbr.rel @p3 .LBB2_38-.Ltmp18, $2  }
0x1d6: {  	_ =	sdelay $0x2  }
0x1d7: {  	s17 =	sshra.s32 s17, $0x2  }
0x1d8: {  	[tilespmem:s17+$0x4E20] =	vst v7;
	s16 =	simm.s32 @!p1 $0x1C02  }
0x1d9: {  	[spmem:s12], [sflag:s16] =	dma.local @!p1 [hbm:s20], $0x9C40  }
0x1da: {  	s16 =	simm.s32 @!p1 $0x2  }
0x1db: {  	_ =	swait.ge @!p1 [sflag:s16], $0x9C40  }
0x1dc: {  	[sflag:s16] =	ssyncset.done @!p1 $0x0  }
0x1dd: {  	s17 =	simm.s32 $0x7530;
	[sflag:s16] =	ssyncadd.s32 @!p1 $0xFFFF63C0  }
0x1de: {  	s18 =	simm.s32 $0x9D30;
	s16 =	simm.s32 $0x0;
	[bflag:$0x0] =	sbarrier.arrive $0xFFFF  }
.LBB2_40:
0x1df: {  	v11 =	vmov s18  }
0x1e0: {  	v12 =	vmov s17;
	_ =	sdelay $0x2  }
0x1e1: {  	s21 =	simm.s32 $0x0  }
0x1e2: {  	v13 =	vld.idx.msk [tilespmem:v11+s21+$0x0 ss:$0x1], $0xffff  }
0x1e3: {  	v14 =	vld.idx.msk [tilespmem:v12+s21+$0x0 ss:$0x1], $0xffff;
	_ =	sdelay $0x3  }
0x1e4: {  	v15 =	vadd.s32 $0x2710, v13;
	_ =	sdelay $0x3  }
0x1e5: {  	v16 =	vld.idx.msk [tilespmem:v14+s3+$0x0], $0xffff  }
0x1e6: {  	v15 =	vld.idx.msk [tilespmem:v15+s3+$0x0], $0xffff;
	_ =	sdelay $0x4  }
0x1e7: {  	v15 =	vadd.f32 v15, v16;
	_ =	sdelay $0x1  }
0x1e8: {  	v16 =	vmul.f32 $2.000000030e-01, v15  }
0x1e9: {  	vm0 =	vgt.f32 v15, $0.0e+00  }
0x1ea: {  	v15 =	vsel vm0, v15, v16  }
0x1eb: {  	v15 =	vsub.f32 v15, v10;
	_ =	sdelay $0x1  }
0x1ec: {  	v15 =	vmul.f32 $1.442695020e+00, v15;
	_ =	sdelay $0x1  }
0x1ed: {  	(erf) = vpow2.f32 v15;
	_ =	sdelay $0x7  }
0x1ee: {  	vm15 =	vne.s32 v14, v13  }
0x1ef: {  	v15 =	vsel vm15, $0x3F800000, v6;
	v16 =	vpop (erf)  }
0x1f0: {  	s22 =	simm.s32 @!p0 $0x4E20;
	s23 =	simm.s32 $0x40;
	s24 =	simm.s32 @!p0 $0x4E20;
	v15 =	vmul.f32 v15, v16  }
.LBB2_41:
0x1f1: {  	s25 =	smov.u32 s23;
	s23 =	sadd.s32 $0x40, s23  }
0x1f2: {  	p3 =	sne.s32 s23, $0x200;
	[tilespmem:v13+s24+$0x0] =	vst.idx.add.f32.msk @!p0 $0xffff, v15;
	s24 =	smov.u32 s22  }
0x1f3: {  	v14 =	vadd.s32 v4, v14;
	s25 =	sshra.s32 s25, $0x2;
	[tilespmem:s21+$0xC630] =	vst v15  }
0x1f4: {  	[tilespmem:s21+$0xC530] =	vst v13  }
0x1f5: {  	[tilespmem:s21+$0xC5B0] =	vst v14;
	s21 =	smov.u32 s25  }
0x1f6: {  	v13 =	vld.idx.msk [tilespmem:v11+s21+$0x0 ss:$0x1], $0xffff  }
0x1f7: {  	v14 =	vld.idx.msk [tilespmem:v12+s21+$0x0 ss:$0x1], $0xffff;
	_ =	sdelay $0x4  }
0x1f8: {  	v15 =	vadd.s32 $0x2710, v13  }
0x1f9: {  	vm0 =	vne.s32 v14, v13;
	_ =	sdelay $0x1  }
0x1fa: {  	v16 =	vld.idx.msk [tilespmem:v14+s3+$0x0], $0xffff;
	_ =	sdelay $0x1  }
0x1fb: {  	v15 =	vld.idx.msk [tilespmem:v15+s3+$0x0], $0xffff;
	_ =	sdelay $0x5  }
0x1fc: {  	v15 =	vadd.f32 v15, v16;
	_ =	sdelay $0x1  }
0x1fd: {  	vm1 =	vgt.f32 v15, $0.0e+00;
	v16 =	vmul.f32 $2.000000030e-01, v15;
	_ =	sdelay $0x1  }
0x1fe: {  	v15 =	vsel vm1, v15, v16  }
0x1ff: {  	v15 =	vsub.f32 v15, v10;
	_ =	sdelay $0x1  }
0x200: {  	v15 =	vmul.f32 $1.442695020e+00, v15;
	_ =	sdelay $0x1  }
0x201: {  	(erf) = vpow2.f32 v15;
	_ =	sdelay $0x5  }
.Ltmp19:
0x202: {  	(pc) =	sbr.rel @p3 .LBB2_41-.Ltmp19, $3  }
0x203: {  	_ =	sdelay $0x1  }
0x204: {  	v15 =	vsel vm0, $0x3F800000, v6;
	v16 =	vpop (erf)  }
0x205: {  	v15 =	vmul.f32 v15, v16  }
0x206: {  	_ =	sdelay $0x3  }
0x207: {  	[tilespmem:v13+s24+$0x0] =	vst.idx.add.f32.msk @!p0 $0xffff, v15  }
0x208: {  	[tilespmem:s21+$0xC630] =	vst v15  }
0x209: {  	v11 =	vadd.s32 v4, v14;
	[tilespmem:s21+$0xC530] =	vst v13  }
0x20a: {  	[tilespmem:s21+$0xC5B0] =	vst v11  }
0x20b: {  	[tilespmem:s8], [sflag:$0x1] =	stream.indirect.gather [hbm4b:s19+s6], $0x20, s7, s6, $0xb8;
	[tilespmem:$0x124E0] =	vst v63  }
0x20c: {  	_ =	swait.ge [sflag:s9], $0x1000  }
0x20d: {  	[sflag:s9] =	ssyncset.done $0x0  }
0x20e: {  	s22 =	simm.s32 $0xC6C0;
	s21 =	simm.s32 $0x0;
	[sflag:s9] =	ssyncadd.s32 $0xFFFFF000  }
.LBB2_43:
0x20f: {  	s23 =	sshll.u32 s21, $0x4  }
0x210: {  	v11 =	vld [tilespmem:s23+$0xC630]  }
0x211: {  	s25 =	simm.s32 $0x1  }
0x212: {  	v12 =	vld [tilespmem:s22+$0x0];
	s24 =	smov.u32 s22;
	s26 =	simm.s32 $0x0;
	s23 =	smov.u32 s22  }
.LBB2_44:
0x213: {  	p3 =	sne.s32 s25, $0xF;
	v13 =	vld [tilespmem:s24+$0xFFFFFFF0]  }
0x214: {  	v14 =	vmov s26;
	s26 =	smov.u32 s25  }
0x215: {  	v14 =	vperm.xlane v11, v14  }
.Ltmp20:
0x216: {  	(pc) =	sbr.rel @p3 .LBB2_44-.Ltmp20, $4  }
0x217: {  	v12 =	vmul.f32 v12, v14  }
0x218: {  	v13 =	vmul.f32 v13, v14  }
0x219: {  	s24 =	sadd.s32 $0x20, s24;
	[tilespmem:s23+$0x0] =	vst v12  }
0x21a: {  	s25 =	sadd.s32 $0x1, s25;
	v12 =	vld [tilespmem:s24+$0x0];
	[tilespmem:s23+$0xFFFFFFF0] =	vst v13;
	s23 =	smov.u32 s24  }
0x21b: {  	v13 =	vld [tilespmem:s24+$0xFFFFFFF0]  }
0x21c: {  	v14 =	vmov s26;
	s21 =	sadd.s32 $0x1, s21  }
0x21d: {  	v11 =	vperm.xlane v11, v14;
	p3 =	sne.s32 s21, $0x8  }
.Ltmp21:
0x21e: {  	_ = 	snop;
	(pc) =	sbr.rel @p3 .LBB2_43-.Ltmp21, $4  }
0x21f: {  	v12 =	vmul.f32 v12, v11  }
0x220: {  	v11 =	vmul.f32 v13, v11  }
0x221: {  	[tilespmem:s23+$0x0] =	vst v12  }
0x222: {  	s22 =	sadd.s32 $0x200, s22;
	[tilespmem:s23+$0xFFFFFFF0] =	vst v11  }
0x223: {  	s16 =	sadd.s32 $0x1, s16  }
0x224: {  	p3 =	sne.s32 s16, $0x50  }
.Ltmp22:
0x225: {  	_ = 	snop;
	(pc) =	sbr.rel @p3 .LBB2_40-.Ltmp22, $4  }
0x226: {  	[spmem:s2] =	stream.indirect.scatter.add.f32 [tilespmem:s8], [sflag:$0x2], $0x20, s10, s6, $0xb8;
	[tilespmem:$0x124E0] =	vst v63  }
0x227: {  	_ =	swait.ge [sflag:s4], $0x1000  }
0x228: {  	[sflag:s4] =	ssyncset.done $0x0  }
0x229: {  	s17 =	sadd.s32 $0x80, s17;
	s18 =	sadd.s32 $0x80, s18;
	[sflag:s4] =	ssyncadd.s32 $0xFFFFF000  }
0x22a: {  	[bflag:$0x0] =	sbarrier.arrive $0xFFFF;
	s16 =	simm.s32 @p2 $0x1FC2  }
0x22b: {  	[hbm:s28], [sflag:s16] =	dma.local @p2 [spmem:s13], $0x640  }
0x22c: {  	s16 =	simm.s32 @p2 $0x2  }
0x22d: {  	_ =	swait.ge @p2 [sflag:s16], $0x640  }
0x22e: {  	[sflag:s16] =	ssyncset.done @p2 $0x0  }
0x22f: {  	[sflag:s16] =	ssyncadd.s32 @p2 $0xFFFFF9C0;
	s16 =	rddreg [dreg:$0xf]  }
0x230: {  	[hbm:s16], [sflag:s14] =	dma.local @!p2 [spmem:s15], $0xA00  }
0x231: {  	s16 =	simm.s32 @!p2 $0x2  }
0x232: {  	_ =	swait.ge @!p2 [sflag:s16], $0xA00  }
0x233: {  	[sflag:s16] =	ssyncset.done @!p2 $0x0  }
0x234: {  	s17 =	simm.s32 @!p0 $0x4E20;
	[sflag:s16] =	ssyncadd.s32 @!p2 $0xFFFFF600;
	s16 =	simm.s32 @!p0 $0x0  }
0x235: {  	[hbm4b:s30+s16] =	stream.linear.scatter @!p0 [tilespmem:s17], [sflag:$0x2], $0x2710, $0x38;
	[tilespmem:$0x124E0] =	vst v63  }
0x236: {  	s16 =	simm.s32 @!p0 $0x2  }
0x237: {  	_ =	swait.ge @!p0 [sflag:s16], $0x2710  }
0x238: {  	[sflag:s16] =	ssyncset.done @!p0 $0x0  }
0x239: {  	[sflag:s16] =	ssyncadd.s32 @!p0 $0xFFFFD8F0  }
0x23a: {  	s16 =	simm.s32 @!p1 $0x1C02;
	[bflag:$0x0] =	sbarrier.arrive $0xFFFF  }
0x23b: {  	[spmem:s12], [sflag:s16] =	dma.local @!p1 [hbm:s20], $0x9C40  }
0x23c: {  	s12 =	simm.s32 @!p1 $0x2  }
0x23d: {  	_ =	swait.ge @!p1 [sflag:s12], $0x9C40  }
0x23e: {  	[sflag:s12] =	ssyncset.done @!p1 $0x0  }
0x23f: {  	s17 =	simm.s32 $0x9D30;
	[sflag:s12] =	ssyncadd.s32 @!p1 $0xFFFF63C0  }
0x240: {  	s16 =	simm.s32 $0x7530;
	s12 =	simm.s32 $0x0;
	[bflag:$0x0] =	sbarrier.arrive $0xFFFF  }
.LBB2_48:
0x241: {  	v12 =	vmov s17;
	_ =	sdelay $0x1  }
0x242: {  	v11 =	vmov s16;
	_ =	sdelay $0x1  }
0x243: {  	s18 =	simm.s32 $0x0;
	s21 =	simm.s32 $0x40  }
.LBB2_49:
0x244: {  	p3 =	sne.s32 s21, $0x1C0;
	v13 =	vld.idx.msk [tilespmem:v12+s18+$0x0 ss:$0x1], $0xffff;
	_ =	sdelay $0x1  }
0x245: {  	v14 =	vld.idx.msk [tilespmem:v11+s18+$0x0 ss:$0x1], $0xffff;
	_ =	sdelay $0x3  }
0x246: {  	v15 =	vadd.s32 $0x2710, v13;
	_ =	sdelay $0x1  }
0x247: {  	v16 =	vadd.s32 v5, v14;
	_ =	sdelay $0x1  }
0x248: {  	v17 =	vld.idx.msk [tilespmem:v14+s3+$0x0], $0xffff  }
0x249: {  	v15 =	vld.idx.msk [tilespmem:v15+s3+$0x0], $0xffff;
	[tilespmem:s18+$0xC5B0] =	vst v16  }
0x24a: {  	[tilespmem:s18+$0xC530] =	vst v13;
	_ =	sdelay $0x4  }
0x24b: {  	v15 =	vadd.f32 v15, v17;
	_ =	sdelay $0x1  }
0x24c: {  	v16 =	vmul.f32 $2.000000030e-01, v15  }
0x24d: {  	vm0 =	vgt.f32 v15, $0.0e+00  }
0x24e: {  	v15 =	vsel vm0, v15, v16  }
0x24f: {  	v15 =	vsub.f32 v15, v10;
	_ =	sdelay $0x1  }
0x250: {  	v15 =	vmul.f32 $1.442695020e+00, v15;
	_ =	sdelay $0x1  }
0x251: {  	(erf) = vpow2.f32 v15;
	_ =	sdelay $0x7  }
.Ltmp23:
0x252: {  	vm0 =	vne.s32 v14, v13;
	(pc) =	sbr.rel @p3 .LBB2_49-.Ltmp23, $3  }
0x253: {  	v13 =	vsel vm0, $0x3F800000, v6;
	v14 =	vpop (erf)  }
0x254: {  	v13 =	vmul.f32 v13, v14;
	_ =	sdelay $0x1  }
0x255: {  	[tilespmem:s18+$0xC630] =	vst v13;
	s18 =	sshra.s32 s21, $0x2;
	s21 =	sadd.s32 $0x40, s21  }
0x256: {  	_ =	sdelay $0x3  }
0x257: {  	v12 =	vld.idx.msk [tilespmem:v12+s18+$0x0 ss:$0x1], $0xffff  }
0x258: {  	v11 =	vld.idx.msk [tilespmem:v11+s18+$0x0 ss:$0x1], $0xffff;
	_ =	sdelay $0x3  }
0x259: {  	v13 =	vadd.s32 $0x2710, v12;
	_ =	sdelay $0x3  }
0x25a: {  	v14 =	vld.idx.msk [tilespmem:v11+s3+$0x0], $0xffff  }
0x25b: {  	v13 =	vld.idx.msk [tilespmem:v13+s3+$0x0], $0xffff;
	_ =	sdelay $0x4  }
0x25c: {  	v13 =	vadd.f32 v13, v14;
	_ =	sdelay $0x1  }
0x25d: {  	v14 =	vmul.f32 $2.000000030e-01, v13  }
0x25e: {  	vm0 =	vgt.f32 v13, $0.0e+00  }
0x25f: {  	v13 =	vsel vm0, v13, v14  }
0x260: {  	v13 =	vsub.f32 v13, v10;
	_ =	sdelay $0x1  }
0x261: {  	v13 =	vmul.f32 $1.442695020e+00, v13;
	_ =	sdelay $0x1  }
0x262: {  	(erf) = vpow2.f32 v13;
	_ =	sdelay $0x7  }
0x263: {  	vm15 =	vne.s32 v11, v12  }
0x264: {  	v62 =	vsel vm15, $0x3F800000, v6;
	v11 =	vadd.s32 v5, v11;
	v63 =	vpop (erf)  }
0x265: {  	[tilespmem:s18+$0xC5B0] =	vst v11;
	v11 =	vmul.f32 v62, v63  }
0x266: {  	[tilespmem:s18+$0xC530] =	vst v12  }
0x267: {  	[tilespmem:s18+$0xC630] =	vst v11  }
0x268: {  	[tilespmem:s8], [sflag:$0x1] =	stream.indirect.gather [hbm4b:s19+s6], $0x20, s7, s6, $0xb8;
	[tilespmem:$0x124E0] =	vst v63  }
0x269: {  	_ =	swait.ge [sflag:s9], $0x1000  }
0x26a: {  	[sflag:s9] =	ssyncset.done $0x0  }
0x26b: {  	s21 =	simm.s32 $0xC6C0;
	s18 =	simm.s32 $0x0;
	[sflag:s9] =	ssyncadd.s32 $0xFFFFF000  }
.LBB2_51:
0x26c: {  	s22 =	sshll.u32 s18, $0x4  }
0x26d: {  	v11 =	vld [tilespmem:s22+$0xC630]  }
0x26e: {  	s24 =	simm.s32 $0x1  }
0x26f: {  	v12 =	vld [tilespmem:s21+$0x0];
	s23 =	smov.u32 s21;
	s25 =	simm.s32 $0x0;
	s22 =	smov.u32 s21  }
.LBB2_52:
0x270: {  	p3 =	sne.s32 s24, $0xF;
	v13 =	vld [tilespmem:s23+$0xFFFFFFF0]  }
0x271: {  	v14 =	vmov s25;
	s25 =	smov.u32 s24  }
0x272: {  	v14 =	vperm.xlane v11, v14  }
.Ltmp24:
0x273: {  	(pc) =	sbr.rel @p3 .LBB2_52-.Ltmp24, $4  }
0x274: {  	v12 =	vmul.f32 v12, v14  }
0x275: {  	v13 =	vmul.f32 v13, v14  }
0x276: {  	s23 =	sadd.s32 $0x20, s23;
	[tilespmem:s22+$0x0] =	vst v12  }
0x277: {  	s24 =	sadd.s32 $0x1, s24;
	v12 =	vld [tilespmem:s23+$0x0];
	[tilespmem:s22+$0xFFFFFFF0] =	vst v13;
	s22 =	smov.u32 s23  }
0x278: {  	v13 =	vld [tilespmem:s23+$0xFFFFFFF0]  }
0x279: {  	v14 =	vmov s25;
	s18 =	sadd.s32 $0x1, s18  }
0x27a: {  	v11 =	vperm.xlane v11, v14;
	p3 =	sne.s32 s18, $0x8  }
.Ltmp25:
0x27b: {  	_ = 	snop;
	(pc) =	sbr.rel @p3 .LBB2_51-.Ltmp25, $4  }
0x27c: {  	v12 =	vmul.f32 v12, v11  }
0x27d: {  	v11 =	vmul.f32 v13, v11  }
0x27e: {  	[tilespmem:s22+$0x0] =	vst v12  }
0x27f: {  	s21 =	sadd.s32 $0x200, s21;
	[tilespmem:s22+$0xFFFFFFF0] =	vst v11  }
0x280: {  	s12 =	sadd.s32 $0x1, s12  }
0x281: {  	p3 =	sne.s32 s12, $0x50  }
.Ltmp26:
0x282: {  	_ = 	snop;
	(pc) =	sbr.rel @p3 .LBB2_48-.Ltmp26, $4  }
0x283: {  	[spmem:s2] =	stream.indirect.scatter.add.f32 [tilespmem:s8], [sflag:$0x2], $0x20, s10, s6, $0xb8;
	[tilespmem:$0x124E0] =	vst v63  }
0x284: {  	_ =	swait.ge [sflag:s4], $0x1000  }
0x285: {  	[sflag:s4] =	ssyncset.done $0x0  }
0x286: {  	s16 =	sadd.s32 $0x80, s16;
	s17 =	sadd.s32 $0x80, s17;
	[sflag:s4] =	ssyncadd.s32 $0xFFFFF000  }
0x287: {  	[bflag:$0x0] =	sbarrier.arrive $0xFFFF;
	s12 =	simm.s32 @p2 $0x1FC2  }
0x288: {  	[hbm:s31], [sflag:s12] =	dma.local @p2 [spmem:s13], $0x640  }
0x289: {  	s12 =	simm.s32 @p2 $0x2  }
0x28a: {  	_ =	swait.ge @p2 [sflag:s12], $0x640  }
0x28b: {  	[sflag:s12] =	ssyncset.done @p2 $0x0  }
0x28c: {  	s11 =	sadd.s32 $0x1, s11;
	[sflag:s12] =	ssyncadd.s32 @p2 $0xFFFFF9C0;
	s12 =	rddreg [dreg:$0x10]  }
0x28d: {  	[hbm:s12], [sflag:s14] =	dma.local @!p2 [spmem:s15], $0xA00  }
0x28e: {  	p3 =	sne.s32 s11, s0;
	s12 =	simm.s32 @!p2 $0x2  }
.Ltmp27:
0x28f: {  	_ =	swait.ge @!p2 [sflag:s12], $0xA00;
	(pc) =	sbr.rel @p3 .LBB2_1-.Ltmp27, $3  }
0x290: {  	[sflag:s12] =	ssyncset.done @!p2 $0x0  }
0x291: {  	[sflag:s12] =	ssyncadd.s32 @!p2 $0xFFFFF600  }
0x292: {  	[bflag:$0x0] =	sbarrier.arrive $0xFFFF;
	_ =	sdelay $0x1  }
0x293: {  	_ =	sfence.sel $0x180000  }
0x294: {  	[bflag:$0x0] =	sbarrier.arrive $0xFFFF  }
0x295: {  	_ =	strace $0x90000047  }
0x296: {  	[bflag:$0x2] =	sbarrier.arrive $0xFFFF  }
0x297: {  	s0 =	rddreg [dreg:$0x3]  }
0x298: {  	s0 =	sadd.s32 @!p1 $0x100000, s0  }
0x299: {  	[sflag:s0] =	ssyncadd.tile.s32 @!p1 $0x1;
	_ =	shalt  }
.Lfunc_end2:
_tile_overlayer_lowered:
.L_overlay_start_2:
0x29a: {  	(tag) =	ssettag $0x2  }
0x29b: {  	s0 =	rddreg [dreg:$0x0];
	s2 =	stileid.u32  }
0x29c: {  	s1 =	rddreg [dreg:$0x1];
	p0 =	sne.s32 s2, $0x0  }
0x29d: {  	s3 =	rddreg [dreg:$0x2];
	[bflag:$0x3] =	sbarrier.arrive $0xFFFF;
	s2 =	simm.s32 @!p0 $0x1C02  }
0x29e: {  	[timem:s3], [sflag:s2] =	dma.local @!p0 [hbm:s0], s1  }
0x29f: {  	s0 =	simm.s32 @!p0 $0x2  }
0x2a0: {  	_ =	swait.ge @!p0 [sflag:s0], s1  }
0x2a1: {  	s1 =	ssub.s32 @!p0 $0x0, s1;
	[sflag:s0] =	ssyncset.done @!p0 $0x0  }
0x2a2: {  	[sflag:s0] =	ssyncadd.s32 @!p0 s1  }
0x2a3: {  	[bflag:$0x3] =	sbarrier.arrive $0xFFFF  }
0x2a4: {  	_ =	shalt  }

// kernel: kernel.18.cloned.1.call-start
scs
__scs_entry_jumppad:
0x0: {  	(pc) =	sbr.rel $0x88, $3  }
0x1: {  	(tag) =	ssettag $0x0;
	lr =	simm.s32 $0x1  }
0x2: {  	[smem:$0x3F8D] =	sst lr;
	_ =	strace $0xD0000000  }
0x3: {  	_ = 	snop  }
0x4: {  	_ = 	snop  }
0x5: {  	_ = 	snop  }
0x6: {  	_ = 	snop  }
0x7: {  	_ = 	snop  }
__scs_overlays_trampoline_lowered:
0x8: {  	[smem:$0x3F9C] =	sst s0  }
0x9: {  	[smem:$0x3F9D] =	sst s1  }
0xa: {  	[smem:$0x3F9E] =	sst s2  }
0xb: {  	[smem:$0x3F9F] =	sst s3  }
0xc: {  	[smem:$0x3FA0] =	sst s4  }
0xd: {  	[smem:$0x3FA1] =	sst s5  }
0xe: {  	[smem:$0x3FA2] =	sst s6  }
0xf: {  	[smem:$0x3FA3] =	sst s7  }
0x10: {  	[smem:$0x3FA4] =	sst s8  }
0x11: {  	[smem:$0x3FA5] =	sst s9;
	s0 =	simm.s32 @!p0 $0x0  }
0x12: {  	s1 =	sld [smem:$0x3F8B];
	s0 =	simm.s32 @p0 $0x1  }
0x13: {  	[smem:$0x3FA6] =	sst s0;
	s0 =	simm.s32 @!p1 $0x0  }
0x14: {  	s2 =	sld [smem:$0x3F8A];
	s0 =	simm.s32 @p1 $0x1  }
0x15: {  	[smem:$0x3FA7] =	sst s0;
	s0 =	simm.s32 @!p2 $0x0  }
0x16: {  	s3 =	sld [smem:$0x3FDB];
	s0 =	simm.s32 @p2 $0x1  }
0x17: {  	s4 =	simm.s32 $0x1BF5;
	[smem:$0x3FA9] =	sst s0  }
0x18: {  	s0 =	sld [smem:$0x3F8C];
	_ =	swait.ge [sflag:s4], $0x0  }
0x19: {  	s7 =	sld [smem:$0x3F8D]  }
0x1a: {  	s8 =	sadd.s32 $0xFFFFE003, lr  }
0x1b: {  	s9 =	sadd.s32 $0xFFFFFEF7, lr;
	s5 =	simm.s32 $0xFFFFFFFF;
	p2 =	slt.u32 s8, $0xFFFFF086  }
0x1c: {  	p1 =	slt.u32 s9, $0xF7A;
	s5 =	simm.s32 @!p2 $0x0  }
0x1d: {  	s5 =	simm.s32 @p1 $0x1;
	p0 =	seq.s32 s7, s2  }
0x1e: {  	s7 =	smul.u32 @!p0 $0xF7A, s2;
	p2 =	seq.s32 @!p0 s5, $0x0  }
0x1f: {  	s9 =	smul.u32 $0xF7A, s1;
	s8 =	simm.s32 @!p0 $0x1BF5;
	p2 =	por !p2, p0  }
0x20: {  	[sflag:s8] =	ssyncset.s32 @!p0 $0xFFFFF086;
	s6 =	sadd.s32 @!p0 s3, s7;
	s7 =	simm.s32 @!p0 $0x108  }
0x21: {  	s3 =	sadd.s32 s3, s9;
	s6 =	sadd.s32 @!p0 $0x88, s6;
	s7 =	simm.s32 @p2 $0x1082  }
0x22: {  	[simem:s7], [sflag:s8] =	dma.local @!p0 [hbm:s6], $0xF7A  }
0x23: {  	s9 =	sor.u32 $0xD0000000, s2;
	s6 =	simm.s32 $0x108;
	_ =	swait.ge @!p0 [sflag:s8], $0x0  }
0x24: {  	s3 =	sadd.s32 $0x88, s3;
	s6 =	simm.s32 @!p1 $0x1082;
	[sflag:s4] =	ssyncset.s32 $0xFFFFF086  }
0x25: {  	[simem:s6], [sflag:s4] =	dma.local [hbm:s3], $0xF7A  }
0x26: {  	[smem:$0x3F8D] =	sst s1;
	(tag) =	ssettag s2;
	_ =	strace s9  }
0x27: {  	s1 =	sld [smem:$0x3F9D]  }
0x28: {  	s2 =	sld [smem:$0x3F9E]  }
0x29: {  	s4 =	sld [smem:$0x3FA0]  }
0x2a: {  	p0 =	seq.s32 s5, $0x0;
	s5 =	sld [smem:$0x3FA1]  }
0x2b: {  	s6 =	sld [smem:$0x3FA2]  }
0x2c: {  	s7 =	sld [smem:$0x3FA3]  }
0x2d: {  	s3 =	simm.s32 $0x108;
	s8 =	sld [smem:$0x3FA4]  }
0x2e: {  	s3 =	simm.s32 @!p0 $0x1082;
	s9 =	sld [smem:$0x3FA5]  }
0x2f: {  	lr =	sadd.s32 s0, s3;
	s0 =	sld [smem:$0x3F9C]  }
0x30: {  	s3 =	sld [smem:$0x3F9F]  }
0x31: {  	[smem:$0x3FA8] =	sst s10  }
0x32: {  	s10 =	sld [smem:$0x3FA6];
	_ =	sdelay $0x3  }
0x33: {  	p0 =	seq.s32 s10, $0x1;
	s10 =	sld [smem:$0x3FA8];
	_ =	sdelay $0x3  }
0x34: {  	[smem:$0x3FA8] =	sst s10  }
0x35: {  	s10 =	sld [smem:$0x3FA7];
	_ =	sdelay $0x3  }
0x36: {  	p1 =	seq.s32 s10, $0x1;
	s10 =	sld [smem:$0x3FA8];
	_ =	sdelay $0x3  }
0x37: {  	[smem:$0x3FA8] =	sst s10  }
0x38: {  	s10 =	sld [smem:$0x3FA9]  }
0x39: {  	_ = 	snop;
	(pc) =	sbr.ind lr, $3  }
0x3a: {  	_ = 	snop  }
0x3b: {  	_ = 	snop  }
0x3c: {  	p2 =	seq.s32 s10, $0x1;
	s10 =	sld [smem:$0x3FA8]  }
0x3d: {  	_ =	shalt  }
0x3e: {  	_ =	shalt  }
0x3f: {  	_ =	shalt  }
0x40: {  	_ =	shalt  }
0x41: {  	_ =	shalt  }
0x42: {  	_ =	shalt  }
0x43: {  	_ =	shalt  }
0x44: {  	_ =	shalt  }
0x45: {  	_ =	shalt  }
0x46: {  	_ =	shalt  }
0x47: {  	_ =	shalt  }
0x48: {  	_ =	shalt  }
0x49: {  	_ =	shalt  }
0x4a: {  	_ =	shalt  }
0x4b: {  	_ =	shalt  }
0x4c: {  	_ =	shalt  }
0x4d: {  	_ =	shalt  }
0x4e: {  	_ =	shalt  }
0x4f: {  	_ =	shalt  }
0x50: {  	_ =	shalt  }
0x51: {  	_ =	shalt  }
0x52: {  	_ =	shalt  }
0x53: {  	_ =	shalt  }
0x54: {  	_ =	shalt  }
0x55: {  	_ =	shalt  }
0x56: {  	_ =	shalt  }
0x57: {  	_ =	shalt  }
0x58: {  	_ =	shalt  }
0x59: {  	_ =	shalt  }
0x5a: {  	_ =	shalt  }
0x5b: {  	_ =	shalt  }
0x5c: {  	_ =	shalt  }
0x5d: {  	_ =	shalt  }
0x5e: {  	_ =	shalt  }
0x5f: {  	_ =	shalt  }
0x60: {  	_ =	shalt  }
0x61: {  	_ =	shalt  }
0x62: {  	_ =	shalt  }
0x63: {  	_ =	shalt  }
0x64: {  	_ =	shalt  }
0x65: {  	_ =	shalt  }
0x66: {  	_ =	shalt  }
0x67: {  	_ =	shalt  }
0x68: {  	_ =	shalt  }
0x69: {  	_ =	shalt  }
0x6a: {  	_ =	shalt  }
0x6b: {  	_ =	shalt  }
0x6c: {  	_ =	shalt  }
0x6d: {  	_ =	shalt  }
0x6e: {  	_ =	shalt  }
0x6f: {  	_ =	shalt  }
0x70: {  	_ =	shalt  }
0x71: {  	_ =	shalt  }
0x72: {  	_ =	shalt  }
0x73: {  	_ =	shalt  }
0x74: {  	_ =	shalt  }
0x75: {  	_ =	shalt  }
0x76: {  	_ =	shalt  }
0x77: {  	_ =	shalt  }
0x78: {  	_ =	shalt  }
0x79: {  	_ =	shalt  }
0x7a: {  	_ =	shalt  }
0x7b: {  	_ =	shalt  }
0x7c: {  	_ =	shalt  }
0x7d: {  	_ =	shalt  }
0x7e: {  	_ =	shalt  }
0x7f: {  	_ =	shalt  }
0x80: {  	_ =	shalt  }
0x81: {  	_ =	shalt  }
0x82: {  	_ =	shalt  }
0x83: {  	_ =	shalt  }
0x84: {  	_ =	shalt  }
0x85: {  	_ =	shalt  }
0x86: {  	_ =	shalt  }
0x87: {  	_ =	shalt  }
.Lfunc_end0:
.L_simem_size_0:
called_computation.1_lowered:
.L_overlay_start_0:
0x88: {  	s2 =	sld [smem:$0x3FD9]  }
0x89: {  	s3 =	sld [smem:$0x3FFE];
	_ =	sdelay $0x1  }
0x8a: {  	s1 =	srdreg.scid  }
0x8b: {  	s0 =	sand.u32 $0x1, s1  }
0x8c: {  	s17 =	sshll.u32 s0, $0xA;
	s2 =	sadd.s32 s3, s2  }
0x8d: {  	s2 =	sadd.s32 s2, s17  }
0x8e: {  	[smem:$0x3FB4] =	sst s2  }
0x8f: {  	_ = 	snop  }
0x90: {  	s2 =	sld [smem:$0x3FD0];
	(tm) =	ssettm $0x1  }
0x91: {  	s18 =	sld [smem:$0x3FFB];
	_ =	sdelay $0x3  }
0x92: {  	_ =	strace s18  }
0x93: {  	s3 =	sld [smem:$0x3FFC];
	_ =	sdelay $0x3  }
0x94: {  	_ =	strace s3  }
0x95: {  	s3 =	sld [smem:$0x3FFD];
	_ =	sdelay $0x3  }
0x96: {  	_ =	strace s3  }
0x97: {  	_ =	strace $0x8FFFFFFF  }
0x98: {  	s19 =	sld [smem:$0x3FDB];
	_ =	sdelay $0x1  }
0x99: {  	s4 =	simm.s32 $_scs_section_size  }
0x9a: {  	s5 =	simm.s32 $_size__tile_overlayer_lowered;
	s6 =	simm.s32 $_tile_overlayer_lowered  }
0x9b: {  	s22 =	simm.s32 $0x1BFF;
	s21 =	sshll.u32 s6, $0x1;
	s3 =	sadd.s32 s4, s19  }
0x9c: {  	s7 =	simm.s32 $0x0;
	s20 =	sshll.u32 s5, $0x1;
	s5 =	sadd.s32 s21, s3  }
0x9d: {  	[timem:s7], [sflag:s22] =	dma.local [hbm:s5], s20  }
0x9e: {  	_ =	swait.ge [sflag:s22], s20  }
0x9f: {  	s4 =	ssub.s32 $0x0, s20;
	[sflag:s22] =	ssyncset.done $0x0  }
0xa0: {  	[sflag:s22] =	ssyncadd.s32 s4;
	_ =	sdelay $0x1  }
0xa1: {  	s23 =	simm.s32 $0x1B8B  }
0xa2: {  	_ =	swait.ge [sflag:s23], $0x1  }
0xa3: {  	[sflag:s23] =	ssyncset.done $0x0  }
0xa4: {  	s25 =	simm.s32 $0x1B8E;
	s24 =	sld [smem:$0x3FFE];
	[sflag:s23] =	ssyncadd.s32 $0xFFFFFFFF  }
0xa5: {  	s26 =	simm.s32 $execute0_lowered;
	[smem:$0x3FD2] =	sst s25  }
0xa6: {  	s5 =	sshll.u32 s26, $0x1;
	_ =	strace $0x80000049;
	[dreg:$0x1] =	wrdreg $0xFFFFFFFF  }
0xa7: {  	s28 =	simm.s32 $_size_execute0_lowered;
	s3 =	sadd.s32 s3, s5;
	[dreg:$0x0] =	wrdreg $0x0  }
0xa8: {  	s5 =	sshll.u32 s28, $0x1;
	[dreg:$0x2] =	wrdreg s3  }
0xa9: {  	[dreg:$0x3] =	wrdreg s5  }
0xaa: {  	[dreg:$0x4] =	wrdreg $0xC0  }
0xab: {  	_ =	task [dreg:s7], $0x5FFFF  }
0xac: {  	[dreg:$0x1] =	wrdreg $0xFFFFFFFF  }
0xad: {  	[dreg:$0x0] =	wrdreg $0x60  }
0xae: {  	[dreg:$0x2] =	wrdreg s24  }
0xaf: {  	[dreg:$0x3] =	wrdreg s2  }
0xb0: {  	[dreg:$0x4] =	wrdreg $0xFDD00  }
0xb1: {  	[dreg:$0x5] =	wrdreg $0x9  }
0xb2: {  	_ =	task.clear_ibuf [dreg:s7], $0x6FFFF;
	_ =	strace $0x90000049  }
0xb3: {  	s29 =	simm.s32 $0x9;
	_ =	strace $0x8000004B  }
0xb4: {  	_ =	swait.ge [sflag:s29], $0x1  }
0xb5: {  	[sflag:s29] =	ssyncadd.s32 $0xFFFFFFFF  }
0xb6: {  	_ =	strace $0x9000004B  }
0xb7: {  	_ =	sfence  }
0xb8: {  	s30 =	sld [smem:$0x0];
	_ =	sdelay $0x2  }
0xb9: {  	s31 =	sshll.u32 s1, $0xD;
	s1 =	sshrl.u32 s1, $0x2  }
0xba: {  	s3 =	sand.u32 $0x4000, s31;
	s1 =	sadd.s32 s1, s30  }
0xbb: {  	s0 =	sor.u32 s3, s0;
	s1 =	sshll.u32 s1, $0x11  }
0xbc: {  	s0 =	sor.u32 s1, s0  }
0xbd: {  	s0 =	sadd.s32 $0x8F2B, s0  }
0xbe: {  	[sflag:s0] =	ssyncadd.remote.s32 $0x1  }
0xbf: {  	_ =	sfence.sel $0xFFFF  }
0xc0: {  	[dreg:$0x0] =	wrdreg $0xFFFFFFFF;
	(pc) =	sbr.abs _section_cstart, $3  }
0xc1: {  	[dreg:$0x1] =	wrdreg $0xFFFFFFFF  }
0xc2: {  	_ =	task.clear_ibuf [dreg:s7], $0x2FFFF;
	_ =	strace $0x9FFFFFFF  }
0xc3: {  	(tm) =	ssettm $0x7FFFFFFF  }
tec
execute0_lowered:
.L_overlay_start_1:
0x0: {  	(tag) =	ssettag $0x1  }
0x1: {  	s0 =	rddreg [dreg:$0x0]  }
0x2: {  	s2 =	rddreg [dreg:$0x2];
	s3 =	simm.s32 $0x0;
	s4 =	stileid.u32  }
0x3: {  	s21 =	srdreg.scid;
	s19 =	simm.s32 $0x2;
	s20 =	simm.s32 $0x4E20  }
0x4: {  	s28 =	simm.s32 $0x1;
	s29 =	simm.s32 $0xEC40;
	s30 =	simm.s32 $0x0  }
0x5: {  	[smem:$0x7FF] =	sst s3;
	s1 =	smul.u32 $0x500, s4;
	s5 =	sadd.s32 $0x8F000, s0  }
0x6: {  	s6 =	sadd.s32 $0x67800, s0;
	s7 =	sadd.s32 $0x151E00, s0;
	s22 =	smul.u32 $0x4E2, s4  }
0x7: {  	s8 =	sadd.s32 $0xF600, s0;
	s15 =	sadd.s32 $0x8FA00, s0;
	s24 =	smul.u32 $0x5000, s4  }
0x8: {  	s14 =	sadd.s32 $0x4B000, s2;
	p0 =	sne.s32 s4, $0x0;
	p1 =	sne.s32 s4, $0xF  }
0x9: {  	p4 =	seq.s32 s4, $0xF;
	_ =	strace $0x8000004A;
	[dreg:$0x4] =	wrdreg s5  }
0xa: {  	[dreg:$0x5] =	wrdreg s6;
	s5 =	sand.u32 $0x1, s21;
	p3 =	sne.s32 @p1 s4, $0x0  }
0xb: {  	s1 =	sadd.s32 s1, s0;
	s9 =	ssub.s32 $0x2, s5;
	s11 =	smul.u32 $0x4E200, s5  }
0xc: {  	s0 =	sadd.s32 s22, s0;
	s26 =	smul.u32 $0x2710, s5;
	s16 =	sor.u32 $0x2, s5  }
0xd: {  	p2 =	sne.s32 s5, $0x0;
	p3 =	por p3, !p1;
	s17 =	smul.u32 $0x4E200, s16  }
0xe: {  	s10 =	sshrl.u32 s9, $0x1;
	s25 =	sadd.s32 $0xA600, s1;
	s21 =	smul.u32 $0x2710, s16  }
0xf: {  	s23 =	ssub.s32 s9, s10;
	[dreg:$0x6] =	wrdreg s25;
	s10 =	sadd.s32 $0x5600, s1  }
0x10: {  	s12 =	sadd.s32 s24, s11;
	s11 =	sshrl.u32 s11, $0x3;
	s25 =	simm.s32 $0xECC0  }
0x11: {  	v0 =	vmov s26;
	s26 =	simm.s32 $0xEDC0;
	s12 =	sshrl.u32 s12, $0x3;
	s13 =	sadd.s32 s15, s11  }
0x12: {  	s9 =	sadd.s32 s24, s17;
	s17 =	sshrl.u32 s17, $0x3;
	s18 =	smax.u32 s23, $0x1  }
0x13: {  	s11 =	sadd.s32 s15, s12;
	s12 =	sadd.s32 s24, s2;
	s13 =	sadd.s32 $0x9600, s13  }
0x14: {  	s9 =	sshrl.u32 s9, $0x3;
	s31 =	sadd.s32 s15, s17;
	s17 =	sadd.s32 $0xB6C00, s0  }
0x15: {  	v2 =	vimm.s32 $0x0;
	v3 =	vimm.f32 $0.0e+00;
	v1 =	vmov s21;
	s24 =	simm.s32 $0x80;
	s15 =	sadd.s32 s15, s9;
	s16 =	sadd.s32 $0x9600, s31  }
.LBB2_1:
0x16: {  	s0 =	rddreg [dreg:$0x4]  }
0x17: {  	[tilespmem:s3], [sflag:$0x2] =	stream.linear.gather [hbm4b:s0+s3], $0x4E20, $0x38;
	[tilespmem:$0x14BF0] =	vst v63  }
0x18: {  	_ =	swait.ge [sflag:s19], $0x4E20  }
0x19: {  	[sflag:s19] =	ssyncset.done $0x0  }
0x1a: {  	s23 =	rddreg [dreg:$0x5];
	[sflag:s19] =	ssyncadd.s32 $0xFFFFB1E0  }
0x1b: {  	[tilespmem:s20], [sflag:$0x2] =	stream.linear.gather [hbm4b:s23+s3], $0x2710, $0x38;
	[tilespmem:$0x14BF0] =	vst v63  }
0x1c: {  	_ =	swait.ge [sflag:s19], $0x2710  }
0x1d: {  	[sflag:s19] =	ssyncset.done $0x0  }
0x1e: {  	[sflag:s19] =	ssyncadd.s32 $0xFFFFD8F0  }
0x1f: {  	s1 =	simm.s32 $0xFDC0;
	s31 =	rddreg [dreg:$0x1]  }
0x20: {  	[tilespmem:s1], [sflag:$0x2] =	stream.linear.gather [hbm4b:s31+s3], $0x10, $0x38;
	[tilespmem:$0x14BF0] =	vst v63  }
0x21: {  	_ =	swait.ge [sflag:s19], $0x10  }
0x22: {  	[sflag:s19] =	ssyncset.done $0x0  }
0x23: {  	[sflag:s19] =	ssyncadd.s32 $0xFFFFFFF0  }
0x24: {  	v4 =	vld [tilespmem:$0xFDC0];
	_ =	sdelay $0x4  }
0x25: {  	s0 =	simm.s32 $0x40;
	s1 =	simm.s32 $0x0;
	v4 =	vperm.xlane v4, v2  }
.LBB2_2:
0x26: {  	p5 =	sne.s32 s0, $0x9C00;
	[tilespmem:s1+$0x7530] =	vst v3;
	s1 =	smov.u32 s0;
	s0 =	sadd.s32 $0x40, s0  }
.Ltmp0:
0x27: {  	(pc) =	sbr.rel @p5 .LBB2_2-.Ltmp0, $2  }
0x28: {  	_ =	sdelay $0x2  }
0x29: {  	s1 =	sshra.s32 s1, $0x2  }
0x2a: {  	[tilespmem:s1+$0x7530] =	vst v3;
	s0 =	rddreg [dreg:$0x6];
	s22 =	simm.s32 $0x9C40  }
0x2b: {  	[tilespmem:s22], [sflag:$0x2] =	stream.linear.gather [hbm4b:s0+s3], $0x2800, $0x38;
	[tilespmem:$0x14BF0] =	vst v63  }
0x2c: {  	_ =	swait.ge [sflag:s19], $0x2800  }
0x2d: {  	[sflag:s19] =	ssyncset.done $0x0  }
0x2e: {  	s23 =	simm.s32 $0xC440;
	[sflag:s19] =	ssyncadd.s32 $0xFFFFD800  }
0x2f: {  	[tilespmem:s23], [sflag:$0x2] =	stream.linear.gather [hbm4b:s10+s3], $0x2800, $0x38;
	[tilespmem:$0x14BF0] =	vst v63  }
0x30: {  	_ =	swait.ge [sflag:s19], $0x2800  }
0x31: {  	[sflag:s19] =	ssyncset.done $0x0  }
0x32: {  	s1 =	simm.s32 @!p0 $0x1C02;
	s0 =	sshrl.u32 @!p0 s2, $0x3;
	[sflag:s19] =	ssyncadd.s32 $0xFFFFD800  }
0x33: {  	[spmem:s0], [sflag:s1] =	dma.local @!p0 [hbm:s8], $0x9C40  }
0x34: {  	s0 =	simm.s32 @!p0 $0x2  }
0x35: {  	_ =	swait.ge @!p0 [sflag:s0], $0x9C40  }
0x36: {  	[sflag:s0] =	ssyncset.done @!p0 $0x0  }
0x37: {  	s31 =	simm.s32 $0x0;
	[sflag:s0] =	ssyncadd.s32 @!p0 $0xFFFF63C0  }
0x38: {  	s1 =	simm.s32 $0xC440;
	s0 =	simm.s32 $0x9C40;
	[bflag:$0x0] =	sbarrier.arrive $0xFFFF  }
.LBB2_4:
0x39: {  	v5 =	vmov s1  }
0x3a: {  	v6 =	vmov s0;
	_ =	sdelay $0x2  }
0x3b: {  	s21 =	simm.s32 $0x0  }
0x3c: {  	v7 =	vld.idx.msk [tilespmem:v5+s21+$0x0 ss:$0x1], $0xffff  }
0x3d: {  	v8 =	vld.idx.msk [tilespmem:v6+s21+$0x0 ss:$0x1], $0xffff;
	_ =	sdelay $0x3  }
0x3e: {  	v9 =	vadd.s32 $0x2710, v7;
	_ =	sdelay $0x3  }
0x3f: {  	v10 =	vld.idx.msk [tilespmem:v8+s3+$0x0], $0xffff  }
0x40: {  	v9 =	vld.idx.msk [tilespmem:v9+s3+$0x0], $0xffff;
	_ =	sdelay $0x4  }
0x41: {  	v9 =	vadd.f32 v9, v10;
	_ =	sdelay $0x1  }
0x42: {  	v10 =	vmul.f32 $2.000000030e-01, v9  }
0x43: {  	vm0 =	vgt.f32 v9, $0.0e+00  }
0x44: {  	v9 =	vsel vm0, v9, v10  }
0x45: {  	v9 =	vsub.f32 v9, v4;
	_ =	sdelay $0x1  }
0x46: {  	v9 =	vmul.f32 $1.442695020e+00, v9;
	_ =	sdelay $0x1  }
0x47: {  	v10 =	vld.idx.msk [tilespmem:v7+s20+$0x0], $0xffff;
	(erf) = vpow2.f32 v9  }
0x48: {  	v9 =	vld.idx.msk [tilespmem:v8+s20+$0x0], $0xffff;
	_ =	sdelay $0x4  }
0x49: {  	vm1 =	vlt.s32 v10, $0x1B58;
	vm15 =	vlt.s32 v9, $0x1B58  }
0x4a: {  	vm2 =	vne.s32 v8, v7;
	vm0 =	vmand vm15, vm1  }
0x4b: {  	vm0 =	vmand vm0, vm2  }
0x4c: {  	v9 =	vsel vm0, $0x3F800000, v2;
	v10 =	vpop (erf)  }
0x4d: {  	s22 =	simm.s32 @!p2 $0x7530;
	s23 =	simm.s32 $0x40;
	s5 =	simm.s32 @!p2 $0x7530;
	v9 =	vmul.f32 v9, v10  }
.LBB2_5:
0x4e: {  	s6 =	smov.u32 s23;
	s23 =	sadd.s32 $0x40, s23  }
0x4f: {  	p5 =	sne.s32 s23, $0x200;
	[tilespmem:v7+s5+$0x0] =	vst.idx.add.f32.msk @!p2 $0xffff, v9;
	s5 =	smov.u32 s22  }
0x50: {  	v8 =	vadd.s32 v0, v8;
	s6 =	sshra.s32 s6, $0x2;
	[tilespmem:s21+$0xED40] =	vst v9  }
0x51: {  	[tilespmem:s21+$0xEC40] =	vst v7  }
0x52: {  	[tilespmem:s21+$0xECC0] =	vst v8;
	s21 =	smov.u32 s6  }
0x53: {  	v7 =	vld.idx.msk [tilespmem:v5+s21+$0x0 ss:$0x1], $0xffff  }
0x54: {  	v8 =	vld.idx.msk [tilespmem:v6+s21+$0x0 ss:$0x1], $0xffff;
	_ =	sdelay $0x4  }
0x55: {  	v9 =	vadd.s32 $0x2710, v7  }
0x56: {  	vm0 =	vne.s32 v8, v7;
	_ =	sdelay $0x1  }
0x57: {  	v10 =	vld.idx.msk [tilespmem:v8+s3+$0x0], $0xffff;
	_ =	sdelay $0x1  }
0x58: {  	v9 =	vld.idx.msk [tilespmem:v9+s3+$0x0], $0xffff;
	_ =	sdelay $0x5  }
0x59: {  	v9 =	vadd.f32 v9, v10;
	_ =	sdelay $0x1  }
0x5a: {  	vm1 =	vgt.f32 v9, $0.0e+00;
	v10 =	vmul.f32 $2.000000030e-01, v9;
	_ =	sdelay $0x1  }
0x5b: {  	v9 =	vsel vm1, v9, v10  }
0x5c: {  	v9 =	vsub.f32 v9, v4;
	_ =	sdelay $0x1  }
0x5d: {  	v9 =	vmul.f32 $1.442695020e+00, v9  }
0x5e: {  	v10 =	vld.idx.msk [tilespmem:v7+s20+$0x0], $0xffff  }
0x5f: {  	v11 =	vld.idx.msk [tilespmem:v8+s20+$0x0], $0xffff;
	(erf) = vpow2.f32 v9;
	_ =	sdelay $0x5  }
.Ltmp1:
0x60: {  	vm2 =	vlt.s32 v10, $0x1B58;
	vm1 =	vlt.s32 v11, $0x1B58;
	(pc) =	sbr.rel @p5 .LBB2_5-.Ltmp1, $4  }
0x61: {  	vm1 =	vmand vm1, vm2  }
0x62: {  	vm0 =	vmand vm1, vm0  }
0x63: {  	v9 =	vsel vm0, $0x3F800000, v2;
	v10 =	vpop (erf)  }
0x64: {  	v9 =	vmul.f32 v9, v10  }
0x65: {  	_ =	sdelay $0x3  }
0x66: {  	[tilespmem:v7+s5+$0x0] =	vst.idx.add.f32.msk @!p2 $0xffff, v9  }
0x67: {  	[tilespmem:s21+$0xED40] =	vst v9  }
0x68: {  	v5 =	vadd.s32 v0, v8;
	[tilespmem:s21+$0xEC40] =	vst v7  }
0x69: {  	[tilespmem:s21+$0xECC0] =	vst v5  }
0x6a: {  	[tilespmem:s26], [sflag:$0x1] =	stream.indirect.gather [hbm4b:s7+s24], $0x20, s25, s24, $0xb8;
	[tilespmem:$0x14BF0] =	vst v63  }
0x6b: {  	_ =	swait.ge [sflag:s28], $0x1000  }
0x6c: {  	[sflag:s28] =	ssyncset.done $0x0  }
0x6d: {  	s5 =	simm.s32 $0x0;
	s21 =	simm.s32 $0xEDD0;
	[sflag:s28] =	ssyncadd.s32 $0xFFFFF000  }
.LBB2_7:
0x6e: {  	s6 =	sshll.u32 s5, $0x4  }
0x6f: {  	v5 =	vld [tilespmem:s6+$0xED40]  }
0x70: {  	s23 =	smov.u32 s21  }
0x71: {  	v6 =	vld [tilespmem:s21+$0x0];
	s9 =	simm.s32 $0x0;
	s22 =	smov.u32 s21;
	s6 =	simm.s32 $0x1  }
.LBB2_8:
0x72: {  	p5 =	sne.s32 s6, $0xF;
	v7 =	vld [tilespmem:s23+$0xFFFFFFF0]  }
0x73: {  	v8 =	vmov s9;
	s9 =	smov.u32 s6  }
0x74: {  	v8 =	vperm.xlane v5, v8  }
.Ltmp2:
0x75: {  	(pc) =	sbr.rel @p5 .LBB2_8-.Ltmp2, $4  }
0x76: {  	v6 =	vmul.f32 v6, v8  }
0x77: {  	v7 =	vmul.f32 v7, v8  }
0x78: {  	s23 =	sadd.s32 $0x20, s23;
	[tilespmem:s22+$0x0] =	vst v6  }
0x79: {  	s6 =	sadd.s32 $0x1, s6;
	v6 =	vld [tilespmem:s23+$0x0];
	[tilespmem:s22+$0xFFFFFFF0] =	vst v7;
	s22 =	smov.u32 s23  }
0x7a: {  	v7 =	vld [tilespmem:s23+$0xFFFFFFF0]  }
0x7b: {  	v8 =	vmov s9;
	s5 =	sadd.s32 $0x1, s5  }
0x7c: {  	v5 =	vperm.xlane v5, v8;
	p5 =	sne.s32 s5, $0x8  }
.Ltmp3:
0x7d: {  	_ = 	snop;
	(pc) =	sbr.rel @p5 .LBB2_7-.Ltmp3, $4  }
0x7e: {  	v6 =	vmul.f32 v6, v5  }
0x7f: {  	v5 =	vmul.f32 v7, v5  }
0x80: {  	[tilespmem:s22+$0x0] =	vst v6  }
0x81: {  	s21 =	sadd.s32 $0x200, s21;
	[tilespmem:s22+$0xFFFFFFF0] =	vst v5  }
0x82: {  	s31 =	sadd.s32 $0x1, s31  }
0x83: {  	p5 =	sne.s32 s31, $0x50  }
.Ltmp4:
0x84: {  	_ = 	snop;
	(pc) =	sbr.rel @p5 .LBB2_4-.Ltmp4, $4  }
0x85: {  	[spmem:s2] =	stream.indirect.scatter.add.f32 [tilespmem:s26], [sflag:$0x2], $0x20, s29, s24, $0xb8;
	[tilespmem:$0x14BF0] =	vst v63  }
0x86: {  	_ =	swait.ge [sflag:s19], $0x1000  }
0x87: {  	[sflag:s19] =	ssyncset.done $0x0  }
0x88: {  	s0 =	sadd.s32 $0x80, s0;
	s1 =	sadd.s32 $0x80, s1;
	[sflag:s19] =	ssyncadd.s32 $0xFFFFF000  }
0x89: {  	s0 =	sshll.u32 @p1 s4, $0x6  }
0x8a: {  	[bflag:$0x0] =	sbarrier.arrive $0xFFFF;
	s1 =	sshrl.u32 @p1 s12, $0x3;
	s0 =	sor.u32 @p1 $0x1C02, s0  }
0x8b: {  	[hbm:s11], [sflag:s0] =	dma.local @p1 [spmem:s1], $0xA00  }
0x8c: {  	s0 =	simm.s32 @p1 $0x2  }
0x8d: {  	_ =	swait.ge @p1 [sflag:s0], $0xA00  }
0x8e: {  	[sflag:s0] =	ssyncset.done @p1 $0x0  }
0x8f: {  	[sflag:s0] =	ssyncadd.s32 @p1 $0xFFFFF600  }
0x90: {  	s1 =	simm.s32 @!p3 $0x1C02;
	s0 =	sshrl.u32 @!p3 s2, $0x3;
	[bflag:$0x0] =	sbarrier.arrive @p1 $0xFFFF  }
0x91: {  	[spmem:s0], [sflag:s1] =	dma.local @!p3 [hbm:s8], $0x9C40  }
0x92: {  	s0 =	simm.s32 @!p3 $0x2  }
0x93: {  	_ =	swait.ge @!p3 [sflag:s0], $0x9C40  }
0x94: {  	[sflag:s0] =	ssyncset.done @!p3 $0x0  }
0x95: {  	s1 =	simm.s32 @!p1 $0x1FC2;
	[sflag:s0] =	ssyncadd.s32 @!p3 $0xFFFF63C0;
	s0 =	sshrl.u32 @!p1 s14, $0x3  }
0x96: {  	[hbm:s13], [sflag:s1] =	dma.local @!p1 [spmem:s0], $0x640  }
0x97: {  	s0 =	simm.s32 @!p1 $0x2  }
0x98: {  	_ =	swait.ge @!p1 [sflag:s0], $0x640  }
0x99: {  	[sflag:s0] =	ssyncset.done @!p1 $0x0  }
0x9a: {  	[sflag:s0] =	ssyncadd.s32 @!p1 $0xFFFFF9C0  }
0x9b: {  	s31 =	simm.s32 $0xC440;
	[bflag:$0x0] =	sbarrier.arrive @!p1 $0xFFFF  }
0x9c: {  	s1 =	simm.s32 $0x9C40;
	s0 =	simm.s32 $0x0;
	[bflag:$0x0] =	sbarrier.arrive $0xFFFF  }
.LBB2_12:
0x9d: {  	v6 =	vmov s31;
	_ =	sdelay $0x1  }
0x9e: {  	v5 =	vmov s1;
	_ =	sdelay $0x1  }
0x9f: {  	s21 =	simm.s32 $0x0;
	s5 =	simm.s32 $0x40  }
.LBB2_13:
0xa0: {  	p5 =	sne.s32 s5, $0x1C0;
	v7 =	vld.idx.msk [tilespmem:v6+s21+$0x0 ss:$0x1], $0xffff;
	_ =	sdelay $0x1  }
0xa1: {  	v8 =	vld.idx.msk [tilespmem:v5+s21+$0x0 ss:$0x1], $0xffff;
	_ =	sdelay $0x3  }
0xa2: {  	v9 =	vadd.s32 $0x2710, v7;
	_ =	sdelay $0x1  }
0xa3: {  	v10 =	vadd.s32 v1, v8;
	_ =	sdelay $0x1  }
0xa4: {  	v11 =	vld.idx.msk [tilespmem:v8+s3+$0x0], $0xffff  }
0xa5: {  	v9 =	vld.idx.msk [tilespmem:v9+s3+$0x0], $0xffff;
	_ =	sdelay $0x5  }
0xa6: {  	v9 =	vadd.f32 v9, v11;
	_ =	sdelay $0x1  }
0xa7: {  	v11 =	vmul.f32 $2.000000030e-01, v9  }
0xa8: {  	vm0 =	vgt.f32 v9, $0.0e+00  }
0xa9: {  	v9 =	vsel vm0, v9, v11  }
0xaa: {  	v9 =	vsub.f32 v9, v4;
	_ =	sdelay $0x1  }
0xab: {  	v9 =	vmul.f32 $1.442695020e+00, v9  }
0xac: {  	v11 =	vld.idx.msk [tilespmem:v8+s20+$0x0], $0xffff  }
0xad: {  	v12 =	vld.idx.msk [tilespmem:v7+s20+$0x0], $0xffff;
	[tilespmem:s21+$0xECC0] =	vst v10;
	(erf) = vpow2.f32 v9  }
0xae: {  	[tilespmem:s21+$0xEC40] =	vst v7;
	_ =	sdelay $0x4  }
0xaf: {  	vm0 =	vlt.s32 v11, $0x1B58;
	vm1 =	vlt.s32 v12, $0x1B58  }
0xb0: {  	vm2 =	vne.s32 v8, v7;
	vm0 =	vmand vm0, vm1  }
.Ltmp5:
0xb1: {  	vm0 =	vmand vm0, vm2;
	(pc) =	sbr.rel @p5 .LBB2_13-.Ltmp5, $3  }
0xb2: {  	v7 =	vsel vm0, $0x3F800000, v2;
	v8 =	vpop (erf)  }
0xb3: {  	v7 =	vmul.f32 v7, v8;
	_ =	sdelay $0x1  }
0xb4: {  	[tilespmem:s21+$0xED40] =	vst v7;
	s21 =	sshra.s32 s5, $0x2;
	s5 =	sadd.s32 $0x40, s5  }
0xb5: {  	_ =	sdelay $0x3  }
0xb6: {  	v6 =	vld.idx.msk [tilespmem:v6+s21+$0x0 ss:$0x1], $0xffff  }
0xb7: {  	v5 =	vld.idx.msk [tilespmem:v5+s21+$0x0 ss:$0x1], $0xffff;
	_ =	sdelay $0x3  }
0xb8: {  	v7 =	vadd.s32 $0x2710, v6;
	_ =	sdelay $0x3  }
0xb9: {  	v8 =	vld.idx.msk [tilespmem:v5+s3+$0x0], $0xffff  }
0xba: {  	v7 =	vld.idx.msk [tilespmem:v7+s3+$0x0], $0xffff;
	_ =	sdelay $0x4  }
0xbb: {  	v7 =	vadd.f32 v7, v8;
	_ =	sdelay $0x1  }
0xbc: {  	v8 =	vmul.f32 $2.000000030e-01, v7  }
0xbd: {  	vm0 =	vgt.f32 v7, $0.0e+00  }
0xbe: {  	v7 =	vsel vm0, v7, v8  }
0xbf: {  	v7 =	vsub.f32 v7, v4;
	_ =	sdelay $0x1  }
0xc0: {  	v7 =	vmul.f32 $1.442695020e+00, v7;
	_ =	sdelay $0x1  }
0xc1: {  	v62 =	vld.idx.msk [tilespmem:v5+s20+$0x0], $0xffff;
	(erf) = vpow2.f32 v7  }
0xc2: {  	v7 =	vld.idx.msk [tilespmem:v6+s20+$0x0], $0xffff;
	_ =	sdelay $0x4  }
0xc3: {  	vm15 =	vlt.s32 v62, $0x1B58;
	vm1 =	vlt.s32 v7, $0x1B58  }
0xc4: {  	vm2 =	vne.s32 v5, v6;
	vm0 =	vmand vm15, vm1  }
0xc5: {  	vm0 =	vmand vm0, vm2  }
0xc6: {  	v5 =	vadd.s32 v1, v5;
	v7 =	vsel vm0, $0x3F800000, v2;
	v63 =	vpop (erf)  }
0xc7: {  	[tilespmem:s21+$0xECC0] =	vst v5;
	v5 =	vmul.f32 v7, v63  }
0xc8: {  	[tilespmem:s21+$0xEC40] =	vst v6  }
0xc9: {  	[tilespmem:s21+$0xED40] =	vst v5  }
0xca: {  	[tilespmem:s26], [sflag:$0x1] =	stream.indirect.gather [hbm4b:s7+s24], $0x20, s25, s24, $0xb8;
	[tilespmem:$0x14BF0] =	vst v63  }
0xcb: {  	_ =	swait.ge [sflag:s28], $0x1000  }
0xcc: {  	[sflag:s28] =	ssyncset.done $0x0  }
0xcd: {  	s5 =	simm.s32 $0x0;
	s21 =	simm.s32 $0xEDD0;
	[sflag:s28] =	ssyncadd.s32 $0xFFFFF000  }
.LBB2_15:
0xce: {  	s6 =	sshll.u32 s5, $0x4  }
0xcf: {  	v5 =	vld [tilespmem:s6+$0xED40]  }
0xd0: {  	s23 =	smov.u32 s21  }
0xd1: {  	v6 =	vld [tilespmem:s21+$0x0];
	s9 =	simm.s32 $0x0;
	s22 =	smov.u32 s21;
	s6 =	simm.s32 $0x1  }
.LBB2_16:
0xd2: {  	p5 =	sne.s32 s6, $0xF;
	v7 =	vld [tilespmem:s23+$0xFFFFFFF0]  }
0xd3: {  	v8 =	vmov s9;
	s9 =	smov.u32 s6  }
0xd4: {  	v8 =	vperm.xlane v5, v8  }
.Ltmp6:
0xd5: {  	(pc) =	sbr.rel @p5 .LBB2_16-.Ltmp6, $4  }
0xd6: {  	v6 =	vmul.f32 v6, v8  }
0xd7: {  	v7 =	vmul.f32 v7, v8  }
0xd8: {  	s23 =	sadd.s32 $0x20, s23;
	[tilespmem:s22+$0x0] =	vst v6  }
0xd9: {  	s6 =	sadd.s32 $0x1, s6;
	v6 =	vld [tilespmem:s23+$0x0];
	[tilespmem:s22+$0xFFFFFFF0] =	vst v7;
	s22 =	smov.u32 s23  }
0xda: {  	v7 =	vld [tilespmem:s23+$0xFFFFFFF0]  }
0xdb: {  	v8 =	vmov s9;
	s5 =	sadd.s32 $0x1, s5  }
0xdc: {  	v5 =	vperm.xlane v5, v8;
	p5 =	sne.s32 s5, $0x8  }
.Ltmp7:
0xdd: {  	_ = 	snop;
	(pc) =	sbr.rel @p5 .LBB2_15-.Ltmp7, $4  }
0xde: {  	v6 =	vmul.f32 v6, v5  }
0xdf: {  	v5 =	vmul.f32 v7, v5  }
0xe0: {  	[tilespmem:s22+$0x0] =	vst v6  }
0xe1: {  	s21 =	sadd.s32 $0x200, s21;
	[tilespmem:s22+$0xFFFFFFF0] =	vst v5  }
0xe2: {  	s0 =	sadd.s32 $0x1, s0  }
0xe3: {  	p5 =	sne.s32 s0, $0x50  }
.Ltmp8:
0xe4: {  	_ = 	snop;
	(pc) =	sbr.rel @p5 .LBB2_12-.Ltmp8, $4  }
0xe5: {  	[spmem:s2] =	stream.indirect.scatter.add.f32 [tilespmem:s26], [sflag:$0x2], $0x20, s29, s24, $0xb8;
	[tilespmem:$0x14BF0] =	vst v63  }
0xe6: {  	_ =	swait.ge [sflag:s19], $0x1000  }
0xe7: {  	[sflag:s19] =	ssyncset.done $0x0  }
0xe8: {  	s1 =	sadd.s32 $0x80, s1;
	s31 =	sadd.s32 $0x80, s31;
	[sflag:s19] =	ssyncadd.s32 $0xFFFFF000  }
0xe9: {  	[bflag:$0x0] =	sbarrier.arrive $0xFFFF;
	s0 =	sshrl.u32 @p4 s14, $0x3;
	s1 =	simm.s32 @p4 $0x1FC2  }
0xea: {  	[hbm:s16], [sflag:s1] =	dma.local @p4 [spmem:s0], $0x640  }
0xeb: {  	s0 =	simm.s32 @p4 $0x2  }
0xec: {  	_ =	swait.ge @p4 [sflag:s0], $0x640  }
0xed: {  	s1 =	sshll.u32 @!p4 s4, $0x6;
	[sflag:s0] =	ssyncset.done @p4 $0x0  }
0xee: {  	[sflag:s0] =	ssyncadd.s32 @p4 $0xFFFFF9C0;
	s0 =	sor.u32 @!p4 $0x1C02, s1;
	s1 =	sshrl.u32 @!p4 s12, $0x3  }
0xef: {  	[hbm:s15], [sflag:s0] =	dma.local @!p4 [spmem:s1], $0xA00  }
0xf0: {  	s0 =	simm.s32 @!p4 $0x2  }
0xf1: {  	_ =	swait.ge @!p4 [sflag:s0], $0xA00  }
0xf2: {  	s30 =	sadd.s32 $0x1, s30;
	[sflag:s0] =	ssyncset.done @!p4 $0x0  }
0xf3: {  	p5 =	sne.s32 s30, s18;
	[sflag:s0] =	ssyncadd.s32 @!p4 $0xFFFFF600  }
0xf4: {  	s1 =	simm.s32 @!p2 $0x7530;
	s0 =	simm.s32 @!p2 $0x0;
	[bflag:$0x0] =	sbarrier.arrive $0xFFFF  }
0xf5: {  	[hbm4b:s17+s0] =	stream.linear.scatter @!p2 [tilespmem:s1], [sflag:$0x2], $0x2710, $0x38;
	[tilespmem:$0x14BF0] =	vst v63  }
.Ltmp9:
0xf6: {  	_ = 	snop;
	(pc) =	sbr.rel @p5 .LBB2_1-.Ltmp9, $4  }
0xf7: {  	s0 =	simm.s32 @!p2 $0x2  }
0xf8: {  	_ =	swait.ge @!p2 [sflag:s0], $0x2710  }
0xf9: {  	[sflag:s0] =	ssyncset.done @!p2 $0x0  }
0xfa: {  	[sflag:s0] =	ssyncadd.s32 @!p2 $0xFFFFD8F0  }
0xfb: {  	_ =	sfence.sel $0x180000  }
0xfc: {  	[bflag:$0x0] =	sbarrier.arrive $0xFFFF  }
0xfd: {  	_ =	strace $0x9000004A  }
0xfe: {  	[bflag:$0x2] =	sbarrier.arrive $0xFFFF  }
0xff: {  	s0 =	rddreg [dreg:$0x3]  }
0x100: {  	s0 =	sadd.s32 @!p0 $0x100000, s0  }
0x101: {  	[sflag:s0] =	ssyncadd.tile.s32 @!p0 $0x1;
	_ =	shalt  }
.Lfunc_end2:
_tile_overlayer_lowered:
.L_overlay_start_2:
0x102: {  	(tag) =	ssettag $0x2  }
0x103: {  	s0 =	rddreg [dreg:$0x0];
	s2 =	stileid.u32  }
0x104: {  	s1 =	rddreg [dreg:$0x1];
	p0 =	sne.s32 s2, $0x0  }
0x105: {  	s3 =	rddreg [dreg:$0x2];
	[bflag:$0x3] =	sbarrier.arrive $0xFFFF;
	s2 =	simm.s32 @!p0 $0x1C02  }
0x106: {  	[timem:s3], [sflag:s2] =	dma.local @!p0 [hbm:s0], s1  }
0x107: {  	s0 =	simm.s32 @!p0 $0x2  }
0x108: {  	_ =	swait.ge @!p0 [sflag:s0], s1  }
0x109: {  	s1 =	ssub.s32 @!p0 $0x0, s1;
	[sflag:s0] =	ssyncset.done @!p0 $0x0  }
0x10a: {  	[sflag:s0] =	ssyncadd.s32 @!p0 s1  }
0x10b: {  	[bflag:$0x3] =	sbarrier.arrive $0xFFFF  }
0x10c: {  	_ =	shalt  }

</sc_bundles>
